<compile_context>
chip_gen: v7x
topology: tpu7x:2x2x1
jax: 0.10.2.dev20260603
libtpu: 0.0.44.dev20260713+nightly
codegen_flags: <defaults>
</compile_context>

<pallas_src>
import jax
import jax.numpy as jnp
from jax import lax
from jax.experimental import pallas as pl
from jax.experimental.pallas import tpu as pltpu
from jax.experimental.pallas import tpu_sc as plsc

N_PAD = 10240
STRIPE = N_PAD // 16
CHUNK = 80


def _sc_mesh():
    return plsc.VectorSubcoreMesh(core_axis_name="c", subcore_axis_name="s")


_DEG_K = 5


def _deg_kernel(E):
    per_w = E // 32
    DEG_E = _DEG_K * CHUNK
    n_stages = per_w // DEG_E
    u_iters = (n_stages - 1) // 4
    assert n_stages == 4 * u_iters + 1

    def body(dst_hbm, ones_hbm, zeros_hbm, out_hbm, acc, ones_v, *rest):
        didx = rest[0:4]
        isem = rest[4:8]
        ssem = rest[8]
        c = lax.axis_index("c")
        s = lax.axis_index("s")
        wid = s * 2 + c
        wbase = wid * per_w

        def issue_idx(m, stage):
            pltpu.async_copy(dst_hbm.at[pl.ds(wbase + stage * DEG_E, DEG_E)],
                             didx[m], isem[m])

        def drain_idx(m):
            pltpu.make_async_copy(dst_hbm.at[pl.ds(0, DEG_E)],
                                  didx[m], isem[m]).wait()

        def drain_scat():
            pltpu.make_async_copy(dst_hbm.at[pl.ds(0, DEG_E)],
                                  didx[0], ssem).wait()

        def stage(m, stage_idx, drain_guard, issue_guard):
            drain_idx(m)
            for k in range(_DEG_K):
                pltpu.async_copy(ones_v,
                                 acc.at[didx[m].at[pl.ds(k * CHUNK, CHUNK)]],
                                 ssem, add=True)
            if drain_guard is None:
                drain_scat()
            else:
                pl.when(drain_guard)(drain_scat)
            issue = lambda: issue_idx((m + 2) % 4, stage_idx + 2)
            if issue_guard is None:
                issue()
            else:
                pl.when(issue_guard)(issue)

        pltpu.sync_copy(zeros_hbm.at[pl.ds(s * STRIPE, STRIPE)],
                        acc.at[pl.ds(s * STRIPE, STRIPE)])
        pltpu.sync_copy(ones_hbm.at[pl.ds(0, CHUNK)], ones_v)
        issue_idx(0, 0)
        issue_idx(1, 1)
        plsc.subcore_barrier()

        def step(j, carry):
            sbase = 4 * j
            stage(0, sbase + 0, j > 0, None)
            stage(1, sbase + 1, j > 0, None)
            stage(2, sbase + 2, None, None)
            stage(3, sbase + 3, None, j < u_iters - 1)
            return carry

        lax.fori_loop(0, u_iters, step, 0)
        drain_idx(0)
        for k in range(_DEG_K):
            pltpu.async_copy(ones_v,
                             acc.at[didx[0].at[pl.ds(k * CHUNK, CHUNK)]],
                             ssem, add=True)
        drain_scat()
        drain_scat()
        drain_scat()
        plsc.subcore_barrier()
        pltpu.sync_copy(acc.at[pl.ds(s * STRIPE, STRIPE)],
                        out_hbm.at[pl.ds(c * N_PAD + s * STRIPE, STRIPE)])

    return pl.kernel(
        body,
        out_type=jax.ShapeDtypeStruct((2 * N_PAD,), jnp.float32),
        mesh=_sc_mesh(),
        scratch_types=[
            pltpu.VMEM_SHARED((N_PAD,), jnp.float32),
            pltpu.VMEM((CHUNK,), jnp.float32),
        ] + [pltpu.VMEM((DEG_E,), jnp.int32)] * 4
          + [pltpu.SemaphoreType.DMA] * 5,
    )


_SEG_K = 2


def _segsum_kernel(E, D):
    per_w = E // 32
    per_w_chunks = per_w // CHUNK
    n_iters = per_w_chunks // (2 * _SEG_K)
    n_stages = n_iters * 2
    tail = per_w_chunks - n_stages * _SEG_K
    SEG_E = _SEG_K * CHUNK

    assert n_iters % 2 == 1 and n_iters >= 3
    u_iters = (n_iters - 1) // 2

    def body(g_hbm, src_hbm, dst_hbm, zeros_hbm, out_hbm, acc, *rest):
        sidx = rest[0:4]
        didx = rest[4:8]
        rows = rest[8:10]
        sems = rest[10:]
        isem = sems[0:4]
        ssem = sems[4:6]
        gsem = (sems[6:6 + _SEG_K], sems[6 + _SEG_K:6 + 2 * _SEG_K])
        c = lax.axis_index("c")
        s = lax.axis_index("s")
        wid = s * 2 + c
        wbase = wid * per_w

        def issue_idx(m, stage):
            local = jnp.minimum(stage * SEG_E, per_w - SEG_E)
            base = wbase + local
            pltpu.async_copy(src_hbm.at[pl.ds(base, SEG_E)], sidx[m], isem[m])
            pltpu.async_copy(dst_hbm.at[pl.ds(base, SEG_E)], didx[m], isem[m])

        def drain_idx(m):
            pltpu.make_async_copy(src_hbm.at[pl.ds(0, SEG_E)],
                                  sidx[m], isem[m]).wait()
            pltpu.make_async_copy(dst_hbm.at[pl.ds(0, SEG_E)],
                                  didx[m], isem[m]).wait()

        def drain_scat(p):
            for k in range(_SEG_K):
                pltpu.make_async_copy(g_hbm.at[pl.ds(0, CHUNK), :],
                                      rows[p].at[k], ssem[p]).wait()

        def stage(p, m, stage_idx, guard, do_issue=True):
            drain_idx(m)
            gd = [pltpu.async_copy(
                g_hbm.at[sidx[m].at[pl.ds(k * CHUNK, CHUNK)]],
                rows[p].at[k], gsem[p][k]) for k in range(_SEG_K)]
            for k in range(_SEG_K):
                gd[k].wait()
                pltpu.async_copy(rows[p].at[k],
                                 acc.at[didx[m].at[pl.ds(k * CHUNK, CHUNK)]],
                                 ssem[p], add=True)

            def after():
                drain_scat(1 - p)
                if do_issue:
                    issue_idx((m + 3) % 4, stage_idx + 3)

            if guard is None:
                after()
            else:
                pl.when(guard)(after)

        pltpu.sync_copy(zeros_hbm.at[pl.ds(s * STRIPE, STRIPE), :],
                        acc.at[pl.ds(s * STRIPE, STRIPE), :])
        for m in range(4):
            issue_idx(m, m)
        plsc.subcore_barrier()

        def step(j, carry):
            sbase = 4 * j
            stage(0, 0, sbase + 0, j > 0)
            stage(1, 1, sbase + 1, None)
            stage(0, 2, sbase + 2, None)
            stage(1, 3, sbase + 3, None)
            return carry

        lax.fori_loop(0, u_iters, step, 0)
        sbase = 4 * u_iters
        stage(0, 0, sbase + 0, None, do_issue=False)
        stage(1, 1, sbase + 1, None, do_issue=False)
        drain_scat(1)
        drain_idx(2)
        for t in range(tail):
            base = wbase + (n_stages * _SEG_K + t) * CHUNK
            pltpu.sync_copy(src_hbm.at[pl.ds(base, CHUNK)],
                            sidx[0].at[pl.ds(0, CHUNK)])
            pltpu.sync_copy(dst_hbm.at[pl.ds(base, CHUNK)],
                            didx[0].at[pl.ds(0, CHUNK)])
            pltpu.async_copy(g_hbm.at[sidx[0].at[pl.ds(0, CHUNK)]],
                             rows[0].at[0], gsem[0][0]).wait()
            pltpu.async_copy(rows[0].at[0],
                             acc.at[didx[0].at[pl.ds(0, CHUNK)]],
                             ssem[0], add=True).wait()
        plsc.subcore_barrier()
        pltpu.sync_copy(acc.at[pl.ds(s * STRIPE, STRIPE), :],
                        out_hbm.at[pl.ds(c * N_PAD + s * STRIPE, STRIPE), :])

    return pl.kernel(
        body,
        out_type=jax.ShapeDtypeStruct((2 * N_PAD, D), jnp.float32),
        mesh=_sc_mesh(),
        scratch_types=(
            [pltpu.VMEM_SHARED((N_PAD, D), jnp.float32)]
            + [pltpu.VMEM((SEG_E,), jnp.int32)] * 8
            + [pltpu.VMEM((_SEG_K, CHUNK, D), jnp.float32)] * 2
            + [pltpu.SemaphoreType.DMA] * (6 + 2 * _SEG_K)
        ),
    )


_BLK = 2000


def _k2_body(d0_ref, d1_ref, x_ref, w_ref, g_ref, dinv_ref):
    dinv = lax.rsqrt(d0_ref[...] + d1_ref[...] + 1.0)
    h = jnp.dot(x_ref[...], w_ref[...], preferred_element_type=jnp.float32)
    g_ref[...] = h * dinv
    dinv_ref[...] = dinv


def _k4_body(t0_ref, t1_ref, g1_ref, dinv_ref, b1_ref, w2_ref, g2_ref):
    dinv = dinv_ref[...]
    h1 = jnp.maximum(dinv * (t0_ref[...] + t1_ref[...] + g1_ref[...])
                     + b1_ref[...], 0.0)
    g2_ref[...] = jnp.dot(h1, w2_ref[...],
                          preferred_element_type=jnp.float32) * dinv


def _k6_body(t0_ref, t1_ref, g2_ref, dinv_ref, b2_ref, wl1_ref, bl1_ref,
             wl2_ref, bl2_ref, out_ref, h_ref):
    h = dinv_ref[...] * (t0_ref[...] + t1_ref[...] + g2_ref[...]) + b2_ref[...]
    h_ref[...] = h
    a = jnp.maximum(jnp.dot(h, wl1_ref[...],
                            preferred_element_type=jnp.float32)
                    + bl1_ref[...], 0.0)
    logits = jnp.dot(a, wl2_ref[...],
                     preferred_element_type=jnp.float32) + bl2_ref[...]
    m = jnp.max(logits, axis=-1, keepdims=True)
    lse = jnp.log(jnp.sum(jnp.exp(logits - m), axis=-1, keepdims=True)) + m
    out_ref[...] = logits - lse


def _row_spec(w):
    return pl.BlockSpec((_BLK, w), lambda i: (i, 0))


def _full_spec(h, w):
    return pl.BlockSpec((h, w), lambda i: (0, 0))


def kernel(x, edge_index, epoch, W1, b1, W2, b2, Wl1, bl1, Wl2, bl2):
    N, D = x.shape
    E = edge_index.shape[1]
    C = Wl2.shape[1]
    src = edge_index[0]
    dst = edge_index[1]

    ones_e = jnp.ones((CHUNK,), jnp.float32)
    zeros_v = jnp.zeros((N_PAD,), jnp.float32)
    zeros_r = jnp.zeros((N_PAD, D), jnp.float32)

    grid = N // _BLK

    degp = _deg_kernel(E)(dst, ones_e, zeros_v)
    d0 = degp[:N].reshape(N, 1)
    d1 = degp[N_PAD:N_PAD + N].reshape(N, 1)

    g1, dinv = pl.pallas_call(
        _k2_body,
        grid=(grid,),
        in_specs=[_row_spec(1), _row_spec(1), _row_spec(D), _full_spec(D, D)],
        out_specs=[_row_spec(D), _row_spec(1)],
        out_shape=[jax.ShapeDtypeStruct((N, D), jnp.float32),
                   jax.ShapeDtypeStruct((N, 1), jnp.float32)],
    )(d0, d1, x, W1)

    t1p = _segsum_kernel(E, D)(g1, src, dst, zeros_r)
    t10 = t1p[:N]
    t11 = t1p[N_PAD:N_PAD + N]

    g2 = pl.pallas_call(
        _k4_body,
        grid=(grid,),
        in_specs=[_row_spec(D), _row_spec(D), _row_spec(D), _row_spec(1),
                  _full_spec(1, D), _full_spec(D, D)],
        out_specs=_row_spec(D),
        out_shape=jax.ShapeDtypeStruct((N, D), jnp.float32),
    )(t10, t11, g1, dinv, b1.reshape(1, D), W2)

    t2p = _segsum_kernel(E, D)(g2, src, dst, zeros_r)
    t20 = t2p[:N]
    t21 = t2p[N_PAD:N_PAD + N]

    out, h = pl.pallas_call(
        _k6_body,
        grid=(grid,),
        in_specs=[_row_spec(D), _row_spec(D), _row_spec(D), _row_spec(1),
                  _full_spec(1, D), _full_spec(D, D), _full_spec(1, D),
                  _full_spec(D, C), _full_spec(1, C)],
        out_specs=[_row_spec(C), _row_spec(D)],
        out_shape=[jax.ShapeDtypeStruct((N, C), jnp.float32),
                   jax.ShapeDtypeStruct((N, D), jnp.float32)],
    )(t20, t21, g2, dinv, b2.reshape(1, D), Wl1, bl1.reshape(1, D),
      Wl2, bl2.reshape(1, C))

    return (out, h, out)

# --- scband reference (transcript-rebuilt; emitter-appended) ---
"""Pipeline reference for scband-model-baseline-44315472560258 (READ-ONLY COPY).

The authoritative reference and input builder live on the scoring server;
editing this copy changes nothing except your own understanding.
"""

import jax, jax.numpy as jnp
import numpy as np

N_NODES = 10000
N_EDGES = 320000
D_IN = 128
D_HID = 128
N_CLASSES = 40


def setup_inputs(seed: int = 0) -> dict:
    key = jax.random.key(seed)
    ks = jax.random.split(key, 12)
    x = jax.random.normal(ks[0], (N_NODES, D_IN), dtype=jnp.float32)
    edge_index = jax.random.randint(ks[1], (2, N_EDGES), 0, N_NODES, dtype=jnp.int64 if jax.config.jax_enable_x64 else jnp.int32).astype(jnp.int32)
    epoch = 1
    W1 = jax.random.normal(ks[2], (D_IN, D_HID), dtype=jnp.float32) * 0.05
    b1 = jnp.zeros((D_HID,), dtype=jnp.float32)
    W2 = jax.random.normal(ks[3], (D_HID, D_HID), dtype=jnp.float32) * 0.05
    b2 = jnp.zeros((D_HID,), dtype=jnp.float32)
    Wl1 = jax.random.normal(ks[4], (D_HID, D_HID), dtype=jnp.float32) * 0.05
    bl1 = jnp.zeros((D_HID,), dtype=jnp.float32)
    Wl2 = jax.random.normal(ks[5], (D_HID, N_CLASSES), dtype=jnp.float32) * 0.05
    bl2 = jnp.zeros((N_CLASSES,), dtype=jnp.float32)
    return {"x": x, "edge_index": edge_index, "epoch": epoch,
            "W1": W1, "b1": b1, "W2": W2, "b2": b2,
            "Wl1": Wl1, "bl1": bl1, "Wl2": Wl2, "bl2": bl2}


def _gcn_layer(x, edge_index, W, b):
    # GCNConv: D^{-1/2} (A + I) D^{-1/2} X W + b
    N = x.shape[0]
    src = edge_index[0]
    dst = edge_index[1]
    loop = jnp.arange(N, dtype=src.dtype)
    src = jnp.concatenate([src, loop])
    dst = jnp.concatenate([dst, loop])
    deg = jnp.zeros((N,), dtype=x.dtype).at[dst].add(1.0)
    dinv = jnp.where(deg > 0, jax.lax.rsqrt(deg), 0.0)
    norm = dinv[src] * dinv[dst]
    h = x @ W
    msg = h[src] * norm[:, None]
    out = jnp.zeros((N, W.shape[1]), dtype=x.dtype).at[dst].add(msg)
    return out + b


def reference(x, edge_index, epoch, W1, b1, W2, b2, Wl1, bl1, Wl2, bl2):
    h = _gcn_layer(x, edge_index, W1, b1)
    h = jax.nn.relu(h)
    h = _gcn_layer(h, edge_index, W2, b2)
    logits = jax.nn.relu(h @ Wl1 + bl1) @ Wl2 + bl2
    out = jax.nn.log_softmax(logits, axis=-1)
    return (out, h, out)

if __name__ == "__main__":
    import jax
    _d = setup_inputs()
    print(jax.jit(kernel)(*tuple(_d.values())))

</pallas_src>

<mosaic_0001>
#map = affine_map<(d0, d1) -> (0, 0)>
#map1 = affine_map<(d0, d1) -> (0)>
module attributes {stable_mosaic.version = 14 : i64} {
  func.func @body(%arg0: i32, %arg1: i32, %arg2: memref<10000x128xf32, #tpu.memory_space<hbm>>, %arg3: memref<320000xi32, #tpu.memory_space<hbm>>, %arg4: memref<320000xi32, #tpu.memory_space<hbm>>, %arg5: memref<10240x128xf32, #tpu.memory_space<hbm>>, %arg6: memref<20480x128xf32, #tpu.memory_space<hbm>>, %arg7: memref<10240x128xf32, #tpu.memory_space<vmem_shared>>, %arg8: memref<160xi32, #tpu.memory_space<vmem>>, %arg9: memref<160xi32, #tpu.memory_space<vmem>>, %arg10: memref<160xi32, #tpu.memory_space<vmem>>, %arg11: memref<160xi32, #tpu.memory_space<vmem>>, %arg12: memref<160xi32, #tpu.memory_space<vmem>>, %arg13: memref<160xi32, #tpu.memory_space<vmem>>, %arg14: memref<160xi32, #tpu.memory_space<vmem>>, %arg15: memref<160xi32, #tpu.memory_space<vmem>>, %arg16: memref<2x80x128xf32, #tpu.memory_space<vmem>>, %arg17: memref<2x80x128xf32, #tpu.memory_space<vmem>>, %arg18: memref<!tpu.dma_semaphore, #tpu.memory_space<semaphore_mem>>, %arg19: memref<!tpu.dma_semaphore, #tpu.memory_space<semaphore_mem>>, %arg20: memref<!tpu.dma_semaphore, #tpu.memory_space<semaphore_mem>>, %arg21: memref<!tpu.dma_semaphore, #tpu.memory_space<semaphore_mem>>, %arg22: memref<!tpu.dma_semaphore, #tpu.memory_space<semaphore_mem>>, %arg23: memref<!tpu.dma_semaphore, #tpu.memory_space<semaphore_mem>>, %arg24: memref<!tpu.dma_semaphore, #tpu.memory_space<semaphore_mem>>, %arg25: memref<!tpu.dma_semaphore, #tpu.memory_space<semaphore_mem>>, %arg26: memref<!tpu.dma_semaphore, #tpu.memory_space<semaphore_mem>>, %arg27: memref<!tpu.dma_semaphore, #tpu.memory_space<semaphore_mem>>) attributes {dimension_semantics = [#tpu.dimension_semantics<core_parallel>, #tpu.dimension_semantics<subcore_parallel>], iteration_bounds = array<i64: 2, 16>, scalar_prefetch = 0 : i64, scratch_operands = 21 : i64, tpu.core_type = #tpu.core_type<sc_vector_subcore>, window_params = [{transform_indices = #map}, {transform_indices = #map1}, {transform_indices = #map1}, {transform_indices = #map}, {transform_indices = #map}]} {
    %mul3A = arith.constant 2 : i32
    %mul3A_0 = arith.muli %arg1, %mul3A : i32
    %add3A = arith.addi %mul3A_0, %arg0 : i32
    %mul3A_1 = arith.constant 10000 : i32
    %mul3A_2 = arith.muli %add3A, %mul3A_1 : i32
    %mul3A_3 = arith.constant 640 : i32
    %mul3A_4 = arith.muli %arg1, %mul3A_3 : i32
    %mul3A_5 = arith.constant 640 : i32
    %mul3A_6 = arith.muli %arg1, %mul3A_5 : i32
    "tpu.region"() ({
      %run_scoped3A = tpu.sem_alloc : memref<!tpu.dma_semaphore, #tpu.memory_space<semaphore_mem>>
      %dma_start3A_325 = arith.constant 0 : i32
      %dma_start3A_326 = tpu.memref_slice %arg7[%mul3A_6, %dma_start3A_325] : memref<10240x128xf32, #tpu.memory_space<vmem_shared>> -> memref<640x128xf32, #tpu.memory_space<vmem_shared>>
      %dma_start3A_327 = arith.constant 0 : i32
      %dma_start3A_328 = tpu.memref_slice %arg5[%mul3A_4, %dma_start3A_327] : memref<10240x128xf32, #tpu.memory_space<hbm>> -> memref<640x128xf32, #tpu.memory_space<hbm>>
      tpu.enqueue_dma source(%dma_start3A_328 : memref<640x128xf32, #tpu.memory_space<hbm>>) target(%dma_start3A_326 : memref<640x128xf32, #tpu.memory_space<vmem_shared>>) target_semaphore(%run_scoped3A : memref<!tpu.dma_semaphore, #tpu.memory_space<semaphore_mem>>)
      %dma_wait3A_329 = arith.constant 0 : i32
      %dma_wait3A_330 = tpu.memref_slice %arg7[%mul3A_6, %dma_wait3A_329] : memref<10240x128xf32, #tpu.memory_space<vmem_shared>> -> memref<640x128xf32, #tpu.memory_space<vmem_shared>>
      %dma_wait3A_331 = arith.constant 0 : i32
      %dma_wait3A_332 = tpu.memref_slice %arg5[%mul3A_4, %dma_wait3A_331] : memref<10240x128xf32, #tpu.memory_space<hbm>> -> memref<640x128xf32, #tpu.memory_space<hbm>>
      tpu.wait_dma2 semaphore(%run_scoped3A : memref<!tpu.dma_semaphore, #tpu.memory_space<semaphore_mem>>) src(%dma_wait3A_332 : memref<640x128xf32, #tpu.memory_space<hbm>>) dst(%dma_wait3A_330 : memref<640x128xf32, #tpu.memory_space<vmem_shared>>)
      tpu.yield
    }) : () -> ()
    %min3A = arith.constant 0 : i32
    %min3A_7 = arith.constant 9840 : i32
    %min3A_8 = arith.minsi %min3A, %min3A_7 : i32
    %add3A_9 = arith.addi %mul3A_2, %min3A_8 : i32
    %dma_start3A = tpu.memref_slice %arg3[%add3A_9] : memref<320000xi32, #tpu.memory_space<hbm>> -> memref<160xi32, #tpu.memory_space<hbm>>
    %dma_start3A_10 = tpu.memref_slice %arg3[%add3A_9] : memref<320000xi32, #tpu.memory_space<hbm>> -> memref<160xi32, #tpu.memory_space<hbm>>
    tpu.enqueue_dma source(%dma_start3A_10 : memref<160xi32, #tpu.memory_space<hbm>>) target(%arg8 : memref<160xi32, #tpu.memory_space<vmem>>) target_semaphore(%arg18 : memref<!tpu.dma_semaphore, #tpu.memory_space<semaphore_mem>>)
    %dma_start3A_11 = tpu.memref_slice %arg4[%add3A_9] : memref<320000xi32, #tpu.memory_space<hbm>> -> memref<160xi32, #tpu.memory_space<hbm>>
    %dma_start3A_12 = tpu.memref_slice %arg4[%add3A_9] : memref<320000xi32, #tpu.memory_space<hbm>> -> memref<160xi32, #tpu.memory_space<hbm>>
    tpu.enqueue_dma source(%dma_start3A_12 : memref<160xi32, #tpu.memory_space<hbm>>) target(%arg12 : memref<160xi32, #tpu.memory_space<vmem>>) target_semaphore(%arg18 : memref<!tpu.dma_semaphore, #tpu.memory_space<semaphore_mem>>)
    %min3A_13 = arith.constant 160 : i32
    %min3A_14 = arith.constant 9840 : i32
    %min3A_15 = arith.minsi %min3A_13, %min3A_14 : i32
    %add3A_16 = arith.addi %mul3A_2, %min3A_15 : i32
    %dma_start3A_17 = tpu.memref_slice %arg3[%add3A_16] : memref<320000xi32, #tpu.memory_space<hbm>> -> memref<160xi32, #tpu.memory_space<hbm>>
    %dma_start3A_18 = tpu.memref_slice %arg3[%add3A_16] : memref<320000xi32, #tpu.memory_space<hbm>> -> memref<160xi32, #tpu.memory_space<hbm>>
    tpu.enqueue_dma source(%dma_start3A_18 : memref<160xi32, #tpu.memory_space<hbm>>) target(%arg9 : memref<160xi32, #tpu.memory_space<vmem>>) target_semaphore(%arg19 : memref<!tpu.dma_semaphore, #tpu.memory_space<semaphore_mem>>)
    %dma_start3A_19 = tpu.memref_slice %arg4[%add3A_16] : memref<320000xi32, #tpu.memory_space<hbm>> -> memref<160xi32, #tpu.memory_space<hbm>>
    %dma_start3A_20 = tpu.memref_slice %arg4[%add3A_16] : memref<320000xi32, #tpu.memory_space<hbm>> -> memref<160xi32, #tpu.memory_space<hbm>>
    tpu.enqueue_dma source(%dma_start3A_20 : memref<160xi32, #tpu.memory_space<hbm>>) target(%arg13 : memref<160xi32, #tpu.memory_space<vmem>>) target_semaphore(%arg19 : memref<!tpu.dma_semaphore, #tpu.memory_space<semaphore_mem>>)
    %min3A_21 = arith.constant 320 : i32
    %min3A_22 = arith.constant 9840 : i32
    %min3A_23 = arith.minsi %min3A_21, %min3A_22 : i32
    %add3A_24 = arith.addi %mul3A_2, %min3A_23 : i32
    %dma_start3A_25 = tpu.memref_slice %arg3[%add3A_24] : memref<320000xi32, #tpu.memory_space<hbm>> -> memref<160xi32, #tpu.memory_space<hbm>>
    %dma_start3A_26 = tpu.memref_slice %arg3[%add3A_24] : memref<320000xi32, #tpu.memory_space<hbm>> -> memref<160xi32, #tpu.memory_space<hbm>>
    tpu.enqueue_dma source(%dma_start3A_26 : memref<160xi32, #tpu.memory_space<hbm>>) target(%arg10 : memref<160xi32, #tpu.memory_space<vmem>>) target_semaphore(%arg20 : memref<!tpu.dma_semaphore, #tpu.memory_space<semaphore_mem>>)
    %dma_start3A_27 = tpu.memref_slice %arg4[%add3A_24] : memref<320000xi32, #tpu.memory_space<hbm>> -> memref<160xi32, #tpu.memory_space<hbm>>
    %dma_start3A_28 = tpu.memref_slice %arg4[%add3A_24] : memref<320000xi32, #tpu.memory_space<hbm>> -> memref<160xi32, #tpu.memory_space<hbm>>
    tpu.enqueue_dma source(%dma_start3A_28 : memref<160xi32, #tpu.memory_space<hbm>>) target(%arg14 : memref<160xi32, #tpu.memory_space<vmem>>) target_semaphore(%arg20 : memref<!tpu.dma_semaphore, #tpu.memory_space<semaphore_mem>>)
    %min3A_29 = arith.constant 480 : i32
    %min3A_30 = arith.constant 9840 : i32
    %min3A_31 = arith.minsi %min3A_29, %min3A_30 : i32
    %add3A_32 = arith.addi %mul3A_2, %min3A_31 : i32
    %dma_start3A_33 = tpu.memref_slice %arg3[%add3A_32] : memref<320000xi32, #tpu.memory_space<hbm>> -> memref<160xi32, #tpu.memory_space<hbm>>
    %dma_start3A_34 = tpu.memref_slice %arg3[%add3A_32] : memref<320000xi32, #tpu.memory_space<hbm>> -> memref<160xi32, #tpu.memory_space<hbm>>
    tpu.enqueue_dma source(%dma_start3A_34 : memref<160xi32, #tpu.memory_space<hbm>>) target(%arg11 : memref<160xi32, #tpu.memory_space<vmem>>) target_semaphore(%arg21 : memref<!tpu.dma_semaphore, #tpu.memory_space<semaphore_mem>>)
    %dma_start3A_35 = tpu.memref_slice %arg4[%add3A_32] : memref<320000xi32, #tpu.memory_space<hbm>> -> memref<160xi32, #tpu.memory_space<hbm>>
    %dma_start3A_36 = tpu.memref_slice %arg4[%add3A_32] : memref<320000xi32, #tpu.memory_space<hbm>> -> memref<160xi32, #tpu.memory_space<hbm>>
    tpu.enqueue_dma source(%dma_start3A_36 : memref<160xi32, #tpu.memory_space<hbm>>) target(%arg15 : memref<160xi32, #tpu.memory_space<vmem>>) target_semaphore(%arg21 : memref<!tpu.dma_semaphore, #tpu.memory_space<semaphore_mem>>)
    %barrier3A = arith.constant 0 : index
    tpu.barrier barrier_id(%barrier3A)
    %scan3A = arith.constant 0 : i32
    %scan3A_37 = arith.constant 0 : i32
    %scan3A_38 = arith.constant 15 : i32
    %scan3A_39 = arith.addi %scan3A_37, %scan3A_38 : i32
    %scan3A_40 = arith.constant 1 : i32
    scf.for %scan3A_325 = %scan3A_37 to %scan3A_39 step %scan3A_40  : i32 {
      %mul3A_326 = arith.constant 4 : i32
      %mul3A_327 = arith.muli %mul3A_326, %scan3A_325 : i32
      %add3A_328 = arith.constant 0 : i32
      %add3A_329 = arith.addi %mul3A_327, %add3A_328 : i32
      %gt3A = arith.constant 0 : i32
      %gt3A_330 = arith.cmpi sgt, %scan3A_325, %gt3A : i32
      %dma_wait3A_331 = arith.constant 0 : i32
      %dma_wait3A_332 = tpu.memref_slice %arg3[%dma_wait3A_331] : memref<320000xi32, #tpu.memory_space<hbm>> -> memref<160xi32, #tpu.memory_space<hbm>>
      %dma_wait3A_333 = arith.constant 0 : i32
      %dma_wait3A_334 = tpu.memref_slice %arg3[%dma_wait3A_333] : memref<320000xi32, #tpu.memory_space<hbm>> -> memref<160xi32, #tpu.memory_space<hbm>>
      tpu.wait_dma2 semaphore(%arg18 : memref<!tpu.dma_semaphore, #tpu.memory_space<semaphore_mem>>) src(%dma_wait3A_334 : memref<160xi32, #tpu.memory_space<hbm>>) dst(%arg8 : memref<160xi32, #tpu.memory_space<vmem>>)
      %dma_wait3A_335 = arith.constant 0 : i32
      %dma_wait3A_336 = tpu.memref_slice %arg4[%dma_wait3A_335] : memref<320000xi32, #tpu.memory_space<hbm>> -> memref<160xi32, #tpu.memory_space<hbm>>
      %dma_wait3A_337 = arith.constant 0 : i32
      %dma_wait3A_338 = tpu.memref_slice %arg4[%dma_wait3A_337] : memref<320000xi32, #tpu.memory_space<hbm>> -> memref<160xi32, #tpu.memory_space<hbm>>
      tpu.wait_dma2 semaphore(%arg18 : memref<!tpu.dma_semaphore, #tpu.memory_space<semaphore_mem>>) src(%dma_wait3A_338 : memref<160xi32, #tpu.memory_space<hbm>>) dst(%arg12 : memref<160xi32, #tpu.memory_space<vmem>>)
      %dma_start3A_339 = arith.constant 0 : i32
      %dma_start3A_340 = arith.constant 0 : i32
      %dma_start3A_341 = arith.constant 0 : i32
      %dma_start3A_342 = tpu.memref_slice %arg16[%dma_start3A_339, %dma_start3A_340, %dma_start3A_341] : memref<2x80x128xf32, #tpu.memory_space<vmem>> -> memref<1x80x128xf32, #tpu.memory_space<vmem>>
      %dma_start3A_343 = tpu.memref_squeeze %dma_start3A_342 : memref<1x80x128xf32, #tpu.memory_space<vmem>> -> memref<80x128xf32, #tpu.memory_space<vmem>>
      %dma_start3A_344 = arith.constant 0 : i32
      %dma_start3A_345 = tpu.memref_slice %arg8[%dma_start3A_344] : memref<160xi32, #tpu.memory_space<vmem>> -> memref<80xi32, #tpu.memory_space<vmem>>
      %dma_start3A_346 = arith.constant 0 : i32
      %dma_start3A_347 = arith.constant 0 : i32
      %dma_start3A_348 = tpu.memref_slice %arg2[%dma_start3A_346, %dma_start3A_347] : memref<10000x128xf32, #tpu.memory_space<hbm>> -> memref<10000x128xf32, #tpu.memory_space<hbm>>
      tpu.enqueue_indirect_dma source(%dma_start3A_348 : memref<10000x128xf32, #tpu.memory_space<hbm>>) target(%dma_start3A_343 : memref<80x128xf32, #tpu.memory_space<vmem>>) offsets(%dma_start3A_345 : memref<80xi32, #tpu.memory_space<vmem>>) semaphore(%arg24 : memref<!tpu.dma_semaphore, #tpu.memory_space<semaphore_mem>>)
      %dma_start3A_349 = arith.constant 1 : i32
      %dma_start3A_350 = arith.constant 0 : i32
      %dma_start3A_351 = arith.constant 0 : i32
      %dma_start3A_352 = tpu.memref_slice %arg16[%dma_start3A_349, %dma_start3A_350, %dma_start3A_351] : memref<2x80x128xf32, #tpu.memory_space<vmem>> -> memref<1x80x128xf32, #tpu.memory_space<vmem>>
      %dma_start3A_353 = tpu.memref_squeeze %dma_start3A_352 : memref<1x80x128xf32, #tpu.memory_space<vmem>> -> memref<80x128xf32, #tpu.memory_space<vmem>>
      %dma_start3A_354 = arith.constant 80 : i32
      %dma_start3A_355 = tpu.memref_slice %arg8[%dma_start3A_354] : memref<160xi32, #tpu.memory_space<vmem>> -> memref<80xi32, #tpu.memory_space<vmem>>
      %dma_start3A_356 = arith.constant 0 : i32
      %dma_start3A_357 = arith.constant 0 : i32
      %dma_start3A_358 = tpu.memref_slice %arg2[%dma_start3A_356, %dma_start3A_357] : memref<10000x128xf32, #tpu.memory_space<hbm>> -> memref<10000x128xf32, #tpu.memory_space<hbm>>
      tpu.enqueue_indirect_dma source(%dma_start3A_358 : memref<10000x128xf32, #tpu.memory_space<hbm>>) target(%dma_start3A_353 : memref<80x128xf32, #tpu.memory_space<vmem>>) offsets(%dma_start3A_355 : memref<80xi32, #tpu.memory_space<vmem>>) semaphore(%arg25 : memref<!tpu.dma_semaphore, #tpu.memory_space<semaphore_mem>>)
      %dma_wait3A_359 = arith.constant 0 : i32
      %dma_wait3A_360 = arith.constant 0 : i32
      %dma_wait3A_361 = arith.constant 0 : i32
      %dma_wait3A_362 = tpu.memref_slice %arg16[%dma_wait3A_359, %dma_wait3A_360, %dma_wait3A_361] : memref<2x80x128xf32, #tpu.memory_space<vmem>> -> memref<1x80x128xf32, #tpu.memory_space<vmem>>
      %dma_wait3A_363 = tpu.memref_squeeze %dma_wait3A_362 : memref<1x80x128xf32, #tpu.memory_space<vmem>> -> memref<80x128xf32, #tpu.memory_space<vmem>>
      %dma_wait3A_364 = arith.constant 0 : i32
      %dma_wait3A_365 = tpu.memref_slice %arg8[%dma_wait3A_364] : memref<160xi32, #tpu.memory_space<vmem>> -> memref<80xi32, #tpu.memory_space<vmem>>
      %dma_wait3A_366 = arith.constant 0 : i32
      %dma_wait3A_367 = arith.constant 0 : i32
      %dma_wait3A_368 = tpu.memref_slice %arg2[%dma_wait3A_366, %dma_wait3A_367] : memref<10000x128xf32, #tpu.memory_space<hbm>> -> memref<10000x128xf32, #tpu.memory_space<hbm>>
      tpu.wait_indirect_dma semaphore(%arg24 : memref<!tpu.dma_semaphore, #tpu.memory_space<semaphore_mem>>) src(%dma_wait3A_368 : memref<10000x128xf32, #tpu.memory_space<hbm>>) dst(%dma_wait3A_363 : memref<80x128xf32, #tpu.memory_space<vmem>>)
      %dma_start3A_369 = arith.constant 0 : i32
      %dma_start3A_370 = arith.constant 0 : i32
      %dma_start3A_371 = arith.constant 0 : i32
      %dma_start3A_372 = tpu.memref_slice %arg16[%dma_start3A_369, %dma_start3A_370, %dma_start3A_371] : memref<2x80x128xf32, #tpu.memory_space<vmem>> -> memref<1x80x128xf32, #tpu.memory_space<vmem>>
      %dma_start3A_373 = tpu.memref_squeeze %dma_start3A_372 : memref<1x80x128xf32, #tpu.memory_space<vmem>> -> memref<80x128xf32, #tpu.memory_space<vmem>>
      %dma_start3A_374 = arith.constant 0 : i32
      %dma_start3A_375 = tpu.memref_slice %arg12[%dma_start3A_374] : memref<160xi32, #tpu.memory_space<vmem>> -> memref<80xi32, #tpu.memory_space<vmem>>
      %dma_start3A_376 = arith.constant 0 : i32
      %dma_start3A_377 = arith.constant 0 : i32
      %dma_start3A_378 = tpu.memref_slice %arg7[%dma_start3A_376, %dma_start3A_377] : memref<10240x128xf32, #tpu.memory_space<vmem_shared>> -> memref<10240x128xf32, #tpu.memory_space<vmem_shared>>
      tpu.enqueue_indirect_dma source(%dma_start3A_373 : memref<80x128xf32, #tpu.memory_space<vmem>>) target(%dma_start3A_378 : memref<10240x128xf32, #tpu.memory_space<vmem_shared>>) offsets(%dma_start3A_375 : memref<80xi32, #tpu.memory_space<vmem>>) semaphore(%arg22 : memref<!tpu.dma_semaphore, #tpu.memory_space<semaphore_mem>>) {add = true}
      %dma_wait3A_379 = arith.constant 1 : i32
      %dma_wait3A_380 = arith.constant 0 : i32
      %dma_wait3A_381 = arith.constant 0 : i32
      %dma_wait3A_382 = tpu.memref_slice %arg16[%dma_wait3A_379, %dma_wait3A_380, %dma_wait3A_381] : memref<2x80x128xf32, #tpu.memory_space<vmem>> -> memref<1x80x128xf32, #tpu.memory_space<vmem>>
      %dma_wait3A_383 = tpu.memref_squeeze %dma_wait3A_382 : memref<1x80x128xf32, #tpu.memory_space<vmem>> -> memref<80x128xf32, #tpu.memory_space<vmem>>
      %dma_wait3A_384 = arith.constant 80 : i32
      %dma_wait3A_385 = tpu.memref_slice %arg8[%dma_wait3A_384] : memref<160xi32, #tpu.memory_space<vmem>> -> memref<80xi32, #tpu.memory_space<vmem>>
      %dma_wait3A_386 = arith.constant 0 : i32
      %dma_wait3A_387 = arith.constant 0 : i32
      %dma_wait3A_388 = tpu.memref_slice %arg2[%dma_wait3A_386, %dma_wait3A_387] : memref<10000x128xf32, #tpu.memory_space<hbm>> -> memref<10000x128xf32, #tpu.memory_space<hbm>>
      tpu.wait_indirect_dma semaphore(%arg25 : memref<!tpu.dma_semaphore, #tpu.memory_space<semaphore_mem>>) src(%dma_wait3A_388 : memref<10000x128xf32, #tpu.memory_space<hbm>>) dst(%dma_wait3A_383 : memref<80x128xf32, #tpu.memory_space<vmem>>)
      %dma_start3A_389 = arith.constant 1 : i32
      %dma_start3A_390 = arith.constant 0 : i32
      %dma_start3A_391 = arith.constant 0 : i32
      %dma_start3A_392 = tpu.memref_slice %arg16[%dma_start3A_389, %dma_start3A_390, %dma_start3A_391] : memref<2x80x128xf32, #tpu.memory_space<vmem>> -> memref<1x80x128xf32, #tpu.memory_space<vmem>>
      %dma_start3A_393 = tpu.memref_squeeze %dma_start3A_392 : memref<1x80x128xf32, #tpu.memory_space<vmem>> -> memref<80x128xf32, #tpu.memory_space<vmem>>
      %dma_start3A_394 = arith.constant 80 : i32
      %dma_start3A_395 = tpu.memref_slice %arg12[%dma_start3A_394] : memref<160xi32, #tpu.memory_space<vmem>> -> memref<80xi32, #tpu.memory_space<vmem>>
      %dma_start3A_396 = arith.constant 0 : i32
      %dma_start3A_397 = arith.constant 0 : i32
      %dma_start3A_398 = tpu.memref_slice %arg7[%dma_start3A_396, %dma_start3A_397] : memref<10240x128xf32, #tpu.memory_space<vmem_shared>> -> memref<10240x128xf32, #tpu.memory_space<vmem_shared>>
      tpu.enqueue_indirect_dma source(%dma_start3A_393 : memref<80x128xf32, #tpu.memory_space<vmem>>) target(%dma_start3A_398 : memref<10240x128xf32, #tpu.memory_space<vmem_shared>>) offsets(%dma_start3A_395 : memref<80xi32, #tpu.memory_space<vmem>>) semaphore(%arg22 : memref<!tpu.dma_semaphore, #tpu.memory_space<semaphore_mem>>) {add = true}
      %convert_element_type3A = arith.extui %gt3A_330 : i1 to i32
      %cond3A = arith.constant 0 : i32
      %cond3A_399 = arith.cmpi ne, %convert_element_type3A, %cond3A : i32
      scf.if %cond3A_399 {
        %dma_wait3A_733 = arith.constant 0 : i32
        %dma_wait3A_734 = arith.constant 0 : i32
        %dma_wait3A_735 = arith.constant 0 : i32
        %dma_wait3A_736 = tpu.memref_slice %arg17[%dma_wait3A_733, %dma_wait3A_734, %dma_wait3A_735] : memref<2x80x128xf32, #tpu.memory_space<vmem>> -> memref<1x80x128xf32, #tpu.memory_space<vmem>>
        %dma_wait3A_737 = tpu.memref_squeeze %dma_wait3A_736 : memref<1x80x128xf32, #tpu.memory_space<vmem>> -> memref<80x128xf32, #tpu.memory_space<vmem>>
        %dma_wait3A_738 = arith.constant 0 : i32
        %dma_wait3A_739 = arith.constant 0 : i32
        %dma_wait3A_740 = tpu.memref_slice %arg2[%dma_wait3A_738, %dma_wait3A_739] : memref<10000x128xf32, #tpu.memory_space<hbm>> -> memref<80x128xf32, #tpu.memory_space<hbm>>
        %dma_wait3A_741 = arith.constant 0 : i32
        %dma_wait3A_742 = arith.constant 0 : i32
        %dma_wait3A_743 = tpu.memref_slice %arg17[%dma_wait3A_733, %dma_wait3A_741, %dma_wait3A_742] : memref<2x80x128xf32, #tpu.memory_space<vmem>> -> memref<1x80x128xf32, #tpu.memory_space<vmem>>
        %dma_wait3A_744 = tpu.memref_squeeze %dma_wait3A_743 : memref<1x80x128xf32, #tpu.memory_space<vmem>> -> memref<80x128xf32, #tpu.memory_space<vmem>>
        %dma_wait3A_745 = arith.constant 0 : i32
        %dma_wait3A_746 = arith.constant 0 : i32
        %dma_wait3A_747 = tpu.memref_slice %arg2[%dma_wait3A_745, %dma_wait3A_746] : memref<10000x128xf32, #tpu.memory_space<hbm>> -> memref<80x128xf32, #tpu.memory_space<hbm>>
        tpu.wait_dma2 semaphore(%arg23 : memref<!tpu.dma_semaphore, #tpu.memory_space<semaphore_mem>>) src(%dma_wait3A_747 : memref<80x128xf32, #tpu.memory_space<hbm>>) dst(%dma_wait3A_744 : memref<80x128xf32, #tpu.memory_space<vmem>>)
        %dma_wait3A_748 = arith.constant 1 : i32
        %dma_wait3A_749 = arith.constant 0 : i32
        %dma_wait3A_750 = arith.constant 0 : i32
        %dma_wait3A_751 = tpu.memref_slice %arg17[%dma_wait3A_748, %dma_wait3A_749, %dma_wait3A_750] : memref<2x80x128xf32, #tpu.memory_space<vmem>> -> memref<1x80x128xf32, #tpu.memory_space<vmem>>
        %dma_wait3A_752 = tpu.memref_squeeze %dma_wait3A_751 : memref<1x80x128xf32, #tpu.memory_space<vmem>> -> memref<80x128xf32, #tpu.memory_space<vmem>>
        %dma_wait3A_753 = arith.constant 0 : i32
        %dma_wait3A_754 = arith.constant 0 : i32
        %dma_wait3A_755 = tpu.memref_slice %arg2[%dma_wait3A_753, %dma_wait3A_754] : memref<10000x128xf32, #tpu.memory_space<hbm>> -> memref<80x128xf32, #tpu.memory_space<hbm>>
        %dma_wait3A_756 = arith.constant 0 : i32
        %dma_wait3A_757 = arith.constant 0 : i32
        %dma_wait3A_758 = tpu.memref_slice %arg17[%dma_wait3A_748, %dma_wait3A_756, %dma_wait3A_757] : memref<2x80x128xf32, #tpu.memory_space<vmem>> -> memref<1x80x128xf32, #tpu.memory_space<vmem>>
        %dma_wait3A_759 = tpu.memref_squeeze %dma_wait3A_758 : memref<1x80x128xf32, #tpu.memory_space<vmem>> -> memref<80x128xf32, #tpu.memory_space<vmem>>
        %dma_wait3A_760 = arith.constant 0 : i32
        %dma_wait3A_761 = arith.constant 0 : i32
        %dma_wait3A_762 = tpu.memref_slice %arg2[%dma_wait3A_760, %dma_wait3A_761] : memref<10000x128xf32, #tpu.memory_space<hbm>> -> memref<80x128xf32, #tpu.memory_space<hbm>>
        tpu.wait_dma2 semaphore(%arg23 : memref<!tpu.dma_semaphore, #tpu.memory_space<semaphore_mem>>) src(%dma_wait3A_762 : memref<80x128xf32, #tpu.memory_space<hbm>>) dst(%dma_wait3A_759 : memref<80x128xf32, #tpu.memory_space<vmem>>)
        %add3A_763 = arith.constant 3 : i32
        %add3A_764 = arith.addi %add3A_329, %add3A_763 : i32
        %mul3A_765 = arith.constant 160 : i32
        %mul3A_766 = arith.muli %add3A_764, %mul3A_765 : i32
        %min3A_767 = arith.constant 9840 : i32
        %min3A_768 = arith.minsi %mul3A_766, %min3A_767 : i32
        %add3A_769 = arith.addi %mul3A_2, %min3A_768 : i32
        %dma_start3A_770 = tpu.memref_slice %arg3[%add3A_769] : memref<320000xi32, #tpu.memory_space<hbm>> -> memref<160xi32, #tpu.memory_space<hbm>>
        %dma_start3A_771 = tpu.memref_slice %arg3[%add3A_769] : memref<320000xi32, #tpu.memory_space<hbm>> -> memref<160xi32, #tpu.memory_space<hbm>>
        tpu.enqueue_dma source(%dma_start3A_771 : memref<160xi32, #tpu.memory_space<hbm>>) target(%arg11 : memref<160xi32, #tpu.memory_space<vmem>>) target_semaphore(%arg21 : memref<!tpu.dma_semaphore, #tpu.memory_space<semaphore_mem>>)
        %dma_start3A_772 = tpu.memref_slice %arg4[%add3A_769] : memref<320000xi32, #tpu.memory_space<hbm>> -> memref<160xi32, #tpu.memory_space<hbm>>
        %dma_start3A_773 = tpu.memref_slice %arg4[%add3A_769] : memref<320000xi32, #tpu.memory_space<hbm>> -> memref<160xi32, #tpu.memory_space<hbm>>
        tpu.enqueue_dma source(%dma_start3A_773 : memref<160xi32, #tpu.memory_space<hbm>>) target(%arg15 : memref<160xi32, #tpu.memory_space<vmem>>) target_semaphore(%arg21 : memref<!tpu.dma_semaphore, #tpu.memory_space<semaphore_mem>>)
      } else {
      }
      %add3A_400 = arith.constant 1 : i32
      %add3A_401 = arith.addi %mul3A_327, %add3A_400 : i32
      %dma_wait3A_402 = arith.constant 0 : i32
      %dma_wait3A_403 = tpu.memref_slice %arg3[%dma_wait3A_402] : memref<320000xi32, #tpu.memory_space<hbm>> -> memref<160xi32, #tpu.memory_space<hbm>>
      %dma_wait3A_404 = arith.constant 0 : i32
      %dma_wait3A_405 = tpu.memref_slice %arg3[%dma_wait3A_404] : memref<320000xi32, #tpu.memory_space<hbm>> -> memref<160xi32, #tpu.memory_space<hbm>>
      tpu.wait_dma2 semaphore(%arg19 : memref<!tpu.dma_semaphore, #tpu.memory_space<semaphore_mem>>) src(%dma_wait3A_405 : memref<160xi32, #tpu.memory_space<hbm>>) dst(%arg9 : memref<160xi32, #tpu.memory_space<vmem>>)
      %dma_wait3A_406 = arith.constant 0 : i32
      %dma_wait3A_407 = tpu.memref_slice %arg4[%dma_wait3A_406] : memref<320000xi32, #tpu.memory_space<hbm>> -> memref<160xi32, #tpu.memory_space<hbm>>
      %dma_wait3A_408 = arith.constant 0 : i32
      %dma_wait3A_409 = tpu.memref_slice %arg4[%dma_wait3A_408] : memref<320000xi32, #tpu.memory_space<hbm>> -> memref<160xi32, #tpu.memory_space<hbm>>
      tpu.wait_dma2 semaphore(%arg19 : memref<!tpu.dma_semaphore, #tpu.memory_space<semaphore_mem>>) src(%dma_wait3A_409 : memref<160xi32, #tpu.memory_space<hbm>>) dst(%arg13 : memref<160xi32, #tpu.memory_space<vmem>>)
      %dma_start3A_410 = arith.constant 0 : i32
      %dma_start3A_411 = arith.constant 0 : i32
      %dma_start3A_412 = arith.constant 0 : i32
      %dma_start3A_413 = tpu.memref_slice %arg17[%dma_start3A_410, %dma_start3A_411, %dma_start3A_412] : memref<2x80x128xf32, #tpu.memory_space<vmem>> -> memref<1x80x128xf32, #tpu.memory_space<vmem>>
      %dma_start3A_414 = tpu.memref_squeeze %dma_start3A_413 : memref<1x80x128xf32, #tpu.memory_space<vmem>> -> memref<80x128xf32, #tpu.memory_space<vmem>>
      %dma_start3A_415 = arith.constant 0 : i32
      %dma_start3A_416 = tpu.memref_slice %arg9[%dma_start3A_415] : memref<160xi32, #tpu.memory_space<vmem>> -> memref<80xi32, #tpu.memory_space<vmem>>
      %dma_start3A_417 = arith.constant 0 : i32
      %dma_start3A_418 = arith.constant 0 : i32
      %dma_start3A_419 = tpu.memref_slice %arg2[%dma_start3A_417, %dma_start3A_418] : memref<10000x128xf32, #tpu.memory_space<hbm>> -> memref<10000x128xf32, #tpu.memory_space<hbm>>
      tpu.enqueue_indirect_dma source(%dma_start3A_419 : memref<10000x128xf32, #tpu.memory_space<hbm>>) target(%dma_start3A_414 : memref<80x128xf32, #tpu.memory_space<vmem>>) offsets(%dma_start3A_416 : memref<80xi32, #tpu.memory_space<vmem>>) semaphore(%arg26 : memref<!tpu.dma_semaphore, #tpu.memory_space<semaphore_mem>>)
      %dma_start3A_420 = arith.constant 1 : i32
      %dma_start3A_421 = arith.constant 0 : i32
      %dma_start3A_422 = arith.constant 0 : i32
      %dma_start3A_423 = tpu.memref_slice %arg17[%dma_start3A_420, %dma_start3A_421, %dma_start3A_422] : memref<2x80x128xf32, #tpu.memory_space<vmem>> -> memref<1x80x128xf32, #tpu.memory_space<vmem>>
      %dma_start3A_424 = tpu.memref_squeeze %dma_start3A_423 : memref<1x80x128xf32, #tpu.memory_space<vmem>> -> memref<80x128xf32, #tpu.memory_space<vmem>>
      %dma_start3A_425 = arith.constant 80 : i32
      %dma_start3A_426 = tpu.memref_slice %arg9[%dma_start3A_425] : memref<160xi32, #tpu.memory_space<vmem>> -> memref<80xi32, #tpu.memory_space<vmem>>
      %dma_start3A_427 = arith.constant 0 : i32
      %dma_start3A_428 = arith.constant 0 : i32
      %dma_start3A_429 = tpu.memref_slice %arg2[%dma_start3A_427, %dma_start3A_428] : memref<10000x128xf32, #tpu.memory_space<hbm>> -> memref<10000x128xf32, #tpu.memory_space<hbm>>
      tpu.enqueue_indirect_dma source(%dma_start3A_429 : memref<10000x128xf32, #tpu.memory_space<hbm>>) target(%dma_start3A_424 : memref<80x128xf32, #tpu.memory_space<vmem>>) offsets(%dma_start3A_426 : memref<80xi32, #tpu.memory_space<vmem>>) semaphore(%arg27 : memref<!tpu.dma_semaphore, #tpu.memory_space<semaphore_mem>>)
      %dma_wait3A_430 = arith.constant 0 : i32
      %dma_wait3A_431 = arith.constant 0 : i32
      %dma_wait3A_432 = arith.constant 0 : i32
      %dma_wait3A_433 = tpu.memref_slice %arg17[%dma_wait3A_430, %dma_wait3A_431, %dma_wait3A_432] : memref<2x80x128xf32, #tpu.memory_space<vmem>> -> memref<1x80x128xf32, #tpu.memory_space<vmem>>
      %dma_wait3A_434 = tpu.memref_squeeze %dma_wait3A_433 : memref<1x80x128xf32, #tpu.memory_space<vmem>> -> memref<80x128xf32, #tpu.memory_space<vmem>>
      %dma_wait3A_435 = arith.constant 0 : i32
      %dma_wait3A_436 = tpu.memref_slice %arg9[%dma_wait3A_435] : memref<160xi32, #tpu.memory_space<vmem>> -> memref<80xi32, #tpu.memory_space<vmem>>
      %dma_wait3A_437 = arith.constant 0 : i32
      %dma_wait3A_438 = arith.constant 0 : i32
      %dma_wait3A_439 = tpu.memref_slice %arg2[%dma_wait3A_437, %dma_wait3A_438] : memref<10000x128xf32, #tpu.memory_space<hbm>> -> memref<10000x128xf32, #tpu.memory_space<hbm>>
      tpu.wait_indirect_dma semaphore(%arg26 : memref<!tpu.dma_semaphore, #tpu.memory_space<semaphore_mem>>) src(%dma_wait3A_439 : memref<10000x128xf32, #tpu.memory_space<hbm>>) dst(%dma_wait3A_434 : memref<80x128xf32, #tpu.memory_space<vmem>>)
      %dma_start3A_440 = arith.constant 0 : i32
      %dma_start3A_441 = arith.constant 0 : i32
      %dma_start3A_442 = arith.constant 0 : i32
      %dma_start3A_443 = tpu.memref_slice %arg17[%dma_start3A_440, %dma_start3A_441, %dma_start3A_442] : memref<2x80x128xf32, #tpu.memory_space<vmem>> -> memref<1x80x128xf32, #tpu.memory_space<vmem>>
      %dma_start3A_444 = tpu.memref_squeeze %dma_start3A_443 : memref<1x80x128xf32, #tpu.memory_space<vmem>> -> memref<80x128xf32, #tpu.memory_space<vmem>>
      %dma_start3A_445 = arith.constant 0 : i32
      %dma_start3A_446 = tpu.memref_slice %arg13[%dma_start3A_445] : memref<160xi32, #tpu.memory_space<vmem>> -> memref<80xi32, #tpu.memory_space<vmem>>
      %dma_start3A_447 = arith.constant 0 : i32
      %dma_start3A_448 = arith.constant 0 : i32
      %dma_start3A_449 = tpu.memref_slice %arg7[%dma_start3A_447, %dma_start3A_448] : memref<10240x128xf32, #tpu.memory_space<vmem_shared>> -> memref<10240x128xf32, #tpu.memory_space<vmem_shared>>
      tpu.enqueue_indirect_dma source(%dma_start3A_444 : memref<80x128xf32, #tpu.memory_space<vmem>>) target(%dma_start3A_449 : memref<10240x128xf32, #tpu.memory_space<vmem_shared>>) offsets(%dma_start3A_446 : memref<80xi32, #tpu.memory_space<vmem>>) semaphore(%arg23 : memref<!tpu.dma_semaphore, #tpu.memory_space<semaphore_mem>>) {add = true}
      %dma_wait3A_450 = arith.constant 1 : i32
      %dma_wait3A_451 = arith.constant 0 : i32
      %dma_wait3A_452 = arith.constant 0 : i32
      %dma_wait3A_453 = tpu.memref_slice %arg17[%dma_wait3A_450, %dma_wait3A_451, %dma_wait3A_452] : memref<2x80x128xf32, #tpu.memory_space<vmem>> -> memref<1x80x128xf32, #tpu.memory_space<vmem>>
      %dma_wait3A_454 = tpu.memref_squeeze %dma_wait3A_453 : memref<1x80x128xf32, #tpu.memory_space<vmem>> -> memref<80x128xf32, #tpu.memory_space<vmem>>
      %dma_wait3A_455 = arith.constant 80 : i32
      %dma_wait3A_456 = tpu.memref_slice %arg9[%dma_wait3A_455] : memref<160xi32, #tpu.memory_space<vmem>> -> memref<80xi32, #tpu.memory_space<vmem>>
      %dma_wait3A_457 = arith.constant 0 : i32
      %dma_wait3A_458 = arith.constant 0 : i32
      %dma_wait3A_459 = tpu.memref_slice %arg2[%dma_wait3A_457, %dma_wait3A_458] : memref<10000x128xf32, #tpu.memory_space<hbm>> -> memref<10000x128xf32, #tpu.memory_space<hbm>>
      tpu.wait_indirect_dma semaphore(%arg27 : memref<!tpu.dma_semaphore, #tpu.memory_space<semaphore_mem>>) src(%dma_wait3A_459 : memref<10000x128xf32, #tpu.memory_space<hbm>>) dst(%dma_wait3A_454 : memref<80x128xf32, #tpu.memory_space<vmem>>)
      %dma_start3A_460 = arith.constant 1 : i32
      %dma_start3A_461 = arith.constant 0 : i32
      %dma_start3A_462 = arith.constant 0 : i32
      %dma_start3A_463 = tpu.memref_slice %arg17[%dma_start3A_460, %dma_start3A_461, %dma_start3A_462] : memref<2x80x128xf32, #tpu.memory_space<vmem>> -> memref<1x80x128xf32, #tpu.memory_space<vmem>>
      %dma_start3A_464 = tpu.memref_squeeze %dma_start3A_463 : memref<1x80x128xf32, #tpu.memory_space<vmem>> -> memref<80x128xf32, #tpu.memory_space<vmem>>
      %dma_start3A_465 = arith.constant 80 : i32
      %dma_start3A_466 = tpu.memref_slice %arg13[%dma_start3A_465] : memref<160xi32, #tpu.memory_space<vmem>> -> memref<80xi32, #tpu.memory_space<vmem>>
      %dma_start3A_467 = arith.constant 0 : i32
      %dma_start3A_468 = arith.constant 0 : i32
      %dma_start3A_469 = tpu.memref_slice %arg7[%dma_start3A_467, %dma_start3A_468] : memref<10240x128xf32, #tpu.memory_space<vmem_shared>> -> memref<10240x128xf32, #tpu.memory_space<vmem_shared>>
      tpu.enqueue_indirect_dma source(%dma_start3A_464 : memref<80x128xf32, #tpu.memory_space<vmem>>) target(%dma_start3A_469 : memref<10240x128xf32, #tpu.memory_space<vmem_shared>>) offsets(%dma_start3A_466 : memref<80xi32, #tpu.memory_space<vmem>>) semaphore(%arg23 : memref<!tpu.dma_semaphore, #tpu.memory_space<semaphore_mem>>) {add = true}
      %dma_wait3A_470 = arith.constant 0 : i32
      %dma_wait3A_471 = arith.constant 0 : i32
      %dma_wait3A_472 = arith.constant 0 : i32
      %dma_wait3A_473 = tpu.memref_slice %arg16[%dma_wait3A_470, %dma_wait3A_471, %dma_wait3A_472] : memref<2x80x128xf32, #tpu.memory_space<vmem>> -> memref<1x80x128xf32, #tpu.memory_space<vmem>>
      %dma_wait3A_474 = tpu.memref_squeeze %dma_wait3A_473 : memref<1x80x128xf32, #tpu.memory_space<vmem>> -> memref<80x128xf32, #tpu.memory_space<vmem>>
      %dma_wait3A_475 = arith.constant 0 : i32
      %dma_wait3A_476 = arith.constant 0 : i32
      %dma_wait3A_477 = tpu.memref_slice %arg2[%dma_wait3A_475, %dma_wait3A_476] : memref<10000x128xf32, #tpu.memory_space<hbm>> -> memref<80x128xf32, #tpu.memory_space<hbm>>
      %dma_wait3A_478 = arith.constant 0 : i32
      %dma_wait3A_479 = arith.constant 0 : i32
      %dma_wait3A_480 = tpu.memref_slice %arg16[%dma_wait3A_470, %dma_wait3A_478, %dma_wait3A_479] : memref<2x80x128xf32, #tpu.memory_space<vmem>> -> memref<1x80x128xf32, #tpu.memory_space<vmem>>
      %dma_wait3A_481 = tpu.memref_squeeze %dma_wait3A_480 : memref<1x80x128xf32, #tpu.memory_space<vmem>> -> memref<80x128xf32, #tpu.memory_space<vmem>>
      %dma_wait3A_482 = arith.constant 0 : i32
      %dma_wait3A_483 = arith.constant 0 : i32
      %dma_wait3A_484 = tpu.memref_slice %arg2[%dma_wait3A_482, %dma_wait3A_483] : memref<10000x128xf32, #tpu.memory_space<hbm>> -> memref<80x128xf32, #tpu.memory_space<hbm>>
      tpu.wait_dma2 semaphore(%arg22 : memref<!tpu.dma_semaphore, #tpu.memory_space<semaphore_mem>>) src(%dma_wait3A_484 : memref<80x128xf32, #tpu.memory_space<hbm>>) dst(%dma_wait3A_481 : memref<80x128xf32, #tpu.memory_space<vmem>>)
      %dma_wait3A_485 = arith.constant 1 : i32
      %dma_wait3A_486 = arith.constant 0 : i32
      %dma_wait3A_487 = arith.constant 0 : i32
      %dma_wait3A_488 = tpu.memref_slice %arg16[%dma_wait3A_485, %dma_wait3A_486, %dma_wait3A_487] : memref<2x80x128xf32, #tpu.memory_space<vmem>> -> memref<1x80x128xf32, #tpu.memory_space<vmem>>
      %dma_wait3A_489 = tpu.memref_squeeze %dma_wait3A_488 : memref<1x80x128xf32, #tpu.memory_space<vmem>> -> memref<80x128xf32, #tpu.memory_space<vmem>>
      %dma_wait3A_490 = arith.constant 0 : i32
      %dma_wait3A_491 = arith.constant 0 : i32
      %dma_wait3A_492 = tpu.memref_slice %arg2[%dma_wait3A_490, %dma_wait3A_491] : memref<10000x128xf32, #tpu.memory_space<hbm>> -> memref<80x128xf32, #tpu.memory_space<hbm>>
      %dma_wait3A_493 = arith.constant 0 : i32
      %dma_wait3A_494 = arith.constant 0 : i32
      %dma_wait3A_495 = tpu.memref_slice %arg16[%dma_wait3A_485, %dma_wait3A_493, %dma_wait3A_494] : memref<2x80x128xf32, #tpu.memory_space<vmem>> -> memref<1x80x128xf32, #tpu.memory_space<vmem>>
      %dma_wait3A_496 = tpu.memref_squeeze %dma_wait3A_495 : memref<1x80x128xf32, #tpu.memory_space<vmem>> -> memref<80x128xf32, #tpu.memory_space<vmem>>
      %dma_wait3A_497 = arith.constant 0 : i32
      %dma_wait3A_498 = arith.constant 0 : i32
      %dma_wait3A_499 = tpu.memref_slice %arg2[%dma_wait3A_497, %dma_wait3A_498] : memref<10000x128xf32, #tpu.memory_space<hbm>> -> memref<80x128xf32, #tpu.memory_space<hbm>>
      tpu.wait_dma2 semaphore(%arg22 : memref<!tpu.dma_semaphore, #tpu.memory_space<semaphore_mem>>) src(%dma_wait3A_499 : memref<80x128xf32, #tpu.memory_space<hbm>>) dst(%dma_wait3A_496 : memref<80x128xf32, #tpu.memory_space<vmem>>)
      %add3A_500 = arith.constant 3 : i32
      %add3A_501 = arith.addi %add3A_401, %add3A_500 : i32
      %mul3A_502 = arith.constant 160 : i32
      %mul3A_503 = arith.muli %add3A_501, %mul3A_502 : i32
      %min3A_504 = arith.constant 9840 : i32
      %min3A_505 = arith.minsi %mul3A_503, %min3A_504 : i32
      %add3A_506 = arith.addi %mul3A_2, %min3A_505 : i32
      %dma_start3A_507 = tpu.memref_slice %arg3[%add3A_506] : memref<320000xi32, #tpu.memory_space<hbm>> -> memref<160xi32, #tpu.memory_space<hbm>>
      %dma_start3A_508 = tpu.memref_slice %arg3[%add3A_506] : memref<320000xi32, #tpu.memory_space<hbm>> -> memref<160xi32, #tpu.memory_space<hbm>>
      tpu.enqueue_dma source(%dma_start3A_508 : memref<160xi32, #tpu.memory_space<hbm>>) target(%arg8 : memref<160xi32, #tpu.memory_space<vmem>>) target_semaphore(%arg18 : memref<!tpu.dma_semaphore, #tpu.memory_space<semaphore_mem>>)
      %dma_start3A_509 = tpu.memref_slice %arg4[%add3A_506] : memref<320000xi32, #tpu.memory_space<hbm>> -> memref<160xi32, #tpu.memory_space<hbm>>
      %dma_start3A_510 = tpu.memref_slice %arg4[%add3A_506] : memref<320000xi32, #tpu.memory_space<hbm>> -> memref<160xi32, #tpu.memory_space<hbm>>
      tpu.enqueue_dma source(%dma_start3A_510 : memref<160xi32, #tpu.memory_space<hbm>>) target(%arg12 : memref<160xi32, #tpu.memory_space<vmem>>) target_semaphore(%arg18 : memref<!tpu.dma_semaphore, #tpu.memory_space<semaphore_mem>>)
      %add3A_511 = arith.constant 2 : i32
      %add3A_512 = arith.addi %mul3A_327, %add3A_511 : i32
      %dma_wait3A_513 = arith.constant 0 : i32
      %dma_wait3A_514 = tpu.memref_slice %arg3[%dma_wait3A_513] : memref<320000xi32, #tpu.memory_space<hbm>> -> memref<160xi32, #tpu.memory_space<hbm>>
      %dma_wait3A_515 = arith.constant 0 : i32
      %dma_wait3A_516 = tpu.memref_slice %arg3[%dma_wait3A_515] : memref<320000xi32, #tpu.memory_space<hbm>> -> memref<160xi32, #tpu.memory_space<hbm>>
      tpu.wait_dma2 semaphore(%arg20 : memref<!tpu.dma_semaphore, #tpu.memory_space<semaphore_mem>>) src(%dma_wait3A_516 : memref<160xi32, #tpu.memory_space<hbm>>) dst(%arg10 : memref<160xi32, #tpu.memory_space<vmem>>)
      %dma_wait3A_517 = arith.constant 0 : i32
      %dma_wait3A_518 = tpu.memref_slice %arg4[%dma_wait3A_517] : memref<320000xi32, #tpu.memory_space<hbm>> -> memref<160xi32, #tpu.memory_space<hbm>>
      %dma_wait3A_519 = arith.constant 0 : i32
      %dma_wait3A_520 = tpu.memref_slice %arg4[%dma_wait3A_519] : memref<320000xi32, #tpu.memory_space<hbm>> -> memref<160xi32, #tpu.memory_space<hbm>>
      tpu.wait_dma2 semaphore(%arg20 : memref<!tpu.dma_semaphore, #tpu.memory_space<semaphore_mem>>) src(%dma_wait3A_520 : memref<160xi32, #tpu.memory_space<hbm>>) dst(%arg14 : memref<160xi32, #tpu.memory_space<vmem>>)
      %dma_start3A_521 = arith.constant 0 : i32
      %dma_start3A_522 = arith.constant 0 : i32
      %dma_start3A_523 = arith.constant 0 : i32
      %dma_start3A_524 = tpu.memref_slice %arg16[%dma_start3A_521, %dma_start3A_522, %dma_start3A_523] : memref<2x80x128xf32, #tpu.memory_space<vmem>> -> memref<1x80x128xf32, #tpu.memory_space<vmem>>
      %dma_start3A_525 = tpu.memref_squeeze %dma_start3A_524 : memref<1x80x128xf32, #tpu.memory_space<vmem>> -> memref<80x128xf32, #tpu.memory_space<vmem>>
      %dma_start3A_526 = arith.constant 0 : i32
      %dma_start3A_527 = tpu.memref_slice %arg10[%dma_start3A_526] : memref<160xi32, #tpu.memory_space<vmem>> -> memref<80xi32, #tpu.memory_space<vmem>>
      %dma_start3A_528 = arith.constant 0 : i32
      %dma_start3A_529 = arith.constant 0 : i32
      %dma_start3A_530 = tpu.memref_slice %arg2[%dma_start3A_528, %dma_start3A_529] : memref<10000x128xf32, #tpu.memory_space<hbm>> -> memref<10000x128xf32, #tpu.memory_space<hbm>>
      tpu.enqueue_indirect_dma source(%dma_start3A_530 : memref<10000x128xf32, #tpu.memory_space<hbm>>) target(%dma_start3A_525 : memref<80x128xf32, #tpu.memory_space<vmem>>) offsets(%dma_start3A_527 : memref<80xi32, #tpu.memory_space<vmem>>) semaphore(%arg24 : memref<!tpu.dma_semaphore, #tpu.memory_space<semaphore_mem>>)
      %dma_start3A_531 = arith.constant 1 : i32
      %dma_start3A_532 = arith.constant 0 : i32
      %dma_start3A_533 = arith.constant 0 : i32
      %dma_start3A_534 = tpu.memref_slice %arg16[%dma_start3A_531, %dma_start3A_532, %dma_start3A_533] : memref<2x80x128xf32, #tpu.memory_space<vmem>> -> memref<1x80x128xf32, #tpu.memory_space<vmem>>
      %dma_start3A_535 = tpu.memref_squeeze %dma_start3A_534 : memref<1x80x128xf32, #tpu.memory_space<vmem>> -> memref<80x128xf32, #tpu.memory_space<vmem>>
      %dma_start3A_536 = arith.constant 80 : i32
      %dma_start3A_537 = tpu.memref_slice %arg10[%dma_start3A_536] : memref<160xi32, #tpu.memory_space<vmem>> -> memref<80xi32, #tpu.memory_space<vmem>>
      %dma_start3A_538 = arith.constant 0 : i32
      %dma_start3A_539 = arith.constant 0 : i32
      %dma_start3A_540 = tpu.memref_slice %arg2[%dma_start3A_538, %dma_start3A_539] : memref<10000x128xf32, #tpu.memory_space<hbm>> -> memref<10000x128xf32, #tpu.memory_space<hbm>>
      tpu.enqueue_indirect_dma source(%dma_start3A_540 : memref<10000x128xf32, #tpu.memory_space<hbm>>) target(%dma_start3A_535 : memref<80x128xf32, #tpu.memory_space<vmem>>) offsets(%dma_start3A_537 : memref<80xi32, #tpu.memory_space<vmem>>) semaphore(%arg25 : memref<!tpu.dma_semaphore, #tpu.memory_space<semaphore_mem>>)
      %dma_wait3A_541 = arith.constant 0 : i32
      %dma_wait3A_542 = arith.constant 0 : i32
      %dma_wait3A_543 = arith.constant 0 : i32
      %dma_wait3A_544 = tpu.memref_slice %arg16[%dma_wait3A_541, %dma_wait3A_542, %dma_wait3A_543] : memref<2x80x128xf32, #tpu.memory_space<vmem>> -> memref<1x80x128xf32, #tpu.memory_space<vmem>>
      %dma_wait3A_545 = tpu.memref_squeeze %dma_wait3A_544 : memref<1x80x128xf32, #tpu.memory_space<vmem>> -> memref<80x128xf32, #tpu.memory_space<vmem>>
      %dma_wait3A_546 = arith.constant 0 : i32
      %dma_wait3A_547 = tpu.memref_slice %arg10[%dma_wait3A_546] : memref<160xi32, #tpu.memory_space<vmem>> -> memref<80xi32, #tpu.memory_space<vmem>>
      %dma_wait3A_548 = arith.constant 0 : i32
      %dma_wait3A_549 = arith.constant 0 : i32
      %dma_wait3A_550 = tpu.memref_slice %arg2[%dma_wait3A_548, %dma_wait3A_549] : memref<10000x128xf32, #tpu.memory_space<hbm>> -> memref<10000x128xf32, #tpu.memory_space<hbm>>
      tpu.wait_indirect_dma semaphore(%arg24 : memref<!tpu.dma_semaphore, #tpu.memory_space<semaphore_mem>>) src(%dma_wait3A_550 : memref<10000x128xf32, #tpu.memory_space<hbm>>) dst(%dma_wait3A_545 : memref<80x128xf32, #tpu.memory_space<vmem>>)
      %dma_start3A_551 = arith.constant 0 : i32
      %dma_start3A_552 = arith.constant 0 : i32
      %dma_start3A_553 = arith.constant 0 : i32
      %dma_start3A_554 = tpu.memref_slice %arg16[%dma_start3A_551, %dma_start3A_552, %dma_start3A_553] : memref<2x80x128xf32, #tpu.memory_space<vmem>> -> memref<1x80x128xf32, #tpu.memory_space<vmem>>
      %dma_start3A_555 = tpu.memref_squeeze %dma_start3A_554 : memref<1x80x128xf32, #tpu.memory_space<vmem>> -> memref<80x128xf32, #tpu.memory_space<vmem>>
      %dma_start3A_556 = arith.constant 0 : i32
      %dma_start3A_557 = tpu.memref_slice %arg14[%dma_start3A_556] : memref<160xi32, #tpu.memory_space<vmem>> -> memref<80xi32, #tpu.memory_space<vmem>>
      %dma_start3A_558 = arith.constant 0 : i32
      %dma_start3A_559 = arith.constant 0 : i32
      %dma_start3A_560 = tpu.memref_slice %arg7[%dma_start3A_558, %dma_start3A_559] : memref<10240x128xf32, #tpu.memory_space<vmem_shared>> -> memref<10240x128xf32, #tpu.memory_space<vmem_shared>>
      tpu.enqueue_indirect_dma source(%dma_start3A_555 : memref<80x128xf32, #tpu.memory_space<vmem>>) target(%dma_start3A_560 : memref<10240x128xf32, #tpu.memory_space<vmem_shared>>) offsets(%dma_start3A_557 : memref<80xi32, #tpu.memory_space<vmem>>) semaphore(%arg22 : memref<!tpu.dma_semaphore, #tpu.memory_space<semaphore_mem>>) {add = true}
      %dma_wait3A_561 = arith.constant 1 : i32
      %dma_wait3A_562 = arith.constant 0 : i32
      %dma_wait3A_563 = arith.constant 0 : i32
      %dma_wait3A_564 = tpu.memref_slice %arg16[%dma_wait3A_561, %dma_wait3A_562, %dma_wait3A_563] : memref<2x80x128xf32, #tpu.memory_space<vmem>> -> memref<1x80x128xf32, #tpu.memory_space<vmem>>
      %dma_wait3A_565 = tpu.memref_squeeze %dma_wait3A_564 : memref<1x80x128xf32, #tpu.memory_space<vmem>> -> memref<80x128xf32, #tpu.memory_space<vmem>>
      %dma_wait3A_566 = arith.constant 80 : i32
      %dma_wait3A_567 = tpu.memref_slice %arg10[%dma_wait3A_566] : memref<160xi32, #tpu.memory_space<vmem>> -> memref<80xi32, #tpu.memory_space<vmem>>
      %dma_wait3A_568 = arith.constant 0 : i32
      %dma_wait3A_569 = arith.constant 0 : i32
      %dma_wait3A_570 = tpu.memref_slice %arg2[%dma_wait3A_568, %dma_wait3A_569] : memref<10000x128xf32, #tpu.memory_space<hbm>> -> memref<10000x128xf32, #tpu.memory_space<hbm>>
      tpu.wait_indirect_dma semaphore(%arg25 : memref<!tpu.dma_semaphore, #tpu.memory_space<semaphore_mem>>) src(%dma_wait3A_570 : memref<10000x128xf32, #tpu.memory_space<hbm>>) dst(%dma_wait3A_565 : memref<80x128xf32, #tpu.memory_space<vmem>>)
      %dma_start3A_571 = arith.constant 1 : i32
      %dma_start3A_572 = arith.constant 0 : i32
      %dma_start3A_573 = arith.constant 0 : i32
      %dma_start3A_574 = tpu.memref_slice %arg16[%dma_start3A_571, %dma_start3A_572, %dma_start3A_573] : memref<2x80x128xf32, #tpu.memory_space<vmem>> -> memref<1x80x128xf32, #tpu.memory_space<vmem>>
      %dma_start3A_575 = tpu.memref_squeeze %dma_start3A_574 : memref<1x80x128xf32, #tpu.memory_space<vmem>> -> memref<80x128xf32, #tpu.memory_space<vmem>>
      %dma_start3A_576 = arith.constant 80 : i32
      %dma_start3A_577 = tpu.memref_slice %arg14[%dma_start3A_576] : memref<160xi32, #tpu.memory_space<vmem>> -> memref<80xi32, #tpu.memory_space<vmem>>
      %dma_start3A_578 = arith.constant 0 : i32
      %dma_start3A_579 = arith.constant 0 : i32
      %dma_start3A_580 = tpu.memref_slice %arg7[%dma_start3A_578, %dma_start3A_579] : memref<10240x128xf32, #tpu.memory_space<vmem_shared>> -> memref<10240x128xf32, #tpu.memory_space<vmem_shared>>
      tpu.enqueue_indirect_dma source(%dma_start3A_575 : memref<80x128xf32, #tpu.memory_space<vmem>>) target(%dma_start3A_580 : memref<10240x128xf32, #tpu.memory_space<vmem_shared>>) offsets(%dma_start3A_577 : memref<80xi32, #tpu.memory_space<vmem>>) semaphore(%arg22 : memref<!tpu.dma_semaphore, #tpu.memory_space<semaphore_mem>>) {add = true}
      %dma_wait3A_581 = arith.constant 0 : i32
      %dma_wait3A_582 = arith.constant 0 : i32
      %dma_wait3A_583 = arith.constant 0 : i32
      %dma_wait3A_584 = tpu.memref_slice %arg17[%dma_wait3A_581, %dma_wait3A_582, %dma_wait3A_583] : memref<2x80x128xf32, #tpu.memory_space<vmem>> -> memref<1x80x128xf32, #tpu.memory_space<vmem>>
      %dma_wait3A_585 = tpu.memref_squeeze %dma_wait3A_584 : memref<1x80x128xf32, #tpu.memory_space<vmem>> -> memref<80x128xf32, #tpu.memory_space<vmem>>
      %dma_wait3A_586 = arith.constant 0 : i32
      %dma_wait3A_587 = arith.constant 0 : i32
      %dma_wait3A_588 = tpu.memref_slice %arg2[%dma_wait3A_586, %dma_wait3A_587] : memref<10000x128xf32, #tpu.memory_space<hbm>> -> memref<80x128xf32, #tpu.memory_space<hbm>>
      %dma_wait3A_589 = arith.constant 0 : i32
      %dma_wait3A_590 = arith.constant 0 : i32
      %dma_wait3A_591 = tpu.memref_slice %arg17[%dma_wait3A_581, %dma_wait3A_589, %dma_wait3A_590] : memref<2x80x128xf32, #tpu.memory_space<vmem>> -> memref<1x80x128xf32, #tpu.memory_space<vmem>>
      %dma_wait3A_592 = tpu.memref_squeeze %dma_wait3A_591 : memref<1x80x128xf32, #tpu.memory_space<vmem>> -> memref<80x128xf32, #tpu.memory_space<vmem>>
      %dma_wait3A_593 = arith.constant 0 : i32
      %dma_wait3A_594 = arith.constant 0 : i32
      %dma_wait3A_595 = tpu.memref_slice %arg2[%dma_wait3A_593, %dma_wait3A_594] : memref<10000x128xf32, #tpu.memory_space<hbm>> -> memref<80x128xf32, #tpu.memory_space<hbm>>
      tpu.wait_dma2 semaphore(%arg23 : memref<!tpu.dma_semaphore, #tpu.memory_space<semaphore_mem>>) src(%dma_wait3A_595 : memref<80x128xf32, #tpu.memory_space<hbm>>) dst(%dma_wait3A_592 : memref<80x128xf32, #tpu.memory_space<vmem>>)
      %dma_wait3A_596 = arith.constant 1 : i32
      %dma_wait3A_597 = arith.constant 0 : i32
      %dma_wait3A_598 = arith.constant 0 : i32
      %dma_wait3A_599 = tpu.memref_slice %arg17[%dma_wait3A_596, %dma_wait3A_597, %dma_wait3A_598] : memref<2x80x128xf32, #tpu.memory_space<vmem>> -> memref<1x80x128xf32, #tpu.memory_space<vmem>>
      %dma_wait3A_600 = tpu.memref_squeeze %dma_wait3A_599 : memref<1x80x128xf32, #tpu.memory_space<vmem>> -> memref<80x128xf32, #tpu.memory_space<vmem>>
      %dma_wait3A_601 = arith.constant 0 : i32
      %dma_wait3A_602 = arith.constant 0 : i32
      %dma_wait3A_603 = tpu.memref_slice %arg2[%dma_wait3A_601, %dma_wait3A_602] : memref<10000x128xf32, #tpu.memory_space<hbm>> -> memref<80x128xf32, #tpu.memory_space<hbm>>
      %dma_wait3A_604 = arith.constant 0 : i32
      %dma_wait3A_605 = arith.constant 0 : i32
      %dma_wait3A_606 = tpu.memref_slice %arg17[%dma_wait3A_596, %dma_wait3A_604, %dma_wait3A_605] : memref<2x80x128xf32, #tpu.memory_space<vmem>> -> memref<1x80x128xf32, #tpu.memory_space<vmem>>
      %dma_wait3A_607 = tpu.memref_squeeze %dma_wait3A_606 : memref<1x80x128xf32, #tpu.memory_space<vmem>> -> memref<80x128xf32, #tpu.memory_space<vmem>>
      %dma_wait3A_608 = arith.constant 0 : i32
      %dma_wait3A_609 = arith.constant 0 : i32
      %dma_wait3A_610 = tpu.memref_slice %arg2[%dma_wait3A_608, %dma_wait3A_609] : memref<10000x128xf32, #tpu.memory_space<hbm>> -> memref<80x128xf32, #tpu.memory_space<hbm>>
      tpu.wait_dma2 semaphore(%arg23 : memref<!tpu.dma_semaphore, #tpu.memory_space<semaphore_mem>>) src(%dma_wait3A_610 : memref<80x128xf32, #tpu.memory_space<hbm>>) dst(%dma_wait3A_607 : memref<80x128xf32, #tpu.memory_space<vmem>>)
      %add3A_611 = arith.constant 3 : i32
      %add3A_612 = arith.addi %add3A_512, %add3A_611 : i32
      %mul3A_613 = arith.constant 160 : i32
      %mul3A_614 = arith.muli %add3A_612, %mul3A_613 : i32
      %min3A_615 = arith.constant 9840 : i32
      %min3A_616 = arith.minsi %mul3A_614, %min3A_615 : i32
      %add3A_617 = arith.addi %mul3A_2, %min3A_616 : i32
      %dma_start3A_618 = tpu.memref_slice %arg3[%add3A_617] : memref<320000xi32, #tpu.memory_space<hbm>> -> memref<160xi32, #tpu.memory_space<hbm>>
      %dma_start3A_619 = tpu.memref_slice %arg3[%add3A_617] : memref<320000xi32, #tpu.memory_space<hbm>> -> memref<160xi32, #tpu.memory_space<hbm>>
      tpu.enqueue_dma source(%dma_start3A_619 : memref<160xi32, #tpu.memory_space<hbm>>) target(%arg9 : memref<160xi32, #tpu.memory_space<vmem>>) target_semaphore(%arg19 : memref<!tpu.dma_semaphore, #tpu.memory_space<semaphore_mem>>)
      %dma_start3A_620 = tpu.memref_slice %arg4[%add3A_617] : memref<320000xi32, #tpu.memory_space<hbm>> -> memref<160xi32, #tpu.memory_space<hbm>>
      %dma_start3A_621 = tpu.memref_slice %arg4[%add3A_617] : memref<320000xi32, #tpu.memory_space<hbm>> -> memref<160xi32, #tpu.memory_space<hbm>>
      tpu.enqueue_dma source(%dma_start3A_621 : memref<160xi32, #tpu.memory_space<hbm>>) target(%arg13 : memref<160xi32, #tpu.memory_space<vmem>>) target_semaphore(%arg19 : memref<!tpu.dma_semaphore, #tpu.memory_space<semaphore_mem>>)
      %add3A_622 = arith.constant 3 : i32
      %add3A_623 = arith.addi %mul3A_327, %add3A_622 : i32
      %dma_wait3A_624 = arith.constant 0 : i32
      %dma_wait3A_625 = tpu.memref_slice %arg3[%dma_wait3A_624] : memref<320000xi32, #tpu.memory_space<hbm>> -> memref<160xi32, #tpu.memory_space<hbm>>
      %dma_wait3A_626 = arith.constant 0 : i32
      %dma_wait3A_627 = tpu.memref_slice %arg3[%dma_wait3A_626] : memref<320000xi32, #tpu.memory_space<hbm>> -> memref<160xi32, #tpu.memory_space<hbm>>
      tpu.wait_dma2 semaphore(%arg21 : memref<!tpu.dma_semaphore, #tpu.memory_space<semaphore_mem>>) src(%dma_wait3A_627 : memref<160xi32, #tpu.memory_space<hbm>>) dst(%arg11 : memref<160xi32, #tpu.memory_space<vmem>>)
      %dma_wait3A_628 = arith.constant 0 : i32
      %dma_wait3A_629 = tpu.memref_slice %arg4[%dma_wait3A_628] : memref<320000xi32, #tpu.memory_space<hbm>> -> memref<160xi32, #tpu.memory_space<hbm>>
      %dma_wait3A_630 = arith.constant 0 : i32
      %dma_wait3A_631 = tpu.memref_slice %arg4[%dma_wait3A_630] : memref<320000xi32, #tpu.memory_space<hbm>> -> memref<160xi32, #tpu.memory_space<hbm>>
      tpu.wait_dma2 semaphore(%arg21 : memref<!tpu.dma_semaphore, #tpu.memory_space<semaphore_mem>>) src(%dma_wait3A_631 : memref<160xi32, #tpu.memory_space<hbm>>) dst(%arg15 : memref<160xi32, #tpu.memory_space<vmem>>)
      %dma_start3A_632 = arith.constant 0 : i32
      %dma_start3A_633 = arith.constant 0 : i32
      %dma_start3A_634 = arith.constant 0 : i32
      %dma_start3A_635 = tpu.memref_slice %arg17[%dma_start3A_632, %dma_start3A_633, %dma_start3A_634] : memref<2x80x128xf32, #tpu.memory_space<vmem>> -> memref<1x80x128xf32, #tpu.memory_space<vmem>>
      %dma_start3A_636 = tpu.memref_squeeze %dma_start3A_635 : memref<1x80x128xf32, #tpu.memory_space<vmem>> -> memref<80x128xf32, #tpu.memory_space<vmem>>
      %dma_start3A_637 = arith.constant 0 : i32
      %dma_start3A_638 = tpu.memref_slice %arg11[%dma_start3A_637] : memref<160xi32, #tpu.memory_space<vmem>> -> memref<80xi32, #tpu.memory_space<vmem>>
      %dma_start3A_639 = arith.constant 0 : i32
      %dma_start3A_640 = arith.constant 0 : i32
      %dma_start3A_641 = tpu.memref_slice %arg2[%dma_start3A_639, %dma_start3A_640] : memref<10000x128xf32, #tpu.memory_space<hbm>> -> memref<10000x128xf32, #tpu.memory_space<hbm>>
      tpu.enqueue_indirect_dma source(%dma_start3A_641 : memref<10000x128xf32, #tpu.memory_space<hbm>>) target(%dma_start3A_636 : memref<80x128xf32, #tpu.memory_space<vmem>>) offsets(%dma_start3A_638 : memref<80xi32, #tpu.memory_space<vmem>>) semaphore(%arg26 : memref<!tpu.dma_semaphore, #tpu.memory_space<semaphore_mem>>)
      %dma_start3A_642 = arith.constant 1 : i32
      %dma_start3A_643 = arith.constant 0 : i32
      %dma_start3A_644 = arith.constant 0 : i32
      %dma_start3A_645 = tpu.memref_slice %arg17[%dma_start3A_642, %dma_start3A_643, %dma_start3A_644] : memref<2x80x128xf32, #tpu.memory_space<vmem>> -> memref<1x80x128xf32, #tpu.memory_space<vmem>>
      %dma_start3A_646 = tpu.memref_squeeze %dma_start3A_645 : memref<1x80x128xf32, #tpu.memory_space<vmem>> -> memref<80x128xf32, #tpu.memory_space<vmem>>
      %dma_start3A_647 = arith.constant 80 : i32
      %dma_start3A_648 = tpu.memref_slice %arg11[%dma_start3A_647] : memref<160xi32, #tpu.memory_space<vmem>> -> memref<80xi32, #tpu.memory_space<vmem>>
      %dma_start3A_649 = arith.constant 0 : i32
      %dma_start3A_650 = arith.constant 0 : i32
      %dma_start3A_651 = tpu.memref_slice %arg2[%dma_start3A_649, %dma_start3A_650] : memref<10000x128xf32, #tpu.memory_space<hbm>> -> memref<10000x128xf32, #tpu.memory_space<hbm>>
      tpu.enqueue_indirect_dma source(%dma_start3A_651 : memref<10000x128xf32, #tpu.memory_space<hbm>>) target(%dma_start3A_646 : memref<80x128xf32, #tpu.memory_space<vmem>>) offsets(%dma_start3A_648 : memref<80xi32, #tpu.memory_space<vmem>>) semaphore(%arg27 : memref<!tpu.dma_semaphore, #tpu.memory_space<semaphore_mem>>)
      %dma_wait3A_652 = arith.constant 0 : i32
      %dma_wait3A_653 = arith.constant 0 : i32
      %dma_wait3A_654 = arith.constant 0 : i32
      %dma_wait3A_655 = tpu.memref_slice %arg17[%dma_wait3A_652, %dma_wait3A_653, %dma_wait3A_654] : memref<2x80x128xf32, #tpu.memory_space<vmem>> -> memref<1x80x128xf32, #tpu.memory_space<vmem>>
      %dma_wait3A_656 = tpu.memref_squeeze %dma_wait3A_655 : memref<1x80x128xf32, #tpu.memory_space<vmem>> -> memref<80x128xf32, #tpu.memory_space<vmem>>
      %dma_wait3A_657 = arith.constant 0 : i32
      %dma_wait3A_658 = tpu.memref_slice %arg11[%dma_wait3A_657] : memref<160xi32, #tpu.memory_space<vmem>> -> memref<80xi32, #tpu.memory_space<vmem>>
      %dma_wait3A_659 = arith.constant 0 : i32
      %dma_wait3A_660 = arith.constant 0 : i32
      %dma_wait3A_661 = tpu.memref_slice %arg2[%dma_wait3A_659, %dma_wait3A_660] : memref<10000x128xf32, #tpu.memory_space<hbm>> -> memref<10000x128xf32, #tpu.memory_space<hbm>>
      tpu.wait_indirect_dma semaphore(%arg26 : memref<!tpu.dma_semaphore, #tpu.memory_space<semaphore_mem>>) src(%dma_wait3A_661 : memref<10000x128xf32, #tpu.memory_space<hbm>>) dst(%dma_wait3A_656 : memref<80x128xf32, #tpu.memory_space<vmem>>)
      %dma_start3A_662 = arith.constant 0 : i32
      %dma_start3A_663 = arith.constant 0 : i32
      %dma_start3A_664 = arith.constant 0 : i32
      %dma_start3A_665 = tpu.memref_slice %arg17[%dma_start3A_662, %dma_start3A_663, %dma_start3A_664] : memref<2x80x128xf32, #tpu.memory_space<vmem>> -> memref<1x80x128xf32, #tpu.memory_space<vmem>>
      %dma_start3A_666 = tpu.memref_squeeze %dma_start3A_665 : memref<1x80x128xf32, #tpu.memory_space<vmem>> -> memref<80x128xf32, #tpu.memory_space<vmem>>
      %dma_start3A_667 = arith.constant 0 : i32
      %dma_start3A_668 = tpu.memref_slice %arg15[%dma_start3A_667] : memref<160xi32, #tpu.memory_space<vmem>> -> memref<80xi32, #tpu.memory_space<vmem>>
      %dma_start3A_669 = arith.constant 0 : i32
      %dma_start3A_670 = arith.constant 0 : i32
      %dma_start3A_671 = tpu.memref_slice %arg7[%dma_start3A_669, %dma_start3A_670] : memref<10240x128xf32, #tpu.memory_space<vmem_shared>> -> memref<10240x128xf32, #tpu.memory_space<vmem_shared>>
      tpu.enqueue_indirect_dma source(%dma_start3A_666 : memref<80x128xf32, #tpu.memory_space<vmem>>) target(%dma_start3A_671 : memref<10240x128xf32, #tpu.memory_space<vmem_shared>>) offsets(%dma_start3A_668 : memref<80xi32, #tpu.memory_space<vmem>>) semaphore(%arg23 : memref<!tpu.dma_semaphore, #tpu.memory_space<semaphore_mem>>) {add = true}
      %dma_wait3A_672 = arith.constant 1 : i32
      %dma_wait3A_673 = arith.constant 0 : i32
      %dma_wait3A_674 = arith.constant 0 : i32
      %dma_wait3A_675 = tpu.memref_slice %arg17[%dma_wait3A_672, %dma_wait3A_673, %dma_wait3A_674] : memref<2x80x128xf32, #tpu.memory_space<vmem>> -> memref<1x80x128xf32, #tpu.memory_space<vmem>>
      %dma_wait3A_676 = tpu.memref_squeeze %dma_wait3A_675 : memref<1x80x128xf32, #tpu.memory_space<vmem>> -> memref<80x128xf32, #tpu.memory_space<vmem>>
      %dma_wait3A_677 = arith.constant 80 : i32
      %dma_wait3A_678 = tpu.memref_slice %arg11[%dma_wait3A_677] : memref<160xi32, #tpu.memory_space<vmem>> -> memref<80xi32, #tpu.memory_space<vmem>>
      %dma_wait3A_679 = arith.constant 0 : i32
      %dma_wait3A_680 = arith.constant 0 : i32
      %dma_wait3A_681 = tpu.memref_slice %arg2[%dma_wait3A_679, %dma_wait3A_680] : memref<10000x128xf32, #tpu.memory_space<hbm>> -> memref<10000x128xf32, #tpu.memory_space<hbm>>
      tpu.wait_indirect_dma semaphore(%arg27 : memref<!tpu.dma_semaphore, #tpu.memory_space<semaphore_mem>>) src(%dma_wait3A_681 : memref<10000x128xf32, #tpu.memory_space<hbm>>) dst(%dma_wait3A_676 : memref<80x128xf32, #tpu.memory_space<vmem>>)
      %dma_start3A_682 = arith.constant 1 : i32
      %dma_start3A_683 = arith.constant 0 : i32
      %dma_start3A_684 = arith.constant 0 : i32
      %dma_start3A_685 = tpu.memref_slice %arg17[%dma_start3A_682, %dma_start3A_683, %dma_start3A_684] : memref<2x80x128xf32, #tpu.memory_space<vmem>> -> memref<1x80x128xf32, #tpu.memory_space<vmem>>
      %dma_start3A_686 = tpu.memref_squeeze %dma_start3A_685 : memref<1x80x128xf32, #tpu.memory_space<vmem>> -> memref<80x128xf32, #tpu.memory_space<vmem>>
      %dma_start3A_687 = arith.constant 80 : i32
      %dma_start3A_688 = tpu.memref_slice %arg15[%dma_start3A_687] : memref<160xi32, #tpu.memory_space<vmem>> -> memref<80xi32, #tpu.memory_space<vmem>>
      %dma_start3A_689 = arith.constant 0 : i32
      %dma_start3A_690 = arith.constant 0 : i32
      %dma_start3A_691 = tpu.memref_slice %arg7[%dma_start3A_689, %dma_start3A_690] : memref<10240x128xf32, #tpu.memory_space<vmem_shared>> -> memref<10240x128xf32, #tpu.memory_space<vmem_shared>>
      tpu.enqueue_indirect_dma source(%dma_start3A_686 : memref<80x128xf32, #tpu.memory_space<vmem>>) target(%dma_start3A_691 : memref<10240x128xf32, #tpu.memory_space<vmem_shared>>) offsets(%dma_start3A_688 : memref<80xi32, #tpu.memory_space<vmem>>) semaphore(%arg23 : memref<!tpu.dma_semaphore, #tpu.memory_space<semaphore_mem>>) {add = true}
      %dma_wait3A_692 = arith.constant 0 : i32
      %dma_wait3A_693 = arith.constant 0 : i32
      %dma_wait3A_694 = arith.constant 0 : i32
      %dma_wait3A_695 = tpu.memref_slice %arg16[%dma_wait3A_692, %dma_wait3A_693, %dma_wait3A_694] : memref<2x80x128xf32, #tpu.memory_space<vmem>> -> memref<1x80x128xf32, #tpu.memory_space<vmem>>
      %dma_wait3A_696 = tpu.memref_squeeze %dma_wait3A_695 : memref<1x80x128xf32, #tpu.memory_space<vmem>> -> memref<80x128xf32, #tpu.memory_space<vmem>>
      %dma_wait3A_697 = arith.constant 0 : i32
      %dma_wait3A_698 = arith.constant 0 : i32
      %dma_wait3A_699 = tpu.memref_slice %arg2[%dma_wait3A_697, %dma_wait3A_698] : memref<10000x128xf32, #tpu.memory_space<hbm>> -> memref<80x128xf32, #tpu.memory_space<hbm>>
      %dma_wait3A_700 = arith.constant 0 : i32
      %dma_wait3A_701 = arith.constant 0 : i32
      %dma_wait3A_702 = tpu.memref_slice %arg16[%dma_wait3A_692, %dma_wait3A_700, %dma_wait3A_701] : memref<2x80x128xf32, #tpu.memory_space<vmem>> -> memref<1x80x128xf32, #tpu.memory_space<vmem>>
      %dma_wait3A_703 = tpu.memref_squeeze %dma_wait3A_702 : memref<1x80x128xf32, #tpu.memory_space<vmem>> -> memref<80x128xf32, #tpu.memory_space<vmem>>
      %dma_wait3A_704 = arith.constant 0 : i32
      %dma_wait3A_705 = arith.constant 0 : i32
      %dma_wait3A_706 = tpu.memref_slice %arg2[%dma_wait3A_704, %dma_wait3A_705] : memref<10000x128xf32, #tpu.memory_space<hbm>> -> memref<80x128xf32, #tpu.memory_space<hbm>>
      tpu.wait_dma2 semaphore(%arg22 : memref<!tpu.dma_semaphore, #tpu.memory_space<semaphore_mem>>) src(%dma_wait3A_706 : memref<80x128xf32, #tpu.memory_space<hbm>>) dst(%dma_wait3A_703 : memref<80x128xf32, #tpu.memory_space<vmem>>)
      %dma_wait3A_707 = arith.constant 1 : i32
      %dma_wait3A_708 = arith.constant 0 : i32
      %dma_wait3A_709 = arith.constant 0 : i32
      %dma_wait3A_710 = tpu.memref_slice %arg16[%dma_wait3A_707, %dma_wait3A_708, %dma_wait3A_709] : memref<2x80x128xf32, #tpu.memory_space<vmem>> -> memref<1x80x128xf32, #tpu.memory_space<vmem>>
      %dma_wait3A_711 = tpu.memref_squeeze %dma_wait3A_710 : memref<1x80x128xf32, #tpu.memory_space<vmem>> -> memref<80x128xf32, #tpu.memory_space<vmem>>
      %dma_wait3A_712 = arith.constant 0 : i32
      %dma_wait3A_713 = arith.constant 0 : i32
      %dma_wait3A_714 = tpu.memref_slice %arg2[%dma_wait3A_712, %dma_wait3A_713] : memref<10000x128xf32, #tpu.memory_space<hbm>> -> memref<80x128xf32, #tpu.memory_space<hbm>>
      %dma_wait3A_715 = arith.constant 0 : i32
      %dma_wait3A_716 = arith.constant 0 : i32
      %dma_wait3A_717 = tpu.memref_slice %arg16[%dma_wait3A_707, %dma_wait3A_715, %dma_wait3A_716] : memref<2x80x128xf32, #tpu.memory_space<vmem>> -> memref<1x80x128xf32, #tpu.memory_space<vmem>>
      %dma_wait3A_718 = tpu.memref_squeeze %dma_wait3A_717 : memref<1x80x128xf32, #tpu.memory_space<vmem>> -> memref<80x128xf32, #tpu.memory_space<vmem>>
      %dma_wait3A_719 = arith.constant 0 : i32
      %dma_wait3A_720 = arith.constant 0 : i32
      %dma_wait3A_721 = tpu.memref_slice %arg2[%dma_wait3A_719, %dma_wait3A_720] : memref<10000x128xf32, #tpu.memory_space<hbm>> -> memref<80x128xf32, #tpu.memory_space<hbm>>
      tpu.wait_dma2 semaphore(%arg22 : memref<!tpu.dma_semaphore, #tpu.memory_space<semaphore_mem>>) src(%dma_wait3A_721 : memref<80x128xf32, #tpu.memory_space<hbm>>) dst(%dma_wait3A_718 : memref<80x128xf32, #tpu.memory_space<vmem>>)
      %add3A_722 = arith.constant 3 : i32
      %add3A_723 = arith.addi %add3A_623, %add3A_722 : i32
      %mul3A_724 = arith.constant 160 : i32
      %mul3A_725 = arith.muli %add3A_723, %mul3A_724 : i32
      %min3A_726 = arith.constant 9840 : i32
      %min3A_727 = arith.minsi %mul3A_725, %min3A_726 : i32
      %add3A_728 = arith.addi %mul3A_2, %min3A_727 : i32
      %dma_start3A_729 = tpu.memref_slice %arg3[%add3A_728] : memref<320000xi32, #tpu.memory_space<hbm>> -> memref<160xi32, #tpu.memory_space<hbm>>
      %dma_start3A_730 = tpu.memref_slice %arg3[%add3A_728] : memref<320000xi32, #tpu.memory_space<hbm>> -> memref<160xi32, #tpu.memory_space<hbm>>
      tpu.enqueue_dma source(%dma_start3A_730 : memref<160xi32, #tpu.memory_space<hbm>>) target(%arg10 : memref<160xi32, #tpu.memory_space<vmem>>) target_semaphore(%arg20 : memref<!tpu.dma_semaphore, #tpu.memory_space<semaphore_mem>>)
      %dma_start3A_731 = tpu.memref_slice %arg4[%add3A_728] : memref<320000xi32, #tpu.memory_space<hbm>> -> memref<160xi32, #tpu.memory_space<hbm>>
      %dma_start3A_732 = tpu.memref_slice %arg4[%add3A_728] : memref<320000xi32, #tpu.memory_space<hbm>> -> memref<160xi32, #tpu.memory_space<hbm>>
      tpu.enqueue_dma source(%dma_start3A_732 : memref<160xi32, #tpu.memory_space<hbm>>) target(%arg14 : memref<160xi32, #tpu.memory_space<vmem>>) target_semaphore(%arg20 : memref<!tpu.dma_semaphore, #tpu.memory_space<semaphore_mem>>)
    }
    %scan3A_41 = arith.constant 15 : i32
    %dma_wait3A = arith.constant 0 : i32
    %dma_wait3A_42 = tpu.memref_slice %arg3[%dma_wait3A] : memref<320000xi32, #tpu.memory_space<hbm>> -> memref<160xi32, #tpu.memory_space<hbm>>
    %dma_wait3A_43 = arith.constant 0 : i32
    %dma_wait3A_44 = tpu.memref_slice %arg3[%dma_wait3A_43] : memref<320000xi32, #tpu.memory_space<hbm>> -> memref<160xi32, #tpu.memory_space<hbm>>
    tpu.wait_dma2 semaphore(%arg18 : memref<!tpu.dma_semaphore, #tpu.memory_space<semaphore_mem>>) src(%dma_wait3A_44 : memref<160xi32, #tpu.memory_space<hbm>>) dst(%arg8 : memref<160xi32, #tpu.memory_space<vmem>>)
    %dma_wait3A_45 = arith.constant 0 : i32
    %dma_wait3A_46 = tpu.memref_slice %arg4[%dma_wait3A_45] : memref<320000xi32, #tpu.memory_space<hbm>> -> memref<160xi32, #tpu.memory_space<hbm>>
    %dma_wait3A_47 = arith.constant 0 : i32
    %dma_wait3A_48 = tpu.memref_slice %arg4[%dma_wait3A_47] : memref<320000xi32, #tpu.memory_space<hbm>> -> memref<160xi32, #tpu.memory_space<hbm>>
    tpu.wait_dma2 semaphore(%arg18 : memref<!tpu.dma_semaphore, #tpu.memory_space<semaphore_mem>>) src(%dma_wait3A_48 : memref<160xi32, #tpu.memory_space<hbm>>) dst(%arg12 : memref<160xi32, #tpu.memory_space<vmem>>)
    %dma_start3A_49 = arith.constant 0 : i32
    %dma_start3A_50 = arith.constant 0 : i32
    %dma_start3A_51 = arith.constant 0 : i32
    %dma_start3A_52 = tpu.memref_slice %arg16[%dma_start3A_49, %dma_start3A_50, %dma_start3A_51] : memref<2x80x128xf32, #tpu.memory_space<vmem>> -> memref<1x80x128xf32, #tpu.memory_space<vmem>>
    %dma_start3A_53 = tpu.memref_squeeze %dma_start3A_52 : memref<1x80x128xf32, #tpu.memory_space<vmem>> -> memref<80x128xf32, #tpu.memory_space<vmem>>
    %dma_start3A_54 = arith.constant 0 : i32
    %dma_start3A_55 = tpu.memref_slice %arg8[%dma_start3A_54] : memref<160xi32, #tpu.memory_space<vmem>> -> memref<80xi32, #tpu.memory_space<vmem>>
    %dma_start3A_56 = arith.constant 0 : i32
    %dma_start3A_57 = arith.constant 0 : i32
    %dma_start3A_58 = tpu.memref_slice %arg2[%dma_start3A_56, %dma_start3A_57] : memref<10000x128xf32, #tpu.memory_space<hbm>> -> memref<10000x128xf32, #tpu.memory_space<hbm>>
    tpu.enqueue_indirect_dma source(%dma_start3A_58 : memref<10000x128xf32, #tpu.memory_space<hbm>>) target(%dma_start3A_53 : memref<80x128xf32, #tpu.memory_space<vmem>>) offsets(%dma_start3A_55 : memref<80xi32, #tpu.memory_space<vmem>>) semaphore(%arg24 : memref<!tpu.dma_semaphore, #tpu.memory_space<semaphore_mem>>)
    %dma_start3A_59 = arith.constant 1 : i32
    %dma_start3A_60 = arith.constant 0 : i32
    %dma_start3A_61 = arith.constant 0 : i32
    %dma_start3A_62 = tpu.memref_slice %arg16[%dma_start3A_59, %dma_start3A_60, %dma_start3A_61] : memref<2x80x128xf32, #tpu.memory_space<vmem>> -> memref<1x80x128xf32, #tpu.memory_space<vmem>>
    %dma_start3A_63 = tpu.memref_squeeze %dma_start3A_62 : memref<1x80x128xf32, #tpu.memory_space<vmem>> -> memref<80x128xf32, #tpu.memory_space<vmem>>
    %dma_start3A_64 = arith.constant 80 : i32
    %dma_start3A_65 = tpu.memref_slice %arg8[%dma_start3A_64] : memref<160xi32, #tpu.memory_space<vmem>> -> memref<80xi32, #tpu.memory_space<vmem>>
    %dma_start3A_66 = arith.constant 0 : i32
    %dma_start3A_67 = arith.constant 0 : i32
    %dma_start3A_68 = tpu.memref_slice %arg2[%dma_start3A_66, %dma_start3A_67] : memref<10000x128xf32, #tpu.memory_space<hbm>> -> memref<10000x128xf32, #tpu.memory_space<hbm>>
    tpu.enqueue_indirect_dma source(%dma_start3A_68 : memref<10000x128xf32, #tpu.memory_space<hbm>>) target(%dma_start3A_63 : memref<80x128xf32, #tpu.memory_space<vmem>>) offsets(%dma_start3A_65 : memref<80xi32, #tpu.memory_space<vmem>>) semaphore(%arg25 : memref<!tpu.dma_semaphore, #tpu.memory_space<semaphore_mem>>)
    %dma_wait3A_69 = arith.constant 0 : i32
    %dma_wait3A_70 = arith.constant 0 : i32
    %dma_wait3A_71 = arith.constant 0 : i32
    %dma_wait3A_72 = tpu.memref_slice %arg16[%dma_wait3A_69, %dma_wait3A_70, %dma_wait3A_71] : memref<2x80x128xf32, #tpu.memory_space<vmem>> -> memref<1x80x128xf32, #tpu.memory_space<vmem>>
    %dma_wait3A_73 = tpu.memref_squeeze %dma_wait3A_72 : memref<1x80x128xf32, #tpu.memory_space<vmem>> -> memref<80x128xf32, #tpu.memory_space<vmem>>
    %dma_wait3A_74 = arith.constant 0 : i32
    %dma_wait3A_75 = tpu.memref_slice %arg8[%dma_wait3A_74] : memref<160xi32, #tpu.memory_space<vmem>> -> memref<80xi32, #tpu.memory_space<vmem>>
    %dma_wait3A_76 = arith.constant 0 : i32
    %dma_wait3A_77 = arith.constant 0 : i32
    %dma_wait3A_78 = tpu.memref_slice %arg2[%dma_wait3A_76, %dma_wait3A_77] : memref<10000x128xf32, #tpu.memory_space<hbm>> -> memref<10000x128xf32, #tpu.memory_space<hbm>>
    tpu.wait_indirect_dma semaphore(%arg24 : memref<!tpu.dma_semaphore, #tpu.memory_space<semaphore_mem>>) src(%dma_wait3A_78 : memref<10000x128xf32, #tpu.memory_space<hbm>>) dst(%dma_wait3A_73 : memref<80x128xf32, #tpu.memory_space<vmem>>)
    %dma_start3A_79 = arith.constant 0 : i32
    %dma_start3A_80 = arith.constant 0 : i32
    %dma_start3A_81 = arith.constant 0 : i32
    %dma_start3A_82 = tpu.memref_slice %arg16[%dma_start3A_79, %dma_start3A_80, %dma_start3A_81] : memref<2x80x128xf32, #tpu.memory_space<vmem>> -> memref<1x80x128xf32, #tpu.memory_space<vmem>>
    %dma_start3A_83 = tpu.memref_squeeze %dma_start3A_82 : memref<1x80x128xf32, #tpu.memory_space<vmem>> -> memref<80x128xf32, #tpu.memory_space<vmem>>
    %dma_start3A_84 = arith.constant 0 : i32
    %dma_start3A_85 = tpu.memref_slice %arg12[%dma_start3A_84] : memref<160xi32, #tpu.memory_space<vmem>> -> memref<80xi32, #tpu.memory_space<vmem>>
    %dma_start3A_86 = arith.constant 0 : i32
    %dma_start3A_87 = arith.constant 0 : i32
    %dma_start3A_88 = tpu.memref_slice %arg7[%dma_start3A_86, %dma_start3A_87] : memref<10240x128xf32, #tpu.memory_space<vmem_shared>> -> memref<10240x128xf32, #tpu.memory_space<vmem_shared>>
    tpu.enqueue_indirect_dma source(%dma_start3A_83 : memref<80x128xf32, #tpu.memory_space<vmem>>) target(%dma_start3A_88 : memref<10240x128xf32, #tpu.memory_space<vmem_shared>>) offsets(%dma_start3A_85 : memref<80xi32, #tpu.memory_space<vmem>>) semaphore(%arg22 : memref<!tpu.dma_semaphore, #tpu.memory_space<semaphore_mem>>) {add = true}
    %dma_wait3A_89 = arith.constant 1 : i32
    %dma_wait3A_90 = arith.constant 0 : i32
    %dma_wait3A_91 = arith.constant 0 : i32
    %dma_wait3A_92 = tpu.memref_slice %arg16[%dma_wait3A_89, %dma_wait3A_90, %dma_wait3A_91] : memref<2x80x128xf32, #tpu.memory_space<vmem>> -> memref<1x80x128xf32, #tpu.memory_space<vmem>>
    %dma_wait3A_93 = tpu.memref_squeeze %dma_wait3A_92 : memref<1x80x128xf32, #tpu.memory_space<vmem>> -> memref<80x128xf32, #tpu.memory_space<vmem>>
    %dma_wait3A_94 = arith.constant 80 : i32
    %dma_wait3A_95 = tpu.memref_slice %arg8[%dma_wait3A_94] : memref<160xi32, #tpu.memory_space<vmem>> -> memref<80xi32, #tpu.memory_space<vmem>>
    %dma_wait3A_96 = arith.constant 0 : i32
    %dma_wait3A_97 = arith.constant 0 : i32
    %dma_wait3A_98 = tpu.memref_slice %arg2[%dma_wait3A_96, %dma_wait3A_97] : memref<10000x128xf32, #tpu.memory_space<hbm>> -> memref<10000x128xf32, #tpu.memory_space<hbm>>
    tpu.wait_indirect_dma semaphore(%arg25 : memref<!tpu.dma_semaphore, #tpu.memory_space<semaphore_mem>>) src(%dma_wait3A_98 : memref<10000x128xf32, #tpu.memory_space<hbm>>) dst(%dma_wait3A_93 : memref<80x128xf32, #tpu.memory_space<vmem>>)
    %dma_start3A_99 = arith.constant 1 : i32
    %dma_start3A_100 = arith.constant 0 : i32
    %dma_start3A_101 = arith.constant 0 : i32
    %dma_start3A_102 = tpu.memref_slice %arg16[%dma_start3A_99, %dma_start3A_100, %dma_start3A_101] : memref<2x80x128xf32, #tpu.memory_space<vmem>> -> memref<1x80x128xf32, #tpu.memory_space<vmem>>
    %dma_start3A_103 = tpu.memref_squeeze %dma_start3A_102 : memref<1x80x128xf32, #tpu.memory_space<vmem>> -> memref<80x128xf32, #tpu.memory_space<vmem>>
    %dma_start3A_104 = arith.constant 80 : i32
    %dma_start3A_105 = tpu.memref_slice %arg12[%dma_start3A_104] : memref<160xi32, #tpu.memory_space<vmem>> -> memref<80xi32, #tpu.memory_space<vmem>>
    %dma_start3A_106 = arith.constant 0 : i32
    %dma_start3A_107 = arith.constant 0 : i32
    %dma_start3A_108 = tpu.memref_slice %arg7[%dma_start3A_106, %dma_start3A_107] : memref<10240x128xf32, #tpu.memory_space<vmem_shared>> -> memref<10240x128xf32, #tpu.memory_space<vmem_shared>>
    tpu.enqueue_indirect_dma source(%dma_start3A_103 : memref<80x128xf32, #tpu.memory_space<vmem>>) target(%dma_start3A_108 : memref<10240x128xf32, #tpu.memory_space<vmem_shared>>) offsets(%dma_start3A_105 : memref<80xi32, #tpu.memory_space<vmem>>) semaphore(%arg22 : memref<!tpu.dma_semaphore, #tpu.memory_space<semaphore_mem>>) {add = true}
    %dma_wait3A_109 = arith.constant 0 : i32
    %dma_wait3A_110 = arith.constant 0 : i32
    %dma_wait3A_111 = arith.constant 0 : i32
    %dma_wait3A_112 = tpu.memref_slice %arg17[%dma_wait3A_109, %dma_wait3A_110, %dma_wait3A_111] : memref<2x80x128xf32, #tpu.memory_space<vmem>> -> memref<1x80x128xf32, #tpu.memory_space<vmem>>
    %dma_wait3A_113 = tpu.memref_squeeze %dma_wait3A_112 : memref<1x80x128xf32, #tpu.memory_space<vmem>> -> memref<80x128xf32, #tpu.memory_space<vmem>>
    %dma_wait3A_114 = arith.constant 0 : i32
    %dma_wait3A_115 = arith.constant 0 : i32
    %dma_wait3A_116 = tpu.memref_slice %arg2[%dma_wait3A_114, %dma_wait3A_115] : memref<10000x128xf32, #tpu.memory_space<hbm>> -> memref<80x128xf32, #tpu.memory_space<hbm>>
    %dma_wait3A_117 = arith.constant 0 : i32
    %dma_wait3A_118 = arith.constant 0 : i32
    %dma_wait3A_119 = tpu.memref_slice %arg17[%dma_wait3A_109, %dma_wait3A_117, %dma_wait3A_118] : memref<2x80x128xf32, #tpu.memory_space<vmem>> -> memref<1x80x128xf32, #tpu.memory_space<vmem>>
    %dma_wait3A_120 = tpu.memref_squeeze %dma_wait3A_119 : memref<1x80x128xf32, #tpu.memory_space<vmem>> -> memref<80x128xf32, #tpu.memory_space<vmem>>
    %dma_wait3A_121 = arith.constant 0 : i32
    %dma_wait3A_122 = arith.constant 0 : i32
    %dma_wait3A_123 = tpu.memref_slice %arg2[%dma_wait3A_121, %dma_wait3A_122] : memref<10000x128xf32, #tpu.memory_space<hbm>> -> memref<80x128xf32, #tpu.memory_space<hbm>>
    tpu.wait_dma2 semaphore(%arg23 : memref<!tpu.dma_semaphore, #tpu.memory_space<semaphore_mem>>) src(%dma_wait3A_123 : memref<80x128xf32, #tpu.memory_space<hbm>>) dst(%dma_wait3A_120 : memref<80x128xf32, #tpu.memory_space<vmem>>)
    %dma_wait3A_124 = arith.constant 1 : i32
    %dma_wait3A_125 = arith.constant 0 : i32
    %dma_wait3A_126 = arith.constant 0 : i32
    %dma_wait3A_127 = tpu.memref_slice %arg17[%dma_wait3A_124, %dma_wait3A_125, %dma_wait3A_126] : memref<2x80x128xf32, #tpu.memory_space<vmem>> -> memref<1x80x128xf32, #tpu.memory_space<vmem>>
    %dma_wait3A_128 = tpu.memref_squeeze %dma_wait3A_127 : memref<1x80x128xf32, #tpu.memory_space<vmem>> -> memref<80x128xf32, #tpu.memory_space<vmem>>
    %dma_wait3A_129 = arith.constant 0 : i32
    %dma_wait3A_130 = arith.constant 0 : i32
    %dma_wait3A_131 = tpu.memref_slice %arg2[%dma_wait3A_129, %dma_wait3A_130] : memref<10000x128xf32, #tpu.memory_space<hbm>> -> memref<80x128xf32, #tpu.memory_space<hbm>>
    %dma_wait3A_132 = arith.constant 0 : i32
    %dma_wait3A_133 = arith.constant 0 : i32
    %dma_wait3A_134 = tpu.memref_slice %arg17[%dma_wait3A_124, %dma_wait3A_132, %dma_wait3A_133] : memref<2x80x128xf32, #tpu.memory_space<vmem>> -> memref<1x80x128xf32, #tpu.memory_space<vmem>>
    %dma_wait3A_135 = tpu.memref_squeeze %dma_wait3A_134 : memref<1x80x128xf32, #tpu.memory_space<vmem>> -> memref<80x128xf32, #tpu.memory_space<vmem>>
    %dma_wait3A_136 = arith.constant 0 : i32
    %dma_wait3A_137 = arith.constant 0 : i32
    %dma_wait3A_138 = tpu.memref_slice %arg2[%dma_wait3A_136, %dma_wait3A_137] : memref<10000x128xf32, #tpu.memory_space<hbm>> -> memref<80x128xf32, #tpu.memory_space<hbm>>
    tpu.wait_dma2 semaphore(%arg23 : memref<!tpu.dma_semaphore, #tpu.memory_space<semaphore_mem>>) src(%dma_wait3A_138 : memref<80x128xf32, #tpu.memory_space<hbm>>) dst(%dma_wait3A_135 : memref<80x128xf32, #tpu.memory_space<vmem>>)
    %dma_wait3A_139 = arith.constant 0 : i32
    %dma_wait3A_140 = tpu.memref_slice %arg3[%dma_wait3A_139] : memref<320000xi32, #tpu.memory_space<hbm>> -> memref<160xi32, #tpu.memory_space<hbm>>
    %dma_wait3A_141 = arith.constant 0 : i32
    %dma_wait3A_142 = tpu.memref_slice %arg3[%dma_wait3A_141] : memref<320000xi32, #tpu.memory_space<hbm>> -> memref<160xi32, #tpu.memory_space<hbm>>
    tpu.wait_dma2 semaphore(%arg19 : memref<!tpu.dma_semaphore, #tpu.memory_space<semaphore_mem>>) src(%dma_wait3A_142 : memref<160xi32, #tpu.memory_space<hbm>>) dst(%arg9 : memref<160xi32, #tpu.memory_space<vmem>>)
    %dma_wait3A_143 = arith.constant 0 : i32
    %dma_wait3A_144 = tpu.memref_slice %arg4[%dma_wait3A_143] : memref<320000xi32, #tpu.memory_space<hbm>> -> memref<160xi32, #tpu.memory_space<hbm>>
    %dma_wait3A_145 = arith.constant 0 : i32
    %dma_wait3A_146 = tpu.memref_slice %arg4[%dma_wait3A_145] : memref<320000xi32, #tpu.memory_space<hbm>> -> memref<160xi32, #tpu.memory_space<hbm>>
    tpu.wait_dma2 semaphore(%arg19 : memref<!tpu.dma_semaphore, #tpu.memory_space<semaphore_mem>>) src(%dma_wait3A_146 : memref<160xi32, #tpu.memory_space<hbm>>) dst(%arg13 : memref<160xi32, #tpu.memory_space<vmem>>)
    %dma_start3A_147 = arith.constant 0 : i32
    %dma_start3A_148 = arith.constant 0 : i32
    %dma_start3A_149 = arith.constant 0 : i32
    %dma_start3A_150 = tpu.memref_slice %arg17[%dma_start3A_147, %dma_start3A_148, %dma_start3A_149] : memref<2x80x128xf32, #tpu.memory_space<vmem>> -> memref<1x80x128xf32, #tpu.memory_space<vmem>>
    %dma_start3A_151 = tpu.memref_squeeze %dma_start3A_150 : memref<1x80x128xf32, #tpu.memory_space<vmem>> -> memref<80x128xf32, #tpu.memory_space<vmem>>
    %dma_start3A_152 = arith.constant 0 : i32
    %dma_start3A_153 = tpu.memref_slice %arg9[%dma_start3A_152] : memref<160xi32, #tpu.memory_space<vmem>> -> memref<80xi32, #tpu.memory_space<vmem>>
    %dma_start3A_154 = arith.constant 0 : i32
    %dma_start3A_155 = arith.constant 0 : i32
    %dma_start3A_156 = tpu.memref_slice %arg2[%dma_start3A_154, %dma_start3A_155] : memref<10000x128xf32, #tpu.memory_space<hbm>> -> memref<10000x128xf32, #tpu.memory_space<hbm>>
    tpu.enqueue_indirect_dma source(%dma_start3A_156 : memref<10000x128xf32, #tpu.memory_space<hbm>>) target(%dma_start3A_151 : memref<80x128xf32, #tpu.memory_space<vmem>>) offsets(%dma_start3A_153 : memref<80xi32, #tpu.memory_space<vmem>>) semaphore(%arg26 : memref<!tpu.dma_semaphore, #tpu.memory_space<semaphore_mem>>)
    %dma_start3A_157 = arith.constant 1 : i32
    %dma_start3A_158 = arith.constant 0 : i32
    %dma_start3A_159 = arith.constant 0 : i32
    %dma_start3A_160 = tpu.memref_slice %arg17[%dma_start3A_157, %dma_start3A_158, %dma_start3A_159] : memref<2x80x128xf32, #tpu.memory_space<vmem>> -> memref<1x80x128xf32, #tpu.memory_space<vmem>>
    %dma_start3A_161 = tpu.memref_squeeze %dma_start3A_160 : memref<1x80x128xf32, #tpu.memory_space<vmem>> -> memref<80x128xf32, #tpu.memory_space<vmem>>
    %dma_start3A_162 = arith.constant 80 : i32
    %dma_start3A_163 = tpu.memref_slice %arg9[%dma_start3A_162] : memref<160xi32, #tpu.memory_space<vmem>> -> memref<80xi32, #tpu.memory_space<vmem>>
    %dma_start3A_164 = arith.constant 0 : i32
    %dma_start3A_165 = arith.constant 0 : i32
    %dma_start3A_166 = tpu.memref_slice %arg2[%dma_start3A_164, %dma_start3A_165] : memref<10000x128xf32, #tpu.memory_space<hbm>> -> memref<10000x128xf32, #tpu.memory_space<hbm>>
    tpu.enqueue_indirect_dma source(%dma_start3A_166 : memref<10000x128xf32, #tpu.memory_space<hbm>>) target(%dma_start3A_161 : memref<80x128xf32, #tpu.memory_space<vmem>>) offsets(%dma_start3A_163 : memref<80xi32, #tpu.memory_space<vmem>>) semaphore(%arg27 : memref<!tpu.dma_semaphore, #tpu.memory_space<semaphore_mem>>)
    %dma_wait3A_167 = arith.constant 0 : i32
    %dma_wait3A_168 = arith.constant 0 : i32
    %dma_wait3A_169 = arith.constant 0 : i32
    %dma_wait3A_170 = tpu.memref_slice %arg17[%dma_wait3A_167, %dma_wait3A_168, %dma_wait3A_169] : memref<2x80x128xf32, #tpu.memory_space<vmem>> -> memref<1x80x128xf32, #tpu.memory_space<vmem>>
    %dma_wait3A_171 = tpu.memref_squeeze %dma_wait3A_170 : memref<1x80x128xf32, #tpu.memory_space<vmem>> -> memref<80x128xf32, #tpu.memory_space<vmem>>
    %dma_wait3A_172 = arith.constant 0 : i32
    %dma_wait3A_173 = tpu.memref_slice %arg9[%dma_wait3A_172] : memref<160xi32, #tpu.memory_space<vmem>> -> memref<80xi32, #tpu.memory_space<vmem>>
    %dma_wait3A_174 = arith.constant 0 : i32
    %dma_wait3A_175 = arith.constant 0 : i32
    %dma_wait3A_176 = tpu.memref_slice %arg2[%dma_wait3A_174, %dma_wait3A_175] : memref<10000x128xf32, #tpu.memory_space<hbm>> -> memref<10000x128xf32, #tpu.memory_space<hbm>>
    tpu.wait_indirect_dma semaphore(%arg26 : memref<!tpu.dma_semaphore, #tpu.memory_space<semaphore_mem>>) src(%dma_wait3A_176 : memref<10000x128xf32, #tpu.memory_space<hbm>>) dst(%dma_wait3A_171 : memref<80x128xf32, #tpu.memory_space<vmem>>)
    %dma_start3A_177 = arith.constant 0 : i32
    %dma_start3A_178 = arith.constant 0 : i32
    %dma_start3A_179 = arith.constant 0 : i32
    %dma_start3A_180 = tpu.memref_slice %arg17[%dma_start3A_177, %dma_start3A_178, %dma_start3A_179] : memref<2x80x128xf32, #tpu.memory_space<vmem>> -> memref<1x80x128xf32, #tpu.memory_space<vmem>>
    %dma_start3A_181 = tpu.memref_squeeze %dma_start3A_180 : memref<1x80x128xf32, #tpu.memory_space<vmem>> -> memref<80x128xf32, #tpu.memory_space<vmem>>
    %dma_start3A_182 = arith.constant 0 : i32
    %dma_start3A_183 = tpu.memref_slice %arg13[%dma_start3A_182] : memref<160xi32, #tpu.memory_space<vmem>> -> memref<80xi32, #tpu.memory_space<vmem>>
    %dma_start3A_184 = arith.constant 0 : i32
    %dma_start3A_185 = arith.constant 0 : i32
    %dma_start3A_186 = tpu.memref_slice %arg7[%dma_start3A_184, %dma_start3A_185] : memref<10240x128xf32, #tpu.memory_space<vmem_shared>> -> memref<10240x128xf32, #tpu.memory_space<vmem_shared>>
    tpu.enqueue_indirect_dma source(%dma_start3A_181 : memref<80x128xf32, #tpu.memory_space<vmem>>) target(%dma_start3A_186 : memref<10240x128xf32, #tpu.memory_space<vmem_shared>>) offsets(%dma_start3A_183 : memref<80xi32, #tpu.memory_space<vmem>>) semaphore(%arg23 : memref<!tpu.dma_semaphore, #tpu.memory_space<semaphore_mem>>) {add = true}
    %dma_wait3A_187 = arith.constant 1 : i32
    %dma_wait3A_188 = arith.constant 0 : i32
    %dma_wait3A_189 = arith.constant 0 : i32
    %dma_wait3A_190 = tpu.memref_slice %arg17[%dma_wait3A_187, %dma_wait3A_188, %dma_wait3A_189] : memref<2x80x128xf32, #tpu.memory_space<vmem>> -> memref<1x80x128xf32, #tpu.memory_space<vmem>>
    %dma_wait3A_191 = tpu.memref_squeeze %dma_wait3A_190 : memref<1x80x128xf32, #tpu.memory_space<vmem>> -> memref<80x128xf32, #tpu.memory_space<vmem>>
    %dma_wait3A_192 = arith.constant 80 : i32
    %dma_wait3A_193 = tpu.memref_slice %arg9[%dma_wait3A_192] : memref<160xi32, #tpu.memory_space<vmem>> -> memref<80xi32, #tpu.memory_space<vmem>>
    %dma_wait3A_194 = arith.constant 0 : i32
    %dma_wait3A_195 = arith.constant 0 : i32
    %dma_wait3A_196 = tpu.memref_slice %arg2[%dma_wait3A_194, %dma_wait3A_195] : memref<10000x128xf32, #tpu.memory_space<hbm>> -> memref<10000x128xf32, #tpu.memory_space<hbm>>
    tpu.wait_indirect_dma semaphore(%arg27 : memref<!tpu.dma_semaphore, #tpu.memory_space<semaphore_mem>>) src(%dma_wait3A_196 : memref<10000x128xf32, #tpu.memory_space<hbm>>) dst(%dma_wait3A_191 : memref<80x128xf32, #tpu.memory_space<vmem>>)
    %dma_start3A_197 = arith.constant 1 : i32
    %dma_start3A_198 = arith.constant 0 : i32
    %dma_start3A_199 = arith.constant 0 : i32
    %dma_start3A_200 = tpu.memref_slice %arg17[%dma_start3A_197, %dma_start3A_198, %dma_start3A_199] : memref<2x80x128xf32, #tpu.memory_space<vmem>> -> memref<1x80x128xf32, #tpu.memory_space<vmem>>
    %dma_start3A_201 = tpu.memref_squeeze %dma_start3A_200 : memref<1x80x128xf32, #tpu.memory_space<vmem>> -> memref<80x128xf32, #tpu.memory_space<vmem>>
    %dma_start3A_202 = arith.constant 80 : i32
    %dma_start3A_203 = tpu.memref_slice %arg13[%dma_start3A_202] : memref<160xi32, #tpu.memory_space<vmem>> -> memref<80xi32, #tpu.memory_space<vmem>>
    %dma_start3A_204 = arith.constant 0 : i32
    %dma_start3A_205 = arith.constant 0 : i32
    %dma_start3A_206 = tpu.memref_slice %arg7[%dma_start3A_204, %dma_start3A_205] : memref<10240x128xf32, #tpu.memory_space<vmem_shared>> -> memref<10240x128xf32, #tpu.memory_space<vmem_shared>>
    tpu.enqueue_indirect_dma source(%dma_start3A_201 : memref<80x128xf32, #tpu.memory_space<vmem>>) target(%dma_start3A_206 : memref<10240x128xf32, #tpu.memory_space<vmem_shared>>) offsets(%dma_start3A_203 : memref<80xi32, #tpu.memory_space<vmem>>) semaphore(%arg23 : memref<!tpu.dma_semaphore, #tpu.memory_space<semaphore_mem>>) {add = true}
    %dma_wait3A_207 = arith.constant 0 : i32
    %dma_wait3A_208 = arith.constant 0 : i32
    %dma_wait3A_209 = arith.constant 0 : i32
    %dma_wait3A_210 = tpu.memref_slice %arg16[%dma_wait3A_207, %dma_wait3A_208, %dma_wait3A_209] : memref<2x80x128xf32, #tpu.memory_space<vmem>> -> memref<1x80x128xf32, #tpu.memory_space<vmem>>
    %dma_wait3A_211 = tpu.memref_squeeze %dma_wait3A_210 : memref<1x80x128xf32, #tpu.memory_space<vmem>> -> memref<80x128xf32, #tpu.memory_space<vmem>>
    %dma_wait3A_212 = arith.constant 0 : i32
    %dma_wait3A_213 = arith.constant 0 : i32
    %dma_wait3A_214 = tpu.memref_slice %arg2[%dma_wait3A_212, %dma_wait3A_213] : memref<10000x128xf32, #tpu.memory_space<hbm>> -> memref<80x128xf32, #tpu.memory_space<hbm>>
    %dma_wait3A_215 = arith.constant 0 : i32
    %dma_wait3A_216 = arith.constant 0 : i32
    %dma_wait3A_217 = tpu.memref_slice %arg16[%dma_wait3A_207, %dma_wait3A_215, %dma_wait3A_216] : memref<2x80x128xf32, #tpu.memory_space<vmem>> -> memref<1x80x128xf32, #tpu.memory_space<vmem>>
    %dma_wait3A_218 = tpu.memref_squeeze %dma_wait3A_217 : memref<1x80x128xf32, #tpu.memory_space<vmem>> -> memref<80x128xf32, #tpu.memory_space<vmem>>
    %dma_wait3A_219 = arith.constant 0 : i32
    %dma_wait3A_220 = arith.constant 0 : i32
    %dma_wait3A_221 = tpu.memref_slice %arg2[%dma_wait3A_219, %dma_wait3A_220] : memref<10000x128xf32, #tpu.memory_space<hbm>> -> memref<80x128xf32, #tpu.memory_space<hbm>>
    tpu.wait_dma2 semaphore(%arg22 : memref<!tpu.dma_semaphore, #tpu.memory_space<semaphore_mem>>) src(%dma_wait3A_221 : memref<80x128xf32, #tpu.memory_space<hbm>>) dst(%dma_wait3A_218 : memref<80x128xf32, #tpu.memory_space<vmem>>)
    %dma_wait3A_222 = arith.constant 1 : i32
    %dma_wait3A_223 = arith.constant 0 : i32
    %dma_wait3A_224 = arith.constant 0 : i32
    %dma_wait3A_225 = tpu.memref_slice %arg16[%dma_wait3A_222, %dma_wait3A_223, %dma_wait3A_224] : memref<2x80x128xf32, #tpu.memory_space<vmem>> -> memref<1x80x128xf32, #tpu.memory_space<vmem>>
    %dma_wait3A_226 = tpu.memref_squeeze %dma_wait3A_225 : memref<1x80x128xf32, #tpu.memory_space<vmem>> -> memref<80x128xf32, #tpu.memory_space<vmem>>
    %dma_wait3A_227 = arith.constant 0 : i32
    %dma_wait3A_228 = arith.constant 0 : i32
    %dma_wait3A_229 = tpu.memref_slice %arg2[%dma_wait3A_227, %dma_wait3A_228] : memref<10000x128xf32, #tpu.memory_space<hbm>> -> memref<80x128xf32, #tpu.memory_space<hbm>>
    %dma_wait3A_230 = arith.constant 0 : i32
    %dma_wait3A_231 = arith.constant 0 : i32
    %dma_wait3A_232 = tpu.memref_slice %arg16[%dma_wait3A_222, %dma_wait3A_230, %dma_wait3A_231] : memref<2x80x128xf32, #tpu.memory_space<vmem>> -> memref<1x80x128xf32, #tpu.memory_space<vmem>>
    %dma_wait3A_233 = tpu.memref_squeeze %dma_wait3A_232 : memref<1x80x128xf32, #tpu.memory_space<vmem>> -> memref<80x128xf32, #tpu.memory_space<vmem>>
    %dma_wait3A_234 = arith.constant 0 : i32
    %dma_wait3A_235 = arith.constant 0 : i32
    %dma_wait3A_236 = tpu.memref_slice %arg2[%dma_wait3A_234, %dma_wait3A_235] : memref<10000x128xf32, #tpu.memory_space<hbm>> -> memref<80x128xf32, #tpu.memory_space<hbm>>
    tpu.wait_dma2 semaphore(%arg22 : memref<!tpu.dma_semaphore, #tpu.memory_space<semaphore_mem>>) src(%dma_wait3A_236 : memref<80x128xf32, #tpu.memory_space<hbm>>) dst(%dma_wait3A_233 : memref<80x128xf32, #tpu.memory_space<vmem>>)
    %dma_wait3A_237 = arith.constant 0 : i32
    %dma_wait3A_238 = arith.constant 0 : i32
    %dma_wait3A_239 = arith.constant 0 : i32
    %dma_wait3A_240 = tpu.memref_slice %arg17[%dma_wait3A_237, %dma_wait3A_238, %dma_wait3A_239] : memref<2x80x128xf32, #tpu.memory_space<vmem>> -> memref<1x80x128xf32, #tpu.memory_space<vmem>>
    %dma_wait3A_241 = tpu.memref_squeeze %dma_wait3A_240 : memref<1x80x128xf32, #tpu.memory_space<vmem>> -> memref<80x128xf32, #tpu.memory_space<vmem>>
    %dma_wait3A_242 = arith.constant 0 : i32
    %dma_wait3A_243 = arith.constant 0 : i32
    %dma_wait3A_244 = tpu.memref_slice %arg2[%dma_wait3A_242, %dma_wait3A_243] : memref<10000x128xf32, #tpu.memory_space<hbm>> -> memref<80x128xf32, #tpu.memory_space<hbm>>
    %dma_wait3A_245 = arith.constant 0 : i32
    %dma_wait3A_246 = arith.constant 0 : i32
    %dma_wait3A_247 = tpu.memref_slice %arg17[%dma_wait3A_237, %dma_wait3A_245, %dma_wait3A_246] : memref<2x80x128xf32, #tpu.memory_space<vmem>> -> memref<1x80x128xf32, #tpu.memory_space<vmem>>
    %dma_wait3A_248 = tpu.memref_squeeze %dma_wait3A_247 : memref<1x80x128xf32, #tpu.memory_space<vmem>> -> memref<80x128xf32, #tpu.memory_space<vmem>>
    %dma_wait3A_249 = arith.constant 0 : i32
    %dma_wait3A_250 = arith.constant 0 : i32
    %dma_wait3A_251 = tpu.memref_slice %arg2[%dma_wait3A_249, %dma_wait3A_250] : memref<10000x128xf32, #tpu.memory_space<hbm>> -> memref<80x128xf32, #tpu.memory_space<hbm>>
    tpu.wait_dma2 semaphore(%arg23 : memref<!tpu.dma_semaphore, #tpu.memory_space<semaphore_mem>>) src(%dma_wait3A_251 : memref<80x128xf32, #tpu.memory_space<hbm>>) dst(%dma_wait3A_248 : memref<80x128xf32, #tpu.memory_space<vmem>>)
    %dma_wait3A_252 = arith.constant 1 : i32
    %dma_wait3A_253 = arith.constant 0 : i32
    %dma_wait3A_254 = arith.constant 0 : i32
    %dma_wait3A_255 = tpu.memref_slice %arg17[%dma_wait3A_252, %dma_wait3A_253, %dma_wait3A_254] : memref<2x80x128xf32, #tpu.memory_space<vmem>> -> memref<1x80x128xf32, #tpu.memory_space<vmem>>
    %dma_wait3A_256 = tpu.memref_squeeze %dma_wait3A_255 : memref<1x80x128xf32, #tpu.memory_space<vmem>> -> memref<80x128xf32, #tpu.memory_space<vmem>>
    %dma_wait3A_257 = arith.constant 0 : i32
    %dma_wait3A_258 = arith.constant 0 : i32
    %dma_wait3A_259 = tpu.memref_slice %arg2[%dma_wait3A_257, %dma_wait3A_258] : memref<10000x128xf32, #tpu.memory_space<hbm>> -> memref<80x128xf32, #tpu.memory_space<hbm>>
    %dma_wait3A_260 = arith.constant 0 : i32
    %dma_wait3A_261 = arith.constant 0 : i32
    %dma_wait3A_262 = tpu.memref_slice %arg17[%dma_wait3A_252, %dma_wait3A_260, %dma_wait3A_261] : memref<2x80x128xf32, #tpu.memory_space<vmem>> -> memref<1x80x128xf32, #tpu.memory_space<vmem>>
    %dma_wait3A_263 = tpu.memref_squeeze %dma_wait3A_262 : memref<1x80x128xf32, #tpu.memory_space<vmem>> -> memref<80x128xf32, #tpu.memory_space<vmem>>
    %dma_wait3A_264 = arith.constant 0 : i32
    %dma_wait3A_265 = arith.constant 0 : i32
    %dma_wait3A_266 = tpu.memref_slice %arg2[%dma_wait3A_264, %dma_wait3A_265] : memref<10000x128xf32, #tpu.memory_space<hbm>> -> memref<80x128xf32, #tpu.memory_space<hbm>>
    tpu.wait_dma2 semaphore(%arg23 : memref<!tpu.dma_semaphore, #tpu.memory_space<semaphore_mem>>) src(%dma_wait3A_266 : memref<80x128xf32, #tpu.memory_space<hbm>>) dst(%dma_wait3A_263 : memref<80x128xf32, #tpu.memory_space<vmem>>)
    %dma_wait3A_267 = arith.constant 0 : i32
    %dma_wait3A_268 = tpu.memref_slice %arg3[%dma_wait3A_267] : memref<320000xi32, #tpu.memory_space<hbm>> -> memref<160xi32, #tpu.memory_space<hbm>>
    %dma_wait3A_269 = arith.constant 0 : i32
    %dma_wait3A_270 = tpu.memref_slice %arg3[%dma_wait3A_269] : memref<320000xi32, #tpu.memory_space<hbm>> -> memref<160xi32, #tpu.memory_space<hbm>>
    tpu.wait_dma2 semaphore(%arg20 : memref<!tpu.dma_semaphore, #tpu.memory_space<semaphore_mem>>) src(%dma_wait3A_270 : memref<160xi32, #tpu.memory_space<hbm>>) dst(%arg10 : memref<160xi32, #tpu.memory_space<vmem>>)
    %dma_wait3A_271 = arith.constant 0 : i32
    %dma_wait3A_272 = tpu.memref_slice %arg4[%dma_wait3A_271] : memref<320000xi32, #tpu.memory_space<hbm>> -> memref<160xi32, #tpu.memory_space<hbm>>
    %dma_wait3A_273 = arith.constant 0 : i32
    %dma_wait3A_274 = tpu.memref_slice %arg4[%dma_wait3A_273] : memref<320000xi32, #tpu.memory_space<hbm>> -> memref<160xi32, #tpu.memory_space<hbm>>
    tpu.wait_dma2 semaphore(%arg20 : memref<!tpu.dma_semaphore, #tpu.memory_space<semaphore_mem>>) src(%dma_wait3A_274 : memref<160xi32, #tpu.memory_space<hbm>>) dst(%arg14 : memref<160xi32, #tpu.memory_space<vmem>>)
    %add3A_275 = arith.constant 9920 : i32
    %add3A_276 = arith.addi %mul3A_2, %add3A_275 : i32
    "tpu.region"() ({
      %run_scoped3A = tpu.sem_alloc : memref<!tpu.dma_semaphore, #tpu.memory_space<semaphore_mem>>
      %dma_start3A_325 = arith.constant 0 : i32
      %dma_start3A_326 = tpu.memref_slice %arg8[%dma_start3A_325] : memref<160xi32, #tpu.memory_space<vmem>> -> memref<80xi32, #tpu.memory_space<vmem>>
      %dma_start3A_327 = tpu.memref_slice %arg3[%add3A_276] : memref<320000xi32, #tpu.memory_space<hbm>> -> memref<80xi32, #tpu.memory_space<hbm>>
      %dma_start3A_328 = arith.constant 0 : i32
      %dma_start3A_329 = tpu.memref_slice %arg8[%dma_start3A_328] : memref<160xi32, #tpu.memory_space<vmem>> -> memref<80xi32, #tpu.memory_space<vmem>>
      %dma_start3A_330 = tpu.memref_slice %arg3[%add3A_276] : memref<320000xi32, #tpu.memory_space<hbm>> -> memref<80xi32, #tpu.memory_space<hbm>>
      tpu.enqueue_dma source(%dma_start3A_330 : memref<80xi32, #tpu.memory_space<hbm>>) target(%dma_start3A_329 : memref<80xi32, #tpu.memory_space<vmem>>) target_semaphore(%run_scoped3A : memref<!tpu.dma_semaphore, #tpu.memory_space<semaphore_mem>>)
      %dma_wait3A_331 = arith.constant 0 : i32
      %dma_wait3A_332 = tpu.memref_slice %arg8[%dma_wait3A_331] : memref<160xi32, #tpu.memory_space<vmem>> -> memref<80xi32, #tpu.memory_space<vmem>>
      %dma_wait3A_333 = tpu.memref_slice %arg3[%add3A_276] : memref<320000xi32, #tpu.memory_space<hbm>> -> memref<80xi32, #tpu.memory_space<hbm>>
      %dma_wait3A_334 = arith.constant 0 : i32
      %dma_wait3A_335 = tpu.memref_slice %arg8[%dma_wait3A_334] : memref<160xi32, #tpu.memory_space<vmem>> -> memref<80xi32, #tpu.memory_space<vmem>>
      %dma_wait3A_336 = tpu.memref_slice %arg3[%add3A_276] : memref<320000xi32, #tpu.memory_space<hbm>> -> memref<80xi32, #tpu.memory_space<hbm>>
      tpu.wait_dma2 semaphore(%run_scoped3A : memref<!tpu.dma_semaphore, #tpu.memory_space<semaphore_mem>>) src(%dma_wait3A_336 : memref<80xi32, #tpu.memory_space<hbm>>) dst(%dma_wait3A_335 : memref<80xi32, #tpu.memory_space<vmem>>)
      tpu.yield
    }) : () -> ()
    "tpu.region"() ({
      %run_scoped3A = tpu.sem_alloc : memref<!tpu.dma_semaphore, #tpu.memory_space<semaphore_mem>>
      %dma_start3A_325 = arith.constant 0 : i32
      %dma_start3A_326 = tpu.memref_slice %arg12[%dma_start3A_325] : memref<160xi32, #tpu.memory_space<vmem>> -> memref<80xi32, #tpu.memory_space<vmem>>
      %dma_start3A_327 = tpu.memref_slice %arg4[%add3A_276] : memref<320000xi32, #tpu.memory_space<hbm>> -> memref<80xi32, #tpu.memory_space<hbm>>
      %dma_start3A_328 = arith.constant 0 : i32
      %dma_start3A_329 = tpu.memref_slice %arg12[%dma_start3A_328] : memref<160xi32, #tpu.memory_space<vmem>> -> memref<80xi32, #tpu.memory_space<vmem>>
      %dma_start3A_330 = tpu.memref_slice %arg4[%add3A_276] : memref<320000xi32, #tpu.memory_space<hbm>> -> memref<80xi32, #tpu.memory_space<hbm>>
      tpu.enqueue_dma source(%dma_start3A_330 : memref<80xi32, #tpu.memory_space<hbm>>) target(%dma_start3A_329 : memref<80xi32, #tpu.memory_space<vmem>>) target_semaphore(%run_scoped3A : memref<!tpu.dma_semaphore, #tpu.memory_space<semaphore_mem>>)
      %dma_wait3A_331 = arith.constant 0 : i32
      %dma_wait3A_332 = tpu.memref_slice %arg12[%dma_wait3A_331] : memref<160xi32, #tpu.memory_space<vmem>> -> memref<80xi32, #tpu.memory_space<vmem>>
      %dma_wait3A_333 = tpu.memref_slice %arg4[%add3A_276] : memref<320000xi32, #tpu.memory_space<hbm>> -> memref<80xi32, #tpu.memory_space<hbm>>
      %dma_wait3A_334 = arith.constant 0 : i32
      %dma_wait3A_335 = tpu.memref_slice %arg12[%dma_wait3A_334] : memref<160xi32, #tpu.memory_space<vmem>> -> memref<80xi32, #tpu.memory_space<vmem>>
      %dma_wait3A_336 = tpu.memref_slice %arg4[%add3A_276] : memref<320000xi32, #tpu.memory_space<hbm>> -> memref<80xi32, #tpu.memory_space<hbm>>
      tpu.wait_dma2 semaphore(%run_scoped3A : memref<!tpu.dma_semaphore, #tpu.memory_space<semaphore_mem>>) src(%dma_wait3A_336 : memref<80xi32, #tpu.memory_space<hbm>>) dst(%dma_wait3A_335 : memref<80xi32, #tpu.memory_space<vmem>>)
      tpu.yield
    }) : () -> ()
    %dma_start3A_277 = arith.constant 0 : i32
    %dma_start3A_278 = arith.constant 0 : i32
    %dma_start3A_279 = arith.constant 0 : i32
    %dma_start3A_280 = tpu.memref_slice %arg16[%dma_start3A_277, %dma_start3A_278, %dma_start3A_279] : memref<2x80x128xf32, #tpu.memory_space<vmem>> -> memref<1x80x128xf32, #tpu.memory_space<vmem>>
    %dma_start3A_281 = tpu.memref_squeeze %dma_start3A_280 : memref<1x80x128xf32, #tpu.memory_space<vmem>> -> memref<80x128xf32, #tpu.memory_space<vmem>>
    %dma_start3A_282 = arith.constant 0 : i32
    %dma_start3A_283 = tpu.memref_slice %arg8[%dma_start3A_282] : memref<160xi32, #tpu.memory_space<vmem>> -> memref<80xi32, #tpu.memory_space<vmem>>
    %dma_start3A_284 = arith.constant 0 : i32
    %dma_start3A_285 = arith.constant 0 : i32
    %dma_start3A_286 = tpu.memref_slice %arg2[%dma_start3A_284, %dma_start3A_285] : memref<10000x128xf32, #tpu.memory_space<hbm>> -> memref<10000x128xf32, #tpu.memory_space<hbm>>
    tpu.enqueue_indirect_dma source(%dma_start3A_286 : memref<10000x128xf32, #tpu.memory_space<hbm>>) target(%dma_start3A_281 : memref<80x128xf32, #tpu.memory_space<vmem>>) offsets(%dma_start3A_283 : memref<80xi32, #tpu.memory_space<vmem>>) semaphore(%arg24 : memref<!tpu.dma_semaphore, #tpu.memory_space<semaphore_mem>>)
    %dma_wait3A_287 = arith.constant 0 : i32
    %dma_wait3A_288 = arith.constant 0 : i32
    %dma_wait3A_289 = arith.constant 0 : i32
    %dma_wait3A_290 = tpu.memref_slice %arg16[%dma_wait3A_287, %dma_wait3A_288, %dma_wait3A_289] : memref<2x80x128xf32, #tpu.memory_space<vmem>> -> memref<1x80x128xf32, #tpu.memory_space<vmem>>
    %dma_wait3A_291 = tpu.memref_squeeze %dma_wait3A_290 : memref<1x80x128xf32, #tpu.memory_space<vmem>> -> memref<80x128xf32, #tpu.memory_space<vmem>>
    %dma_wait3A_292 = arith.constant 0 : i32
    %dma_wait3A_293 = tpu.memref_slice %arg8[%dma_wait3A_292] : memref<160xi32, #tpu.memory_space<vmem>> -> memref<80xi32, #tpu.memory_space<vmem>>
    %dma_wait3A_294 = arith.constant 0 : i32
    %dma_wait3A_295 = arith.constant 0 : i32
    %dma_wait3A_296 = tpu.memref_slice %arg2[%dma_wait3A_294, %dma_wait3A_295] : memref<10000x128xf32, #tpu.memory_space<hbm>> -> memref<10000x128xf32, #tpu.memory_space<hbm>>
    tpu.wait_indirect_dma semaphore(%arg24 : memref<!tpu.dma_semaphore, #tpu.memory_space<semaphore_mem>>) src(%dma_wait3A_296 : memref<10000x128xf32, #tpu.memory_space<hbm>>) dst(%dma_wait3A_291 : memref<80x128xf32, #tpu.memory_space<vmem>>)
    %dma_start3A_297 = arith.constant 0 : i32
    %dma_start3A_298 = arith.constant 0 : i32
    %dma_start3A_299 = arith.constant 0 : i32
    %dma_start3A_300 = tpu.memref_slice %arg16[%dma_start3A_297, %dma_start3A_298, %dma_start3A_299] : memref<2x80x128xf32, #tpu.memory_space<vmem>> -> memref<1x80x128xf32, #tpu.memory_space<vmem>>
    %dma_start3A_301 = tpu.memref_squeeze %dma_start3A_300 : memref<1x80x128xf32, #tpu.memory_space<vmem>> -> memref<80x128xf32, #tpu.memory_space<vmem>>
    %dma_start3A_302 = arith.constant 0 : i32
    %dma_start3A_303 = tpu.memref_slice %arg12[%dma_start3A_302] : memref<160xi32, #tpu.memory_space<vmem>> -> memref<80xi32, #tpu.memory_space<vmem>>
    %dma_start3A_304 = arith.constant 0 : i32
    %dma_start3A_305 = arith.constant 0 : i32
    %dma_start3A_306 = tpu.memref_slice %arg7[%dma_start3A_304, %dma_start3A_305] : memref<10240x128xf32, #tpu.memory_space<vmem_shared>> -> memref<10240x128xf32, #tpu.memory_space<vmem_shared>>
    tpu.enqueue_indirect_dma source(%dma_start3A_301 : memref<80x128xf32, #tpu.memory_space<vmem>>) target(%dma_start3A_306 : memref<10240x128xf32, #tpu.memory_space<vmem_shared>>) offsets(%dma_start3A_303 : memref<80xi32, #tpu.memory_space<vmem>>) semaphore(%arg22 : memref<!tpu.dma_semaphore, #tpu.memory_space<semaphore_mem>>) {add = true}
    %dma_wait3A_307 = arith.constant 0 : i32
    %dma_wait3A_308 = arith.constant 0 : i32
    %dma_wait3A_309 = arith.constant 0 : i32
    %dma_wait3A_310 = tpu.memref_slice %arg16[%dma_wait3A_307, %dma_wait3A_308, %dma_wait3A_309] : memref<2x80x128xf32, #tpu.memory_space<vmem>> -> memref<1x80x128xf32, #tpu.memory_space<vmem>>
    %dma_wait3A_311 = tpu.memref_squeeze %dma_wait3A_310 : memref<1x80x128xf32, #tpu.memory_space<vmem>> -> memref<80x128xf32, #tpu.memory_space<vmem>>
    %dma_wait3A_312 = arith.constant 0 : i32
    %dma_wait3A_313 = tpu.memref_slice %arg12[%dma_wait3A_312] : memref<160xi32, #tpu.memory_space<vmem>> -> memref<80xi32, #tpu.memory_space<vmem>>
    %dma_wait3A_314 = arith.constant 0 : i32
    %dma_wait3A_315 = arith.constant 0 : i32
    %dma_wait3A_316 = tpu.memref_slice %arg7[%dma_wait3A_314, %dma_wait3A_315] : memref<10240x128xf32, #tpu.memory_space<vmem_shared>> -> memref<10240x128xf32, #tpu.memory_space<vmem_shared>>
    tpu.wait_indirect_dma semaphore(%arg22 : memref<!tpu.dma_semaphore, #tpu.memory_space<semaphore_mem>>) src(%dma_wait3A_311 : memref<80x128xf32, #tpu.memory_space<vmem>>) dst(%dma_wait3A_316 : memref<10240x128xf32, #tpu.memory_space<vmem_shared>>)
    %barrier3A_317 = arith.constant 0 : index
    tpu.barrier barrier_id(%barrier3A_317)
    %mul3A_318 = arith.constant 640 : i32
    %mul3A_319 = arith.muli %arg1, %mul3A_318 : i32
    %mul3A_320 = arith.constant 10240 : i32
    %mul3A_321 = arith.muli %arg0, %mul3A_320 : i32
    %mul3A_322 = arith.constant 640 : i32
    %mul3A_323 = arith.muli %arg1, %mul3A_322 : i32
    %add3A_324 = arith.addi %mul3A_321, %mul3A_323 : i32
    "tpu.region"() ({
      %run_scoped3A = tpu.sem_alloc : memref<!tpu.dma_semaphore, #tpu.memory_space<semaphore_mem>>
      %dma_start3A_325 = arith.constant 0 : i32
      %dma_start3A_326 = tpu.memref_slice %arg6[%add3A_324, %dma_start3A_325] : memref<20480x128xf32, #tpu.memory_space<hbm>> -> memref<640x128xf32, #tpu.memory_space<hbm>>
      %dma_start3A_327 = arith.constant 0 : i32
      %dma_start3A_328 = tpu.memref_slice %arg7[%mul3A_319, %dma_start3A_327] : memref<10240x128xf32, #tpu.memory_space<vmem_shared>> -> memref<640x128xf32, #tpu.memory_space<vmem_shared>>
      tpu.enqueue_dma source(%dma_start3A_328 : memref<640x128xf32, #tpu.memory_space<vmem_shared>>) target(%dma_start3A_326 : memref<640x128xf32, #tpu.memory_space<hbm>>) target_semaphore(%run_scoped3A : memref<!tpu.dma_semaphore, #tpu.memory_space<semaphore_mem>>)
      %dma_wait3A_329 = arith.constant 0 : i32
      %dma_wait3A_330 = tpu.memref_slice %arg6[%add3A_324, %dma_wait3A_329] : memref<20480x128xf32, #tpu.memory_space<hbm>> -> memref<640x128xf32, #tpu.memory_space<hbm>>
      %dma_wait3A_331 = arith.constant 0 : i32
      %dma_wait3A_332 = tpu.memref_slice %arg7[%mul3A_319, %dma_wait3A_331] : memref<10240x128xf32, #tpu.memory_space<vmem_shared>> -> memref<640x128xf32, #tpu.memory_space<vmem_shared>>
      tpu.wait_dma2 semaphore(%run_scoped3A : memref<!tpu.dma_semaphore, #tpu.memory_space<semaphore_mem>>) src(%dma_wait3A_332 : memref<640x128xf32, #tpu.memory_space<vmem_shared>>) dst(%dma_wait3A_330 : memref<640x128xf32, #tpu.memory_space<hbm>>)
      tpu.yield
    }) : () -> ()
    return
  }
}

#map = affine_map<(d0, d1) -> (0)>
module attributes {stable_mosaic.version = 14 : i64} {
  func.func @body(%arg0: i32, %arg1: i32, %arg2: memref<320000xi32, #tpu.memory_space<hbm>>, %arg3: memref<80xf32, #tpu.memory_space<hbm>>, %arg4: memref<10240xf32, #tpu.memory_space<hbm>>, %arg5: memref<20480xf32, #tpu.memory_space<hbm>>, %arg6: memref<10240xf32, #tpu.memory_space<vmem_shared>>, %arg7: memref<80xf32, #tpu.memory_space<vmem>>, %arg8: memref<400xi32, #tpu.memory_space<vmem>>, %arg9: memref<400xi32, #tpu.memory_space<vmem>>, %arg10: memref<400xi32, #tpu.memory_space<vmem>>, %arg11: memref<400xi32, #tpu.memory_space<vmem>>, %arg12: memref<!tpu.dma_semaphore, #tpu.memory_space<semaphore_mem>>, %arg13: memref<!tpu.dma_semaphore, #tpu.memory_space<semaphore_mem>>, %arg14: memref<!tpu.dma_semaphore, #tpu.memory_space<semaphore_mem>>, %arg15: memref<!tpu.dma_semaphore, #tpu.memory_space<semaphore_mem>>, %arg16: memref<!tpu.dma_semaphore, #tpu.memory_space<semaphore_mem>>) attributes {dimension_semantics = [#tpu.dimension_semantics<core_parallel>, #tpu.dimension_semantics<subcore_parallel>], iteration_bounds = array<i64: 2, 16>, scalar_prefetch = 0 : i64, scratch_operands = 11 : i64, tpu.core_type = #tpu.core_type<sc_vector_subcore>, window_params = [{transform_indices = #map}, {transform_indices = #map}, {transform_indices = #map}, {transform_indices = #map}]} {
    %mul3A = arith.constant 2 : i32
    %mul3A_0 = arith.muli %arg1, %mul3A : i32
    %add3A = arith.addi %mul3A_0, %arg0 : i32
    %mul3A_1 = arith.constant 10000 : i32
    %mul3A_2 = arith.muli %add3A, %mul3A_1 : i32
    %mul3A_3 = arith.constant 640 : i32
    %mul3A_4 = arith.muli %arg1, %mul3A_3 : i32
    %mul3A_5 = arith.constant 640 : i32
    %mul3A_6 = arith.muli %arg1, %mul3A_5 : i32
    "tpu.region"() ({
      %run_scoped3A = tpu.sem_alloc : memref<!tpu.dma_semaphore, #tpu.memory_space<semaphore_mem>>
      %dma_start3A_62 = tpu.memref_slice %arg6[%mul3A_6] : memref<10240xf32, #tpu.memory_space<vmem_shared>> -> memref<640xf32, #tpu.memory_space<vmem_shared>>
      %dma_start3A_63 = tpu.memref_slice %arg4[%mul3A_4] : memref<10240xf32, #tpu.memory_space<hbm>> -> memref<640xf32, #tpu.memory_space<hbm>>
      tpu.enqueue_dma source(%dma_start3A_63 : memref<640xf32, #tpu.memory_space<hbm>>) target(%dma_start3A_62 : memref<640xf32, #tpu.memory_space<vmem_shared>>) target_semaphore(%run_scoped3A : memref<!tpu.dma_semaphore, #tpu.memory_space<semaphore_mem>>)
      %dma_wait3A_64 = tpu.memref_slice %arg6[%mul3A_6] : memref<10240xf32, #tpu.memory_space<vmem_shared>> -> memref<640xf32, #tpu.memory_space<vmem_shared>>
      %dma_wait3A_65 = tpu.memref_slice %arg4[%mul3A_4] : memref<10240xf32, #tpu.memory_space<hbm>> -> memref<640xf32, #tpu.memory_space<hbm>>
      tpu.wait_dma2 semaphore(%run_scoped3A : memref<!tpu.dma_semaphore, #tpu.memory_space<semaphore_mem>>) src(%dma_wait3A_65 : memref<640xf32, #tpu.memory_space<hbm>>) dst(%dma_wait3A_64 : memref<640xf32, #tpu.memory_space<vmem_shared>>)
      tpu.yield
    }) : () -> ()
    "tpu.region"() ({
      %run_scoped3A = tpu.sem_alloc : memref<!tpu.dma_semaphore, #tpu.memory_space<semaphore_mem>>
      %dma_start3A_62 = arith.constant 0 : i32
      %dma_start3A_63 = tpu.memref_slice %arg3[%dma_start3A_62] : memref<80xf32, #tpu.memory_space<hbm>> -> memref<80xf32, #tpu.memory_space<hbm>>
      %dma_start3A_64 = arith.constant 0 : i32
      %dma_start3A_65 = tpu.memref_slice %arg3[%dma_start3A_64] : memref<80xf32, #tpu.memory_space<hbm>> -> memref<80xf32, #tpu.memory_space<hbm>>
      tpu.enqueue_dma source(%dma_start3A_65 : memref<80xf32, #tpu.memory_space<hbm>>) target(%arg7 : memref<80xf32, #tpu.memory_space<vmem>>) target_semaphore(%run_scoped3A : memref<!tpu.dma_semaphore, #tpu.memory_space<semaphore_mem>>)
      %dma_wait3A_66 = arith.constant 0 : i32
      %dma_wait3A_67 = tpu.memref_slice %arg3[%dma_wait3A_66] : memref<80xf32, #tpu.memory_space<hbm>> -> memref<80xf32, #tpu.memory_space<hbm>>
      %dma_wait3A_68 = arith.constant 0 : i32
      %dma_wait3A_69 = tpu.memref_slice %arg3[%dma_wait3A_68] : memref<80xf32, #tpu.memory_space<hbm>> -> memref<80xf32, #tpu.memory_space<hbm>>
      tpu.wait_dma2 semaphore(%run_scoped3A : memref<!tpu.dma_semaphore, #tpu.memory_space<semaphore_mem>>) src(%dma_wait3A_69 : memref<80xf32, #tpu.memory_space<hbm>>) dst(%arg7 : memref<80xf32, #tpu.memory_space<vmem>>)
      tpu.yield
    }) : () -> ()
    %add3A_7 = arith.constant 0 : i32
    %add3A_8 = arith.addi %mul3A_2, %add3A_7 : i32
    %dma_start3A = tpu.memref_slice %arg2[%add3A_8] : memref<320000xi32, #tpu.memory_space<hbm>> -> memref<400xi32, #tpu.memory_space<hbm>>
    %dma_start3A_9 = tpu.memref_slice %arg2[%add3A_8] : memref<320000xi32, #tpu.memory_space<hbm>> -> memref<400xi32, #tpu.memory_space<hbm>>
    tpu.enqueue_dma source(%dma_start3A_9 : memref<400xi32, #tpu.memory_space<hbm>>) target(%arg8 : memref<400xi32, #tpu.memory_space<vmem>>) target_semaphore(%arg12 : memref<!tpu.dma_semaphore, #tpu.memory_space<semaphore_mem>>)
    %add3A_10 = arith.constant 400 : i32
    %add3A_11 = arith.addi %mul3A_2, %add3A_10 : i32
    %dma_start3A_12 = tpu.memref_slice %arg2[%add3A_11] : memref<320000xi32, #tpu.memory_space<hbm>> -> memref<400xi32, #tpu.memory_space<hbm>>
    %dma_start3A_13 = tpu.memref_slice %arg2[%add3A_11] : memref<320000xi32, #tpu.memory_space<hbm>> -> memref<400xi32, #tpu.memory_space<hbm>>
    tpu.enqueue_dma source(%dma_start3A_13 : memref<400xi32, #tpu.memory_space<hbm>>) target(%arg9 : memref<400xi32, #tpu.memory_space<vmem>>) target_semaphore(%arg13 : memref<!tpu.dma_semaphore, #tpu.memory_space<semaphore_mem>>)
    %barrier3A = arith.constant 0 : index
    tpu.barrier barrier_id(%barrier3A)
    %scan3A = arith.constant 0 : i32
    %scan3A_14 = arith.constant 0 : i32
    %scan3A_15 = arith.constant 6 : i32
    %scan3A_16 = arith.addi %scan3A_14, %scan3A_15 : i32
    %scan3A_17 = arith.constant 1 : i32
    scf.for %scan3A_62 = %scan3A_14 to %scan3A_16 step %scan3A_17  : i32 {
      %mul3A_63 = arith.constant 4 : i32
      %mul3A_64 = arith.muli %mul3A_63, %scan3A_62 : i32
      %add3A_65 = arith.constant 0 : i32
      %add3A_66 = arith.addi %mul3A_64, %add3A_65 : i32
      %gt3A = arith.constant 0 : i32
      %gt3A_67 = arith.cmpi sgt, %scan3A_62, %gt3A : i32
      %dma_wait3A_68 = arith.constant 0 : i32
      %dma_wait3A_69 = tpu.memref_slice %arg2[%dma_wait3A_68] : memref<320000xi32, #tpu.memory_space<hbm>> -> memref<400xi32, #tpu.memory_space<hbm>>
      %dma_wait3A_70 = arith.constant 0 : i32
      %dma_wait3A_71 = tpu.memref_slice %arg2[%dma_wait3A_70] : memref<320000xi32, #tpu.memory_space<hbm>> -> memref<400xi32, #tpu.memory_space<hbm>>
      tpu.wait_dma2 semaphore(%arg12 : memref<!tpu.dma_semaphore, #tpu.memory_space<semaphore_mem>>) src(%dma_wait3A_71 : memref<400xi32, #tpu.memory_space<hbm>>) dst(%arg8 : memref<400xi32, #tpu.memory_space<vmem>>)
      %dma_start3A_72 = arith.constant 0 : i32
      %dma_start3A_73 = tpu.memref_slice %arg8[%dma_start3A_72] : memref<400xi32, #tpu.memory_space<vmem>> -> memref<80xi32, #tpu.memory_space<vmem>>
      %dma_start3A_74 = arith.constant 0 : i32
      %dma_start3A_75 = tpu.memref_slice %arg6[%dma_start3A_74] : memref<10240xf32, #tpu.memory_space<vmem_shared>> -> memref<10240xf32, #tpu.memory_space<vmem_shared>>
      tpu.enqueue_indirect_dma source(%arg7 : memref<80xf32, #tpu.memory_space<vmem>>) target(%dma_start3A_75 : memref<10240xf32, #tpu.memory_space<vmem_shared>>) offsets(%dma_start3A_73 : memref<80xi32, #tpu.memory_space<vmem>>) semaphore(%arg16 : memref<!tpu.dma_semaphore, #tpu.memory_space<semaphore_mem>>) {add = true}
      %dma_start3A_76 = arith.constant 80 : i32
      %dma_start3A_77 = tpu.memref_slice %arg8[%dma_start3A_76] : memref<400xi32, #tpu.memory_space<vmem>> -> memref<80xi32, #tpu.memory_space<vmem>>
      %dma_start3A_78 = arith.constant 0 : i32
      %dma_start3A_79 = tpu.memref_slice %arg6[%dma_start3A_78] : memref<10240xf32, #tpu.memory_space<vmem_shared>> -> memref<10240xf32, #tpu.memory_space<vmem_shared>>
      tpu.enqueue_indirect_dma source(%arg7 : memref<80xf32, #tpu.memory_space<vmem>>) target(%dma_start3A_79 : memref<10240xf32, #tpu.memory_space<vmem_shared>>) offsets(%dma_start3A_77 : memref<80xi32, #tpu.memory_space<vmem>>) semaphore(%arg16 : memref<!tpu.dma_semaphore, #tpu.memory_space<semaphore_mem>>) {add = true}
      %dma_start3A_80 = arith.constant 160 : i32
      %dma_start3A_81 = tpu.memref_slice %arg8[%dma_start3A_80] : memref<400xi32, #tpu.memory_space<vmem>> -> memref<80xi32, #tpu.memory_space<vmem>>
      %dma_start3A_82 = arith.constant 0 : i32
      %dma_start3A_83 = tpu.memref_slice %arg6[%dma_start3A_82] : memref<10240xf32, #tpu.memory_space<vmem_shared>> -> memref<10240xf32, #tpu.memory_space<vmem_shared>>
      tpu.enqueue_indirect_dma source(%arg7 : memref<80xf32, #tpu.memory_space<vmem>>) target(%dma_start3A_83 : memref<10240xf32, #tpu.memory_space<vmem_shared>>) offsets(%dma_start3A_81 : memref<80xi32, #tpu.memory_space<vmem>>) semaphore(%arg16 : memref<!tpu.dma_semaphore, #tpu.memory_space<semaphore_mem>>) {add = true}
      %dma_start3A_84 = arith.constant 240 : i32
      %dma_start3A_85 = tpu.memref_slice %arg8[%dma_start3A_84] : memref<400xi32, #tpu.memory_space<vmem>> -> memref<80xi32, #tpu.memory_space<vmem>>
      %dma_start3A_86 = arith.constant 0 : i32
      %dma_start3A_87 = tpu.memref_slice %arg6[%dma_start3A_86] : memref<10240xf32, #tpu.memory_space<vmem_shared>> -> memref<10240xf32, #tpu.memory_space<vmem_shared>>
      tpu.enqueue_indirect_dma source(%arg7 : memref<80xf32, #tpu.memory_space<vmem>>) target(%dma_start3A_87 : memref<10240xf32, #tpu.memory_space<vmem_shared>>) offsets(%dma_start3A_85 : memref<80xi32, #tpu.memory_space<vmem>>) semaphore(%arg16 : memref<!tpu.dma_semaphore, #tpu.memory_space<semaphore_mem>>) {add = true}
      %dma_start3A_88 = arith.constant 320 : i32
      %dma_start3A_89 = tpu.memref_slice %arg8[%dma_start3A_88] : memref<400xi32, #tpu.memory_space<vmem>> -> memref<80xi32, #tpu.memory_space<vmem>>
      %dma_start3A_90 = arith.constant 0 : i32
      %dma_start3A_91 = tpu.memref_slice %arg6[%dma_start3A_90] : memref<10240xf32, #tpu.memory_space<vmem_shared>> -> memref<10240xf32, #tpu.memory_space<vmem_shared>>
      tpu.enqueue_indirect_dma source(%arg7 : memref<80xf32, #tpu.memory_space<vmem>>) target(%dma_start3A_91 : memref<10240xf32, #tpu.memory_space<vmem_shared>>) offsets(%dma_start3A_89 : memref<80xi32, #tpu.memory_space<vmem>>) semaphore(%arg16 : memref<!tpu.dma_semaphore, #tpu.memory_space<semaphore_mem>>) {add = true}
      %convert_element_type3A = arith.extui %gt3A_67 : i1 to i32
      %cond3A = arith.constant 0 : i32
      %cond3A_92 = arith.cmpi ne, %convert_element_type3A, %cond3A : i32
      scf.if %cond3A_92 {
        %dma_wait3A_209 = arith.constant 0 : i32
        %dma_wait3A_210 = tpu.memref_slice %arg2[%dma_wait3A_209] : memref<320000xi32, #tpu.memory_space<hbm>> -> memref<400xi32, #tpu.memory_space<hbm>>
        %dma_wait3A_211 = arith.constant 0 : i32
        %dma_wait3A_212 = tpu.memref_slice %arg2[%dma_wait3A_211] : memref<320000xi32, #tpu.memory_space<hbm>> -> memref<400xi32, #tpu.memory_space<hbm>>
        tpu.wait_dma2 semaphore(%arg16 : memref<!tpu.dma_semaphore, #tpu.memory_space<semaphore_mem>>) src(%dma_wait3A_212 : memref<400xi32, #tpu.memory_space<hbm>>) dst(%arg8 : memref<400xi32, #tpu.memory_space<vmem>>)
      } else {
      }
      %add3A_93 = arith.constant 2 : i32
      %add3A_94 = arith.addi %add3A_66, %add3A_93 : i32
      %mul3A_95 = arith.constant 400 : i32
      %mul3A_96 = arith.muli %add3A_94, %mul3A_95 : i32
      %add3A_97 = arith.addi %mul3A_2, %mul3A_96 : i32
      %dma_start3A_98 = tpu.memref_slice %arg2[%add3A_97] : memref<320000xi32, #tpu.memory_space<hbm>> -> memref<400xi32, #tpu.memory_space<hbm>>
      %dma_start3A_99 = tpu.memref_slice %arg2[%add3A_97] : memref<320000xi32, #tpu.memory_space<hbm>> -> memref<400xi32, #tpu.memory_space<hbm>>
      tpu.enqueue_dma source(%dma_start3A_99 : memref<400xi32, #tpu.memory_space<hbm>>) target(%arg10 : memref<400xi32, #tpu.memory_space<vmem>>) target_semaphore(%arg14 : memref<!tpu.dma_semaphore, #tpu.memory_space<semaphore_mem>>)
      %add3A_100 = arith.constant 1 : i32
      %add3A_101 = arith.addi %mul3A_64, %add3A_100 : i32
      %gt3A_102 = arith.constant 0 : i32
      %gt3A_103 = arith.cmpi sgt, %scan3A_62, %gt3A_102 : i32
      %dma_wait3A_104 = arith.constant 0 : i32
      %dma_wait3A_105 = tpu.memref_slice %arg2[%dma_wait3A_104] : memref<320000xi32, #tpu.memory_space<hbm>> -> memref<400xi32, #tpu.memory_space<hbm>>
      %dma_wait3A_106 = arith.constant 0 : i32
      %dma_wait3A_107 = tpu.memref_slice %arg2[%dma_wait3A_106] : memref<320000xi32, #tpu.memory_space<hbm>> -> memref<400xi32, #tpu.memory_space<hbm>>
      tpu.wait_dma2 semaphore(%arg13 : memref<!tpu.dma_semaphore, #tpu.memory_space<semaphore_mem>>) src(%dma_wait3A_107 : memref<400xi32, #tpu.memory_space<hbm>>) dst(%arg9 : memref<400xi32, #tpu.memory_space<vmem>>)
      %dma_start3A_108 = arith.constant 0 : i32
      %dma_start3A_109 = tpu.memref_slice %arg9[%dma_start3A_108] : memref<400xi32, #tpu.memory_space<vmem>> -> memref<80xi32, #tpu.memory_space<vmem>>
      %dma_start3A_110 = arith.constant 0 : i32
      %dma_start3A_111 = tpu.memref_slice %arg6[%dma_start3A_110] : memref<10240xf32, #tpu.memory_space<vmem_shared>> -> memref<10240xf32, #tpu.memory_space<vmem_shared>>
      tpu.enqueue_indirect_dma source(%arg7 : memref<80xf32, #tpu.memory_space<vmem>>) target(%dma_start3A_111 : memref<10240xf32, #tpu.memory_space<vmem_shared>>) offsets(%dma_start3A_109 : memref<80xi32, #tpu.memory_space<vmem>>) semaphore(%arg16 : memref<!tpu.dma_semaphore, #tpu.memory_space<semaphore_mem>>) {add = true}
      %dma_start3A_112 = arith.constant 80 : i32
      %dma_start3A_113 = tpu.memref_slice %arg9[%dma_start3A_112] : memref<400xi32, #tpu.memory_space<vmem>> -> memref<80xi32, #tpu.memory_space<vmem>>
      %dma_start3A_114 = arith.constant 0 : i32
      %dma_start3A_115 = tpu.memref_slice %arg6[%dma_start3A_114] : memref<10240xf32, #tpu.memory_space<vmem_shared>> -> memref<10240xf32, #tpu.memory_space<vmem_shared>>
      tpu.enqueue_indirect_dma source(%arg7 : memref<80xf32, #tpu.memory_space<vmem>>) target(%dma_start3A_115 : memref<10240xf32, #tpu.memory_space<vmem_shared>>) offsets(%dma_start3A_113 : memref<80xi32, #tpu.memory_space<vmem>>) semaphore(%arg16 : memref<!tpu.dma_semaphore, #tpu.memory_space<semaphore_mem>>) {add = true}
      %dma_start3A_116 = arith.constant 160 : i32
      %dma_start3A_117 = tpu.memref_slice %arg9[%dma_start3A_116] : memref<400xi32, #tpu.memory_space<vmem>> -> memref<80xi32, #tpu.memory_space<vmem>>
      %dma_start3A_118 = arith.constant 0 : i32
      %dma_start3A_119 = tpu.memref_slice %arg6[%dma_start3A_118] : memref<10240xf32, #tpu.memory_space<vmem_shared>> -> memref<10240xf32, #tpu.memory_space<vmem_shared>>
      tpu.enqueue_indirect_dma source(%arg7 : memref<80xf32, #tpu.memory_space<vmem>>) target(%dma_start3A_119 : memref<10240xf32, #tpu.memory_space<vmem_shared>>) offsets(%dma_start3A_117 : memref<80xi32, #tpu.memory_space<vmem>>) semaphore(%arg16 : memref<!tpu.dma_semaphore, #tpu.memory_space<semaphore_mem>>) {add = true}
      %dma_start3A_120 = arith.constant 240 : i32
      %dma_start3A_121 = tpu.memref_slice %arg9[%dma_start3A_120] : memref<400xi32, #tpu.memory_space<vmem>> -> memref<80xi32, #tpu.memory_space<vmem>>
      %dma_start3A_122 = arith.constant 0 : i32
      %dma_start3A_123 = tpu.memref_slice %arg6[%dma_start3A_122] : memref<10240xf32, #tpu.memory_space<vmem_shared>> -> memref<10240xf32, #tpu.memory_space<vmem_shared>>
      tpu.enqueue_indirect_dma source(%arg7 : memref<80xf32, #tpu.memory_space<vmem>>) target(%dma_start3A_123 : memref<10240xf32, #tpu.memory_space<vmem_shared>>) offsets(%dma_start3A_121 : memref<80xi32, #tpu.memory_space<vmem>>) semaphore(%arg16 : memref<!tpu.dma_semaphore, #tpu.memory_space<semaphore_mem>>) {add = true}
      %dma_start3A_124 = arith.constant 320 : i32
      %dma_start3A_125 = tpu.memref_slice %arg9[%dma_start3A_124] : memref<400xi32, #tpu.memory_space<vmem>> -> memref<80xi32, #tpu.memory_space<vmem>>
      %dma_start3A_126 = arith.constant 0 : i32
      %dma_start3A_127 = tpu.memref_slice %arg6[%dma_start3A_126] : memref<10240xf32, #tpu.memory_space<vmem_shared>> -> memref<10240xf32, #tpu.memory_space<vmem_shared>>
      tpu.enqueue_indirect_dma source(%arg7 : memref<80xf32, #tpu.memory_space<vmem>>) target(%dma_start3A_127 : memref<10240xf32, #tpu.memory_space<vmem_shared>>) offsets(%dma_start3A_125 : memref<80xi32, #tpu.memory_space<vmem>>) semaphore(%arg16 : memref<!tpu.dma_semaphore, #tpu.memory_space<semaphore_mem>>) {add = true}
      %convert_element_type3A_128 = arith.extui %gt3A_103 : i1 to i32
      %cond3A_129 = arith.constant 0 : i32
      %cond3A_130 = arith.cmpi ne, %convert_element_type3A_128, %cond3A_129 : i32
      scf.if %cond3A_130 {
        %dma_wait3A_209 = arith.constant 0 : i32
        %dma_wait3A_210 = tpu.memref_slice %arg2[%dma_wait3A_209] : memref<320000xi32, #tpu.memory_space<hbm>> -> memref<400xi32, #tpu.memory_space<hbm>>
        %dma_wait3A_211 = arith.constant 0 : i32
        %dma_wait3A_212 = tpu.memref_slice %arg2[%dma_wait3A_211] : memref<320000xi32, #tpu.memory_space<hbm>> -> memref<400xi32, #tpu.memory_space<hbm>>
        tpu.wait_dma2 semaphore(%arg16 : memref<!tpu.dma_semaphore, #tpu.memory_space<semaphore_mem>>) src(%dma_wait3A_212 : memref<400xi32, #tpu.memory_space<hbm>>) dst(%arg8 : memref<400xi32, #tpu.memory_space<vmem>>)
      } else {
      }
      %add3A_131 = arith.constant 2 : i32
      %add3A_132 = arith.addi %add3A_101, %add3A_131 : i32
      %mul3A_133 = arith.constant 400 : i32
      %mul3A_134 = arith.muli %add3A_132, %mul3A_133 : i32
      %add3A_135 = arith.addi %mul3A_2, %mul3A_134 : i32
      %dma_start3A_136 = tpu.memref_slice %arg2[%add3A_135] : memref<320000xi32, #tpu.memory_space<hbm>> -> memref<400xi32, #tpu.memory_space<hbm>>
      %dma_start3A_137 = tpu.memref_slice %arg2[%add3A_135] : memref<320000xi32, #tpu.memory_space<hbm>> -> memref<400xi32, #tpu.memory_space<hbm>>
      tpu.enqueue_dma source(%dma_start3A_137 : memref<400xi32, #tpu.memory_space<hbm>>) target(%arg11 : memref<400xi32, #tpu.memory_space<vmem>>) target_semaphore(%arg15 : memref<!tpu.dma_semaphore, #tpu.memory_space<semaphore_mem>>)
      %add3A_138 = arith.constant 2 : i32
      %add3A_139 = arith.addi %mul3A_64, %add3A_138 : i32
      %dma_wait3A_140 = arith.constant 0 : i32
      %dma_wait3A_141 = tpu.memref_slice %arg2[%dma_wait3A_140] : memref<320000xi32, #tpu.memory_space<hbm>> -> memref<400xi32, #tpu.memory_space<hbm>>
      %dma_wait3A_142 = arith.constant 0 : i32
      %dma_wait3A_143 = tpu.memref_slice %arg2[%dma_wait3A_142] : memref<320000xi32, #tpu.memory_space<hbm>> -> memref<400xi32, #tpu.memory_space<hbm>>
      tpu.wait_dma2 semaphore(%arg14 : memref<!tpu.dma_semaphore, #tpu.memory_space<semaphore_mem>>) src(%dma_wait3A_143 : memref<400xi32, #tpu.memory_space<hbm>>) dst(%arg10 : memref<400xi32, #tpu.memory_space<vmem>>)
      %dma_start3A_144 = arith.constant 0 : i32
      %dma_start3A_145 = tpu.memref_slice %arg10[%dma_start3A_144] : memref<400xi32, #tpu.memory_space<vmem>> -> memref<80xi32, #tpu.memory_space<vmem>>
      %dma_start3A_146 = arith.constant 0 : i32
      %dma_start3A_147 = tpu.memref_slice %arg6[%dma_start3A_146] : memref<10240xf32, #tpu.memory_space<vmem_shared>> -> memref<10240xf32, #tpu.memory_space<vmem_shared>>
      tpu.enqueue_indirect_dma source(%arg7 : memref<80xf32, #tpu.memory_space<vmem>>) target(%dma_start3A_147 : memref<10240xf32, #tpu.memory_space<vmem_shared>>) offsets(%dma_start3A_145 : memref<80xi32, #tpu.memory_space<vmem>>) semaphore(%arg16 : memref<!tpu.dma_semaphore, #tpu.memory_space<semaphore_mem>>) {add = true}
      %dma_start3A_148 = arith.constant 80 : i32
      %dma_start3A_149 = tpu.memref_slice %arg10[%dma_start3A_148] : memref<400xi32, #tpu.memory_space<vmem>> -> memref<80xi32, #tpu.memory_space<vmem>>
      %dma_start3A_150 = arith.constant 0 : i32
      %dma_start3A_151 = tpu.memref_slice %arg6[%dma_start3A_150] : memref<10240xf32, #tpu.memory_space<vmem_shared>> -> memref<10240xf32, #tpu.memory_space<vmem_shared>>
      tpu.enqueue_indirect_dma source(%arg7 : memref<80xf32, #tpu.memory_space<vmem>>) target(%dma_start3A_151 : memref<10240xf32, #tpu.memory_space<vmem_shared>>) offsets(%dma_start3A_149 : memref<80xi32, #tpu.memory_space<vmem>>) semaphore(%arg16 : memref<!tpu.dma_semaphore, #tpu.memory_space<semaphore_mem>>) {add = true}
      %dma_start3A_152 = arith.constant 160 : i32
      %dma_start3A_153 = tpu.memref_slice %arg10[%dma_start3A_152] : memref<400xi32, #tpu.memory_space<vmem>> -> memref<80xi32, #tpu.memory_space<vmem>>
      %dma_start3A_154 = arith.constant 0 : i32
      %dma_start3A_155 = tpu.memref_slice %arg6[%dma_start3A_154] : memref<10240xf32, #tpu.memory_space<vmem_shared>> -> memref<10240xf32, #tpu.memory_space<vmem_shared>>
      tpu.enqueue_indirect_dma source(%arg7 : memref<80xf32, #tpu.memory_space<vmem>>) target(%dma_start3A_155 : memref<10240xf32, #tpu.memory_space<vmem_shared>>) offsets(%dma_start3A_153 : memref<80xi32, #tpu.memory_space<vmem>>) semaphore(%arg16 : memref<!tpu.dma_semaphore, #tpu.memory_space<semaphore_mem>>) {add = true}
      %dma_start3A_156 = arith.constant 240 : i32
      %dma_start3A_157 = tpu.memref_slice %arg10[%dma_start3A_156] : memref<400xi32, #tpu.memory_space<vmem>> -> memref<80xi32, #tpu.memory_space<vmem>>
      %dma_start3A_158 = arith.constant 0 : i32
      %dma_start3A_159 = tpu.memref_slice %arg6[%dma_start3A_158] : memref<10240xf32, #tpu.memory_space<vmem_shared>> -> memref<10240xf32, #tpu.memory_space<vmem_shared>>
      tpu.enqueue_indirect_dma source(%arg7 : memref<80xf32, #tpu.memory_space<vmem>>) target(%dma_start3A_159 : memref<10240xf32, #tpu.memory_space<vmem_shared>>) offsets(%dma_start3A_157 : memref<80xi32, #tpu.memory_space<vmem>>) semaphore(%arg16 : memref<!tpu.dma_semaphore, #tpu.memory_space<semaphore_mem>>) {add = true}
      %dma_start3A_160 = arith.constant 320 : i32
      %dma_start3A_161 = tpu.memref_slice %arg10[%dma_start3A_160] : memref<400xi32, #tpu.memory_space<vmem>> -> memref<80xi32, #tpu.memory_space<vmem>>
      %dma_start3A_162 = arith.constant 0 : i32
      %dma_start3A_163 = tpu.memref_slice %arg6[%dma_start3A_162] : memref<10240xf32, #tpu.memory_space<vmem_shared>> -> memref<10240xf32, #tpu.memory_space<vmem_shared>>
      tpu.enqueue_indirect_dma source(%arg7 : memref<80xf32, #tpu.memory_space<vmem>>) target(%dma_start3A_163 : memref<10240xf32, #tpu.memory_space<vmem_shared>>) offsets(%dma_start3A_161 : memref<80xi32, #tpu.memory_space<vmem>>) semaphore(%arg16 : memref<!tpu.dma_semaphore, #tpu.memory_space<semaphore_mem>>) {add = true}
      %dma_wait3A_164 = arith.constant 0 : i32
      %dma_wait3A_165 = tpu.memref_slice %arg2[%dma_wait3A_164] : memref<320000xi32, #tpu.memory_space<hbm>> -> memref<400xi32, #tpu.memory_space<hbm>>
      %dma_wait3A_166 = arith.constant 0 : i32
      %dma_wait3A_167 = tpu.memref_slice %arg2[%dma_wait3A_166] : memref<320000xi32, #tpu.memory_space<hbm>> -> memref<400xi32, #tpu.memory_space<hbm>>
      tpu.wait_dma2 semaphore(%arg16 : memref<!tpu.dma_semaphore, #tpu.memory_space<semaphore_mem>>) src(%dma_wait3A_167 : memref<400xi32, #tpu.memory_space<hbm>>) dst(%arg8 : memref<400xi32, #tpu.memory_space<vmem>>)
      %add3A_168 = arith.constant 2 : i32
      %add3A_169 = arith.addi %add3A_139, %add3A_168 : i32
      %mul3A_170 = arith.constant 400 : i32
      %mul3A_171 = arith.muli %add3A_169, %mul3A_170 : i32
      %add3A_172 = arith.addi %mul3A_2, %mul3A_171 : i32
      %dma_start3A_173 = tpu.memref_slice %arg2[%add3A_172] : memref<320000xi32, #tpu.memory_space<hbm>> -> memref<400xi32, #tpu.memory_space<hbm>>
      %dma_start3A_174 = tpu.memref_slice %arg2[%add3A_172] : memref<320000xi32, #tpu.memory_space<hbm>> -> memref<400xi32, #tpu.memory_space<hbm>>
      tpu.enqueue_dma source(%dma_start3A_174 : memref<400xi32, #tpu.memory_space<hbm>>) target(%arg8 : memref<400xi32, #tpu.memory_space<vmem>>) target_semaphore(%arg12 : memref<!tpu.dma_semaphore, #tpu.memory_space<semaphore_mem>>)
      %add3A_175 = arith.constant 3 : i32
      %add3A_176 = arith.addi %mul3A_64, %add3A_175 : i32
      %lt3A = arith.constant 5 : i32
      %lt3A_177 = arith.cmpi slt, %scan3A_62, %lt3A : i32
      %dma_wait3A_178 = arith.constant 0 : i32
      %dma_wait3A_179 = tpu.memref_slice %arg2[%dma_wait3A_178] : memref<320000xi32, #tpu.memory_space<hbm>> -> memref<400xi32, #tpu.memory_space<hbm>>
      %dma_wait3A_180 = arith.constant 0 : i32
      %dma_wait3A_181 = tpu.memref_slice %arg2[%dma_wait3A_180] : memref<320000xi32, #tpu.memory_space<hbm>> -> memref<400xi32, #tpu.memory_space<hbm>>
      tpu.wait_dma2 semaphore(%arg15 : memref<!tpu.dma_semaphore, #tpu.memory_space<semaphore_mem>>) src(%dma_wait3A_181 : memref<400xi32, #tpu.memory_space<hbm>>) dst(%arg11 : memref<400xi32, #tpu.memory_space<vmem>>)
      %dma_start3A_182 = arith.constant 0 : i32
      %dma_start3A_183 = tpu.memref_slice %arg11[%dma_start3A_182] : memref<400xi32, #tpu.memory_space<vmem>> -> memref<80xi32, #tpu.memory_space<vmem>>
      %dma_start3A_184 = arith.constant 0 : i32
      %dma_start3A_185 = tpu.memref_slice %arg6[%dma_start3A_184] : memref<10240xf32, #tpu.memory_space<vmem_shared>> -> memref<10240xf32, #tpu.memory_space<vmem_shared>>
      tpu.enqueue_indirect_dma source(%arg7 : memref<80xf32, #tpu.memory_space<vmem>>) target(%dma_start3A_185 : memref<10240xf32, #tpu.memory_space<vmem_shared>>) offsets(%dma_start3A_183 : memref<80xi32, #tpu.memory_space<vmem>>) semaphore(%arg16 : memref<!tpu.dma_semaphore, #tpu.memory_space<semaphore_mem>>) {add = true}
      %dma_start3A_186 = arith.constant 80 : i32
      %dma_start3A_187 = tpu.memref_slice %arg11[%dma_start3A_186] : memref<400xi32, #tpu.memory_space<vmem>> -> memref<80xi32, #tpu.memory_space<vmem>>
      %dma_start3A_188 = arith.constant 0 : i32
      %dma_start3A_189 = tpu.memref_slice %arg6[%dma_start3A_188] : memref<10240xf32, #tpu.memory_space<vmem_shared>> -> memref<10240xf32, #tpu.memory_space<vmem_shared>>
      tpu.enqueue_indirect_dma source(%arg7 : memref<80xf32, #tpu.memory_space<vmem>>) target(%dma_start3A_189 : memref<10240xf32, #tpu.memory_space<vmem_shared>>) offsets(%dma_start3A_187 : memref<80xi32, #tpu.memory_space<vmem>>) semaphore(%arg16 : memref<!tpu.dma_semaphore, #tpu.memory_space<semaphore_mem>>) {add = true}
      %dma_start3A_190 = arith.constant 160 : i32
      %dma_start3A_191 = tpu.memref_slice %arg11[%dma_start3A_190] : memref<400xi32, #tpu.memory_space<vmem>> -> memref<80xi32, #tpu.memory_space<vmem>>
      %dma_start3A_192 = arith.constant 0 : i32
      %dma_start3A_193 = tpu.memref_slice %arg6[%dma_start3A_192] : memref<10240xf32, #tpu.memory_space<vmem_shared>> -> memref<10240xf32, #tpu.memory_space<vmem_shared>>
      tpu.enqueue_indirect_dma source(%arg7 : memref<80xf32, #tpu.memory_space<vmem>>) target(%dma_start3A_193 : memref<10240xf32, #tpu.memory_space<vmem_shared>>) offsets(%dma_start3A_191 : memref<80xi32, #tpu.memory_space<vmem>>) semaphore(%arg16 : memref<!tpu.dma_semaphore, #tpu.memory_space<semaphore_mem>>) {add = true}
      %dma_start3A_194 = arith.constant 240 : i32
      %dma_start3A_195 = tpu.memref_slice %arg11[%dma_start3A_194] : memref<400xi32, #tpu.memory_space<vmem>> -> memref<80xi32, #tpu.memory_space<vmem>>
      %dma_start3A_196 = arith.constant 0 : i32
      %dma_start3A_197 = tpu.memref_slice %arg6[%dma_start3A_196] : memref<10240xf32, #tpu.memory_space<vmem_shared>> -> memref<10240xf32, #tpu.memory_space<vmem_shared>>
      tpu.enqueue_indirect_dma source(%arg7 : memref<80xf32, #tpu.memory_space<vmem>>) target(%dma_start3A_197 : memref<10240xf32, #tpu.memory_space<vmem_shared>>) offsets(%dma_start3A_195 : memref<80xi32, #tpu.memory_space<vmem>>) semaphore(%arg16 : memref<!tpu.dma_semaphore, #tpu.memory_space<semaphore_mem>>) {add = true}
      %dma_start3A_198 = arith.constant 320 : i32
      %dma_start3A_199 = tpu.memref_slice %arg11[%dma_start3A_198] : memref<400xi32, #tpu.memory_space<vmem>> -> memref<80xi32, #tpu.memory_space<vmem>>
      %dma_start3A_200 = arith.constant 0 : i32
      %dma_start3A_201 = tpu.memref_slice %arg6[%dma_start3A_200] : memref<10240xf32, #tpu.memory_space<vmem_shared>> -> memref<10240xf32, #tpu.memory_space<vmem_shared>>
      tpu.enqueue_indirect_dma source(%arg7 : memref<80xf32, #tpu.memory_space<vmem>>) target(%dma_start3A_201 : memref<10240xf32, #tpu.memory_space<vmem_shared>>) offsets(%dma_start3A_199 : memref<80xi32, #tpu.memory_space<vmem>>) semaphore(%arg16 : memref<!tpu.dma_semaphore, #tpu.memory_space<semaphore_mem>>) {add = true}
      %dma_wait3A_202 = arith.constant 0 : i32
      %dma_wait3A_203 = tpu.memref_slice %arg2[%dma_wait3A_202] : memref<320000xi32, #tpu.memory_space<hbm>> -> memref<400xi32, #tpu.memory_space<hbm>>
      %dma_wait3A_204 = arith.constant 0 : i32
      %dma_wait3A_205 = tpu.memref_slice %arg2[%dma_wait3A_204] : memref<320000xi32, #tpu.memory_space<hbm>> -> memref<400xi32, #tpu.memory_space<hbm>>
      tpu.wait_dma2 semaphore(%arg16 : memref<!tpu.dma_semaphore, #tpu.memory_space<semaphore_mem>>) src(%dma_wait3A_205 : memref<400xi32, #tpu.memory_space<hbm>>) dst(%arg8 : memref<400xi32, #tpu.memory_space<vmem>>)
      %convert_element_type3A_206 = arith.extui %lt3A_177 : i1 to i32
      %cond3A_207 = arith.constant 0 : i32
      %cond3A_208 = arith.cmpi ne, %convert_element_type3A_206, %cond3A_207 : i32
      scf.if %cond3A_208 {
        %add3A_209 = arith.constant 2 : i32
        %add3A_210 = arith.addi %add3A_176, %add3A_209 : i32
        %mul3A_211 = arith.constant 400 : i32
        %mul3A_212 = arith.muli %add3A_210, %mul3A_211 : i32
        %add3A_213 = arith.addi %mul3A_2, %mul3A_212 : i32
        %dma_start3A_214 = tpu.memref_slice %arg2[%add3A_213] : memref<320000xi32, #tpu.memory_space<hbm>> -> memref<400xi32, #tpu.memory_space<hbm>>
        %dma_start3A_215 = tpu.memref_slice %arg2[%add3A_213] : memref<320000xi32, #tpu.memory_space<hbm>> -> memref<400xi32, #tpu.memory_space<hbm>>
        tpu.enqueue_dma source(%dma_start3A_215 : memref<400xi32, #tpu.memory_space<hbm>>) target(%arg9 : memref<400xi32, #tpu.memory_space<vmem>>) target_semaphore(%arg13 : memref<!tpu.dma_semaphore, #tpu.memory_space<semaphore_mem>>)
      } else {
      }
    }
    %scan3A_18 = arith.constant 6 : i32
    %dma_wait3A = arith.constant 0 : i32
    %dma_wait3A_19 = tpu.memref_slice %arg2[%dma_wait3A] : memref<320000xi32, #tpu.memory_space<hbm>> -> memref<400xi32, #tpu.memory_space<hbm>>
    %dma_wait3A_20 = arith.constant 0 : i32
    %dma_wait3A_21 = tpu.memref_slice %arg2[%dma_wait3A_20] : memref<320000xi32, #tpu.memory_space<hbm>> -> memref<400xi32, #tpu.memory_space<hbm>>
    tpu.wait_dma2 semaphore(%arg12 : memref<!tpu.dma_semaphore, #tpu.memory_space<semaphore_mem>>) src(%dma_wait3A_21 : memref<400xi32, #tpu.memory_space<hbm>>) dst(%arg8 : memref<400xi32, #tpu.memory_space<vmem>>)
    %dma_start3A_22 = arith.constant 0 : i32
    %dma_start3A_23 = tpu.memref_slice %arg8[%dma_start3A_22] : memref<400xi32, #tpu.memory_space<vmem>> -> memref<80xi32, #tpu.memory_space<vmem>>
    %dma_start3A_24 = arith.constant 0 : i32
    %dma_start3A_25 = tpu.memref_slice %arg6[%dma_start3A_24] : memref<10240xf32, #tpu.memory_space<vmem_shared>> -> memref<10240xf32, #tpu.memory_space<vmem_shared>>
    tpu.enqueue_indirect_dma source(%arg7 : memref<80xf32, #tpu.memory_space<vmem>>) target(%dma_start3A_25 : memref<10240xf32, #tpu.memory_space<vmem_shared>>) offsets(%dma_start3A_23 : memref<80xi32, #tpu.memory_space<vmem>>) semaphore(%arg16 : memref<!tpu.dma_semaphore, #tpu.memory_space<semaphore_mem>>) {add = true}
    %dma_start3A_26 = arith.constant 80 : i32
    %dma_start3A_27 = tpu.memref_slice %arg8[%dma_start3A_26] : memref<400xi32, #tpu.memory_space<vmem>> -> memref<80xi32, #tpu.memory_space<vmem>>
    %dma_start3A_28 = arith.constant 0 : i32
    %dma_start3A_29 = tpu.memref_slice %arg6[%dma_start3A_28] : memref<10240xf32, #tpu.memory_space<vmem_shared>> -> memref<10240xf32, #tpu.memory_space<vmem_shared>>
    tpu.enqueue_indirect_dma source(%arg7 : memref<80xf32, #tpu.memory_space<vmem>>) target(%dma_start3A_29 : memref<10240xf32, #tpu.memory_space<vmem_shared>>) offsets(%dma_start3A_27 : memref<80xi32, #tpu.memory_space<vmem>>) semaphore(%arg16 : memref<!tpu.dma_semaphore, #tpu.memory_space<semaphore_mem>>) {add = true}
    %dma_start3A_30 = arith.constant 160 : i32
    %dma_start3A_31 = tpu.memref_slice %arg8[%dma_start3A_30] : memref<400xi32, #tpu.memory_space<vmem>> -> memref<80xi32, #tpu.memory_space<vmem>>
    %dma_start3A_32 = arith.constant 0 : i32
    %dma_start3A_33 = tpu.memref_slice %arg6[%dma_start3A_32] : memref<10240xf32, #tpu.memory_space<vmem_shared>> -> memref<10240xf32, #tpu.memory_space<vmem_shared>>
    tpu.enqueue_indirect_dma source(%arg7 : memref<80xf32, #tpu.memory_space<vmem>>) target(%dma_start3A_33 : memref<10240xf32, #tpu.memory_space<vmem_shared>>) offsets(%dma_start3A_31 : memref<80xi32, #tpu.memory_space<vmem>>) semaphore(%arg16 : memref<!tpu.dma_semaphore, #tpu.memory_space<semaphore_mem>>) {add = true}
    %dma_start3A_34 = arith.constant 240 : i32
    %dma_start3A_35 = tpu.memref_slice %arg8[%dma_start3A_34] : memref<400xi32, #tpu.memory_space<vmem>> -> memref<80xi32, #tpu.memory_space<vmem>>
    %dma_start3A_36 = arith.constant 0 : i32
    %dma_start3A_37 = tpu.memref_slice %arg6[%dma_start3A_36] : memref<10240xf32, #tpu.memory_space<vmem_shared>> -> memref<10240xf32, #tpu.memory_space<vmem_shared>>
    tpu.enqueue_indirect_dma source(%arg7 : memref<80xf32, #tpu.memory_space<vmem>>) target(%dma_start3A_37 : memref<10240xf32, #tpu.memory_space<vmem_shared>>) offsets(%dma_start3A_35 : memref<80xi32, #tpu.memory_space<vmem>>) semaphore(%arg16 : memref<!tpu.dma_semaphore, #tpu.memory_space<semaphore_mem>>) {add = true}
    %dma_start3A_38 = arith.constant 320 : i32
    %dma_start3A_39 = tpu.memref_slice %arg8[%dma_start3A_38] : memref<400xi32, #tpu.memory_space<vmem>> -> memref<80xi32, #tpu.memory_space<vmem>>
    %dma_start3A_40 = arith.constant 0 : i32
    %dma_start3A_41 = tpu.memref_slice %arg6[%dma_start3A_40] : memref<10240xf32, #tpu.memory_space<vmem_shared>> -> memref<10240xf32, #tpu.memory_space<vmem_shared>>
    tpu.enqueue_indirect_dma source(%arg7 : memref<80xf32, #tpu.memory_space<vmem>>) target(%dma_start3A_41 : memref<10240xf32, #tpu.memory_space<vmem_shared>>) offsets(%dma_start3A_39 : memref<80xi32, #tpu.memory_space<vmem>>) semaphore(%arg16 : memref<!tpu.dma_semaphore, #tpu.memory_space<semaphore_mem>>) {add = true}
    %dma_wait3A_42 = arith.constant 0 : i32
    %dma_wait3A_43 = tpu.memref_slice %arg2[%dma_wait3A_42] : memref<320000xi32, #tpu.memory_space<hbm>> -> memref<400xi32, #tpu.memory_space<hbm>>
    %dma_wait3A_44 = arith.constant 0 : i32
    %dma_wait3A_45 = tpu.memref_slice %arg2[%dma_wait3A_44] : memref<320000xi32, #tpu.memory_space<hbm>> -> memref<400xi32, #tpu.memory_space<hbm>>
    tpu.wait_dma2 semaphore(%arg16 : memref<!tpu.dma_semaphore, #tpu.memory_space<semaphore_mem>>) src(%dma_wait3A_45 : memref<400xi32, #tpu.memory_space<hbm>>) dst(%arg8 : memref<400xi32, #tpu.memory_space<vmem>>)
    %dma_wait3A_46 = arith.constant 0 : i32
    %dma_wait3A_47 = tpu.memref_slice %arg2[%dma_wait3A_46] : memref<320000xi32, #tpu.memory_space<hbm>> -> memref<400xi32, #tpu.memory_space<hbm>>
    %dma_wait3A_48 = arith.constant 0 : i32
    %dma_wait3A_49 = tpu.memref_slice %arg2[%dma_wait3A_48] : memref<320000xi32, #tpu.memory_space<hbm>> -> memref<400xi32, #tpu.memory_space<hbm>>
    tpu.wait_dma2 semaphore(%arg16 : memref<!tpu.dma_semaphore, #tpu.memory_space<semaphore_mem>>) src(%dma_wait3A_49 : memref<400xi32, #tpu.memory_space<hbm>>) dst(%arg8 : memref<400xi32, #tpu.memory_space<vmem>>)
    %dma_wait3A_50 = arith.constant 0 : i32
    %dma_wait3A_51 = tpu.memref_slice %arg2[%dma_wait3A_50] : memref<320000xi32, #tpu.memory_space<hbm>> -> memref<400xi32, #tpu.memory_space<hbm>>
    %dma_wait3A_52 = arith.constant 0 : i32
    %dma_wait3A_53 = tpu.memref_slice %arg2[%dma_wait3A_52] : memref<320000xi32, #tpu.memory_space<hbm>> -> memref<400xi32, #tpu.memory_space<hbm>>
    tpu.wait_dma2 semaphore(%arg16 : memref<!tpu.dma_semaphore, #tpu.memory_space<semaphore_mem>>) src(%dma_wait3A_53 : memref<400xi32, #tpu.memory_space<hbm>>) dst(%arg8 : memref<400xi32, #tpu.memory_space<vmem>>)
    %barrier3A_54 = arith.constant 0 : index
    tpu.barrier barrier_id(%barrier3A_54)
    %mul3A_55 = arith.constant 640 : i32
    %mul3A_56 = arith.muli %arg1, %mul3A_55 : i32
    %mul3A_57 = arith.constant 10240 : i32
    %mul3A_58 = arith.muli %arg0, %mul3A_57 : i32
    %mul3A_59 = arith.constant 640 : i32
    %mul3A_60 = arith.muli %arg1, %mul3A_59 : i32
    %add3A_61 = arith.addi %mul3A_58, %mul3A_60 : i32
    "tpu.region"() ({
      %run_scoped3A = tpu.sem_alloc : memref<!tpu.dma_semaphore, #tpu.memory_space<semaphore_mem>>
      %dma_start3A_62 = tpu.memref_slice %arg5[%add3A_61] : memref<20480xf32, #tpu.memory_space<hbm>> -> memref<640xf32, #tpu.memory_space<hbm>>
      %dma_start3A_63 = tpu.memref_slice %arg6[%mul3A_56] : memref<10240xf32, #tpu.memory_space<vmem_shared>> -> memref<640xf32, #tpu.memory_space<vmem_shared>>
      tpu.enqueue_dma source(%dma_start3A_63 : memref<640xf32, #tpu.memory_space<vmem_shared>>) target(%dma_start3A_62 : memref<640xf32, #tpu.memory_space<hbm>>) target_semaphore(%run_scoped3A : memref<!tpu.dma_semaphore, #tpu.memory_space<semaphore_mem>>)
      %dma_wait3A_64 = tpu.memref_slice %arg5[%add3A_61] : memref<20480xf32, #tpu.memory_space<hbm>> -> memref<640xf32, #tpu.memory_space<hbm>>
      %dma_wait3A_65 = tpu.memref_slice %arg6[%mul3A_56] : memref<10240xf32, #tpu.memory_space<vmem_shared>> -> memref<640xf32, #tpu.memory_space<vmem_shared>>
      tpu.wait_dma2 semaphore(%run_scoped3A : memref<!tpu.dma_semaphore, #tpu.memory_space<semaphore_mem>>) src(%dma_wait3A_65 : memref<640xf32, #tpu.memory_space<vmem_shared>>) dst(%dma_wait3A_64 : memref<640xf32, #tpu.memory_space<hbm>>)
      tpu.yield
    }) : () -> ()
    return
  }
}

#map = affine_map<(d0, d1) -> (0, 0)>
#map1 = affine_map<(d0, d1) -> (0)>
module attributes {stable_mosaic.version = 14 : i64} {
  func.func @body(%arg0: i32, %arg1: i32, %arg2: memref<10000x128xf32, #tpu.memory_space<hbm>>, %arg3: memref<320000xi32, #tpu.memory_space<hbm>>, %arg4: memref<320000xi32, #tpu.memory_space<hbm>>, %arg5: memref<10240x128xf32, #tpu.memory_space<hbm>>, %arg6: memref<20480x128xf32, #tpu.memory_space<hbm>>, %arg7: memref<10240x128xf32, #tpu.memory_space<vmem_shared>>, %arg8: memref<160xi32, #tpu.memory_space<vmem>>, %arg9: memref<160xi32, #tpu.memory_space<vmem>>, %arg10: memref<160xi32, #tpu.memory_space<vmem>>, %arg11: memref<160xi32, #tpu.memory_space<vmem>>, %arg12: memref<160xi32, #tpu.memory_space<vmem>>, %arg13: memref<160xi32, #tpu.memory_space<vmem>>, %arg14: memref<160xi32, #tpu.memory_space<vmem>>, %arg15: memref<160xi32, #tpu.memory_space<vmem>>, %arg16: memref<2x80x128xf32, #tpu.memory_space<vmem>>, %arg17: memref<2x80x128xf32, #tpu.memory_space<vmem>>, %arg18: memref<!tpu.dma_semaphore, #tpu.memory_space<semaphore_mem>>, %arg19: memref<!tpu.dma_semaphore, #tpu.memory_space<semaphore_mem>>, %arg20: memref<!tpu.dma_semaphore, #tpu.memory_space<semaphore_mem>>, %arg21: memref<!tpu.dma_semaphore, #tpu.memory_space<semaphore_mem>>, %arg22: memref<!tpu.dma_semaphore, #tpu.memory_space<semaphore_mem>>, %arg23: memref<!tpu.dma_semaphore, #tpu.memory_space<semaphore_mem>>, %arg24: memref<!tpu.dma_semaphore, #tpu.memory_space<semaphore_mem>>, %arg25: memref<!tpu.dma_semaphore, #tpu.memory_space<semaphore_mem>>, %arg26: memref<!tpu.dma_semaphore, #tpu.memory_space<semaphore_mem>>, %arg27: memref<!tpu.dma_semaphore, #tpu.memory_space<semaphore_mem>>) attributes {dimension_semantics = [#tpu.dimension_semantics<core_parallel>, #tpu.dimension_semantics<subcore_parallel>], iteration_bounds = array<i64: 2, 16>, scalar_prefetch = 0 : i64, scratch_operands = 21 : i64, tpu.core_type = #tpu.core_type<sc_vector_subcore>, window_params = [{transform_indices = #map}, {transform_indices = #map1}, {transform_indices = #map1}, {transform_indices = #map}, {transform_indices = #map}]} {
    %mul3A = arith.constant 2 : i32
    %mul3A_0 = arith.muli %arg1, %mul3A : i32
    %add3A = arith.addi %mul3A_0, %arg0 : i32
    %mul3A_1 = arith.constant 10000 : i32
    %mul3A_2 = arith.muli %add3A, %mul3A_1 : i32
    %mul3A_3 = arith.constant 640 : i32
    %mul3A_4 = arith.muli %arg1, %mul3A_3 : i32
    %mul3A_5 = arith.constant 640 : i32
    %mul3A_6 = arith.muli %arg1, %mul3A_5 : i32
    "tpu.region"() ({
      %run_scoped3A = tpu.sem_alloc : memref<!tpu.dma_semaphore, #tpu.memory_space<semaphore_mem>>
      %dma_start3A_325 = arith.constant 0 : i32
      %dma_start3A_326 = tpu.memref_slice %arg7[%mul3A_6, %dma_start3A_325] : memref<10240x128xf32, #tpu.memory_space<vmem_shared>> -> memref<640x128xf32, #tpu.memory_space<vmem_shared>>
      %dma_start3A_327 = arith.constant 0 : i32
      %dma_start3A_328 = tpu.memref_slice %arg5[%mul3A_4, %dma_start3A_327] : memref<10240x128xf32, #tpu.memory_space<hbm>> -> memref<640x128xf32, #tpu.memory_space<hbm>>
      tpu.enqueue_dma source(%dma_start3A_328 : memref<640x128xf32, #tpu.memory_space<hbm>>) target(%dma_start3A_326 : memref<640x128xf32, #tpu.memory_space<vmem_shared>>) target_semaphore(%run_scoped3A : memref<!tpu.dma_semaphore, #tpu.memory_space<semaphore_mem>>)
      %dma_wait3A_329 = arith.constant 0 : i32
      %dma_wait3A_330 = tpu.memref_slice %arg7[%mul3A_6, %dma_wait3A_329] : memref<10240x128xf32, #tpu.memory_space<vmem_shared>> -> memref<640x128xf32, #tpu.memory_space<vmem_shared>>
      %dma_wait3A_331 = arith.constant 0 : i32
      %dma_wait3A_332 = tpu.memref_slice %arg5[%mul3A_4, %dma_wait3A_331] : memref<10240x128xf32, #tpu.memory_space<hbm>> -> memref<640x128xf32, #tpu.memory_space<hbm>>
      tpu.wait_dma2 semaphore(%run_scoped3A : memref<!tpu.dma_semaphore, #tpu.memory_space<semaphore_mem>>) src(%dma_wait3A_332 : memref<640x128xf32, #tpu.memory_space<hbm>>) dst(%dma_wait3A_330 : memref<640x128xf32, #tpu.memory_space<vmem_shared>>)
      tpu.yield
    }) : () -> ()
    %min3A = arith.constant 0 : i32
    %min3A_7 = arith.constant 9840 : i32
    %min3A_8 = arith.minsi %min3A, %min3A_7 : i32
    %add3A_9 = arith.addi %mul3A_2, %min3A_8 : i32
    %dma_start3A = tpu.memref_slice %arg3[%add3A_9] : memref<320000xi32, #tpu.memory_space<hbm>> -> memref<160xi32, #tpu.memory_space<hbm>>
    %dma_start3A_10 = tpu.memref_slice %arg3[%add3A_9] : memref<320000xi32, #tpu.memory_space<hbm>> -> memref<160xi32, #tpu.memory_space<hbm>>
    tpu.enqueue_dma source(%dma_start3A_10 : memref<160xi32, #tpu.memory_space<hbm>>) target(%arg8 : memref<160xi32, #tpu.memory_space<vmem>>) target_semaphore(%arg18 : memref<!tpu.dma_semaphore, #tpu.memory_space<semaphore_mem>>)
    %dma_start3A_11 = tpu.memref_slice %arg4[%add3A_9] : memref<320000xi32, #tpu.memory_space<hbm>> -> memref<160xi32, #tpu.memory_space<hbm>>
    %dma_start3A_12 = tpu.memref_slice %arg4[%add3A_9] : memref<320000xi32, #tpu.memory_space<hbm>> -> memref<160xi32, #tpu.memory_space<hbm>>
    tpu.enqueue_dma source(%dma_start3A_12 : memref<160xi32, #tpu.memory_space<hbm>>) target(%arg12 : memref<160xi32, #tpu.memory_space<vmem>>) target_semaphore(%arg18 : memref<!tpu.dma_semaphore, #tpu.memory_space<semaphore_mem>>)
    %min3A_13 = arith.constant 160 : i32
    %min3A_14 = arith.constant 9840 : i32
    %min3A_15 = arith.minsi %min3A_13, %min3A_14 : i32
    %add3A_16 = arith.addi %mul3A_2, %min3A_15 : i32
    %dma_start3A_17 = tpu.memref_slice %arg3[%add3A_16] : memref<320000xi32, #tpu.memory_space<hbm>> -> memref<160xi32, #tpu.memory_space<hbm>>
    %dma_start3A_18 = tpu.memref_slice %arg3[%add3A_16] : memref<320000xi32, #tpu.memory_space<hbm>> -> memref<160xi32, #tpu.memory_space<hbm>>
    tpu.enqueue_dma source(%dma_start3A_18 : memref<160xi32, #tpu.memory_space<hbm>>) target(%arg9 : memref<160xi32, #tpu.memory_space<vmem>>) target_semaphore(%arg19 : memref<!tpu.dma_semaphore, #tpu.memory_space<semaphore_mem>>)
    %dma_start3A_19 = tpu.memref_slice %arg4[%add3A_16] : memref<320000xi32, #tpu.memory_space<hbm>> -> memref<160xi32, #tpu.memory_space<hbm>>
    %dma_start3A_20 = tpu.memref_slice %arg4[%add3A_16] : memref<320000xi32, #tpu.memory_space<hbm>> -> memref<160xi32, #tpu.memory_space<hbm>>
    tpu.enqueue_dma source(%dma_start3A_20 : memref<160xi32, #tpu.memory_space<hbm>>) target(%arg13 : memref<160xi32, #tpu.memory_space<vmem>>) target_semaphore(%arg19 : memref<!tpu.dma_semaphore, #tpu.memory_space<semaphore_mem>>)
    %min3A_21 = arith.constant 320 : i32
    %min3A_22 = arith.constant 9840 : i32
    %min3A_23 = arith.minsi %min3A_21, %min3A_22 : i32
    %add3A_24 = arith.addi %mul3A_2, %min3A_23 : i32
    %dma_start3A_25 = tpu.memref_slice %arg3[%add3A_24] : memref<320000xi32, #tpu.memory_space<hbm>> -> memref<160xi32, #tpu.memory_space<hbm>>
    %dma_start3A_26 = tpu.memref_slice %arg3[%add3A_24] : memref<320000xi32, #tpu.memory_space<hbm>> -> memref<160xi32, #tpu.memory_space<hbm>>
    tpu.enqueue_dma source(%dma_start3A_26 : memref<160xi32, #tpu.memory_space<hbm>>) target(%arg10 : memref<160xi32, #tpu.memory_space<vmem>>) target_semaphore(%arg20 : memref<!tpu.dma_semaphore, #tpu.memory_space<semaphore_mem>>)
    %dma_start3A_27 = tpu.memref_slice %arg4[%add3A_24] : memref<320000xi32, #tpu.memory_space<hbm>> -> memref<160xi32, #tpu.memory_space<hbm>>
    %dma_start3A_28 = tpu.memref_slice %arg4[%add3A_24] : memref<320000xi32, #tpu.memory_space<hbm>> -> memref<160xi32, #tpu.memory_space<hbm>>
    tpu.enqueue_dma source(%dma_start3A_28 : memref<160xi32, #tpu.memory_space<hbm>>) target(%arg14 : memref<160xi32, #tpu.memory_space<vmem>>) target_semaphore(%arg20 : memref<!tpu.dma_semaphore, #tpu.memory_space<semaphore_mem>>)
    %min3A_29 = arith.constant 480 : i32
    %min3A_30 = arith.constant 9840 : i32
    %min3A_31 = arith.minsi %min3A_29, %min3A_30 : i32
    %add3A_32 = arith.addi %mul3A_2, %min3A_31 : i32
    %dma_start3A_33 = tpu.memref_slice %arg3[%add3A_32] : memref<320000xi32, #tpu.memory_space<hbm>> -> memref<160xi32, #tpu.memory_space<hbm>>
    %dma_start3A_34 = tpu.memref_slice %arg3[%add3A_32] : memref<320000xi32, #tpu.memory_space<hbm>> -> memref<160xi32, #tpu.memory_space<hbm>>
    tpu.enqueue_dma source(%dma_start3A_34 : memref<160xi32, #tpu.memory_space<hbm>>) target(%arg11 : memref<160xi32, #tpu.memory_space<vmem>>) target_semaphore(%arg21 : memref<!tpu.dma_semaphore, #tpu.memory_space<semaphore_mem>>)
    %dma_start3A_35 = tpu.memref_slice %arg4[%add3A_32] : memref<320000xi32, #tpu.memory_space<hbm>> -> memref<160xi32, #tpu.memory_space<hbm>>
    %dma_start3A_36 = tpu.memref_slice %arg4[%add3A_32] : memref<320000xi32, #tpu.memory_space<hbm>> -> memref<160xi32, #tpu.memory_space<hbm>>
    tpu.enqueue_dma source(%dma_start3A_36 : memref<160xi32, #tpu.memory_space<hbm>>) target(%arg15 : memref<160xi32, #tpu.memory_space<vmem>>) target_semaphore(%arg21 : memref<!tpu.dma_semaphore, #tpu.memory_space<semaphore_mem>>)
    %barrier3A = arith.constant 0 : index
    tpu.barrier barrier_id(%barrier3A)
    %scan3A = arith.constant 0 : i32
    %scan3A_37 = arith.constant 0 : i32
    %scan3A_38 = arith.constant 15 : i32
    %scan3A_39 = arith.addi %scan3A_37, %scan3A_38 : i32
    %scan3A_40 = arith.constant 1 : i32
    scf.for %scan3A_325 = %scan3A_37 to %scan3A_39 step %scan3A_40  : i32 {
      %mul3A_326 = arith.constant 4 : i32
      %mul3A_327 = arith.muli %mul3A_326, %scan3A_325 : i32
      %add3A_328 = arith.constant 0 : i32
      %add3A_329 = arith.addi %mul3A_327, %add3A_328 : i32
      %gt3A = arith.constant 0 : i32
      %gt3A_330 = arith.cmpi sgt, %scan3A_325, %gt3A : i32
      %dma_wait3A_331 = arith.constant 0 : i32
      %dma_wait3A_332 = tpu.memref_slice %arg3[%dma_wait3A_331] : memref<320000xi32, #tpu.memory_space<hbm>> -> memref<160xi32, #tpu.memory_space<hbm>>
      %dma_wait3A_333 = arith.constant 0 : i32
      %dma_wait3A_334 = tpu.memref_slice %arg3[%dma_wait3A_333] : memref<320000xi32, #tpu.memory_space<hbm>> -> memref<160xi32, #tpu.memory_space<hbm>>
      tpu.wait_dma2 semaphore(%arg18 : memref<!tpu.dma_semaphore, #tpu.memory_space<semaphore_mem>>) src(%dma_wait3A_334 : memref<160xi32, #tpu.memory_space<hbm>>) dst(%arg8 : memref<160xi32, #tpu.memory_space<vmem>>)
      %dma_wait3A_335 = arith.constant 0 : i32
      %dma_wait3A_336 = tpu.memref_slice %arg4[%dma_wait3A_335] : memref<320000xi32, #tpu.memory_space<hbm>> -> memref<160xi32, #tpu.memory_space<hbm>>
      %dma_wait3A_337 = arith.constant 0 : i32
      %dma_wait3A_338 = tpu.memref_slice %arg4[%dma_wait3A_337] : memref<320000xi32, #tpu.memory_space<hbm>> -> memref<160xi32, #tpu.memory_space<hbm>>
      tpu.wait_dma2 semaphore(%arg18 : memref<!tpu.dma_semaphore, #tpu.memory_space<semaphore_mem>>) src(%dma_wait3A_338 : memref<160xi32, #tpu.memory_space<hbm>>) dst(%arg12 : memref<160xi32, #tpu.memory_space<vmem>>)
      %dma_start3A_339 = arith.constant 0 : i32
      %dma_start3A_340 = arith.constant 0 : i32
      %dma_start3A_341 = arith.constant 0 : i32
      %dma_start3A_342 = tpu.memref_slice %arg16[%dma_start3A_339, %dma_start3A_340, %dma_start3A_341] : memref<2x80x128xf32, #tpu.memory_space<vmem>> -> memref<1x80x128xf32, #tpu.memory_space<vmem>>
      %dma_start3A_343 = tpu.memref_squeeze %dma_start3A_342 : memref<1x80x128xf32, #tpu.memory_space<vmem>> -> memref<80x128xf32, #tpu.memory_space<vmem>>
      %dma_start3A_344 = arith.constant 0 : i32
      %dma_start3A_345 = tpu.memref_slice %arg8[%dma_start3A_344] : memref<160xi32, #tpu.memory_space<vmem>> -> memref<80xi32, #tpu.memory_space<vmem>>
      %dma_start3A_346 = arith.constant 0 : i32
      %dma_start3A_347 = arith.constant 0 : i32
      %dma_start3A_348 = tpu.memref_slice %arg2[%dma_start3A_346, %dma_start3A_347] : memref<10000x128xf32, #tpu.memory_space<hbm>> -> memref<10000x128xf32, #tpu.memory_space<hbm>>
      tpu.enqueue_indirect_dma source(%dma_start3A_348 : memref<10000x128xf32, #tpu.memory_space<hbm>>) target(%dma_start3A_343 : memref<80x128xf32, #tpu.memory_space<vmem>>) offsets(%dma_start3A_345 : memref<80xi32, #tpu.memory_space<vmem>>) semaphore(%arg24 : memref<!tpu.dma_semaphore, #tpu.memory_space<semaphore_mem>>)
      %dma_start3A_349 = arith.constant 1 : i32
      %dma_start3A_350 = arith.constant 0 : i32
      %dma_start3A_351 = arith.constant 0 : i32
      %dma_start3A_352 = tpu.memref_slice %arg16[%dma_start3A_349, %dma_start3A_350, %dma_start3A_351] : memref<2x80x128xf32, #tpu.memory_space<vmem>> -> memref<1x80x128xf32, #tpu.memory_space<vmem>>
      %dma_start3A_353 = tpu.memref_squeeze %dma_start3A_352 : memref<1x80x128xf32, #tpu.memory_space<vmem>> -> memref<80x128xf32, #tpu.memory_space<vmem>>
      %dma_start3A_354 = arith.constant 80 : i32
      %dma_start3A_355 = tpu.memref_slice %arg8[%dma_start3A_354] : memref<160xi32, #tpu.memory_space<vmem>> -> memref<80xi32, #tpu.memory_space<vmem>>
      %dma_start3A_356 = arith.constant 0 : i32
      %dma_start3A_357 = arith.constant 0 : i32
      %dma_start3A_358 = tpu.memref_slice %arg2[%dma_start3A_356, %dma_start3A_357] : memref<10000x128xf32, #tpu.memory_space<hbm>> -> memref<10000x128xf32, #tpu.memory_space<hbm>>
      tpu.enqueue_indirect_dma source(%dma_start3A_358 : memref<10000x128xf32, #tpu.memory_space<hbm>>) target(%dma_start3A_353 : memref<80x128xf32, #tpu.memory_space<vmem>>) offsets(%dma_start3A_355 : memref<80xi32, #tpu.memory_space<vmem>>) semaphore(%arg25 : memref<!tpu.dma_semaphore, #tpu.memory_space<semaphore_mem>>)
      %dma_wait3A_359 = arith.constant 0 : i32
      %dma_wait3A_360 = arith.constant 0 : i32
      %dma_wait3A_361 = arith.constant 0 : i32
      %dma_wait3A_362 = tpu.memref_slice %arg16[%dma_wait3A_359, %dma_wait3A_360, %dma_wait3A_361] : memref<2x80x128xf32, #tpu.memory_space<vmem>> -> memref<1x80x128xf32, #tpu.memory_space<vmem>>
      %dma_wait3A_363 = tpu.memref_squeeze %dma_wait3A_362 : memref<1x80x128xf32, #tpu.memory_space<vmem>> -> memref<80x128xf32, #tpu.memory_space<vmem>>
      %dma_wait3A_364 = arith.constant 0 : i32
      %dma_wait3A_365 = tpu.memref_slice %arg8[%dma_wait3A_364] : memref<160xi32, #tpu.memory_space<vmem>> -> memref<80xi32, #tpu.memory_space<vmem>>
      %dma_wait3A_366 = arith.constant 0 : i32
      %dma_wait3A_367 = arith.constant 0 : i32
      %dma_wait3A_368 = tpu.memref_slice %arg2[%dma_wait3A_366, %dma_wait3A_367] : memref<10000x128xf32, #tpu.memory_space<hbm>> -> memref<10000x128xf32, #tpu.memory_space<hbm>>
      tpu.wait_indirect_dma semaphore(%arg24 : memref<!tpu.dma_semaphore, #tpu.memory_space<semaphore_mem>>) src(%dma_wait3A_368 : memref<10000x128xf32, #tpu.memory_space<hbm>>) dst(%dma_wait3A_363 : memref<80x128xf32, #tpu.memory_space<vmem>>)
      %dma_start3A_369 = arith.constant 0 : i32
      %dma_start3A_370 = arith.constant 0 : i32
      %dma_start3A_371 = arith.constant 0 : i32
      %dma_start3A_372 = tpu.memref_slice %arg16[%dma_start3A_369, %dma_start3A_370, %dma_start3A_371] : memref<2x80x128xf32, #tpu.memory_space<vmem>> -> memref<1x80x128xf32, #tpu.memory_space<vmem>>
      %dma_start3A_373 = tpu.memref_squeeze %dma_start3A_372 : memref<1x80x128xf32, #tpu.memory_space<vmem>> -> memref<80x128xf32, #tpu.memory_space<vmem>>
      %dma_start3A_374 = arith.constant 0 : i32
      %dma_start3A_375 = tpu.memref_slice %arg12[%dma_start3A_374] : memref<160xi32, #tpu.memory_space<vmem>> -> memref<80xi32, #tpu.memory_space<vmem>>
      %dma_start3A_376 = arith.constant 0 : i32
      %dma_start3A_377 = arith.constant 0 : i32
      %dma_start3A_378 = tpu.memref_slice %arg7[%dma_start3A_376, %dma_start3A_377] : memref<10240x128xf32, #tpu.memory_space<vmem_shared>> -> memref<10240x128xf32, #tpu.memory_space<vmem_shared>>
      tpu.enqueue_indirect_dma source(%dma_start3A_373 : memref<80x128xf32, #tpu.memory_space<vmem>>) target(%dma_start3A_378 : memref<10240x128xf32, #tpu.memory_space<vmem_shared>>) offsets(%dma_start3A_375 : memref<80xi32, #tpu.memory_space<vmem>>) semaphore(%arg22 : memref<!tpu.dma_semaphore, #tpu.memory_space<semaphore_mem>>) {add = true}
      %dma_wait3A_379 = arith.constant 1 : i32
      %dma_wait3A_380 = arith.constant 0 : i32
      %dma_wait3A_381 = arith.constant 0 : i32
      %dma_wait3A_382 = tpu.memref_slice %arg16[%dma_wait3A_379, %dma_wait3A_380, %dma_wait3A_381] : memref<2x80x128xf32, #tpu.memory_space<vmem>> -> memref<1x80x128xf32, #tpu.memory_space<vmem>>
      %dma_wait3A_383 = tpu.memref_squeeze %dma_wait3A_382 : memref<1x80x128xf32, #tpu.memory_space<vmem>> -> memref<80x128xf32, #tpu.memory_space<vmem>>
      %dma_wait3A_384 = arith.constant 80 : i32
      %dma_wait3A_385 = tpu.memref_slice %arg8[%dma_wait3A_384] : memref<160xi32, #tpu.memory_space<vmem>> -> memref<80xi32, #tpu.memory_space<vmem>>
      %dma_wait3A_386 = arith.constant 0 : i32
      %dma_wait3A_387 = arith.constant 0 : i32
      %dma_wait3A_388 = tpu.memref_slice %arg2[%dma_wait3A_386, %dma_wait3A_387] : memref<10000x128xf32, #tpu.memory_space<hbm>> -> memref<10000x128xf32, #tpu.memory_space<hbm>>
      tpu.wait_indirect_dma semaphore(%arg25 : memref<!tpu.dma_semaphore, #tpu.memory_space<semaphore_mem>>) src(%dma_wait3A_388 : memref<10000x128xf32, #tpu.memory_space<hbm>>) dst(%dma_wait3A_383 : memref<80x128xf32, #tpu.memory_space<vmem>>)
      %dma_start3A_389 = arith.constant 1 : i32
      %dma_start3A_390 = arith.constant 0 : i32
      %dma_start3A_391 = arith.constant 0 : i32
      %dma_start3A_392 = tpu.memref_slice %arg16[%dma_start3A_389, %dma_start3A_390, %dma_start3A_391] : memref<2x80x128xf32, #tpu.memory_space<vmem>> -> memref<1x80x128xf32, #tpu.memory_space<vmem>>
      %dma_start3A_393 = tpu.memref_squeeze %dma_start3A_392 : memref<1x80x128xf32, #tpu.memory_space<vmem>> -> memref<80x128xf32, #tpu.memory_space<vmem>>
      %dma_start3A_394 = arith.constant 80 : i32
      %dma_start3A_395 = tpu.memref_slice %arg12[%dma_start3A_394] : memref<160xi32, #tpu.memory_space<vmem>> -> memref<80xi32, #tpu.memory_space<vmem>>
      %dma_start3A_396 = arith.constant 0 : i32
      %dma_start3A_397 = arith.constant 0 : i32
      %dma_start3A_398 = tpu.memref_slice %arg7[%dma_start3A_396, %dma_start3A_397] : memref<10240x128xf32, #tpu.memory_space<vmem_shared>> -> memref<10240x128xf32, #tpu.memory_space<vmem_shared>>
      tpu.enqueue_indirect_dma source(%dma_start3A_393 : memref<80x128xf32, #tpu.memory_space<vmem>>) target(%dma_start3A_398 : memref<10240x128xf32, #tpu.memory_space<vmem_shared>>) offsets(%dma_start3A_395 : memref<80xi32, #tpu.memory_space<vmem>>) semaphore(%arg22 : memref<!tpu.dma_semaphore, #tpu.memory_space<semaphore_mem>>) {add = true}
      %convert_element_type3A = arith.extui %gt3A_330 : i1 to i32
      %cond3A = arith.constant 0 : i32
      %cond3A_399 = arith.cmpi ne, %convert_element_type3A, %cond3A : i32
      scf.if %cond3A_399 {
        %dma_wait3A_733 = arith.constant 0 : i32
        %dma_wait3A_734 = arith.constant 0 : i32
        %dma_wait3A_735 = arith.constant 0 : i32
        %dma_wait3A_736 = tpu.memref_slice %arg17[%dma_wait3A_733, %dma_wait3A_734, %dma_wait3A_735] : memref<2x80x128xf32, #tpu.memory_space<vmem>> -> memref<1x80x128xf32, #tpu.memory_space<vmem>>
        %dma_wait3A_737 = tpu.memref_squeeze %dma_wait3A_736 : memref<1x80x128xf32, #tpu.memory_space<vmem>> -> memref<80x128xf32, #tpu.memory_space<vmem>>
        %dma_wait3A_738 = arith.constant 0 : i32
        %dma_wait3A_739 = arith.constant 0 : i32
        %dma_wait3A_740 = tpu.memref_slice %arg2[%dma_wait3A_738, %dma_wait3A_739] : memref<10000x128xf32, #tpu.memory_space<hbm>> -> memref<80x128xf32, #tpu.memory_space<hbm>>
        %dma_wait3A_741 = arith.constant 0 : i32
        %dma_wait3A_742 = arith.constant 0 : i32
        %dma_wait3A_743 = tpu.memref_slice %arg17[%dma_wait3A_733, %dma_wait3A_741, %dma_wait3A_742] : memref<2x80x128xf32, #tpu.memory_space<vmem>> -> memref<1x80x128xf32, #tpu.memory_space<vmem>>
        %dma_wait3A_744 = tpu.memref_squeeze %dma_wait3A_743 : memref<1x80x128xf32, #tpu.memory_space<vmem>> -> memref<80x128xf32, #tpu.memory_space<vmem>>
        %dma_wait3A_745 = arith.constant 0 : i32
        %dma_wait3A_746 = arith.constant 0 : i32
        %dma_wait3A_747 = tpu.memref_slice %arg2[%dma_wait3A_745, %dma_wait3A_746] : memref<10000x128xf32, #tpu.memory_space<hbm>> -> memref<80x128xf32, #tpu.memory_space<hbm>>
        tpu.wait_dma2 semaphore(%arg23 : memref<!tpu.dma_semaphore, #tpu.memory_space<semaphore_mem>>) src(%dma_wait3A_747 : memref<80x128xf32, #tpu.memory_space<hbm>>) dst(%dma_wait3A_744 : memref<80x128xf32, #tpu.memory_space<vmem>>)
        %dma_wait3A_748 = arith.constant 1 : i32
        %dma_wait3A_749 = arith.constant 0 : i32
        %dma_wait3A_750 = arith.constant 0 : i32
        %dma_wait3A_751 = tpu.memref_slice %arg17[%dma_wait3A_748, %dma_wait3A_749, %dma_wait3A_750] : memref<2x80x128xf32, #tpu.memory_space<vmem>> -> memref<1x80x128xf32, #tpu.memory_space<vmem>>
        %dma_wait3A_752 = tpu.memref_squeeze %dma_wait3A_751 : memref<1x80x128xf32, #tpu.memory_space<vmem>> -> memref<80x128xf32, #tpu.memory_space<vmem>>
        %dma_wait3A_753 = arith.constant 0 : i32
        %dma_wait3A_754 = arith.constant 0 : i32
        %dma_wait3A_755 = tpu.memref_slice %arg2[%dma_wait3A_753, %dma_wait3A_754] : memref<10000x128xf32, #tpu.memory_space<hbm>> -> memref<80x128xf32, #tpu.memory_space<hbm>>
        %dma_wait3A_756 = arith.constant 0 : i32
        %dma_wait3A_757 = arith.constant 0 : i32
        %dma_wait3A_758 = tpu.memref_slice %arg17[%dma_wait3A_748, %dma_wait3A_756, %dma_wait3A_757] : memref<2x80x128xf32, #tpu.memory_space<vmem>> -> memref<1x80x128xf32, #tpu.memory_space<vmem>>
        %dma_wait3A_759 = tpu.memref_squeeze %dma_wait3A_758 : memref<1x80x128xf32, #tpu.memory_space<vmem>> -> memref<80x128xf32, #tpu.memory_space<vmem>>
        %dma_wait3A_760 = arith.constant 0 : i32
        %dma_wait3A_761 = arith.constant 0 : i32
        %dma_wait3A_762 = tpu.memref_slice %arg2[%dma_wait3A_760, %dma_wait3A_761] : memref<10000x128xf32, #tpu.memory_space<hbm>> -> memref<80x128xf32, #tpu.memory_space<hbm>>
        tpu.wait_dma2 semaphore(%arg23 : memref<!tpu.dma_semaphore, #tpu.memory_space<semaphore_mem>>) src(%dma_wait3A_762 : memref<80x128xf32, #tpu.memory_space<hbm>>) dst(%dma_wait3A_759 : memref<80x128xf32, #tpu.memory_space<vmem>>)
        %add3A_763 = arith.constant 3 : i32
        %add3A_764 = arith.addi %add3A_329, %add3A_763 : i32
        %mul3A_765 = arith.constant 160 : i32
        %mul3A_766 = arith.muli %add3A_764, %mul3A_765 : i32
        %min3A_767 = arith.constant 9840 : i32
        %min3A_768 = arith.minsi %mul3A_766, %min3A_767 : i32
        %add3A_769 = arith.addi %mul3A_2, %min3A_768 : i32
        %dma_start3A_770 = tpu.memref_slice %arg3[%add3A_769] : memref<320000xi32, #tpu.memory_space<hbm>> -> memref<160xi32, #tpu.memory_space<hbm>>
        %dma_start3A_771 = tpu.memref_slice %arg3[%add3A_769] : memref<320000xi32, #tpu.memory_space<hbm>> -> memref<160xi32, #tpu.memory_space<hbm>>
        tpu.enqueue_dma source(%dma_start3A_771 : memref<160xi32, #tpu.memory_space<hbm>>) target(%arg11 : memref<160xi32, #tpu.memory_space<vmem>>) target_semaphore(%arg21 : memref<!tpu.dma_semaphore, #tpu.memory_space<semaphore_mem>>)
        %dma_start3A_772 = tpu.memref_slice %arg4[%add3A_769] : memref<320000xi32, #tpu.memory_space<hbm>> -> memref<160xi32, #tpu.memory_space<hbm>>
        %dma_start3A_773 = tpu.memref_slice %arg4[%add3A_769] : memref<320000xi32, #tpu.memory_space<hbm>> -> memref<160xi32, #tpu.memory_space<hbm>>
        tpu.enqueue_dma source(%dma_start3A_773 : memref<160xi32, #tpu.memory_space<hbm>>) target(%arg15 : memref<160xi32, #tpu.memory_space<vmem>>) target_semaphore(%arg21 : memref<!tpu.dma_semaphore, #tpu.memory_space<semaphore_mem>>)
      } else {
      }
      %add3A_400 = arith.constant 1 : i32
      %add3A_401 = arith.addi %mul3A_327, %add3A_400 : i32
      %dma_wait3A_402 = arith.constant 0 : i32
      %dma_wait3A_403 = tpu.memref_slice %arg3[%dma_wait3A_402] : memref<320000xi32, #tpu.memory_space<hbm>> -> memref<160xi32, #tpu.memory_space<hbm>>
      %dma_wait3A_404 = arith.constant 0 : i32
      %dma_wait3A_405 = tpu.memref_slice %arg3[%dma_wait3A_404] : memref<320000xi32, #tpu.memory_space<hbm>> -> memref<160xi32, #tpu.memory_space<hbm>>
      tpu.wait_dma2 semaphore(%arg19 : memref<!tpu.dma_semaphore, #tpu.memory_space<semaphore_mem>>) src(%dma_wait3A_405 : memref<160xi32, #tpu.memory_space<hbm>>) dst(%arg9 : memref<160xi32, #tpu.memory_space<vmem>>)
      %dma_wait3A_406 = arith.constant 0 : i32
      %dma_wait3A_407 = tpu.memref_slice %arg4[%dma_wait3A_406] : memref<320000xi32, #tpu.memory_space<hbm>> -> memref<160xi32, #tpu.memory_space<hbm>>
      %dma_wait3A_408 = arith.constant 0 : i32
      %dma_wait3A_409 = tpu.memref_slice %arg4[%dma_wait3A_408] : memref<320000xi32, #tpu.memory_space<hbm>> -> memref<160xi32, #tpu.memory_space<hbm>>
      tpu.wait_dma2 semaphore(%arg19 : memref<!tpu.dma_semaphore, #tpu.memory_space<semaphore_mem>>) src(%dma_wait3A_409 : memref<160xi32, #tpu.memory_space<hbm>>) dst(%arg13 : memref<160xi32, #tpu.memory_space<vmem>>)
      %dma_start3A_410 = arith.constant 0 : i32
      %dma_start3A_411 = arith.constant 0 : i32
      %dma_start3A_412 = arith.constant 0 : i32
      %dma_start3A_413 = tpu.memref_slice %arg17[%dma_start3A_410, %dma_start3A_411, %dma_start3A_412] : memref<2x80x128xf32, #tpu.memory_space<vmem>> -> memref<1x80x128xf32, #tpu.memory_space<vmem>>
      %dma_start3A_414 = tpu.memref_squeeze %dma_start3A_413 : memref<1x80x128xf32, #tpu.memory_space<vmem>> -> memref<80x128xf32, #tpu.memory_space<vmem>>
      %dma_start3A_415 = arith.constant 0 : i32
      %dma_start3A_416 = tpu.memref_slice %arg9[%dma_start3A_415] : memref<160xi32, #tpu.memory_space<vmem>> -> memref<80xi32, #tpu.memory_space<vmem>>
      %dma_start3A_417 = arith.constant 0 : i32
      %dma_start3A_418 = arith.constant 0 : i32
      %dma_start3A_419 = tpu.memref_slice %arg2[%dma_start3A_417, %dma_start3A_418] : memref<10000x128xf32, #tpu.memory_space<hbm>> -> memref<10000x128xf32, #tpu.memory_space<hbm>>
      tpu.enqueue_indirect_dma source(%dma_start3A_419 : memref<10000x128xf32, #tpu.memory_space<hbm>>) target(%dma_start3A_414 : memref<80x128xf32, #tpu.memory_space<vmem>>) offsets(%dma_start3A_416 : memref<80xi32, #tpu.memory_space<vmem>>) semaphore(%arg26 : memref<!tpu.dma_semaphore, #tpu.memory_space<semaphore_mem>>)
      %dma_start3A_420 = arith.constant 1 : i32
      %dma_start3A_421 = arith.constant 0 : i32
      %dma_start3A_422 = arith.constant 0 : i32
      %dma_start3A_423 = tpu.memref_slice %arg17[%dma_start3A_420, %dma_start3A_421, %dma_start3A_422] : memref<2x80x128xf32, #tpu.memory_space<vmem>> -> memref<1x80x128xf32, #tpu.memory_space<vmem>>
      %dma_start3A_424 = tpu.memref_squeeze %dma_start3A_423 : memref<1x80x128xf32, #tpu.memory_space<vmem>> -> memref<80x128xf32, #tpu.memory_space<vmem>>
      %dma_start3A_425 = arith.constant 80 : i32
      %dma_start3A_426 = tpu.memref_slice %arg9[%dma_start3A_425] : memref<160xi32, #tpu.memory_space<vmem>> -> memref<80xi32, #tpu.memory_space<vmem>>
      %dma_start3A_427 = arith.constant 0 : i32
      %dma_start3A_428 = arith.constant 0 : i32
      %dma_start3A_429 = tpu.memref_slice %arg2[%dma_start3A_427, %dma_start3A_428] : memref<10000x128xf32, #tpu.memory_space<hbm>> -> memref<10000x128xf32, #tpu.memory_space<hbm>>
      tpu.enqueue_indirect_dma source(%dma_start3A_429 : memref<10000x128xf32, #tpu.memory_space<hbm>>) target(%dma_start3A_424 : memref<80x128xf32, #tpu.memory_space<vmem>>) offsets(%dma_start3A_426 : memref<80xi32, #tpu.memory_space<vmem>>) semaphore(%arg27 : memref<!tpu.dma_semaphore, #tpu.memory_space<semaphore_mem>>)
      %dma_wait3A_430 = arith.constant 0 : i32
      %dma_wait3A_431 = arith.constant 0 : i32
      %dma_wait3A_432 = arith.constant 0 : i32
      %dma_wait3A_433 = tpu.memref_slice %arg17[%dma_wait3A_430, %dma_wait3A_431, %dma_wait3A_432] : memref<2x80x128xf32, #tpu.memory_space<vmem>> -> memref<1x80x128xf32, #tpu.memory_space<vmem>>
      %dma_wait3A_434 = tpu.memref_squeeze %dma_wait3A_433 : memref<1x80x128xf32, #tpu.memory_space<vmem>> -> memref<80x128xf32, #tpu.memory_space<vmem>>
      %dma_wait3A_435 = arith.constant 0 : i32
      %dma_wait3A_436 = tpu.memref_slice %arg9[%dma_wait3A_435] : memref<160xi32, #tpu.memory_space<vmem>> -> memref<80xi32, #tpu.memory_space<vmem>>
      %dma_wait3A_437 = arith.constant 0 : i32
      %dma_wait3A_438 = arith.constant 0 : i32
      %dma_wait3A_439 = tpu.memref_slice %arg2[%dma_wait3A_437, %dma_wait3A_438] : memref<10000x128xf32, #tpu.memory_space<hbm>> -> memref<10000x128xf32, #tpu.memory_space<hbm>>
      tpu.wait_indirect_dma semaphore(%arg26 : memref<!tpu.dma_semaphore, #tpu.memory_space<semaphore_mem>>) src(%dma_wait3A_439 : memref<10000x128xf32, #tpu.memory_space<hbm>>) dst(%dma_wait3A_434 : memref<80x128xf32, #tpu.memory_space<vmem>>)
      %dma_start3A_440 = arith.constant 0 : i32
      %dma_start3A_441 = arith.constant 0 : i32
      %dma_start3A_442 = arith.constant 0 : i32
      %dma_start3A_443 = tpu.memref_slice %arg17[%dma_start3A_440, %dma_start3A_441, %dma_start3A_442] : memref<2x80x128xf32, #tpu.memory_space<vmem>> -> memref<1x80x128xf32, #tpu.memory_space<vmem>>
      %dma_start3A_444 = tpu.memref_squeeze %dma_start3A_443 : memref<1x80x128xf32, #tpu.memory_space<vmem>> -> memref<80x128xf32, #tpu.memory_space<vmem>>
      %dma_start3A_445 = arith.constant 0 : i32
      %dma_start3A_446 = tpu.memref_slice %arg13[%dma_start3A_445] : memref<160xi32, #tpu.memory_space<vmem>> -> memref<80xi32, #tpu.memory_space<vmem>>
      %dma_start3A_447 = arith.constant 0 : i32
      %dma_start3A_448 = arith.constant 0 : i32
      %dma_start3A_449 = tpu.memref_slice %arg7[%dma_start3A_447, %dma_start3A_448] : memref<10240x128xf32, #tpu.memory_space<vmem_shared>> -> memref<10240x128xf32, #tpu.memory_space<vmem_shared>>
      tpu.enqueue_indirect_dma source(%dma_start3A_444 : memref<80x128xf32, #tpu.memory_space<vmem>>) target(%dma_start3A_449 : memref<10240x128xf32, #tpu.memory_space<vmem_shared>>) offsets(%dma_start3A_446 : memref<80xi32, #tpu.memory_space<vmem>>) semaphore(%arg23 : memref<!tpu.dma_semaphore, #tpu.memory_space<semaphore_mem>>) {add = true}
      %dma_wait3A_450 = arith.constant 1 : i32
      %dma_wait3A_451 = arith.constant 0 : i32
      %dma_wait3A_452 = arith.constant 0 : i32
      %dma_wait3A_453 = tpu.memref_slice %arg17[%dma_wait3A_450, %dma_wait3A_451, %dma_wait3A_452] : memref<2x80x128xf32, #tpu.memory_space<vmem>> -> memref<1x80x128xf32, #tpu.memory_space<vmem>>
      %dma_wait3A_454 = tpu.memref_squeeze %dma_wait3A_453 : memref<1x80x128xf32, #tpu.memory_space<vmem>> -> memref<80x128xf32, #tpu.memory_space<vmem>>
      %dma_wait3A_455 = arith.constant 80 : i32
      %dma_wait3A_456 = tpu.memref_slice %arg9[%dma_wait3A_455] : memref<160xi32, #tpu.memory_space<vmem>> -> memref<80xi32, #tpu.memory_space<vmem>>
      %dma_wait3A_457 = arith.constant 0 : i32
      %dma_wait3A_458 = arith.constant 0 : i32
      %dma_wait3A_459 = tpu.memref_slice %arg2[%dma_wait3A_457, %dma_wait3A_458] : memref<10000x128xf32, #tpu.memory_space<hbm>> -> memref<10000x128xf32, #tpu.memory_space<hbm>>
      tpu.wait_indirect_dma semaphore(%arg27 : memref<!tpu.dma_semaphore, #tpu.memory_space<semaphore_mem>>) src(%dma_wait3A_459 : memref<10000x128xf32, #tpu.memory_space<hbm>>) dst(%dma_wait3A_454 : memref<80x128xf32, #tpu.memory_space<vmem>>)
      %dma_start3A_460 = arith.constant 1 : i32
      %dma_start3A_461 = arith.constant 0 : i32
      %dma_start3A_462 = arith.constant 0 : i32
      %dma_start3A_463 = tpu.memref_slice %arg17[%dma_start3A_460, %dma_start3A_461, %dma_start3A_462] : memref<2x80x128xf32, #tpu.memory_space<vmem>> -> memref<1x80x128xf32, #tpu.memory_space<vmem>>
      %dma_start3A_464 = tpu.memref_squeeze %dma_start3A_463 : memref<1x80x128xf32, #tpu.memory_space<vmem>> -> memref<80x128xf32, #tpu.memory_space<vmem>>
      %dma_start3A_465 = arith.constant 80 : i32
      %dma_start3A_466 = tpu.memref_slice %arg13[%dma_start3A_465] : memref<160xi32, #tpu.memory_space<vmem>> -> memref<80xi32, #tpu.memory_space<vmem>>
      %dma_start3A_467 = arith.constant 0 : i32
      %dma_start3A_468 = arith.constant 0 : i32
      %dma_start3A_469 = tpu.memref_slice %arg7[%dma_start3A_467, %dma_start3A_468] : memref<10240x128xf32, #tpu.memory_space<vmem_shared>> -> memref<10240x128xf32, #tpu.memory_space<vmem_shared>>
      tpu.enqueue_indirect_dma source(%dma_start3A_464 : memref<80x128xf32, #tpu.memory_space<vmem>>) target(%dma_start3A_469 : memref<10240x128xf32, #tpu.memory_space<vmem_shared>>) offsets(%dma_start3A_466 : memref<80xi32, #tpu.memory_space<vmem>>) semaphore(%arg23 : memref<!tpu.dma_semaphore, #tpu.memory_space<semaphore_mem>>) {add = true}
      %dma_wait3A_470 = arith.constant 0 : i32
      %dma_wait3A_471 = arith.constant 0 : i32
      %dma_wait3A_472 = arith.constant 0 : i32
      %dma_wait3A_473 = tpu.memref_slice %arg16[%dma_wait3A_470, %dma_wait3A_471, %dma_wait3A_472] : memref<2x80x128xf32, #tpu.memory_space<vmem>> -> memref<1x80x128xf32, #tpu.memory_space<vmem>>
      %dma_wait3A_474 = tpu.memref_squeeze %dma_wait3A_473 : memref<1x80x128xf32, #tpu.memory_space<vmem>> -> memref<80x128xf32, #tpu.memory_space<vmem>>
      %dma_wait3A_475 = arith.constant 0 : i32
      %dma_wait3A_476 = arith.constant 0 : i32
      %dma_wait3A_477 = tpu.memref_slice %arg2[%dma_wait3A_475, %dma_wait3A_476] : memref<10000x128xf32, #tpu.memory_space<hbm>> -> memref<80x128xf32, #tpu.memory_space<hbm>>
      %dma_wait3A_478 = arith.constant 0 : i32
      %dma_wait3A_479 = arith.constant 0 : i32
      %dma_wait3A_480 = tpu.memref_slice %arg16[%dma_wait3A_470, %dma_wait3A_478, %dma_wait3A_479] : memref<2x80x128xf32, #tpu.memory_space<vmem>> -> memref<1x80x128xf32, #tpu.memory_space<vmem>>
      %dma_wait3A_481 = tpu.memref_squeeze %dma_wait3A_480 : memref<1x80x128xf32, #tpu.memory_space<vmem>> -> memref<80x128xf32, #tpu.memory_space<vmem>>
      %dma_wait3A_482 = arith.constant 0 : i32
      %dma_wait3A_483 = arith.constant 0 : i32
      %dma_wait3A_484 = tpu.memref_slice %arg2[%dma_wait3A_482, %dma_wait3A_483] : memref<10000x128xf32, #tpu.memory_space<hbm>> -> memref<80x128xf32, #tpu.memory_space<hbm>>
      tpu.wait_dma2 semaphore(%arg22 : memref<!tpu.dma_semaphore, #tpu.memory_space<semaphore_mem>>) src(%dma_wait3A_484 : memref<80x128xf32, #tpu.memory_space<hbm>>) dst(%dma_wait3A_481 : memref<80x128xf32, #tpu.memory_space<vmem>>)
      %dma_wait3A_485 = arith.constant 1 : i32
      %dma_wait3A_486 = arith.constant 0 : i32
      %dma_wait3A_487 = arith.constant 0 : i32
      %dma_wait3A_488 = tpu.memref_slice %arg16[%dma_wait3A_485, %dma_wait3A_486, %dma_wait3A_487] : memref<2x80x128xf32, #tpu.memory_space<vmem>> -> memref<1x80x128xf32, #tpu.memory_space<vmem>>
      %dma_wait3A_489 = tpu.memref_squeeze %dma_wait3A_488 : memref<1x80x128xf32, #tpu.memory_space<vmem>> -> memref<80x128xf32, #tpu.memory_space<vmem>>
      %dma_wait3A_490 = arith.constant 0 : i32
      %dma_wait3A_491 = arith.constant 0 : i32
      %dma_wait3A_492 = tpu.memref_slice %arg2[%dma_wait3A_490, %dma_wait3A_491] : memref<10000x128xf32, #tpu.memory_space<hbm>> -> memref<80x128xf32, #tpu.memory_space<hbm>>
      %dma_wait3A_493 = arith.constant 0 : i32
      %dma_wait3A_494 = arith.constant 0 : i32
      %dma_wait3A_495 = tpu.memref_slice %arg16[%dma_wait3A_485, %dma_wait3A_493, %dma_wait3A_494] : memref<2x80x128xf32, #tpu.memory_space<vmem>> -> memref<1x80x128xf32, #tpu.memory_space<vmem>>
      %dma_wait3A_496 = tpu.memref_squeeze %dma_wait3A_495 : memref<1x80x128xf32, #tpu.memory_space<vmem>> -> memref<80x128xf32, #tpu.memory_space<vmem>>
      %dma_wait3A_497 = arith.constant 0 : i32
      %dma_wait3A_498 = arith.constant 0 : i32
      %dma_wait3A_499 = tpu.memref_slice %arg2[%dma_wait3A_497, %dma_wait3A_498] : memref<10000x128xf32, #tpu.memory_space<hbm>> -> memref<80x128xf32, #tpu.memory_space<hbm>>
      tpu.wait_dma2 semaphore(%arg22 : memref<!tpu.dma_semaphore, #tpu.memory_space<semaphore_mem>>) src(%dma_wait3A_499 : memref<80x128xf32, #tpu.memory_space<hbm>>) dst(%dma_wait3A_496 : memref<80x128xf32, #tpu.memory_space<vmem>>)
      %add3A_500 = arith.constant 3 : i32
      %add3A_501 = arith.addi %add3A_401, %add3A_500 : i32
      %mul3A_502 = arith.constant 160 : i32
      %mul3A_503 = arith.muli %add3A_501, %mul3A_502 : i32
      %min3A_504 = arith.constant 9840 : i32
      %min3A_505 = arith.minsi %mul3A_503, %min3A_504 : i32
      %add3A_506 = arith.addi %mul3A_2, %min3A_505 : i32
      %dma_start3A_507 = tpu.memref_slice %arg3[%add3A_506] : memref<320000xi32, #tpu.memory_space<hbm>> -> memref<160xi32, #tpu.memory_space<hbm>>
      %dma_start3A_508 = tpu.memref_slice %arg3[%add3A_506] : memref<320000xi32, #tpu.memory_space<hbm>> -> memref<160xi32, #tpu.memory_space<hbm>>
      tpu.enqueue_dma source(%dma_start3A_508 : memref<160xi32, #tpu.memory_space<hbm>>) target(%arg8 : memref<160xi32, #tpu.memory_space<vmem>>) target_semaphore(%arg18 : memref<!tpu.dma_semaphore, #tpu.memory_space<semaphore_mem>>)
      %dma_start3A_509 = tpu.memref_slice %arg4[%add3A_506] : memref<320000xi32, #tpu.memory_space<hbm>> -> memref<160xi32, #tpu.memory_space<hbm>>
      %dma_start3A_510 = tpu.memref_slice %arg4[%add3A_506] : memref<320000xi32, #tpu.memory_space<hbm>> -> memref<160xi32, #tpu.memory_space<hbm>>
      tpu.enqueue_dma source(%dma_start3A_510 : memref<160xi32, #tpu.memory_space<hbm>>) target(%arg12 : memref<160xi32, #tpu.memory_space<vmem>>) target_semaphore(%arg18 : memref<!tpu.dma_semaphore, #tpu.memory_space<semaphore_mem>>)
      %add3A_511 = arith.constant 2 : i32
      %add3A_512 = arith.addi %mul3A_327, %add3A_511 : i32
      %dma_wait3A_513 = arith.constant 0 : i32
      %dma_wait3A_514 = tpu.memref_slice %arg3[%dma_wait3A_513] : memref<320000xi32, #tpu.memory_space<hbm>> -> memref<160xi32, #tpu.memory_space<hbm>>
      %dma_wait3A_515 = arith.constant 0 : i32
      %dma_wait3A_516 = tpu.memref_slice %arg3[%dma_wait3A_515] : memref<320000xi32, #tpu.memory_space<hbm>> -> memref<160xi32, #tpu.memory_space<hbm>>
      tpu.wait_dma2 semaphore(%arg20 : memref<!tpu.dma_semaphore, #tpu.memory_space<semaphore_mem>>) src(%dma_wait3A_516 : memref<160xi32, #tpu.memory_space<hbm>>) dst(%arg10 : memref<160xi32, #tpu.memory_space<vmem>>)
      %dma_wait3A_517 = arith.constant 0 : i32
      %dma_wait3A_518 = tpu.memref_slice %arg4[%dma_wait3A_517] : memref<320000xi32, #tpu.memory_space<hbm>> -> memref<160xi32, #tpu.memory_space<hbm>>
      %dma_wait3A_519 = arith.constant 0 : i32
      %dma_wait3A_520 = tpu.memref_slice %arg4[%dma_wait3A_519] : memref<320000xi32, #tpu.memory_space<hbm>> -> memref<160xi32, #tpu.memory_space<hbm>>
      tpu.wait_dma2 semaphore(%arg20 : memref<!tpu.dma_semaphore, #tpu.memory_space<semaphore_mem>>) src(%dma_wait3A_520 : memref<160xi32, #tpu.memory_space<hbm>>) dst(%arg14 : memref<160xi32, #tpu.memory_space<vmem>>)
      %dma_start3A_521 = arith.constant 0 : i32
      %dma_start3A_522 = arith.constant 0 : i32
      %dma_start3A_523 = arith.constant 0 : i32
      %dma_start3A_524 = tpu.memref_slice %arg16[%dma_start3A_521, %dma_start3A_522, %dma_start3A_523] : memref<2x80x128xf32, #tpu.memory_space<vmem>> -> memref<1x80x128xf32, #tpu.memory_space<vmem>>
      %dma_start3A_525 = tpu.memref_squeeze %dma_start3A_524 : memref<1x80x128xf32, #tpu.memory_space<vmem>> -> memref<80x128xf32, #tpu.memory_space<vmem>>
      %dma_start3A_526 = arith.constant 0 : i32
      %dma_start3A_527 = tpu.memref_slice %arg10[%dma_start3A_526] : memref<160xi32, #tpu.memory_space<vmem>> -> memref<80xi32, #tpu.memory_space<vmem>>
      %dma_start3A_528 = arith.constant 0 : i32
      %dma_start3A_529 = arith.constant 0 : i32
      %dma_start3A_530 = tpu.memref_slice %arg2[%dma_start3A_528, %dma_start3A_529] : memref<10000x128xf32, #tpu.memory_space<hbm>> -> memref<10000x128xf32, #tpu.memory_space<hbm>>
      tpu.enqueue_indirect_dma source(%dma_start3A_530 : memref<10000x128xf32, #tpu.memory_space<hbm>>) target(%dma_start3A_525 : memref<80x128xf32, #tpu.memory_space<vmem>>) offsets(%dma_start3A_527 : memref<80xi32, #tpu.memory_space<vmem>>) semaphore(%arg24 : memref<!tpu.dma_semaphore, #tpu.memory_space<semaphore_mem>>)
      %dma_start3A_531 = arith.constant 1 : i32
      %dma_start3A_532 = arith.constant 0 : i32
      %dma_start3A_533 = arith.constant 0 : i32
      %dma_start3A_534 = tpu.memref_slice %arg16[%dma_start3A_531, %dma_start3A_532, %dma_start3A_533] : memref<2x80x128xf32, #tpu.memory_space<vmem>> -> memref<1x80x128xf32, #tpu.memory_space<vmem>>
      %dma_start3A_535 = tpu.memref_squeeze %dma_start3A_534 : memref<1x80x128xf32, #tpu.memory_space<vmem>> -> memref<80x128xf32, #tpu.memory_space<vmem>>
      %dma_start3A_536 = arith.constant 80 : i32
      %dma_start3A_537 = tpu.memref_slice %arg10[%dma_start3A_536] : memref<160xi32, #tpu.memory_space<vmem>> -> memref<80xi32, #tpu.memory_space<vmem>>
      %dma_start3A_538 = arith.constant 0 : i32
      %dma_start3A_539 = arith.constant 0 : i32
      %dma_start3A_540 = tpu.memref_slice %arg2[%dma_start3A_538, %dma_start3A_539] : memref<10000x128xf32, #tpu.memory_space<hbm>> -> memref<10000x128xf32, #tpu.memory_space<hbm>>
      tpu.enqueue_indirect_dma source(%dma_start3A_540 : memref<10000x128xf32, #tpu.memory_space<hbm>>) target(%dma_start3A_535 : memref<80x128xf32, #tpu.memory_space<vmem>>) offsets(%dma_start3A_537 : memref<80xi32, #tpu.memory_space<vmem>>) semaphore(%arg25 : memref<!tpu.dma_semaphore, #tpu.memory_space<semaphore_mem>>)
      %dma_wait3A_541 = arith.constant 0 : i32
      %dma_wait3A_542 = arith.constant 0 : i32
      %dma_wait3A_543 = arith.constant 0 : i32
      %dma_wait3A_544 = tpu.memref_slice %arg16[%dma_wait3A_541, %dma_wait3A_542, %dma_wait3A_543] : memref<2x80x128xf32, #tpu.memory_space<vmem>> -> memref<1x80x128xf32, #tpu.memory_space<vmem>>
      %dma_wait3A_545 = tpu.memref_squeeze %dma_wait3A_544 : memref<1x80x128xf32, #tpu.memory_space<vmem>> -> memref<80x128xf32, #tpu.memory_space<vmem>>
      %dma_wait3A_546 = arith.constant 0 : i32
      %dma_wait3A_547 = tpu.memref_slice %arg10[%dma_wait3A_546] : memref<160xi32, #tpu.memory_space<vmem>> -> memref<80xi32, #tpu.memory_space<vmem>>
      %dma_wait3A_548 = arith.constant 0 : i32
      %dma_wait3A_549 = arith.constant 0 : i32
      %dma_wait3A_550 = tpu.memref_slice %arg2[%dma_wait3A_548, %dma_wait3A_549] : memref<10000x128xf32, #tpu.memory_space<hbm>> -> memref<10000x128xf32, #tpu.memory_space<hbm>>
      tpu.wait_indirect_dma semaphore(%arg24 : memref<!tpu.dma_semaphore, #tpu.memory_space<semaphore_mem>>) src(%dma_wait3A_550 : memref<10000x128xf32, #tpu.memory_space<hbm>>) dst(%dma_wait3A_545 : memref<80x128xf32, #tpu.memory_space<vmem>>)
      %dma_start3A_551 = arith.constant 0 : i32
      %dma_start3A_552 = arith.constant 0 : i32
      %dma_start3A_553 = arith.constant 0 : i32
      %dma_start3A_554 = tpu.memref_slice %arg16[%dma_start3A_551, %dma_start3A_552, %dma_start3A_553] : memref<2x80x128xf32, #tpu.memory_space<vmem>> -> memref<1x80x128xf32, #tpu.memory_space<vmem>>
      %dma_start3A_555 = tpu.memref_squeeze %dma_start3A_554 : memref<1x80x128xf32, #tpu.memory_space<vmem>> -> memref<80x128xf32, #tpu.memory_space<vmem>>
      %dma_start3A_556 = arith.constant 0 : i32
      %dma_start3A_557 = tpu.memref_slice %arg14[%dma_start3A_556] : memref<160xi32, #tpu.memory_space<vmem>> -> memref<80xi32, #tpu.memory_space<vmem>>
      %dma_start3A_558 = arith.constant 0 : i32
      %dma_start3A_559 = arith.constant 0 : i32
      %dma_start3A_560 = tpu.memref_slice %arg7[%dma_start3A_558, %dma_start3A_559] : memref<10240x128xf32, #tpu.memory_space<vmem_shared>> -> memref<10240x128xf32, #tpu.memory_space<vmem_shared>>
      tpu.enqueue_indirect_dma source(%dma_start3A_555 : memref<80x128xf32, #tpu.memory_space<vmem>>) target(%dma_start3A_560 : memref<10240x128xf32, #tpu.memory_space<vmem_shared>>) offsets(%dma_start3A_557 : memref<80xi32, #tpu.memory_space<vmem>>) semaphore(%arg22 : memref<!tpu.dma_semaphore, #tpu.memory_space<semaphore_mem>>) {add = true}
      %dma_wait3A_561 = arith.constant 1 : i32
      %dma_wait3A_562 = arith.constant 0 : i32
      %dma_wait3A_563 = arith.constant 0 : i32
      %dma_wait3A_564 = tpu.memref_slice %arg16[%dma_wait3A_561, %dma_wait3A_562, %dma_wait3A_563] : memref<2x80x128xf32, #tpu.memory_space<vmem>> -> memref<1x80x128xf32, #tpu.memory_space<vmem>>
      %dma_wait3A_565 = tpu.memref_squeeze %dma_wait3A_564 : memref<1x80x128xf32, #tpu.memory_space<vmem>> -> memref<80x128xf32, #tpu.memory_space<vmem>>
      %dma_wait3A_566 = arith.constant 80 : i32
      %dma_wait3A_567 = tpu.memref_slice %arg10[%dma_wait3A_566] : memref<160xi32, #tpu.memory_space<vmem>> -> memref<80xi32, #tpu.memory_space<vmem>>
      %dma_wait3A_568 = arith.constant 0 : i32
      %dma_wait3A_569 = arith.constant 0 : i32
      %dma_wait3A_570 = tpu.memref_slice %arg2[%dma_wait3A_568, %dma_wait3A_569] : memref<10000x128xf32, #tpu.memory_space<hbm>> -> memref<10000x128xf32, #tpu.memory_space<hbm>>
      tpu.wait_indirect_dma semaphore(%arg25 : memref<!tpu.dma_semaphore, #tpu.memory_space<semaphore_mem>>) src(%dma_wait3A_570 : memref<10000x128xf32, #tpu.memory_space<hbm>>) dst(%dma_wait3A_565 : memref<80x128xf32, #tpu.memory_space<vmem>>)
      %dma_start3A_571 = arith.constant 1 : i32
      %dma_start3A_572 = arith.constant 0 : i32
      %dma_start3A_573 = arith.constant 0 : i32
      %dma_start3A_574 = tpu.memref_slice %arg16[%dma_start3A_571, %dma_start3A_572, %dma_start3A_573] : memref<2x80x128xf32, #tpu.memory_space<vmem>> -> memref<1x80x128xf32, #tpu.memory_space<vmem>>
      %dma_start3A_575 = tpu.memref_squeeze %dma_start3A_574 : memref<1x80x128xf32, #tpu.memory_space<vmem>> -> memref<80x128xf32, #tpu.memory_space<vmem>>
      %dma_start3A_576 = arith.constant 80 : i32
      %dma_start3A_577 = tpu.memref_slice %arg14[%dma_start3A_576] : memref<160xi32, #tpu.memory_space<vmem>> -> memref<80xi32, #tpu.memory_space<vmem>>
      %dma_start3A_578 = arith.constant 0 : i32
      %dma_start3A_579 = arith.constant 0 : i32
      %dma_start3A_580 = tpu.memref_slice %arg7[%dma_start3A_578, %dma_start3A_579] : memref<10240x128xf32, #tpu.memory_space<vmem_shared>> -> memref<10240x128xf32, #tpu.memory_space<vmem_shared>>
      tpu.enqueue_indirect_dma source(%dma_start3A_575 : memref<80x128xf32, #tpu.memory_space<vmem>>) target(%dma_start3A_580 : memref<10240x128xf32, #tpu.memory_space<vmem_shared>>) offsets(%dma_start3A_577 : memref<80xi32, #tpu.memory_space<vmem>>) semaphore(%arg22 : memref<!tpu.dma_semaphore, #tpu.memory_space<semaphore_mem>>) {add = true}
      %dma_wait3A_581 = arith.constant 0 : i32
      %dma_wait3A_582 = arith.constant 0 : i32
      %dma_wait3A_583 = arith.constant 0 : i32
      %dma_wait3A_584 = tpu.memref_slice %arg17[%dma_wait3A_581, %dma_wait3A_582, %dma_wait3A_583] : memref<2x80x128xf32, #tpu.memory_space<vmem>> -> memref<1x80x128xf32, #tpu.memory_space<vmem>>
      %dma_wait3A_585 = tpu.memref_squeeze %dma_wait3A_584 : memref<1x80x128xf32, #tpu.memory_space<vmem>> -> memref<80x128xf32, #tpu.memory_space<vmem>>
      %dma_wait3A_586 = arith.constant 0 : i32
      %dma_wait3A_587 = arith.constant 0 : i32
      %dma_wait3A_588 = tpu.memref_slice %arg2[%dma_wait3A_586, %dma_wait3A_587] : memref<10000x128xf32, #tpu.memory_space<hbm>> -> memref<80x128xf32, #tpu.memory_space<hbm>>
      %dma_wait3A_589 = arith.constant 0 : i32
      %dma_wait3A_590 = arith.constant 0 : i32
      %dma_wait3A_591 = tpu.memref_slice %arg17[%dma_wait3A_581, %dma_wait3A_589, %dma_wait3A_590] : memref<2x80x128xf32, #tpu.memory_space<vmem>> -> memref<1x80x128xf32, #tpu.memory_space<vmem>>
      %dma_wait3A_592 = tpu.memref_squeeze %dma_wait3A_591 : memref<1x80x128xf32, #tpu.memory_space<vmem>> -> memref<80x128xf32, #tpu.memory_space<vmem>>
      %dma_wait3A_593 = arith.constant 0 : i32
      %dma_wait3A_594 = arith.constant 0 : i32
      %dma_wait3A_595 = tpu.memref_slice %arg2[%dma_wait3A_593, %dma_wait3A_594] : memref<10000x128xf32, #tpu.memory_space<hbm>> -> memref<80x128xf32, #tpu.memory_space<hbm>>
      tpu.wait_dma2 semaphore(%arg23 : memref<!tpu.dma_semaphore, #tpu.memory_space<semaphore_mem>>) src(%dma_wait3A_595 : memref<80x128xf32, #tpu.memory_space<hbm>>) dst(%dma_wait3A_592 : memref<80x128xf32, #tpu.memory_space<vmem>>)
      %dma_wait3A_596 = arith.constant 1 : i32
      %dma_wait3A_597 = arith.constant 0 : i32
      %dma_wait3A_598 = arith.constant 0 : i32
      %dma_wait3A_599 = tpu.memref_slice %arg17[%dma_wait3A_596, %dma_wait3A_597, %dma_wait3A_598] : memref<2x80x128xf32, #tpu.memory_space<vmem>> -> memref<1x80x128xf32, #tpu.memory_space<vmem>>
      %dma_wait3A_600 = tpu.memref_squeeze %dma_wait3A_599 : memref<1x80x128xf32, #tpu.memory_space<vmem>> -> memref<80x128xf32, #tpu.memory_space<vmem>>
      %dma_wait3A_601 = arith.constant 0 : i32
      %dma_wait3A_602 = arith.constant 0 : i32
      %dma_wait3A_603 = tpu.memref_slice %arg2[%dma_wait3A_601, %dma_wait3A_602] : memref<10000x128xf32, #tpu.memory_space<hbm>> -> memref<80x128xf32, #tpu.memory_space<hbm>>
      %dma_wait3A_604 = arith.constant 0 : i32
      %dma_wait3A_605 = arith.constant 0 : i32
      %dma_wait3A_606 = tpu.memref_slice %arg17[%dma_wait3A_596, %dma_wait3A_604, %dma_wait3A_605] : memref<2x80x128xf32, #tpu.memory_space<vmem>> -> memref<1x80x128xf32, #tpu.memory_space<vmem>>
      %dma_wait3A_607 = tpu.memref_squeeze %dma_wait3A_606 : memref<1x80x128xf32, #tpu.memory_space<vmem>> -> memref<80x128xf32, #tpu.memory_space<vmem>>
      %dma_wait3A_608 = arith.constant 0 : i32
      %dma_wait3A_609 = arith.constant 0 : i32
      %dma_wait3A_610 = tpu.memref_slice %arg2[%dma_wait3A_608, %dma_wait3A_609] : memref<10000x128xf32, #tpu.memory_space<hbm>> -> memref<80x128xf32, #tpu.memory_space<hbm>>
      tpu.wait_dma2 semaphore(%arg23 : memref<!tpu.dma_semaphore, #tpu.memory_space<semaphore_mem>>) src(%dma_wait3A_610 : memref<80x128xf32, #tpu.memory_space<hbm>>) dst(%dma_wait3A_607 : memref<80x128xf32, #tpu.memory_space<vmem>>)
      %add3A_611 = arith.constant 3 : i32
      %add3A_612 = arith.addi %add3A_512, %add3A_611 : i32
      %mul3A_613 = arith.constant 160 : i32
      %mul3A_614 = arith.muli %add3A_612, %mul3A_613 : i32
      %min3A_615 = arith.constant 9840 : i32
      %min3A_616 = arith.minsi %mul3A_614, %min3A_615 : i32
      %add3A_617 = arith.addi %mul3A_2, %min3A_616 : i32
      %dma_start3A_618 = tpu.memref_slice %arg3[%add3A_617] : memref<320000xi32, #tpu.memory_space<hbm>> -> memref<160xi32, #tpu.memory_space<hbm>>
      %dma_start3A_619 = tpu.memref_slice %arg3[%add3A_617] : memref<320000xi32, #tpu.memory_space<hbm>> -> memref<160xi32, #tpu.memory_space<hbm>>
      tpu.enqueue_dma source(%dma_start3A_619 : memref<160xi32, #tpu.memory_space<hbm>>) target(%arg9 : memref<160xi32, #tpu.memory_space<vmem>>) target_semaphore(%arg19 : memref<!tpu.dma_semaphore, #tpu.memory_space<semaphore_mem>>)
      %dma_start3A_620 = tpu.memref_slice %arg4[%add3A_617] : memref<320000xi32, #tpu.memory_space<hbm>> -> memref<160xi32, #tpu.memory_space<hbm>>
      %dma_start3A_621 = tpu.memref_slice %arg4[%add3A_617] : memref<320000xi32, #tpu.memory_space<hbm>> -> memref<160xi32, #tpu.memory_space<hbm>>
      tpu.enqueue_dma source(%dma_start3A_621 : memref<160xi32, #tpu.memory_space<hbm>>) target(%arg13 : memref<160xi32, #tpu.memory_space<vmem>>) target_semaphore(%arg19 : memref<!tpu.dma_semaphore, #tpu.memory_space<semaphore_mem>>)
      %add3A_622 = arith.constant 3 : i32
      %add3A_623 = arith.addi %mul3A_327, %add3A_622 : i32
      %dma_wait3A_624 = arith.constant 0 : i32
      %dma_wait3A_625 = tpu.memref_slice %arg3[%dma_wait3A_624] : memref<320000xi32, #tpu.memory_space<hbm>> -> memref<160xi32, #tpu.memory_space<hbm>>
      %dma_wait3A_626 = arith.constant 0 : i32
      %dma_wait3A_627 = tpu.memref_slice %arg3[%dma_wait3A_626] : memref<320000xi32, #tpu.memory_space<hbm>> -> memref<160xi32, #tpu.memory_space<hbm>>
      tpu.wait_dma2 semaphore(%arg21 : memref<!tpu.dma_semaphore, #tpu.memory_space<semaphore_mem>>) src(%dma_wait3A_627 : memref<160xi32, #tpu.memory_space<hbm>>) dst(%arg11 : memref<160xi32, #tpu.memory_space<vmem>>)
      %dma_wait3A_628 = arith.constant 0 : i32
      %dma_wait3A_629 = tpu.memref_slice %arg4[%dma_wait3A_628] : memref<320000xi32, #tpu.memory_space<hbm>> -> memref<160xi32, #tpu.memory_space<hbm>>
      %dma_wait3A_630 = arith.constant 0 : i32
      %dma_wait3A_631 = tpu.memref_slice %arg4[%dma_wait3A_630] : memref<320000xi32, #tpu.memory_space<hbm>> -> memref<160xi32, #tpu.memory_space<hbm>>
      tpu.wait_dma2 semaphore(%arg21 : memref<!tpu.dma_semaphore, #tpu.memory_space<semaphore_mem>>) src(%dma_wait3A_631 : memref<160xi32, #tpu.memory_space<hbm>>) dst(%arg15 : memref<160xi32, #tpu.memory_space<vmem>>)
      %dma_start3A_632 = arith.constant 0 : i32
      %dma_start3A_633 = arith.constant 0 : i32
      %dma_start3A_634 = arith.constant 0 : i32
      %dma_start3A_635 = tpu.memref_slice %arg17[%dma_start3A_632, %dma_start3A_633, %dma_start3A_634] : memref<2x80x128xf32, #tpu.memory_space<vmem>> -> memref<1x80x128xf32, #tpu.memory_space<vmem>>
      %dma_start3A_636 = tpu.memref_squeeze %dma_start3A_635 : memref<1x80x128xf32, #tpu.memory_space<vmem>> -> memref<80x128xf32, #tpu.memory_space<vmem>>
      %dma_start3A_637 = arith.constant 0 : i32
      %dma_start3A_638 = tpu.memref_slice %arg11[%dma_start3A_637] : memref<160xi32, #tpu.memory_space<vmem>> -> memref<80xi32, #tpu.memory_space<vmem>>
      %dma_start3A_639 = arith.constant 0 : i32
      %dma_start3A_640 = arith.constant 0 : i32
      %dma_start3A_641 = tpu.memref_slice %arg2[%dma_start3A_639, %dma_start3A_640] : memref<10000x128xf32, #tpu.memory_space<hbm>> -> memref<10000x128xf32, #tpu.memory_space<hbm>>
      tpu.enqueue_indirect_dma source(%dma_start3A_641 : memref<10000x128xf32, #tpu.memory_space<hbm>>) target(%dma_start3A_636 : memref<80x128xf32, #tpu.memory_space<vmem>>) offsets(%dma_start3A_638 : memref<80xi32, #tpu.memory_space<vmem>>) semaphore(%arg26 : memref<!tpu.dma_semaphore, #tpu.memory_space<semaphore_mem>>)
      %dma_start3A_642 = arith.constant 1 : i32
      %dma_start3A_643 = arith.constant 0 : i32
      %dma_start3A_644 = arith.constant 0 : i32
      %dma_start3A_645 = tpu.memref_slice %arg17[%dma_start3A_642, %dma_start3A_643, %dma_start3A_644] : memref<2x80x128xf32, #tpu.memory_space<vmem>> -> memref<1x80x128xf32, #tpu.memory_space<vmem>>
      %dma_start3A_646 = tpu.memref_squeeze %dma_start3A_645 : memref<1x80x128xf32, #tpu.memory_space<vmem>> -> memref<80x128xf32, #tpu.memory_space<vmem>>
      %dma_start3A_647 = arith.constant 80 : i32
      %dma_start3A_648 = tpu.memref_slice %arg11[%dma_start3A_647] : memref<160xi32, #tpu.memory_space<vmem>> -> memref<80xi32, #tpu.memory_space<vmem>>
      %dma_start3A_649 = arith.constant 0 : i32
      %dma_start3A_650 = arith.constant 0 : i32
      %dma_start3A_651 = tpu.memref_slice %arg2[%dma_start3A_649, %dma_start3A_650] : memref<10000x128xf32, #tpu.memory_space<hbm>> -> memref<10000x128xf32, #tpu.memory_space<hbm>>
      tpu.enqueue_indirect_dma source(%dma_start3A_651 : memref<10000x128xf32, #tpu.memory_space<hbm>>) target(%dma_start3A_646 : memref<80x128xf32, #tpu.memory_space<vmem>>) offsets(%dma_start3A_648 : memref<80xi32, #tpu.memory_space<vmem>>) semaphore(%arg27 : memref<!tpu.dma_semaphore, #tpu.memory_space<semaphore_mem>>)
      %dma_wait3A_652 = arith.constant 0 : i32
      %dma_wait3A_653 = arith.constant 0 : i32
      %dma_wait3A_654 = arith.constant 0 : i32
      %dma_wait3A_655 = tpu.memref_slice %arg17[%dma_wait3A_652, %dma_wait3A_653, %dma_wait3A_654] : memref<2x80x128xf32, #tpu.memory_space<vmem>> -> memref<1x80x128xf32, #tpu.memory_space<vmem>>
      %dma_wait3A_656 = tpu.memref_squeeze %dma_wait3A_655 : memref<1x80x128xf32, #tpu.memory_space<vmem>> -> memref<80x128xf32, #tpu.memory_space<vmem>>
      %dma_wait3A_657 = arith.constant 0 : i32
      %dma_wait3A_658 = tpu.memref_slice %arg11[%dma_wait3A_657] : memref<160xi32, #tpu.memory_space<vmem>> -> memref<80xi32, #tpu.memory_space<vmem>>
      %dma_wait3A_659 = arith.constant 0 : i32
      %dma_wait3A_660 = arith.constant 0 : i32
      %dma_wait3A_661 = tpu.memref_slice %arg2[%dma_wait3A_659, %dma_wait3A_660] : memref<10000x128xf32, #tpu.memory_space<hbm>> -> memref<10000x128xf32, #tpu.memory_space<hbm>>
      tpu.wait_indirect_dma semaphore(%arg26 : memref<!tpu.dma_semaphore, #tpu.memory_space<semaphore_mem>>) src(%dma_wait3A_661 : memref<10000x128xf32, #tpu.memory_space<hbm>>) dst(%dma_wait3A_656 : memref<80x128xf32, #tpu.memory_space<vmem>>)
      %dma_start3A_662 = arith.constant 0 : i32
      %dma_start3A_663 = arith.constant 0 : i32
      %dma_start3A_664 = arith.constant 0 : i32
      %dma_start3A_665 = tpu.memref_slice %arg17[%dma_start3A_662, %dma_start3A_663, %dma_start3A_664] : memref<2x80x128xf32, #tpu.memory_space<vmem>> -> memref<1x80x128xf32, #tpu.memory_space<vmem>>
      %dma_start3A_666 = tpu.memref_squeeze %dma_start3A_665 : memref<1x80x128xf32, #tpu.memory_space<vmem>> -> memref<80x128xf32, #tpu.memory_space<vmem>>
      %dma_start3A_667 = arith.constant 0 : i32
      %dma_start3A_668 = tpu.memref_slice %arg15[%dma_start3A_667] : memref<160xi32, #tpu.memory_space<vmem>> -> memref<80xi32, #tpu.memory_space<vmem>>
      %dma_start3A_669 = arith.constant 0 : i32
      %dma_start3A_670 = arith.constant 0 : i32
      %dma_start3A_671 = tpu.memref_slice %arg7[%dma_start3A_669, %dma_start3A_670] : memref<10240x128xf32, #tpu.memory_space<vmem_shared>> -> memref<10240x128xf32, #tpu.memory_space<vmem_shared>>
      tpu.enqueue_indirect_dma source(%dma_start3A_666 : memref<80x128xf32, #tpu.memory_space<vmem>>) target(%dma_start3A_671 : memref<10240x128xf32, #tpu.memory_space<vmem_shared>>) offsets(%dma_start3A_668 : memref<80xi32, #tpu.memory_space<vmem>>) semaphore(%arg23 : memref<!tpu.dma_semaphore, #tpu.memory_space<semaphore_mem>>) {add = true}
      %dma_wait3A_672 = arith.constant 1 : i32
      %dma_wait3A_673 = arith.constant 0 : i32
      %dma_wait3A_674 = arith.constant 0 : i32
      %dma_wait3A_675 = tpu.memref_slice %arg17[%dma_wait3A_672, %dma_wait3A_673, %dma_wait3A_674] : memref<2x80x128xf32, #tpu.memory_space<vmem>> -> memref<1x80x128xf32, #tpu.memory_space<vmem>>
      %dma_wait3A_676 = tpu.memref_squeeze %dma_wait3A_675 : memref<1x80x128xf32, #tpu.memory_space<vmem>> -> memref<80x128xf32, #tpu.memory_space<vmem>>
      %dma_wait3A_677 = arith.constant 80 : i32
      %dma_wait3A_678 = tpu.memref_slice %arg11[%dma_wait3A_677] : memref<160xi32, #tpu.memory_space<vmem>> -> memref<80xi32, #tpu.memory_space<vmem>>
      %dma_wait3A_679 = arith.constant 0 : i32
      %dma_wait3A_680 = arith.constant 0 : i32
      %dma_wait3A_681 = tpu.memref_slice %arg2[%dma_wait3A_679, %dma_wait3A_680] : memref<10000x128xf32, #tpu.memory_space<hbm>> -> memref<10000x128xf32, #tpu.memory_space<hbm>>
      tpu.wait_indirect_dma semaphore(%arg27 : memref<!tpu.dma_semaphore, #tpu.memory_space<semaphore_mem>>) src(%dma_wait3A_681 : memref<10000x128xf32, #tpu.memory_space<hbm>>) dst(%dma_wait3A_676 : memref<80x128xf32, #tpu.memory_space<vmem>>)
      %dma_start3A_682 = arith.constant 1 : i32
      %dma_start3A_683 = arith.constant 0 : i32
      %dma_start3A_684 = arith.constant 0 : i32
      %dma_start3A_685 = tpu.memref_slice %arg17[%dma_start3A_682, %dma_start3A_683, %dma_start3A_684] : memref<2x80x128xf32, #tpu.memory_space<vmem>> -> memref<1x80x128xf32, #tpu.memory_space<vmem>>
      %dma_start3A_686 = tpu.memref_squeeze %dma_start3A_685 : memref<1x80x128xf32, #tpu.memory_space<vmem>> -> memref<80x128xf32, #tpu.memory_space<vmem>>
      %dma_start3A_687 = arith.constant 80 : i32
      %dma_start3A_688 = tpu.memref_slice %arg15[%dma_start3A_687] : memref<160xi32, #tpu.memory_space<vmem>> -> memref<80xi32, #tpu.memory_space<vmem>>
      %dma_start3A_689 = arith.constant 0 : i32
      %dma_start3A_690 = arith.constant 0 : i32
      %dma_start3A_691 = tpu.memref_slice %arg7[%dma_start3A_689, %dma_start3A_690] : memref<10240x128xf32, #tpu.memory_space<vmem_shared>> -> memref<10240x128xf32, #tpu.memory_space<vmem_shared>>
      tpu.enqueue_indirect_dma source(%dma_start3A_686 : memref<80x128xf32, #tpu.memory_space<vmem>>) target(%dma_start3A_691 : memref<10240x128xf32, #tpu.memory_space<vmem_shared>>) offsets(%dma_start3A_688 : memref<80xi32, #tpu.memory_space<vmem>>) semaphore(%arg23 : memref<!tpu.dma_semaphore, #tpu.memory_space<semaphore_mem>>) {add = true}
      %dma_wait3A_692 = arith.constant 0 : i32
      %dma_wait3A_693 = arith.constant 0 : i32
      %dma_wait3A_694 = arith.constant 0 : i32
      %dma_wait3A_695 = tpu.memref_slice %arg16[%dma_wait3A_692, %dma_wait3A_693, %dma_wait3A_694] : memref<2x80x128xf32, #tpu.memory_space<vmem>> -> memref<1x80x128xf32, #tpu.memory_space<vmem>>
      %dma_wait3A_696 = tpu.memref_squeeze %dma_wait3A_695 : memref<1x80x128xf32, #tpu.memory_space<vmem>> -> memref<80x128xf32, #tpu.memory_space<vmem>>
      %dma_wait3A_697 = arith.constant 0 : i32
      %dma_wait3A_698 = arith.constant 0 : i32
      %dma_wait3A_699 = tpu.memref_slice %arg2[%dma_wait3A_697, %dma_wait3A_698] : memref<10000x128xf32, #tpu.memory_space<hbm>> -> memref<80x128xf32, #tpu.memory_space<hbm>>
      %dma_wait3A_700 = arith.constant 0 : i32
      %dma_wait3A_701 = arith.constant 0 : i32
      %dma_wait3A_702 = tpu.memref_slice %arg16[%dma_wait3A_692, %dma_wait3A_700, %dma_wait3A_701] : memref<2x80x128xf32, #tpu.memory_space<vmem>> -> memref<1x80x128xf32, #tpu.memory_space<vmem>>
      %dma_wait3A_703 = tpu.memref_squeeze %dma_wait3A_702 : memref<1x80x128xf32, #tpu.memory_space<vmem>> -> memref<80x128xf32, #tpu.memory_space<vmem>>
      %dma_wait3A_704 = arith.constant 0 : i32
      %dma_wait3A_705 = arith.constant 0 : i32
      %dma_wait3A_706 = tpu.memref_slice %arg2[%dma_wait3A_704, %dma_wait3A_705] : memref<10000x128xf32, #tpu.memory_space<hbm>> -> memref<80x128xf32, #tpu.memory_space<hbm>>
      tpu.wait_dma2 semaphore(%arg22 : memref<!tpu.dma_semaphore, #tpu.memory_space<semaphore_mem>>) src(%dma_wait3A_706 : memref<80x128xf32, #tpu.memory_space<hbm>>) dst(%dma_wait3A_703 : memref<80x128xf32, #tpu.memory_space<vmem>>)
      %dma_wait3A_707 = arith.constant 1 : i32
      %dma_wait3A_708 = arith.constant 0 : i32
      %dma_wait3A_709 = arith.constant 0 : i32
      %dma_wait3A_710 = tpu.memref_slice %arg16[%dma_wait3A_707, %dma_wait3A_708, %dma_wait3A_709] : memref<2x80x128xf32, #tpu.memory_space<vmem>> -> memref<1x80x128xf32, #tpu.memory_space<vmem>>
      %dma_wait3A_711 = tpu.memref_squeeze %dma_wait3A_710 : memref<1x80x128xf32, #tpu.memory_space<vmem>> -> memref<80x128xf32, #tpu.memory_space<vmem>>
      %dma_wait3A_712 = arith.constant 0 : i32
      %dma_wait3A_713 = arith.constant 0 : i32
      %dma_wait3A_714 = tpu.memref_slice %arg2[%dma_wait3A_712, %dma_wait3A_713] : memref<10000x128xf32, #tpu.memory_space<hbm>> -> memref<80x128xf32, #tpu.memory_space<hbm>>
      %dma_wait3A_715 = arith.constant 0 : i32
      %dma_wait3A_716 = arith.constant 0 : i32
      %dma_wait3A_717 = tpu.memref_slice %arg16[%dma_wait3A_707, %dma_wait3A_715, %dma_wait3A_716] : memref<2x80x128xf32, #tpu.memory_space<vmem>> -> memref<1x80x128xf32, #tpu.memory_space<vmem>>
      %dma_wait3A_718 = tpu.memref_squeeze %dma_wait3A_717 : memref<1x80x128xf32, #tpu.memory_space<vmem>> -> memref<80x128xf32, #tpu.memory_space<vmem>>
      %dma_wait3A_719 = arith.constant 0 : i32
      %dma_wait3A_720 = arith.constant 0 : i32
      %dma_wait3A_721 = tpu.memref_slice %arg2[%dma_wait3A_719, %dma_wait3A_720] : memref<10000x128xf32, #tpu.memory_space<hbm>> -> memref<80x128xf32, #tpu.memory_space<hbm>>
      tpu.wait_dma2 semaphore(%arg22 : memref<!tpu.dma_semaphore, #tpu.memory_space<semaphore_mem>>) src(%dma_wait3A_721 : memref<80x128xf32, #tpu.memory_space<hbm>>) dst(%dma_wait3A_718 : memref<80x128xf32, #tpu.memory_space<vmem>>)
      %add3A_722 = arith.constant 3 : i32
      %add3A_723 = arith.addi %add3A_623, %add3A_722 : i32
      %mul3A_724 = arith.constant 160 : i32
      %mul3A_725 = arith.muli %add3A_723, %mul3A_724 : i32
      %min3A_726 = arith.constant 9840 : i32
      %min3A_727 = arith.minsi %mul3A_725, %min3A_726 : i32
      %add3A_728 = arith.addi %mul3A_2, %min3A_727 : i32
      %dma_start3A_729 = tpu.memref_slice %arg3[%add3A_728] : memref<320000xi32, #tpu.memory_space<hbm>> -> memref<160xi32, #tpu.memory_space<hbm>>
      %dma_start3A_730 = tpu.memref_slice %arg3[%add3A_728] : memref<320000xi32, #tpu.memory_space<hbm>> -> memref<160xi32, #tpu.memory_space<hbm>>
      tpu.enqueue_dma source(%dma_start3A_730 : memref<160xi32, #tpu.memory_space<hbm>>) target(%arg10 : memref<160xi32, #tpu.memory_space<vmem>>) target_semaphore(%arg20 : memref<!tpu.dma_semaphore, #tpu.memory_space<semaphore_mem>>)
      %dma_start3A_731 = tpu.memref_slice %arg4[%add3A_728] : memref<320000xi32, #tpu.memory_space<hbm>> -> memref<160xi32, #tpu.memory_space<hbm>>
      %dma_start3A_732 = tpu.memref_slice %arg4[%add3A_728] : memref<320000xi32, #tpu.memory_space<hbm>> -> memref<160xi32, #tpu.memory_space<hbm>>
      tpu.enqueue_dma source(%dma_start3A_732 : memref<160xi32, #tpu.memory_space<hbm>>) target(%arg14 : memref<160xi32, #tpu.memory_space<vmem>>) target_semaphore(%arg20 : memref<!tpu.dma_semaphore, #tpu.memory_space<semaphore_mem>>)
    }
    %scan3A_41 = arith.constant 15 : i32
    %dma_wait3A = arith.constant 0 : i32
    %dma_wait3A_42 = tpu.memref_slice %arg3[%dma_wait3A] : memref<320000xi32, #tpu.memory_space<hbm>> -> memref<160xi32, #tpu.memory_space<hbm>>
    %dma_wait3A_43 = arith.constant 0 : i32
    %dma_wait3A_44 = tpu.memref_slice %arg3[%dma_wait3A_43] : memref<320000xi32, #tpu.memory_space<hbm>> -> memref<160xi32, #tpu.memory_space<hbm>>
    tpu.wait_dma2 semaphore(%arg18 : memref<!tpu.dma_semaphore, #tpu.memory_space<semaphore_mem>>) src(%dma_wait3A_44 : memref<160xi32, #tpu.memory_space<hbm>>) dst(%arg8 : memref<160xi32, #tpu.memory_space<vmem>>)
    %dma_wait3A_45 = arith.constant 0 : i32
    %dma_wait3A_46 = tpu.memref_slice %arg4[%dma_wait3A_45] : memref<320000xi32, #tpu.memory_space<hbm>> -> memref<160xi32, #tpu.memory_space<hbm>>
    %dma_wait3A_47 = arith.constant 0 : i32
    %dma_wait3A_48 = tpu.memref_slice %arg4[%dma_wait3A_47] : memref<320000xi32, #tpu.memory_space<hbm>> -> memref<160xi32, #tpu.memory_space<hbm>>
    tpu.wait_dma2 semaphore(%arg18 : memref<!tpu.dma_semaphore, #tpu.memory_space<semaphore_mem>>) src(%dma_wait3A_48 : memref<160xi32, #tpu.memory_space<hbm>>) dst(%arg12 : memref<160xi32, #tpu.memory_space<vmem>>)
    %dma_start3A_49 = arith.constant 0 : i32
    %dma_start3A_50 = arith.constant 0 : i32
    %dma_start3A_51 = arith.constant 0 : i32
    %dma_start3A_52 = tpu.memref_slice %arg16[%dma_start3A_49, %dma_start3A_50, %dma_start3A_51] : memref<2x80x128xf32, #tpu.memory_space<vmem>> -> memref<1x80x128xf32, #tpu.memory_space<vmem>>
    %dma_start3A_53 = tpu.memref_squeeze %dma_start3A_52 : memref<1x80x128xf32, #tpu.memory_space<vmem>> -> memref<80x128xf32, #tpu.memory_space<vmem>>
    %dma_start3A_54 = arith.constant 0 : i32
    %dma_start3A_55 = tpu.memref_slice %arg8[%dma_start3A_54] : memref<160xi32, #tpu.memory_space<vmem>> -> memref<80xi32, #tpu.memory_space<vmem>>
    %dma_start3A_56 = arith.constant 0 : i32
    %dma_start3A_57 = arith.constant 0 : i32
    %dma_start3A_58 = tpu.memref_slice %arg2[%dma_start3A_56, %dma_start3A_57] : memref<10000x128xf32, #tpu.memory_space<hbm>> -> memref<10000x128xf32, #tpu.memory_space<hbm>>
    tpu.enqueue_indirect_dma source(%dma_start3A_58 : memref<10000x128xf32, #tpu.memory_space<hbm>>) target(%dma_start3A_53 : memref<80x128xf32, #tpu.memory_space<vmem>>) offsets(%dma_start3A_55 : memref<80xi32, #tpu.memory_space<vmem>>) semaphore(%arg24 : memref<!tpu.dma_semaphore, #tpu.memory_space<semaphore_mem>>)
    %dma_start3A_59 = arith.constant 1 : i32
    %dma_start3A_60 = arith.constant 0 : i32
    %dma_start3A_61 = arith.constant 0 : i32
    %dma_start3A_62 = tpu.memref_slice %arg16[%dma_start3A_59, %dma_start3A_60, %dma_start3A_61] : memref<2x80x128xf32, #tpu.memory_space<vmem>> -> memref<1x80x128xf32, #tpu.memory_space<vmem>>
    %dma_start3A_63 = tpu.memref_squeeze %dma_start3A_62 : memref<1x80x128xf32, #tpu.memory_space<vmem>> -> memref<80x128xf32, #tpu.memory_space<vmem>>
    %dma_start3A_64 = arith.constant 80 : i32
    %dma_start3A_65 = tpu.memref_slice %arg8[%dma_start3A_64] : memref<160xi32, #tpu.memory_space<vmem>> -> memref<80xi32, #tpu.memory_space<vmem>>
    %dma_start3A_66 = arith.constant 0 : i32
    %dma_start3A_67 = arith.constant 0 : i32
    %dma_start3A_68 = tpu.memref_slice %arg2[%dma_start3A_66, %dma_start3A_67] : memref<10000x128xf32, #tpu.memory_space<hbm>> -> memref<10000x128xf32, #tpu.memory_space<hbm>>
    tpu.enqueue_indirect_dma source(%dma_start3A_68 : memref<10000x128xf32, #tpu.memory_space<hbm>>) target(%dma_start3A_63 : memref<80x128xf32, #tpu.memory_space<vmem>>) offsets(%dma_start3A_65 : memref<80xi32, #tpu.memory_space<vmem>>) semaphore(%arg25 : memref<!tpu.dma_semaphore, #tpu.memory_space<semaphore_mem>>)
    %dma_wait3A_69 = arith.constant 0 : i32
    %dma_wait3A_70 = arith.constant 0 : i32
    %dma_wait3A_71 = arith.constant 0 : i32
    %dma_wait3A_72 = tpu.memref_slice %arg16[%dma_wait3A_69, %dma_wait3A_70, %dma_wait3A_71] : memref<2x80x128xf32, #tpu.memory_space<vmem>> -> memref<1x80x128xf32, #tpu.memory_space<vmem>>
    %dma_wait3A_73 = tpu.memref_squeeze %dma_wait3A_72 : memref<1x80x128xf32, #tpu.memory_space<vmem>> -> memref<80x128xf32, #tpu.memory_space<vmem>>
    %dma_wait3A_74 = arith.constant 0 : i32
    %dma_wait3A_75 = tpu.memref_slice %arg8[%dma_wait3A_74] : memref<160xi32, #tpu.memory_space<vmem>> -> memref<80xi32, #tpu.memory_space<vmem>>
    %dma_wait3A_76 = arith.constant 0 : i32
    %dma_wait3A_77 = arith.constant 0 : i32
    %dma_wait3A_78 = tpu.memref_slice %arg2[%dma_wait3A_76, %dma_wait3A_77] : memref<10000x128xf32, #tpu.memory_space<hbm>> -> memref<10000x128xf32, #tpu.memory_space<hbm>>
    tpu.wait_indirect_dma semaphore(%arg24 : memref<!tpu.dma_semaphore, #tpu.memory_space<semaphore_mem>>) src(%dma_wait3A_78 : memref<10000x128xf32, #tpu.memory_space<hbm>>) dst(%dma_wait3A_73 : memref<80x128xf32, #tpu.memory_space<vmem>>)
    %dma_start3A_79 = arith.constant 0 : i32
    %dma_start3A_80 = arith.constant 0 : i32
    %dma_start3A_81 = arith.constant 0 : i32
    %dma_start3A_82 = tpu.memref_slice %arg16[%dma_start3A_79, %dma_start3A_80, %dma_start3A_81] : memref<2x80x128xf32, #tpu.memory_space<vmem>> -> memref<1x80x128xf32, #tpu.memory_space<vmem>>
    %dma_start3A_83 = tpu.memref_squeeze %dma_start3A_82 : memref<1x80x128xf32, #tpu.memory_space<vmem>> -> memref<80x128xf32, #tpu.memory_space<vmem>>
    %dma_start3A_84 = arith.constant 0 : i32
    %dma_start3A_85 = tpu.memref_slice %arg12[%dma_start3A_84] : memref<160xi32, #tpu.memory_space<vmem>> -> memref<80xi32, #tpu.memory_space<vmem>>
    %dma_start3A_86 = arith.constant 0 : i32
    %dma_start3A_87 = arith.constant 0 : i32
    %dma_start3A_88 = tpu.memref_slice %arg7[%dma_start3A_86, %dma_start3A_87] : memref<10240x128xf32, #tpu.memory_space<vmem_shared>> -> memref<10240x128xf32, #tpu.memory_space<vmem_shared>>
    tpu.enqueue_indirect_dma source(%dma_start3A_83 : memref<80x128xf32, #tpu.memory_space<vmem>>) target(%dma_start3A_88 : memref<10240x128xf32, #tpu.memory_space<vmem_shared>>) offsets(%dma_start3A_85 : memref<80xi32, #tpu.memory_space<vmem>>) semaphore(%arg22 : memref<!tpu.dma_semaphore, #tpu.memory_space<semaphore_mem>>) {add = true}
    %dma_wait3A_89 = arith.constant 1 : i32
    %dma_wait3A_90 = arith.constant 0 : i32
    %dma_wait3A_91 = arith.constant 0 : i32
    %dma_wait3A_92 = tpu.memref_slice %arg16[%dma_wait3A_89, %dma_wait3A_90, %dma_wait3A_91] : memref<2x80x128xf32, #tpu.memory_space<vmem>> -> memref<1x80x128xf32, #tpu.memory_space<vmem>>
    %dma_wait3A_93 = tpu.memref_squeeze %dma_wait3A_92 : memref<1x80x128xf32, #tpu.memory_space<vmem>> -> memref<80x128xf32, #tpu.memory_space<vmem>>
    %dma_wait3A_94 = arith.constant 80 : i32
    %dma_wait3A_95 = tpu.memref_slice %arg8[%dma_wait3A_94] : memref<160xi32, #tpu.memory_space<vmem>> -> memref<80xi32, #tpu.memory_space<vmem>>
    %dma_wait3A_96 = arith.constant 0 : i32
    %dma_wait3A_97 = arith.constant 0 : i32
    %dma_wait3A_98 = tpu.memref_slice %arg2[%dma_wait3A_96, %dma_wait3A_97] : memref<10000x128xf32, #tpu.memory_space<hbm>> -> memref<10000x128xf32, #tpu.memory_space<hbm>>
    tpu.wait_indirect_dma semaphore(%arg25 : memref<!tpu.dma_semaphore, #tpu.memory_space<semaphore_mem>>) src(%dma_wait3A_98 : memref<10000x128xf32, #tpu.memory_space<hbm>>) dst(%dma_wait3A_93 : memref<80x128xf32, #tpu.memory_space<vmem>>)
    %dma_start3A_99 = arith.constant 1 : i32
    %dma_start3A_100 = arith.constant 0 : i32
    %dma_start3A_101 = arith.constant 0 : i32
    %dma_start3A_102 = tpu.memref_slice %arg16[%dma_start3A_99, %dma_start3A_100, %dma_start3A_101] : memref<2x80x128xf32, #tpu.memory_space<vmem>> -> memref<1x80x128xf32, #tpu.memory_space<vmem>>
    %dma_start3A_103 = tpu.memref_squeeze %dma_start3A_102 : memref<1x80x128xf32, #tpu.memory_space<vmem>> -> memref<80x128xf32, #tpu.memory_space<vmem>>
    %dma_start3A_104 = arith.constant 80 : i32
    %dma_start3A_105 = tpu.memref_slice %arg12[%dma_start3A_104] : memref<160xi32, #tpu.memory_space<vmem>> -> memref<80xi32, #tpu.memory_space<vmem>>
    %dma_start3A_106 = arith.constant 0 : i32
    %dma_start3A_107 = arith.constant 0 : i32
    %dma_start3A_108 = tpu.memref_slice %arg7[%dma_start3A_106, %dma_start3A_107] : memref<10240x128xf32, #tpu.memory_space<vmem_shared>> -> memref<10240x128xf32, #tpu.memory_space<vmem_shared>>
    tpu.enqueue_indirect_dma source(%dma_start3A_103 : memref<80x128xf32, #tpu.memory_space<vmem>>) target(%dma_start3A_108 : memref<10240x128xf32, #tpu.memory_space<vmem_shared>>) offsets(%dma_start3A_105 : memref<80xi32, #tpu.memory_space<vmem>>) semaphore(%arg22 : memref<!tpu.dma_semaphore, #tpu.memory_space<semaphore_mem>>) {add = true}
    %dma_wait3A_109 = arith.constant 0 : i32
    %dma_wait3A_110 = arith.constant 0 : i32
    %dma_wait3A_111 = arith.constant 0 : i32
    %dma_wait3A_112 = tpu.memref_slice %arg17[%dma_wait3A_109, %dma_wait3A_110, %dma_wait3A_111] : memref<2x80x128xf32, #tpu.memory_space<vmem>> -> memref<1x80x128xf32, #tpu.memory_space<vmem>>
    %dma_wait3A_113 = tpu.memref_squeeze %dma_wait3A_112 : memref<1x80x128xf32, #tpu.memory_space<vmem>> -> memref<80x128xf32, #tpu.memory_space<vmem>>
    %dma_wait3A_114 = arith.constant 0 : i32
    %dma_wait3A_115 = arith.constant 0 : i32
    %dma_wait3A_116 = tpu.memref_slice %arg2[%dma_wait3A_114, %dma_wait3A_115] : memref<10000x128xf32, #tpu.memory_space<hbm>> -> memref<80x128xf32, #tpu.memory_space<hbm>>
    %dma_wait3A_117 = arith.constant 0 : i32
    %dma_wait3A_118 = arith.constant 0 : i32
    %dma_wait3A_119 = tpu.memref_slice %arg17[%dma_wait3A_109, %dma_wait3A_117, %dma_wait3A_118] : memref<2x80x128xf32, #tpu.memory_space<vmem>> -> memref<1x80x128xf32, #tpu.memory_space<vmem>>
    %dma_wait3A_120 = tpu.memref_squeeze %dma_wait3A_119 : memref<1x80x128xf32, #tpu.memory_space<vmem>> -> memref<80x128xf32, #tpu.memory_space<vmem>>
    %dma_wait3A_121 = arith.constant 0 : i32
    %dma_wait3A_122 = arith.constant 0 : i32
    %dma_wait3A_123 = tpu.memref_slice %arg2[%dma_wait3A_121, %dma_wait3A_122] : memref<10000x128xf32, #tpu.memory_space<hbm>> -> memref<80x128xf32, #tpu.memory_space<hbm>>
    tpu.wait_dma2 semaphore(%arg23 : memref<!tpu.dma_semaphore, #tpu.memory_space<semaphore_mem>>) src(%dma_wait3A_123 : memref<80x128xf32, #tpu.memory_space<hbm>>) dst(%dma_wait3A_120 : memref<80x128xf32, #tpu.memory_space<vmem>>)
    %dma_wait3A_124 = arith.constant 1 : i32
    %dma_wait3A_125 = arith.constant 0 : i32
    %dma_wait3A_126 = arith.constant 0 : i32
    %dma_wait3A_127 = tpu.memref_slice %arg17[%dma_wait3A_124, %dma_wait3A_125, %dma_wait3A_126] : memref<2x80x128xf32, #tpu.memory_space<vmem>> -> memref<1x80x128xf32, #tpu.memory_space<vmem>>
    %dma_wait3A_128 = tpu.memref_squeeze %dma_wait3A_127 : memref<1x80x128xf32, #tpu.memory_space<vmem>> -> memref<80x128xf32, #tpu.memory_space<vmem>>
    %dma_wait3A_129 = arith.constant 0 : i32
    %dma_wait3A_130 = arith.constant 0 : i32
    %dma_wait3A_131 = tpu.memref_slice %arg2[%dma_wait3A_129, %dma_wait3A_130] : memref<10000x128xf32, #tpu.memory_space<hbm>> -> memref<80x128xf32, #tpu.memory_space<hbm>>
    %dma_wait3A_132 = arith.constant 0 : i32
    %dma_wait3A_133 = arith.constant 0 : i32
    %dma_wait3A_134 = tpu.memref_slice %arg17[%dma_wait3A_124, %dma_wait3A_132, %dma_wait3A_133] : memref<2x80x128xf32, #tpu.memory_space<vmem>> -> memref<1x80x128xf32, #tpu.memory_space<vmem>>
    %dma_wait3A_135 = tpu.memref_squeeze %dma_wait3A_134 : memref<1x80x128xf32, #tpu.memory_space<vmem>> -> memref<80x128xf32, #tpu.memory_space<vmem>>
    %dma_wait3A_136 = arith.constant 0 : i32
    %dma_wait3A_137 = arith.constant 0 : i32
    %dma_wait3A_138 = tpu.memref_slice %arg2[%dma_wait3A_136, %dma_wait3A_137] : memref<10000x128xf32, #tpu.memory_space<hbm>> -> memref<80x128xf32, #tpu.memory_space<hbm>>
    tpu.wait_dma2 semaphore(%arg23 : memref<!tpu.dma_semaphore, #tpu.memory_space<semaphore_mem>>) src(%dma_wait3A_138 : memref<80x128xf32, #tpu.memory_space<hbm>>) dst(%dma_wait3A_135 : memref<80x128xf32, #tpu.memory_space<vmem>>)
    %dma_wait3A_139 = arith.constant 0 : i32
    %dma_wait3A_140 = tpu.memref_slice %arg3[%dma_wait3A_139] : memref<320000xi32, #tpu.memory_space<hbm>> -> memref<160xi32, #tpu.memory_space<hbm>>
    %dma_wait3A_141 = arith.constant 0 : i32
    %dma_wait3A_142 = tpu.memref_slice %arg3[%dma_wait3A_141] : memref<320000xi32, #tpu.memory_space<hbm>> -> memref<160xi32, #tpu.memory_space<hbm>>
    tpu.wait_dma2 semaphore(%arg19 : memref<!tpu.dma_semaphore, #tpu.memory_space<semaphore_mem>>) src(%dma_wait3A_142 : memref<160xi32, #tpu.memory_space<hbm>>) dst(%arg9 : memref<160xi32, #tpu.memory_space<vmem>>)
    %dma_wait3A_143 = arith.constant 0 : i32
    %dma_wait3A_144 = tpu.memref_slice %arg4[%dma_wait3A_143] : memref<320000xi32, #tpu.memory_space<hbm>> -> memref<160xi32, #tpu.memory_space<hbm>>
    %dma_wait3A_145 = arith.constant 0 : i32
    %dma_wait3A_146 = tpu.memref_slice %arg4[%dma_wait3A_145] : memref<320000xi32, #tpu.memory_space<hbm>> -> memref<160xi32, #tpu.memory_space<hbm>>
    tpu.wait_dma2 semaphore(%arg19 : memref<!tpu.dma_semaphore, #tpu.memory_space<semaphore_mem>>) src(%dma_wait3A_146 : memref<160xi32, #tpu.memory_space<hbm>>) dst(%arg13 : memref<160xi32, #tpu.memory_space<vmem>>)
    %dma_start3A_147 = arith.constant 0 : i32
    %dma_start3A_148 = arith.constant 0 : i32
    %dma_start3A_149 = arith.constant 0 : i32
    %dma_start3A_150 = tpu.memref_slice %arg17[%dma_start3A_147, %dma_start3A_148, %dma_start3A_149] : memref<2x80x128xf32, #tpu.memory_space<vmem>> -> memref<1x80x128xf32, #tpu.memory_space<vmem>>
    %dma_start3A_151 = tpu.memref_squeeze %dma_start3A_150 : memref<1x80x128xf32, #tpu.memory_space<vmem>> -> memref<80x128xf32, #tpu.memory_space<vmem>>
    %dma_start3A_152 = arith.constant 0 : i32
    %dma_start3A_153 = tpu.memref_slice %arg9[%dma_start3A_152] : memref<160xi32, #tpu.memory_space<vmem>> -> memref<80xi32, #tpu.memory_space<vmem>>
    %dma_start3A_154 = arith.constant 0 : i32
    %dma_start3A_155 = arith.constant 0 : i32
    %dma_start3A_156 = tpu.memref_slice %arg2[%dma_start3A_154, %dma_start3A_155] : memref<10000x128xf32, #tpu.memory_space<hbm>> -> memref<10000x128xf32, #tpu.memory_space<hbm>>
    tpu.enqueue_indirect_dma source(%dma_start3A_156 : memref<10000x128xf32, #tpu.memory_space<hbm>>) target(%dma_start3A_151 : memref<80x128xf32, #tpu.memory_space<vmem>>) offsets(%dma_start3A_153 : memref<80xi32, #tpu.memory_space<vmem>>) semaphore(%arg26 : memref<!tpu.dma_semaphore, #tpu.memory_space<semaphore_mem>>)
    %dma_start3A_157 = arith.constant 1 : i32
    %dma_start3A_158 = arith.constant 0 : i32
    %dma_start3A_159 = arith.constant 0 : i32
    %dma_start3A_160 = tpu.memref_slice %arg17[%dma_start3A_157, %dma_start3A_158, %dma_start3A_159] : memref<2x80x128xf32, #tpu.memory_space<vmem>> -> memref<1x80x128xf32, #tpu.memory_space<vmem>>
    %dma_start3A_161 = tpu.memref_squeeze %dma_start3A_160 : memref<1x80x128xf32, #tpu.memory_space<vmem>> -> memref<80x128xf32, #tpu.memory_space<vmem>>
    %dma_start3A_162 = arith.constant 80 : i32
    %dma_start3A_163 = tpu.memref_slice %arg9[%dma_start3A_162] : memref<160xi32, #tpu.memory_space<vmem>> -> memref<80xi32, #tpu.memory_space<vmem>>
    %dma_start3A_164 = arith.constant 0 : i32
    %dma_start3A_165 = arith.constant 0 : i32
    %dma_start3A_166 = tpu.memref_slice %arg2[%dma_start3A_164, %dma_start3A_165] : memref<10000x128xf32, #tpu.memory_space<hbm>> -> memref<10000x128xf32, #tpu.memory_space<hbm>>
    tpu.enqueue_indirect_dma source(%dma_start3A_166 : memref<10000x128xf32, #tpu.memory_space<hbm>>) target(%dma_start3A_161 : memref<80x128xf32, #tpu.memory_space<vmem>>) offsets(%dma_start3A_163 : memref<80xi32, #tpu.memory_space<vmem>>) semaphore(%arg27 : memref<!tpu.dma_semaphore, #tpu.memory_space<semaphore_mem>>)
    %dma_wait3A_167 = arith.constant 0 : i32
    %dma_wait3A_168 = arith.constant 0 : i32
    %dma_wait3A_169 = arith.constant 0 : i32
    %dma_wait3A_170 = tpu.memref_slice %arg17[%dma_wait3A_167, %dma_wait3A_168, %dma_wait3A_169] : memref<2x80x128xf32, #tpu.memory_space<vmem>> -> memref<1x80x128xf32, #tpu.memory_space<vmem>>
    %dma_wait3A_171 = tpu.memref_squeeze %dma_wait3A_170 : memref<1x80x128xf32, #tpu.memory_space<vmem>> -> memref<80x128xf32, #tpu.memory_space<vmem>>
    %dma_wait3A_172 = arith.constant 0 : i32
    %dma_wait3A_173 = tpu.memref_slice %arg9[%dma_wait3A_172] : memref<160xi32, #tpu.memory_space<vmem>> -> memref<80xi32, #tpu.memory_space<vmem>>
    %dma_wait3A_174 = arith.constant 0 : i32
    %dma_wait3A_175 = arith.constant 0 : i32
    %dma_wait3A_176 = tpu.memref_slice %arg2[%dma_wait3A_174, %dma_wait3A_175] : memref<10000x128xf32, #tpu.memory_space<hbm>> -> memref<10000x128xf32, #tpu.memory_space<hbm>>
    tpu.wait_indirect_dma semaphore(%arg26 : memref<!tpu.dma_semaphore, #tpu.memory_space<semaphore_mem>>) src(%dma_wait3A_176 : memref<10000x128xf32, #tpu.memory_space<hbm>>) dst(%dma_wait3A_171 : memref<80x128xf32, #tpu.memory_space<vmem>>)
    %dma_start3A_177 = arith.constant 0 : i32
    %dma_start3A_178 = arith.constant 0 : i32
    %dma_start3A_179 = arith.constant 0 : i32
    %dma_start3A_180 = tpu.memref_slice %arg17[%dma_start3A_177, %dma_start3A_178, %dma_start3A_179] : memref<2x80x128xf32, #tpu.memory_space<vmem>> -> memref<1x80x128xf32, #tpu.memory_space<vmem>>
    %dma_start3A_181 = tpu.memref_squeeze %dma_start3A_180 : memref<1x80x128xf32, #tpu.memory_space<vmem>> -> memref<80x128xf32, #tpu.memory_space<vmem>>
    %dma_start3A_182 = arith.constant 0 : i32
    %dma_start3A_183 = tpu.memref_slice %arg13[%dma_start3A_182] : memref<160xi32, #tpu.memory_space<vmem>> -> memref<80xi32, #tpu.memory_space<vmem>>
    %dma_start3A_184 = arith.constant 0 : i32
    %dma_start3A_185 = arith.constant 0 : i32
    %dma_start3A_186 = tpu.memref_slice %arg7[%dma_start3A_184, %dma_start3A_185] : memref<10240x128xf32, #tpu.memory_space<vmem_shared>> -> memref<10240x128xf32, #tpu.memory_space<vmem_shared>>
    tpu.enqueue_indirect_dma source(%dma_start3A_181 : memref<80x128xf32, #tpu.memory_space<vmem>>) target(%dma_start3A_186 : memref<10240x128xf32, #tpu.memory_space<vmem_shared>>) offsets(%dma_start3A_183 : memref<80xi32, #tpu.memory_space<vmem>>) semaphore(%arg23 : memref<!tpu.dma_semaphore, #tpu.memory_space<semaphore_mem>>) {add = true}
    %dma_wait3A_187 = arith.constant 1 : i32
    %dma_wait3A_188 = arith.constant 0 : i32
    %dma_wait3A_189 = arith.constant 0 : i32
    %dma_wait3A_190 = tpu.memref_slice %arg17[%dma_wait3A_187, %dma_wait3A_188, %dma_wait3A_189] : memref<2x80x128xf32, #tpu.memory_space<vmem>> -> memref<1x80x128xf32, #tpu.memory_space<vmem>>
    %dma_wait3A_191 = tpu.memref_squeeze %dma_wait3A_190 : memref<1x80x128xf32, #tpu.memory_space<vmem>> -> memref<80x128xf32, #tpu.memory_space<vmem>>
    %dma_wait3A_192 = arith.constant 80 : i32
    %dma_wait3A_193 = tpu.memref_slice %arg9[%dma_wait3A_192] : memref<160xi32, #tpu.memory_space<vmem>> -> memref<80xi32, #tpu.memory_space<vmem>>
    %dma_wait3A_194 = arith.constant 0 : i32
    %dma_wait3A_195 = arith.constant 0 : i32
    %dma_wait3A_196 = tpu.memref_slice %arg2[%dma_wait3A_194, %dma_wait3A_195] : memref<10000x128xf32, #tpu.memory_space<hbm>> -> memref<10000x128xf32, #tpu.memory_space<hbm>>
    tpu.wait_indirect_dma semaphore(%arg27 : memref<!tpu.dma_semaphore, #tpu.memory_space<semaphore_mem>>) src(%dma_wait3A_196 : memref<10000x128xf32, #tpu.memory_space<hbm>>) dst(%dma_wait3A_191 : memref<80x128xf32, #tpu.memory_space<vmem>>)
    %dma_start3A_197 = arith.constant 1 : i32
    %dma_start3A_198 = arith.constant 0 : i32
    %dma_start3A_199 = arith.constant 0 : i32
    %dma_start3A_200 = tpu.memref_slice %arg17[%dma_start3A_197, %dma_start3A_198, %dma_start3A_199] : memref<2x80x128xf32, #tpu.memory_space<vmem>> -> memref<1x80x128xf32, #tpu.memory_space<vmem>>
    %dma_start3A_201 = tpu.memref_squeeze %dma_start3A_200 : memref<1x80x128xf32, #tpu.memory_space<vmem>> -> memref<80x128xf32, #tpu.memory_space<vmem>>
    %dma_start3A_202 = arith.constant 80 : i32
    %dma_start3A_203 = tpu.memref_slice %arg13[%dma_start3A_202] : memref<160xi32, #tpu.memory_space<vmem>> -> memref<80xi32, #tpu.memory_space<vmem>>
    %dma_start3A_204 = arith.constant 0 : i32
    %dma_start3A_205 = arith.constant 0 : i32
    %dma_start3A_206 = tpu.memref_slice %arg7[%dma_start3A_204, %dma_start3A_205] : memref<10240x128xf32, #tpu.memory_space<vmem_shared>> -> memref<10240x128xf32, #tpu.memory_space<vmem_shared>>
    tpu.enqueue_indirect_dma source(%dma_start3A_201 : memref<80x128xf32, #tpu.memory_space<vmem>>) target(%dma_start3A_206 : memref<10240x128xf32, #tpu.memory_space<vmem_shared>>) offsets(%dma_start3A_203 : memref<80xi32, #tpu.memory_space<vmem>>) semaphore(%arg23 : memref<!tpu.dma_semaphore, #tpu.memory_space<semaphore_mem>>) {add = true}
    %dma_wait3A_207 = arith.constant 0 : i32
    %dma_wait3A_208 = arith.constant 0 : i32
    %dma_wait3A_209 = arith.constant 0 : i32
    %dma_wait3A_210 = tpu.memref_slice %arg16[%dma_wait3A_207, %dma_wait3A_208, %dma_wait3A_209] : memref<2x80x128xf32, #tpu.memory_space<vmem>> -> memref<1x80x128xf32, #tpu.memory_space<vmem>>
    %dma_wait3A_211 = tpu.memref_squeeze %dma_wait3A_210 : memref<1x80x128xf32, #tpu.memory_space<vmem>> -> memref<80x128xf32, #tpu.memory_space<vmem>>
    %dma_wait3A_212 = arith.constant 0 : i32
    %dma_wait3A_213 = arith.constant 0 : i32
    %dma_wait3A_214 = tpu.memref_slice %arg2[%dma_wait3A_212, %dma_wait3A_213] : memref<10000x128xf32, #tpu.memory_space<hbm>> -> memref<80x128xf32, #tpu.memory_space<hbm>>
    %dma_wait3A_215 = arith.constant 0 : i32
    %dma_wait3A_216 = arith.constant 0 : i32
    %dma_wait3A_217 = tpu.memref_slice %arg16[%dma_wait3A_207, %dma_wait3A_215, %dma_wait3A_216] : memref<2x80x128xf32, #tpu.memory_space<vmem>> -> memref<1x80x128xf32, #tpu.memory_space<vmem>>
    %dma_wait3A_218 = tpu.memref_squeeze %dma_wait3A_217 : memref<1x80x128xf32, #tpu.memory_space<vmem>> -> memref<80x128xf32, #tpu.memory_space<vmem>>
    %dma_wait3A_219 = arith.constant 0 : i32
    %dma_wait3A_220 = arith.constant 0 : i32
    %dma_wait3A_221 = tpu.memref_slice %arg2[%dma_wait3A_219, %dma_wait3A_220] : memref<10000x128xf32, #tpu.memory_space<hbm>> -> memref<80x128xf32, #tpu.memory_space<hbm>>
    tpu.wait_dma2 semaphore(%arg22 : memref<!tpu.dma_semaphore, #tpu.memory_space<semaphore_mem>>) src(%dma_wait3A_221 : memref<80x128xf32, #tpu.memory_space<hbm>>) dst(%dma_wait3A_218 : memref<80x128xf32, #tpu.memory_space<vmem>>)
    %dma_wait3A_222 = arith.constant 1 : i32
    %dma_wait3A_223 = arith.constant 0 : i32
    %dma_wait3A_224 = arith.constant 0 : i32
    %dma_wait3A_225 = tpu.memref_slice %arg16[%dma_wait3A_222, %dma_wait3A_223, %dma_wait3A_224] : memref<2x80x128xf32, #tpu.memory_space<vmem>> -> memref<1x80x128xf32, #tpu.memory_space<vmem>>
    %dma_wait3A_226 = tpu.memref_squeeze %dma_wait3A_225 : memref<1x80x128xf32, #tpu.memory_space<vmem>> -> memref<80x128xf32, #tpu.memory_space<vmem>>
    %dma_wait3A_227 = arith.constant 0 : i32
    %dma_wait3A_228 = arith.constant 0 : i32
    %dma_wait3A_229 = tpu.memref_slice %arg2[%dma_wait3A_227, %dma_wait3A_228] : memref<10000x128xf32, #tpu.memory_space<hbm>> -> memref<80x128xf32, #tpu.memory_space<hbm>>
    %dma_wait3A_230 = arith.constant 0 : i32
    %dma_wait3A_231 = arith.constant 0 : i32
    %dma_wait3A_232 = tpu.memref_slice %arg16[%dma_wait3A_222, %dma_wait3A_230, %dma_wait3A_231] : memref<2x80x128xf32, #tpu.memory_space<vmem>> -> memref<1x80x128xf32, #tpu.memory_space<vmem>>
    %dma_wait3A_233 = tpu.memref_squeeze %dma_wait3A_232 : memref<1x80x128xf32, #tpu.memory_space<vmem>> -> memref<80x128xf32, #tpu.memory_space<vmem>>
    %dma_wait3A_234 = arith.constant 0 : i32
    %dma_wait3A_235 = arith.constant 0 : i32
    %dma_wait3A_236 = tpu.memref_slice %arg2[%dma_wait3A_234, %dma_wait3A_235] : memref<10000x128xf32, #tpu.memory_space<hbm>> -> memref<80x128xf32, #tpu.memory_space<hbm>>
    tpu.wait_dma2 semaphore(%arg22 : memref<!tpu.dma_semaphore, #tpu.memory_space<semaphore_mem>>) src(%dma_wait3A_236 : memref<80x128xf32, #tpu.memory_space<hbm>>) dst(%dma_wait3A_233 : memref<80x128xf32, #tpu.memory_space<vmem>>)
    %dma_wait3A_237 = arith.constant 0 : i32
    %dma_wait3A_238 = arith.constant 0 : i32
    %dma_wait3A_239 = arith.constant 0 : i32
    %dma_wait3A_240 = tpu.memref_slice %arg17[%dma_wait3A_237, %dma_wait3A_238, %dma_wait3A_239] : memref<2x80x128xf32, #tpu.memory_space<vmem>> -> memref<1x80x128xf32, #tpu.memory_space<vmem>>
    %dma_wait3A_241 = tpu.memref_squeeze %dma_wait3A_240 : memref<1x80x128xf32, #tpu.memory_space<vmem>> -> memref<80x128xf32, #tpu.memory_space<vmem>>
    %dma_wait3A_242 = arith.constant 0 : i32
    %dma_wait3A_243 = arith.constant 0 : i32
    %dma_wait3A_244 = tpu.memref_slice %arg2[%dma_wait3A_242, %dma_wait3A_243] : memref<10000x128xf32, #tpu.memory_space<hbm>> -> memref<80x128xf32, #tpu.memory_space<hbm>>
    %dma_wait3A_245 = arith.constant 0 : i32
    %dma_wait3A_246 = arith.constant 0 : i32
    %dma_wait3A_247 = tpu.memref_slice %arg17[%dma_wait3A_237, %dma_wait3A_245, %dma_wait3A_246] : memref<2x80x128xf32, #tpu.memory_space<vmem>> -> memref<1x80x128xf32, #tpu.memory_space<vmem>>
    %dma_wait3A_248 = tpu.memref_squeeze %dma_wait3A_247 : memref<1x80x128xf32, #tpu.memory_space<vmem>> -> memref<80x128xf32, #tpu.memory_space<vmem>>
    %dma_wait3A_249 = arith.constant 0 : i32
    %dma_wait3A_250 = arith.constant 0 : i32
    %dma_wait3A_251 = tpu.memref_slice %arg2[%dma_wait3A_249, %dma_wait3A_250] : memref<10000x128xf32, #tpu.memory_space<hbm>> -> memref<80x128xf32, #tpu.memory_space<hbm>>
    tpu.wait_dma2 semaphore(%arg23 : memref<!tpu.dma_semaphore, #tpu.memory_space<semaphore_mem>>) src(%dma_wait3A_251 : memref<80x128xf32, #tpu.memory_space<hbm>>) dst(%dma_wait3A_248 : memref<80x128xf32, #tpu.memory_space<vmem>>)
    %dma_wait3A_252 = arith.constant 1 : i32
    %dma_wait3A_253 = arith.constant 0 : i32
    %dma_wait3A_254 = arith.constant 0 : i32
    %dma_wait3A_255 = tpu.memref_slice %arg17[%dma_wait3A_252, %dma_wait3A_253, %dma_wait3A_254] : memref<2x80x128xf32, #tpu.memory_space<vmem>> -> memref<1x80x128xf32, #tpu.memory_space<vmem>>
    %dma_wait3A_256 = tpu.memref_squeeze %dma_wait3A_255 : memref<1x80x128xf32, #tpu.memory_space<vmem>> -> memref<80x128xf32, #tpu.memory_space<vmem>>
    %dma_wait3A_257 = arith.constant 0 : i32
    %dma_wait3A_258 = arith.constant 0 : i32
    %dma_wait3A_259 = tpu.memref_slice %arg2[%dma_wait3A_257, %dma_wait3A_258] : memref<10000x128xf32, #tpu.memory_space<hbm>> -> memref<80x128xf32, #tpu.memory_space<hbm>>
    %dma_wait3A_260 = arith.constant 0 : i32
    %dma_wait3A_261 = arith.constant 0 : i32
    %dma_wait3A_262 = tpu.memref_slice %arg17[%dma_wait3A_252, %dma_wait3A_260, %dma_wait3A_261] : memref<2x80x128xf32, #tpu.memory_space<vmem>> -> memref<1x80x128xf32, #tpu.memory_space<vmem>>
    %dma_wait3A_263 = tpu.memref_squeeze %dma_wait3A_262 : memref<1x80x128xf32, #tpu.memory_space<vmem>> -> memref<80x128xf32, #tpu.memory_space<vmem>>
    %dma_wait3A_264 = arith.constant 0 : i32
    %dma_wait3A_265 = arith.constant 0 : i32
    %dma_wait3A_266 = tpu.memref_slice %arg2[%dma_wait3A_264, %dma_wait3A_265] : memref<10000x128xf32, #tpu.memory_space<hbm>> -> memref<80x128xf32, #tpu.memory_space<hbm>>
    tpu.wait_dma2 semaphore(%arg23 : memref<!tpu.dma_semaphore, #tpu.memory_space<semaphore_mem>>) src(%dma_wait3A_266 : memref<80x128xf32, #tpu.memory_space<hbm>>) dst(%dma_wait3A_263 : memref<80x128xf32, #tpu.memory_space<vmem>>)
    %dma_wait3A_267 = arith.constant 0 : i32
    %dma_wait3A_268 = tpu.memref_slice %arg3[%dma_wait3A_267] : memref<320000xi32, #tpu.memory_space<hbm>> -> memref<160xi32, #tpu.memory_space<hbm>>
    %dma_wait3A_269 = arith.constant 0 : i32
    %dma_wait3A_270 = tpu.memref_slice %arg3[%dma_wait3A_269] : memref<320000xi32, #tpu.memory_space<hbm>> -> memref<160xi32, #tpu.memory_space<hbm>>
    tpu.wait_dma2 semaphore(%arg20 : memref<!tpu.dma_semaphore, #tpu.memory_space<semaphore_mem>>) src(%dma_wait3A_270 : memref<160xi32, #tpu.memory_space<hbm>>) dst(%arg10 : memref<160xi32, #tpu.memory_space<vmem>>)
    %dma_wait3A_271 = arith.constant 0 : i32
    %dma_wait3A_272 = tpu.memref_slice %arg4[%dma_wait3A_271] : memref<320000xi32, #tpu.memory_space<hbm>> -> memref<160xi32, #tpu.memory_space<hbm>>
    %dma_wait3A_273 = arith.constant 0 : i32
    %dma_wait3A_274 = tpu.memref_slice %arg4[%dma_wait3A_273] : memref<320000xi32, #tpu.memory_space<hbm>> -> memref<160xi32, #tpu.memory_space<hbm>>
    tpu.wait_dma2 semaphore(%arg20 : memref<!tpu.dma_semaphore, #tpu.memory_space<semaphore_mem>>) src(%dma_wait3A_274 : memref<160xi32, #tpu.memory_space<hbm>>) dst(%arg14 : memref<160xi32, #tpu.memory_space<vmem>>)
    %add3A_275 = arith.constant 9920 : i32
    %add3A_276 = arith.addi %mul3A_2, %add3A_275 : i32
    "tpu.region"() ({
      %run_scoped3A = tpu.sem_alloc : memref<!tpu.dma_semaphore, #tpu.memory_space<semaphore_mem>>
      %dma_start3A_325 = arith.constant 0 : i32
      %dma_start3A_326 = tpu.memref_slice %arg8[%dma_start3A_325] : memref<160xi32, #tpu.memory_space<vmem>> -> memref<80xi32, #tpu.memory_space<vmem>>
      %dma_start3A_327 = tpu.memref_slice %arg3[%add3A_276] : memref<320000xi32, #tpu.memory_space<hbm>> -> memref<80xi32, #tpu.memory_space<hbm>>
      %dma_start3A_328 = arith.constant 0 : i32
      %dma_start3A_329 = tpu.memref_slice %arg8[%dma_start3A_328] : memref<160xi32, #tpu.memory_space<vmem>> -> memref<80xi32, #tpu.memory_space<vmem>>
      %dma_start3A_330 = tpu.memref_slice %arg3[%add3A_276] : memref<320000xi32, #tpu.memory_space<hbm>> -> memref<80xi32, #tpu.memory_space<hbm>>
      tpu.enqueue_dma source(%dma_start3A_330 : memref<80xi32, #tpu.memory_space<hbm>>) target(%dma_start3A_329 : memref<80xi32, #tpu.memory_space<vmem>>) target_semaphore(%run_scoped3A : memref<!tpu.dma_semaphore, #tpu.memory_space<semaphore_mem>>)
      %dma_wait3A_331 = arith.constant 0 : i32
      %dma_wait3A_332 = tpu.memref_slice %arg8[%dma_wait3A_331] : memref<160xi32, #tpu.memory_space<vmem>> -> memref<80xi32, #tpu.memory_space<vmem>>
      %dma_wait3A_333 = tpu.memref_slice %arg3[%add3A_276] : memref<320000xi32, #tpu.memory_space<hbm>> -> memref<80xi32, #tpu.memory_space<hbm>>
      %dma_wait3A_334 = arith.constant 0 : i32
      %dma_wait3A_335 = tpu.memref_slice %arg8[%dma_wait3A_334] : memref<160xi32, #tpu.memory_space<vmem>> -> memref<80xi32, #tpu.memory_space<vmem>>
      %dma_wait3A_336 = tpu.memref_slice %arg3[%add3A_276] : memref<320000xi32, #tpu.memory_space<hbm>> -> memref<80xi32, #tpu.memory_space<hbm>>
      tpu.wait_dma2 semaphore(%run_scoped3A : memref<!tpu.dma_semaphore, #tpu.memory_space<semaphore_mem>>) src(%dma_wait3A_336 : memref<80xi32, #tpu.memory_space<hbm>>) dst(%dma_wait3A_335 : memref<80xi32, #tpu.memory_space<vmem>>)
      tpu.yield
    }) : () -> ()
    "tpu.region"() ({
      %run_scoped3A = tpu.sem_alloc : memref<!tpu.dma_semaphore, #tpu.memory_space<semaphore_mem>>
      %dma_start3A_325 = arith.constant 0 : i32
      %dma_start3A_326 = tpu.memref_slice %arg12[%dma_start3A_325] : memref<160xi32, #tpu.memory_space<vmem>> -> memref<80xi32, #tpu.memory_space<vmem>>
      %dma_start3A_327 = tpu.memref_slice %arg4[%add3A_276] : memref<320000xi32, #tpu.memory_space<hbm>> -> memref<80xi32, #tpu.memory_space<hbm>>
      %dma_start3A_328 = arith.constant 0 : i32
      %dma_start3A_329 = tpu.memref_slice %arg12[%dma_start3A_328] : memref<160xi32, #tpu.memory_space<vmem>> -> memref<80xi32, #tpu.memory_space<vmem>>
      %dma_start3A_330 = tpu.memref_slice %arg4[%add3A_276] : memref<320000xi32, #tpu.memory_space<hbm>> -> memref<80xi32, #tpu.memory_space<hbm>>
      tpu.enqueue_dma source(%dma_start3A_330 : memref<80xi32, #tpu.memory_space<hbm>>) target(%dma_start3A_329 : memref<80xi32, #tpu.memory_space<vmem>>) target_semaphore(%run_scoped3A : memref<!tpu.dma_semaphore, #tpu.memory_space<semaphore_mem>>)
      %dma_wait3A_331 = arith.constant 0 : i32
      %dma_wait3A_332 = tpu.memref_slice %arg12[%dma_wait3A_331] : memref<160xi32, #tpu.memory_space<vmem>> -> memref<80xi32, #tpu.memory_space<vmem>>
      %dma_wait3A_333 = tpu.memref_slice %arg4[%add3A_276] : memref<320000xi32, #tpu.memory_space<hbm>> -> memref<80xi32, #tpu.memory_space<hbm>>
      %dma_wait3A_334 = arith.constant 0 : i32
      %dma_wait3A_335 = tpu.memref_slice %arg12[%dma_wait3A_334] : memref<160xi32, #tpu.memory_space<vmem>> -> memref<80xi32, #tpu.memory_space<vmem>>
      %dma_wait3A_336 = tpu.memref_slice %arg4[%add3A_276] : memref<320000xi32, #tpu.memory_space<hbm>> -> memref<80xi32, #tpu.memory_space<hbm>>
      tpu.wait_dma2 semaphore(%run_scoped3A : memref<!tpu.dma_semaphore, #tpu.memory_space<semaphore_mem>>) src(%dma_wait3A_336 : memref<80xi32, #tpu.memory_space<hbm>>) dst(%dma_wait3A_335 : memref<80xi32, #tpu.memory_space<vmem>>)
      tpu.yield
    }) : () -> ()
    %dma_start3A_277 = arith.constant 0 : i32
    %dma_start3A_278 = arith.constant 0 : i32
    %dma_start3A_279 = arith.constant 0 : i32
    %dma_start3A_280 = tpu.memref_slice %arg16[%dma_start3A_277, %dma_start3A_278, %dma_start3A_279] : memref<2x80x128xf32, #tpu.memory_space<vmem>> -> memref<1x80x128xf32, #tpu.memory_space<vmem>>
    %dma_start3A_281 = tpu.memref_squeeze %dma_start3A_280 : memref<1x80x128xf32, #tpu.memory_space<vmem>> -> memref<80x128xf32, #tpu.memory_space<vmem>>
    %dma_start3A_282 = arith.constant 0 : i32
    %dma_start3A_283 = tpu.memref_slice %arg8[%dma_start3A_282] : memref<160xi32, #tpu.memory_space<vmem>> -> memref<80xi32, #tpu.memory_space<vmem>>
    %dma_start3A_284 = arith.constant 0 : i32
    %dma_start3A_285 = arith.constant 0 : i32
    %dma_start3A_286 = tpu.memref_slice %arg2[%dma_start3A_284, %dma_start3A_285] : memref<10000x128xf32, #tpu.memory_space<hbm>> -> memref<10000x128xf32, #tpu.memory_space<hbm>>
    tpu.enqueue_indirect_dma source(%dma_start3A_286 : memref<10000x128xf32, #tpu.memory_space<hbm>>) target(%dma_start3A_281 : memref<80x128xf32, #tpu.memory_space<vmem>>) offsets(%dma_start3A_283 : memref<80xi32, #tpu.memory_space<vmem>>) semaphore(%arg24 : memref<!tpu.dma_semaphore, #tpu.memory_space<semaphore_mem>>)
    %dma_wait3A_287 = arith.constant 0 : i32
    %dma_wait3A_288 = arith.constant 0 : i32
    %dma_wait3A_289 = arith.constant 0 : i32
    %dma_wait3A_290 = tpu.memref_slice %arg16[%dma_wait3A_287, %dma_wait3A_288, %dma_wait3A_289] : memref<2x80x128xf32, #tpu.memory_space<vmem>> -> memref<1x80x128xf32, #tpu.memory_space<vmem>>
    %dma_wait3A_291 = tpu.memref_squeeze %dma_wait3A_290 : memref<1x80x128xf32, #tpu.memory_space<vmem>> -> memref<80x128xf32, #tpu.memory_space<vmem>>
    %dma_wait3A_292 = arith.constant 0 : i32
    %dma_wait3A_293 = tpu.memref_slice %arg8[%dma_wait3A_292] : memref<160xi32, #tpu.memory_space<vmem>> -> memref<80xi32, #tpu.memory_space<vmem>>
    %dma_wait3A_294 = arith.constant 0 : i32
    %dma_wait3A_295 = arith.constant 0 : i32
    %dma_wait3A_296 = tpu.memref_slice %arg2[%dma_wait3A_294, %dma_wait3A_295] : memref<10000x128xf32, #tpu.memory_space<hbm>> -> memref<10000x128xf32, #tpu.memory_space<hbm>>
    tpu.wait_indirect_dma semaphore(%arg24 : memref<!tpu.dma_semaphore, #tpu.memory_space<semaphore_mem>>) src(%dma_wait3A_296 : memref<10000x128xf32, #tpu.memory_space<hbm>>) dst(%dma_wait3A_291 : memref<80x128xf32, #tpu.memory_space<vmem>>)
    %dma_start3A_297 = arith.constant 0 : i32
    %dma_start3A_298 = arith.constant 0 : i32
    %dma_start3A_299 = arith.constant 0 : i32
    %dma_start3A_300 = tpu.memref_slice %arg16[%dma_start3A_297, %dma_start3A_298, %dma_start3A_299] : memref<2x80x128xf32, #tpu.memory_space<vmem>> -> memref<1x80x128xf32, #tpu.memory_space<vmem>>
    %dma_start3A_301 = tpu.memref_squeeze %dma_start3A_300 : memref<1x80x128xf32, #tpu.memory_space<vmem>> -> memref<80x128xf32, #tpu.memory_space<vmem>>
    %dma_start3A_302 = arith.constant 0 : i32
    %dma_start3A_303 = tpu.memref_slice %arg12[%dma_start3A_302] : memref<160xi32, #tpu.memory_space<vmem>> -> memref<80xi32, #tpu.memory_space<vmem>>
    %dma_start3A_304 = arith.constant 0 : i32
    %dma_start3A_305 = arith.constant 0 : i32
    %dma_start3A_306 = tpu.memref_slice %arg7[%dma_start3A_304, %dma_start3A_305] : memref<10240x128xf32, #tpu.memory_space<vmem_shared>> -> memref<10240x128xf32, #tpu.memory_space<vmem_shared>>
    tpu.enqueue_indirect_dma source(%dma_start3A_301 : memref<80x128xf32, #tpu.memory_space<vmem>>) target(%dma_start3A_306 : memref<10240x128xf32, #tpu.memory_space<vmem_shared>>) offsets(%dma_start3A_303 : memref<80xi32, #tpu.memory_space<vmem>>) semaphore(%arg22 : memref<!tpu.dma_semaphore, #tpu.memory_space<semaphore_mem>>) {add = true}
    %dma_wait3A_307 = arith.constant 0 : i32
    %dma_wait3A_308 = arith.constant 0 : i32
    %dma_wait3A_309 = arith.constant 0 : i32
    %dma_wait3A_310 = tpu.memref_slice %arg16[%dma_wait3A_307, %dma_wait3A_308, %dma_wait3A_309] : memref<2x80x128xf32, #tpu.memory_space<vmem>> -> memref<1x80x128xf32, #tpu.memory_space<vmem>>
    %dma_wait3A_311 = tpu.memref_squeeze %dma_wait3A_310 : memref<1x80x128xf32, #tpu.memory_space<vmem>> -> memref<80x128xf32, #tpu.memory_space<vmem>>
    %dma_wait3A_312 = arith.constant 0 : i32
    %dma_wait3A_313 = tpu.memref_slice %arg12[%dma_wait3A_312] : memref<160xi32, #tpu.memory_space<vmem>> -> memref<80xi32, #tpu.memory_space<vmem>>
    %dma_wait3A_314 = arith.constant 0 : i32
    %dma_wait3A_315 = arith.constant 0 : i32
    %dma_wait3A_316 = tpu.memref_slice %arg7[%dma_wait3A_314, %dma_wait3A_315] : memref<10240x128xf32, #tpu.memory_space<vmem_shared>> -> memref<10240x128xf32, #tpu.memory_space<vmem_shared>>
    tpu.wait_indirect_dma semaphore(%arg22 : memref<!tpu.dma_semaphore, #tpu.memory_space<semaphore_mem>>) src(%dma_wait3A_311 : memref<80x128xf32, #tpu.memory_space<vmem>>) dst(%dma_wait3A_316 : memref<10240x128xf32, #tpu.memory_space<vmem_shared>>)
    %barrier3A_317 = arith.constant 0 : index
    tpu.barrier barrier_id(%barrier3A_317)
    %mul3A_318 = arith.constant 640 : i32
    %mul3A_319 = arith.muli %arg1, %mul3A_318 : i32
    %mul3A_320 = arith.constant 10240 : i32
    %mul3A_321 = arith.muli %arg0, %mul3A_320 : i32
    %mul3A_322 = arith.constant 640 : i32
    %mul3A_323 = arith.muli %arg1, %mul3A_322 : i32
    %add3A_324 = arith.addi %mul3A_321, %mul3A_323 : i32
    "tpu.region"() ({
      %run_scoped3A = tpu.sem_alloc : memref<!tpu.dma_semaphore, #tpu.memory_space<semaphore_mem>>
      %dma_start3A_325 = arith.constant 0 : i32
      %dma_start3A_326 = tpu.memref_slice %arg6[%add3A_324, %dma_start3A_325] : memref<20480x128xf32, #tpu.memory_space<hbm>> -> memref<640x128xf32, #tpu.memory_space<hbm>>
      %dma_start3A_327 = arith.constant 0 : i32
      %dma_start3A_328 = tpu.memref_slice %arg7[%mul3A_319, %dma_start3A_327] : memref<10240x128xf32, #tpu.memory_space<vmem_shared>> -> memref<640x128xf32, #tpu.memory_space<vmem_shared>>
      tpu.enqueue_dma source(%dma_start3A_328 : memref<640x128xf32, #tpu.memory_space<vmem_shared>>) target(%dma_start3A_326 : memref<640x128xf32, #tpu.memory_space<hbm>>) target_semaphore(%run_scoped3A : memref<!tpu.dma_semaphore, #tpu.memory_space<semaphore_mem>>)
      %dma_wait3A_329 = arith.constant 0 : i32
      %dma_wait3A_330 = tpu.memref_slice %arg6[%add3A_324, %dma_wait3A_329] : memref<20480x128xf32, #tpu.memory_space<hbm>> -> memref<640x128xf32, #tpu.memory_space<hbm>>
      %dma_wait3A_331 = arith.constant 0 : i32
      %dma_wait3A_332 = tpu.memref_slice %arg7[%mul3A_319, %dma_wait3A_331] : memref<10240x128xf32, #tpu.memory_space<vmem_shared>> -> memref<640x128xf32, #tpu.memory_space<vmem_shared>>
      tpu.wait_dma2 semaphore(%run_scoped3A : memref<!tpu.dma_semaphore, #tpu.memory_space<semaphore_mem>>) src(%dma_wait3A_332 : memref<640x128xf32, #tpu.memory_space<vmem_shared>>) dst(%dma_wait3A_330 : memref<640x128xf32, #tpu.memory_space<hbm>>)
      tpu.yield
    }) : () -> ()
    return
  }
}

module attributes {stable_mosaic.version = 14 : i64} {
  func.func @_k2_body(%arg0: i32, %arg1: memref<2000x1xf32, #tpu.memory_space<vmem>>, %arg2: memref<2000x1xf32, #tpu.memory_space<vmem>>, %arg3: memref<2000x128xf32, #tpu.memory_space<vmem>>, %arg4: memref<128x128xf32, #tpu.memory_space<vmem>>, %arg5: memref<2000x128xf32, #tpu.memory_space<vmem>>, %arg6: memref<2000x1xf32, #tpu.memory_space<vmem>>) attributes {dimension_semantics = [#tpu.dimension_semantics<arbitrary>], iteration_bounds = array<i64: 5>, scalar_prefetch = 0 : i64, scratch_operands = 0 : i64, tpu.core_type = #tpu.core_type<tc>, window_params = [{transform_indices = @transform_0, window_bounds = array<i64: 2000, 1>}, {transform_indices = @transform_1, window_bounds = array<i64: 2000, 1>}, {transform_indices = @transform_2, window_bounds = array<i64: 2000, 128>}, {pipeline_mode = #tpu.pipeline_mode<synchronous>, transform_indices = @transform_3, window_bounds = array<i64: 128, 128>}, {transform_indices = @transform_4, window_bounds = array<i64: 2000, 128>}, {transform_indices = @transform_5, window_bounds = array<i64: 2000, 1>}]} {
    %get3A = arith.constant 0 : index
    %get3A_0 = arith.constant 0 : index
    %get3A_1 = vector.load %arg1[%get3A, %get3A_0] : memref<2000x1xf32, #tpu.memory_space<vmem>>, vector<2000x1xf32>
    %get3A_2 = arith.constant 0 : index
    %get3A_3 = arith.constant 0 : index
    %get3A_4 = vector.load %arg2[%get3A_2, %get3A_3] : memref<2000x1xf32, #tpu.memory_space<vmem>>, vector<2000x1xf32>
    %add3A = arith.addf %get3A_1, %get3A_4 : vector<2000x1xf32>
    %add3A_5 = arith.constant 1.000000e+00 : f32
    %add3A_6 = vector.broadcast %add3A_5 : f32 to vector<2000x1xf32>
    %add3A_7 = arith.addf %add3A, %add3A_6 : vector<2000x1xf32>
    %rsqrt3A = math.rsqrt %add3A_7 : vector<2000x1xf32>
    %get3A_8 = arith.constant 0 : index
    %get3A_9 = arith.constant 0 : index
    %get3A_10 = vector.load %arg3[%get3A_8, %get3A_9] : memref<2000x128xf32, #tpu.memory_space<vmem>>, vector<2000x128xf32>
    %get3A_11 = arith.constant 0 : index
    %get3A_12 = arith.constant 0 : index
    %get3A_13 = vector.load %arg4[%get3A_11, %get3A_12] : memref<128x128xf32, #tpu.memory_space<vmem>>, vector<128x128xf32>
    %dot_general3A = arith.constant dense<0.000000e+00> : vector<2000x128xf32>
    %dot_general3A_14 = tpu.matmul %get3A_10, %get3A_13, %dot_general3A {dimension_numbers = #tpu.dot_dimension_numbers<[1], [0], [0], [1], [0, 0, 1, 1], [], []>, transpose_lhs_hint = false} : vector<2000x128xf32>, vector<128x128xf32>, vector<2000x128xf32> -> vector<2000x128xf32>
    %mul3A = vector.broadcast %rsqrt3A : vector<2000x1xf32> to vector<2000x128xf32>
    %mul3A_15 = arith.mulf %dot_general3A_14, %mul3A : vector<2000x128xf32>
    %swap3A = arith.constant 0 : index
    %swap3A_16 = arith.constant 0 : index
    %swap3A_17 = vector.load %arg5[%swap3A, %swap3A_16] : memref<2000x128xf32, #tpu.memory_space<vmem>>, vector<2000x128xf32>
    tpu.vector_store %arg5[%swap3A, %swap3A_16], %mul3A_15 {strides = array<i32>} : memref<2000x128xf32, #tpu.memory_space<vmem>>, vector<2000x128xf32>,
    %swap3A_18 = arith.constant 0 : index
    %swap3A_19 = arith.constant 0 : index
    %swap3A_20 = vector.load %arg6[%swap3A_18, %swap3A_19] : memref<2000x1xf32, #tpu.memory_space<vmem>>, vector<2000x1xf32>
    tpu.vector_store %arg6[%swap3A_18, %swap3A_19], %rsqrt3A {strides = array<i32>} : memref<2000x1xf32, #tpu.memory_space<vmem>>, vector<2000x1xf32>,
    return
  }
  func.func @transform_0(%arg0: i32) -> (i32, i32) {
    %c0_i32 = arith.constant 0 : i32
    %c0_i32_0 = arith.constant 0 : i32
    return %arg0, %c0_i32 : i32, i32
  }
  func.func @transform_1(%arg0: i32) -> (i32, i32) {
    %c0_i32 = arith.constant 0 : i32
    %c0_i32_0 = arith.constant 0 : i32
    return %arg0, %c0_i32 : i32, i32
  }
  func.func @transform_2(%arg0: i32) -> (i32, i32) {
    %c0_i32 = arith.constant 0 : i32
    %c0_i32_0 = arith.constant 0 : i32
    return %arg0, %c0_i32 : i32, i32
  }
  func.func @transform_3(%arg0: i32) -> (i32, i32) {
    %c0_i32 = arith.constant 0 : i32
    %c0_i32_0 = arith.constant 0 : i32
    %c0_i32_1 = arith.constant 0 : i32
    return %c0_i32, %c0_i32_0 : i32, i32
  }
  func.func @transform_4(%arg0: i32) -> (i32, i32) {
    %c0_i32 = arith.constant 0 : i32
    %c0_i32_0 = arith.constant 0 : i32
    return %arg0, %c0_i32 : i32, i32
  }
  func.func @transform_5(%arg0: i32) -> (i32, i32) {
    %c0_i32 = arith.constant 0 : i32
    %c0_i32_0 = arith.constant 0 : i32
    return %arg0, %c0_i32 : i32, i32
  }
}

module attributes {stable_mosaic.version = 14 : i64} {
  func.func @_k4_body(%arg0: i32, %arg1: memref<2000x128xf32, #tpu.memory_space<vmem>>, %arg2: memref<2000x128xf32, #tpu.memory_space<vmem>>, %arg3: memref<2000x128xf32, #tpu.memory_space<vmem>>, %arg4: memref<2000x1xf32, #tpu.memory_space<vmem>>, %arg5: memref<1x128xf32, #tpu.memory_space<vmem>>, %arg6: memref<128x128xf32, #tpu.memory_space<vmem>>, %arg7: memref<2000x128xf32, #tpu.memory_space<vmem>>) attributes {dimension_semantics = [#tpu.dimension_semantics<arbitrary>], iteration_bounds = array<i64: 5>, scalar_prefetch = 0 : i64, scratch_operands = 0 : i64, tpu.core_type = #tpu.core_type<tc>, window_params = [{transform_indices = @transform_0, window_bounds = array<i64: 2000, 128>}, {transform_indices = @transform_1, window_bounds = array<i64: 2000, 128>}, {transform_indices = @transform_2, window_bounds = array<i64: 2000, 128>}, {transform_indices = @transform_3, window_bounds = array<i64: 2000, 1>}, {pipeline_mode = #tpu.pipeline_mode<synchronous>, transform_indices = @transform_4, window_bounds = array<i64: 1, 128>}, {pipeline_mode = #tpu.pipeline_mode<synchronous>, transform_indices = @transform_5, window_bounds = array<i64: 128, 128>}, {transform_indices = @transform_6, window_bounds = array<i64: 2000, 128>}]} {
    %get3A = arith.constant 0 : index
    %get3A_0 = arith.constant 0 : index
    %get3A_1 = vector.load %arg4[%get3A, %get3A_0] : memref<2000x1xf32, #tpu.memory_space<vmem>>, vector<2000x1xf32>
    %get3A_2 = arith.constant 0 : index
    %get3A_3 = arith.constant 0 : index
    %get3A_4 = vector.load %arg1[%get3A_2, %get3A_3] : memref<2000x128xf32, #tpu.memory_space<vmem>>, vector<2000x128xf32>
    %get3A_5 = arith.constant 0 : index
    %get3A_6 = arith.constant 0 : index
    %get3A_7 = vector.load %arg2[%get3A_5, %get3A_6] : memref<2000x128xf32, #tpu.memory_space<vmem>>, vector<2000x128xf32>
    %add3A = arith.addf %get3A_4, %get3A_7 : vector<2000x128xf32>
    %get3A_8 = arith.constant 0 : index
    %get3A_9 = arith.constant 0 : index
    %get3A_10 = vector.load %arg3[%get3A_8, %get3A_9] : memref<2000x128xf32, #tpu.memory_space<vmem>>, vector<2000x128xf32>
    %add3A_11 = arith.addf %add3A, %get3A_10 : vector<2000x128xf32>
    %mul3A = vector.broadcast %get3A_1 : vector<2000x1xf32> to vector<2000x128xf32>
    %mul3A_12 = arith.mulf %mul3A, %add3A_11 : vector<2000x128xf32>
    %get3A_13 = arith.constant 0 : index
    %get3A_14 = arith.constant 0 : index
    %get3A_15 = vector.load %arg5[%get3A_13, %get3A_14] : memref<1x128xf32, #tpu.memory_space<vmem>>, vector<1x128xf32>
    %add3A_16 = vector.broadcast %get3A_15 : vector<1x128xf32> to vector<2000x128xf32>
    %add3A_17 = arith.addf %mul3A_12, %add3A_16 : vector<2000x128xf32>
    %max3A = arith.constant 0.000000e+00 : f32
    %max3A_18 = vector.broadcast %max3A : f32 to vector<2000x128xf32>
    %max3A_19 = arith.maximumf %add3A_17, %max3A_18 : vector<2000x128xf32>
    %get3A_20 = arith.constant 0 : index
    %get3A_21 = arith.constant 0 : index
    %get3A_22 = vector.load %arg6[%get3A_20, %get3A_21] : memref<128x128xf32, #tpu.memory_space<vmem>>, vector<128x128xf32>
    %dot_general3A = arith.constant dense<0.000000e+00> : vector<2000x128xf32>
    %dot_general3A_23 = tpu.matmul %max3A_19, %get3A_22, %dot_general3A {dimension_numbers = #tpu.dot_dimension_numbers<[1], [0], [0], [1], [0, 0, 1, 1], [], []>, transpose_lhs_hint = false} : vector<2000x128xf32>, vector<128x128xf32>, vector<2000x128xf32> -> vector<2000x128xf32>
    %mul3A_24 = vector.broadcast %get3A_1 : vector<2000x1xf32> to vector<2000x128xf32>
    %mul3A_25 = arith.mulf %dot_general3A_23, %mul3A_24 : vector<2000x128xf32>
    %swap3A = arith.constant 0 : index
    %swap3A_26 = arith.constant 0 : index
    %swap3A_27 = vector.load %arg7[%swap3A, %swap3A_26] : memref<2000x128xf32, #tpu.memory_space<vmem>>, vector<2000x128xf32>
    tpu.vector_store %arg7[%swap3A, %swap3A_26], %mul3A_25 {strides = array<i32>} : memref<2000x128xf32, #tpu.memory_space<vmem>>, vector<2000x128xf32>,
    return
  }
  func.func @transform_0(%arg0: i32) -> (i32, i32) {
    %c0_i32 = arith.constant 0 : i32
    %c0_i32_0 = arith.constant 0 : i32
    return %arg0, %c0_i32 : i32, i32
  }
  func.func @transform_1(%arg0: i32) -> (i32, i32) {
    %c0_i32 = arith.constant 0 : i32
    %c0_i32_0 = arith.constant 0 : i32
    return %arg0, %c0_i32 : i32, i32
  }
  func.func @transform_2(%arg0: i32) -> (i32, i32) {
    %c0_i32 = arith.constant 0 : i32
    %c0_i32_0 = arith.constant 0 : i32
    return %arg0, %c0_i32 : i32, i32
  }
  func.func @transform_3(%arg0: i32) -> (i32, i32) {
    %c0_i32 = arith.constant 0 : i32
    %c0_i32_0 = arith.constant 0 : i32
    return %arg0, %c0_i32 : i32, i32
  }
  func.func @transform_4(%arg0: i32) -> (i32, i32) {
    %c0_i32 = arith.constant 0 : i32
    %c0_i32_0 = arith.constant 0 : i32
    %c0_i32_1 = arith.constant 0 : i32
    return %c0_i32, %c0_i32_0 : i32, i32
  }
  func.func @transform_5(%arg0: i32) -> (i32, i32) {
    %c0_i32 = arith.constant 0 : i32
    %c0_i32_0 = arith.constant 0 : i32
    %c0_i32_1 = arith.constant 0 : i32
    return %c0_i32, %c0_i32_0 : i32, i32
  }
  func.func @transform_6(%arg0: i32) -> (i32, i32) {
    %c0_i32 = arith.constant 0 : i32
    %c0_i32_0 = arith.constant 0 : i32
    return %arg0, %c0_i32 : i32, i32
  }
}

module attributes {stable_mosaic.version = 14 : i64} {
  func.func @_k6_body(%arg0: i32, %arg1: memref<2000x128xf32, #tpu.memory_space<vmem>>, %arg2: memref<2000x128xf32, #tpu.memory_space<vmem>>, %arg3: memref<2000x128xf32, #tpu.memory_space<vmem>>, %arg4: memref<2000x1xf32, #tpu.memory_space<vmem>>, %arg5: memref<1x128xf32, #tpu.memory_space<vmem>>, %arg6: memref<128x128xf32, #tpu.memory_space<vmem>>, %arg7: memref<1x128xf32, #tpu.memory_space<vmem>>, %arg8: memref<128x40xf32, #tpu.memory_space<vmem>>, %arg9: memref<1x40xf32, #tpu.memory_space<vmem>>, %arg10: memref<2000x40xf32, #tpu.memory_space<vmem>>, %arg11: memref<2000x128xf32, #tpu.memory_space<vmem>>) attributes {dimension_semantics = [#tpu.dimension_semantics<arbitrary>], iteration_bounds = array<i64: 5>, scalar_prefetch = 0 : i64, scratch_operands = 0 : i64, tpu.core_type = #tpu.core_type<tc>, window_params = [{transform_indices = @transform_0, window_bounds = array<i64: 2000, 128>}, {transform_indices = @transform_1, window_bounds = array<i64: 2000, 128>}, {transform_indices = @transform_2, window_bounds = array<i64: 2000, 128>}, {transform_indices = @transform_3, window_bounds = array<i64: 2000, 1>}, {pipeline_mode = #tpu.pipeline_mode<synchronous>, transform_indices = @transform_4, window_bounds = array<i64: 1, 128>}, {pipeline_mode = #tpu.pipeline_mode<synchronous>, transform_indices = @transform_5, window_bounds = array<i64: 128, 128>}, {pipeline_mode = #tpu.pipeline_mode<synchronous>, transform_indices = @transform_6, window_bounds = array<i64: 1, 128>}, {pipeline_mode = #tpu.pipeline_mode<synchronous>, transform_indices = @transform_7, window_bounds = array<i64: 128, 40>}, {pipeline_mode = #tpu.pipeline_mode<synchronous>, transform_indices = @transform_8, window_bounds = array<i64: 1, 40>}, {transform_indices = @transform_9, window_bounds = array<i64: 2000, 40>}, {transform_indices = @transform_10, window_bounds = array<i64: 2000, 128>}]} {
    %get3A = arith.constant 0 : index
    %get3A_0 = arith.constant 0 : index
    %get3A_1 = vector.load %arg4[%get3A, %get3A_0] : memref<2000x1xf32, #tpu.memory_space<vmem>>, vector<2000x1xf32>
    %get3A_2 = arith.constant 0 : index
    %get3A_3 = arith.constant 0 : index
    %get3A_4 = vector.load %arg1[%get3A_2, %get3A_3] : memref<2000x128xf32, #tpu.memory_space<vmem>>, vector<2000x128xf32>
    %get3A_5 = arith.constant 0 : index
    %get3A_6 = arith.constant 0 : index
    %get3A_7 = vector.load %arg2[%get3A_5, %get3A_6] : memref<2000x128xf32, #tpu.memory_space<vmem>>, vector<2000x128xf32>
    %add3A = arith.addf %get3A_4, %get3A_7 : vector<2000x128xf32>
    %get3A_8 = arith.constant 0 : index
    %get3A_9 = arith.constant 0 : index
    %get3A_10 = vector.load %arg3[%get3A_8, %get3A_9] : memref<2000x128xf32, #tpu.memory_space<vmem>>, vector<2000x128xf32>
    %add3A_11 = arith.addf %add3A, %get3A_10 : vector<2000x128xf32>
    %mul3A = vector.broadcast %get3A_1 : vector<2000x1xf32> to vector<2000x128xf32>
    %mul3A_12 = arith.mulf %mul3A, %add3A_11 : vector<2000x128xf32>
    %get3A_13 = arith.constant 0 : index
    %get3A_14 = arith.constant 0 : index
    %get3A_15 = vector.load %arg5[%get3A_13, %get3A_14] : memref<1x128xf32, #tpu.memory_space<vmem>>, vector<1x128xf32>
    %add3A_16 = vector.broadcast %get3A_15 : vector<1x128xf32> to vector<2000x128xf32>
    %add3A_17 = arith.addf %mul3A_12, %add3A_16 : vector<2000x128xf32>
    %swap3A = arith.constant 0 : index
    %swap3A_18 = arith.constant 0 : index
    %swap3A_19 = vector.load %arg11[%swap3A, %swap3A_18] : memref<2000x128xf32, #tpu.memory_space<vmem>>, vector<2000x128xf32>
    tpu.vector_store %arg11[%swap3A, %swap3A_18], %add3A_17 {strides = array<i32>} : memref<2000x128xf32, #tpu.memory_space<vmem>>, vector<2000x128xf32>,
    %get3A_20 = arith.constant 0 : index
    %get3A_21 = arith.constant 0 : index
    %get3A_22 = vector.load %arg6[%get3A_20, %get3A_21] : memref<128x128xf32, #tpu.memory_space<vmem>>, vector<128x128xf32>
    %dot_general3A = arith.constant dense<0.000000e+00> : vector<2000x128xf32>
    %dot_general3A_23 = tpu.matmul %add3A_17, %get3A_22, %dot_general3A {dimension_numbers = #tpu.dot_dimension_numbers<[1], [0], [0], [1], [0, 0, 1, 1], [], []>, transpose_lhs_hint = false} : vector<2000x128xf32>, vector<128x128xf32>, vector<2000x128xf32> -> vector<2000x128xf32>
    %get3A_24 = arith.constant 0 : index
    %get3A_25 = arith.constant 0 : index
    %get3A_26 = vector.load %arg7[%get3A_24, %get3A_25] : memref<1x128xf32, #tpu.memory_space<vmem>>, vector<1x128xf32>
    %add3A_27 = vector.broadcast %get3A_26 : vector<1x128xf32> to vector<2000x128xf32>
    %add3A_28 = arith.addf %dot_general3A_23, %add3A_27 : vector<2000x128xf32>
    %max3A = arith.constant 0.000000e+00 : f32
    %max3A_29 = vector.broadcast %max3A : f32 to vector<2000x128xf32>
    %max3A_30 = arith.maximumf %add3A_28, %max3A_29 : vector<2000x128xf32>
    %get3A_31 = arith.constant 0 : index
    %get3A_32 = arith.constant 0 : index
    %get3A_33 = vector.load %arg8[%get3A_31, %get3A_32] : memref<128x40xf32, #tpu.memory_space<vmem>>, vector<128x40xf32>
    %dot_general3A_34 = arith.constant dense<0.000000e+00> : vector<2000x40xf32>
    %dot_general3A_35 = tpu.matmul %max3A_30, %get3A_33, %dot_general3A_34 {dimension_numbers = #tpu.dot_dimension_numbers<[1], [0], [0], [1], [0, 0, 1, 1], [], []>, transpose_lhs_hint = false} : vector<2000x128xf32>, vector<128x40xf32>, vector<2000x40xf32> -> vector<2000x40xf32>
    %get3A_36 = arith.constant 0 : index
    %get3A_37 = arith.constant 0 : index
    %get3A_38 = vector.load %arg9[%get3A_36, %get3A_37] : memref<1x40xf32, #tpu.memory_space<vmem>>, vector<1x40xf32>
    %add3A_39 = vector.broadcast %get3A_38 : vector<1x40xf32> to vector<2000x40xf32>
    %add3A_40 = arith.addf %dot_general3A_35, %add3A_39 : vector<2000x40xf32>
    %reduce_max3A = arith.constant dense<0xFF800000> : vector<2000xf32>
    %reduce_max3A_41 = vector.multi_reduction <maximumf>, %add3A_40, %reduce_max3A [1] : vector<2000x40xf32> to vector<2000xf32>
    %broadcast_in_dim3A = vector.shape_cast %reduce_max3A_41 : vector<2000xf32> to vector<2000x1xf32>
    %sub3A = vector.broadcast %broadcast_in_dim3A : vector<2000x1xf32> to vector<2000x40xf32>
    %sub3A_42 = arith.subf %add3A_40, %sub3A : vector<2000x40xf32>
    %exp3A = math.exp %sub3A_42 : vector<2000x40xf32>
    %reduce_sum3A = arith.constant dense<0.000000e+00> : vector<2000xf32>
    %reduce_sum3A_43 = vector.multi_reduction <add>, %exp3A, %reduce_sum3A [1] : vector<2000x40xf32> to vector<2000xf32>
    %broadcast_in_dim3A_44 = vector.shape_cast %reduce_sum3A_43 : vector<2000xf32> to vector<2000x1xf32>
    %log3A = math.log %broadcast_in_dim3A_44 : vector<2000x1xf32>
    %add3A_45 = arith.addf %log3A, %broadcast_in_dim3A : vector<2000x1xf32>
    %sub3A_46 = vector.broadcast %add3A_45 : vector<2000x1xf32> to vector<2000x40xf32>
    %sub3A_47 = arith.subf %add3A_40, %sub3A_46 : vector<2000x40xf32>
    %swap3A_48 = arith.constant 0 : index
    %swap3A_49 = arith.constant 0 : index
    %swap3A_50 = vector.load %arg10[%swap3A_48, %swap3A_49] : memref<2000x40xf32, #tpu.memory_space<vmem>>, vector<2000x40xf32>
    tpu.vector_store %arg10[%swap3A_48, %swap3A_49], %sub3A_47 {strides = array<i32>} : memref<2000x40xf32, #tpu.memory_space<vmem>>, vector<2000x40xf32>,
    return
  }
  func.func @transform_0(%arg0: i32) -> (i32, i32) {
    %c0_i32 = arith.constant 0 : i32
    %c0_i32_0 = arith.constant 0 : i32
    return %arg0, %c0_i32 : i32, i32
  }
  func.func @transform_1(%arg0: i32) -> (i32, i32) {
    %c0_i32 = arith.constant 0 : i32
    %c0_i32_0 = arith.constant 0 : i32
    return %arg0, %c0_i32 : i32, i32
  }
  func.func @transform_2(%arg0: i32) -> (i32, i32) {
    %c0_i32 = arith.constant 0 : i32
    %c0_i32_0 = arith.constant 0 : i32
    return %arg0, %c0_i32 : i32, i32
  }
  func.func @transform_3(%arg0: i32) -> (i32, i32) {
    %c0_i32 = arith.constant 0 : i32
    %c0_i32_0 = arith.constant 0 : i32
    return %arg0, %c0_i32 : i32, i32
  }
  func.func @transform_4(%arg0: i32) -> (i32, i32) {
    %c0_i32 = arith.constant 0 : i32
    %c0_i32_0 = arith.constant 0 : i32
    %c0_i32_1 = arith.constant 0 : i32
    return %c0_i32, %c0_i32_0 : i32, i32
  }
  func.func @transform_5(%arg0: i32) -> (i32, i32) {
    %c0_i32 = arith.constant 0 : i32
    %c0_i32_0 = arith.constant 0 : i32
    %c0_i32_1 = arith.constant 0 : i32
    return %c0_i32, %c0_i32_0 : i32, i32
  }
  func.func @transform_6(%arg0: i32) -> (i32, i32) {
    %c0_i32 = arith.constant 0 : i32
    %c0_i32_0 = arith.constant 0 : i32
    %c0_i32_1 = arith.constant 0 : i32
    return %c0_i32, %c0_i32_0 : i32, i32
  }
  func.func @transform_7(%arg0: i32) -> (i32, i32) {
    %c0_i32 = arith.constant 0 : i32
    %c0_i32_0 = arith.constant 0 : i32
    %c0_i32_1 = arith.constant 0 : i32
    return %c0_i32, %c0_i32_0 : i32, i32
  }
  func.func @transform_8(%arg0: i32) -> (i32, i32) {
    %c0_i32 = arith.constant 0 : i32
    %c0_i32_0 = arith.constant 0 : i32
    %c0_i32_1 = arith.constant 0 : i32
    return %c0_i32, %c0_i32_0 : i32, i32
  }
  func.func @transform_9(%arg0: i32) -> (i32, i32) {
    %c0_i32 = arith.constant 0 : i32
    %c0_i32_0 = arith.constant 0 : i32
    return %arg0, %c0_i32 : i32, i32
  }
  func.func @transform_10(%arg0: i32) -> (i32, i32) {
    %c0_i32 = arith.constant 0 : i32
    %c0_i32_0 = arith.constant 0 : i32
    return %arg0, %c0_i32 : i32, i32
  }
}

</mosaic_0001>

<sc_bundles>
// kernel: kernel.11.cloned.1.call-start
scs
__scs_entry_jumppad:
0x0: {  	(pc) =	sbr.rel $0x88, $3  }
0x1: {  	(tag) =	ssettag $0x0;
	lr =	simm.s32 $0x1  }
0x2: {  	[smem:$0x3F97] =	sst lr;
	_ =	strace $0xD0000000  }
0x3: {  	_ = 	snop  }
0x4: {  	_ = 	snop  }
0x5: {  	_ = 	snop  }
0x6: {  	_ = 	snop  }
0x7: {  	_ = 	snop  }
__scs_overlays_trampoline_lowered:
0x8: {  	[smem:$0x3FA6] =	sst s0  }
0x9: {  	[smem:$0x3FA7] =	sst s1  }
0xa: {  	[smem:$0x3FA8] =	sst s2  }
0xb: {  	[smem:$0x3FA9] =	sst s3  }
0xc: {  	[smem:$0x3FAA] =	sst s4  }
0xd: {  	[smem:$0x3FAB] =	sst s5  }
0xe: {  	[smem:$0x3FAC] =	sst s6  }
0xf: {  	[smem:$0x3FAD] =	sst s7  }
0x10: {  	[smem:$0x3FAE] =	sst s8  }
0x11: {  	[smem:$0x3FAF] =	sst s9;
	s0 =	simm.s32 @!p0 $0x0  }
0x12: {  	s1 =	sld [smem:$0x3F95];
	s0 =	simm.s32 @p0 $0x1  }
0x13: {  	[smem:$0x3FB0] =	sst s0;
	s0 =	simm.s32 @!p1 $0x0  }
0x14: {  	s2 =	sld [smem:$0x3F94];
	s0 =	simm.s32 @p1 $0x1  }
0x15: {  	[smem:$0x3FB1] =	sst s0;
	s0 =	simm.s32 @!p2 $0x0  }
0x16: {  	s3 =	sld [smem:$0x3FDB];
	s0 =	simm.s32 @p2 $0x1  }
0x17: {  	s4 =	simm.s32 $0x1BF5;
	[smem:$0x3FB3] =	sst s0  }
0x18: {  	s0 =	sld [smem:$0x3F96];
	_ =	swait.ge [sflag:s4], $0x0  }
0x19: {  	s7 =	sld [smem:$0x3F97]  }
0x1a: {  	s8 =	sadd.s32 $0xFFFFE003, lr  }
0x1b: {  	s9 =	sadd.s32 $0xFFFFFEF7, lr;
	s5 =	simm.s32 $0xFFFFFFFF;
	p2 =	slt.u32 s8, $0xFFFFF086  }
0x1c: {  	p1 =	slt.u32 s9, $0xF7A;
	s5 =	simm.s32 @!p2 $0x0  }
0x1d: {  	s5 =	simm.s32 @p1 $0x1;
	p0 =	seq.s32 s7, s2  }
0x1e: {  	s7 =	smul.u32 @!p0 $0xF7A, s2;
	p2 =	seq.s32 @!p0 s5, $0x0  }
0x1f: {  	s9 =	smul.u32 $0xF7A, s1;
	s8 =	simm.s32 @!p0 $0x1BF5;
	p2 =	por !p2, p0  }
0x20: {  	[sflag:s8] =	ssyncset.s32 @!p0 $0xFFFFF086;
	s6 =	sadd.s32 @!p0 s3, s7;
	s7 =	simm.s32 @!p0 $0x108  }
0x21: {  	s3 =	sadd.s32 s3, s9;
	s6 =	sadd.s32 @!p0 $0x88, s6;
	s7 =	simm.s32 @p2 $0x1082  }
0x22: {  	[simem:s7], [sflag:s8] =	dma.local @!p0 [hbm:s6], $0xF7A  }
0x23: {  	s9 =	sor.u32 $0xD0000000, s2;
	s6 =	simm.s32 $0x108;
	_ =	swait.ge @!p0 [sflag:s8], $0x0  }
0x24: {  	s3 =	sadd.s32 $0x88, s3;
	s6 =	simm.s32 @!p1 $0x1082;
	[sflag:s4] =	ssyncset.s32 $0xFFFFF086  }
0x25: {  	[simem:s6], [sflag:s4] =	dma.local [hbm:s3], $0xF7A  }
0x26: {  	[smem:$0x3F97] =	sst s1;
	(tag) =	ssettag s2;
	_ =	strace s9  }
0x27: {  	s1 =	sld [smem:$0x3FA7]  }
0x28: {  	s2 =	sld [smem:$0x3FA8]  }
0x29: {  	s4 =	sld [smem:$0x3FAA]  }
0x2a: {  	p0 =	seq.s32 s5, $0x0;
	s5 =	sld [smem:$0x3FAB]  }
0x2b: {  	s6 =	sld [smem:$0x3FAC]  }
0x2c: {  	s7 =	sld [smem:$0x3FAD]  }
0x2d: {  	s3 =	simm.s32 $0x108;
	s8 =	sld [smem:$0x3FAE]  }
0x2e: {  	s3 =	simm.s32 @!p0 $0x1082;
	s9 =	sld [smem:$0x3FAF]  }
0x2f: {  	lr =	sadd.s32 s0, s3;
	s0 =	sld [smem:$0x3FA6]  }
0x30: {  	s3 =	sld [smem:$0x3FA9]  }
0x31: {  	[smem:$0x3FB2] =	sst s10  }
0x32: {  	s10 =	sld [smem:$0x3FB0];
	_ =	sdelay $0x3  }
0x33: {  	p0 =	seq.s32 s10, $0x1;
	s10 =	sld [smem:$0x3FB2];
	_ =	sdelay $0x3  }
0x34: {  	[smem:$0x3FB2] =	sst s10  }
0x35: {  	s10 =	sld [smem:$0x3FB1];
	_ =	sdelay $0x3  }
0x36: {  	p1 =	seq.s32 s10, $0x1;
	s10 =	sld [smem:$0x3FB2];
	_ =	sdelay $0x3  }
0x37: {  	[smem:$0x3FB2] =	sst s10  }
0x38: {  	s10 =	sld [smem:$0x3FB3]  }
0x39: {  	_ = 	snop;
	(pc) =	sbr.ind lr, $3  }
0x3a: {  	_ = 	snop  }
0x3b: {  	_ = 	snop  }
0x3c: {  	p2 =	seq.s32 s10, $0x1;
	s10 =	sld [smem:$0x3FB2]  }
0x3d: {  	_ =	shalt  }
0x3e: {  	_ =	shalt  }
0x3f: {  	_ =	shalt  }
0x40: {  	_ =	shalt  }
0x41: {  	_ =	shalt  }
0x42: {  	_ =	shalt  }
0x43: {  	_ =	shalt  }
0x44: {  	_ =	shalt  }
0x45: {  	_ =	shalt  }
0x46: {  	_ =	shalt  }
0x47: {  	_ =	shalt  }
0x48: {  	_ =	shalt  }
0x49: {  	_ =	shalt  }
0x4a: {  	_ =	shalt  }
0x4b: {  	_ =	shalt  }
0x4c: {  	_ =	shalt  }
0x4d: {  	_ =	shalt  }
0x4e: {  	_ =	shalt  }
0x4f: {  	_ =	shalt  }
0x50: {  	_ =	shalt  }
0x51: {  	_ =	shalt  }
0x52: {  	_ =	shalt  }
0x53: {  	_ =	shalt  }
0x54: {  	_ =	shalt  }
0x55: {  	_ =	shalt  }
0x56: {  	_ =	shalt  }
0x57: {  	_ =	shalt  }
0x58: {  	_ =	shalt  }
0x59: {  	_ =	shalt  }
0x5a: {  	_ =	shalt  }
0x5b: {  	_ =	shalt  }
0x5c: {  	_ =	shalt  }
0x5d: {  	_ =	shalt  }
0x5e: {  	_ =	shalt  }
0x5f: {  	_ =	shalt  }
0x60: {  	_ =	shalt  }
0x61: {  	_ =	shalt  }
0x62: {  	_ =	shalt  }
0x63: {  	_ =	shalt  }
0x64: {  	_ =	shalt  }
0x65: {  	_ =	shalt  }
0x66: {  	_ =	shalt  }
0x67: {  	_ =	shalt  }
0x68: {  	_ =	shalt  }
0x69: {  	_ =	shalt  }
0x6a: {  	_ =	shalt  }
0x6b: {  	_ =	shalt  }
0x6c: {  	_ =	shalt  }
0x6d: {  	_ =	shalt  }
0x6e: {  	_ =	shalt  }
0x6f: {  	_ =	shalt  }
0x70: {  	_ =	shalt  }
0x71: {  	_ =	shalt  }
0x72: {  	_ =	shalt  }
0x73: {  	_ =	shalt  }
0x74: {  	_ =	shalt  }
0x75: {  	_ =	shalt  }
0x76: {  	_ =	shalt  }
0x77: {  	_ =	shalt  }
0x78: {  	_ =	shalt  }
0x79: {  	_ =	shalt  }
0x7a: {  	_ =	shalt  }
0x7b: {  	_ =	shalt  }
0x7c: {  	_ =	shalt  }
0x7d: {  	_ =	shalt  }
0x7e: {  	_ =	shalt  }
0x7f: {  	_ =	shalt  }
0x80: {  	_ =	shalt  }
0x81: {  	_ =	shalt  }
0x82: {  	_ =	shalt  }
0x83: {  	_ =	shalt  }
0x84: {  	_ =	shalt  }
0x85: {  	_ =	shalt  }
0x86: {  	_ =	shalt  }
0x87: {  	_ =	shalt  }
.Lfunc_end0:
.L_simem_size_0:
called_computation.1_lowered:
.L_overlay_start_0:
0x88: {  	s2 =	sld [smem:$0x3FD9]  }
0x89: {  	s3 =	sld [smem:$0x3FFE];
	_ =	sdelay $0x1  }
0x8a: {  	s1 =	srdreg.scid  }
0x8b: {  	s0 =	sand.u32 $0x1, s1  }
0x8c: {  	s14 =	sshll.u32 s0, $0xA;
	s2 =	sadd.s32 s3, s2  }
0x8d: {  	s2 =	sadd.s32 s2, s14  }
0x8e: {  	[smem:$0x3FBE] =	sst s2  }
0x8f: {  	_ = 	snop  }
0x90: {  	s2 =	sld [smem:$0x3FD0];
	_ =	sdelay $0x2  }
0x91: {  	s15 =	simm.s32 $0xA;
	s4 =	simm.s32 $0x10  }
0x92: {  	[smem:s4], [sflag:s15] =	dma.local [hbm:s2], $0x1  }
0x93: {  	_ =	swait.eq [sflag:s15], $0x1  }
0x94: {  	s16 =	sld [smem:$0x10];
	[sflag:s15] =	ssyncset.done $0x0  }
0x95: {  	s17 =	sld [smem:$0x11];
	[sflag:s15] =	ssyncadd.s32 $0xFFFFFFFF  }
0x96: {  	s18 =	sld [smem:$0x12];
	(tm) =	ssettm $0x1  }
0x97: {  	s5 =	sld [smem:$0x3FFB];
	_ =	sdelay $0x3  }
0x98: {  	_ =	strace s5  }
0x99: {  	s5 =	sld [smem:$0x3FFC];
	_ =	sdelay $0x3  }
0x9a: {  	_ =	strace s5  }
0x9b: {  	s5 =	sld [smem:$0x3FFD];
	_ =	sdelay $0x3  }
0x9c: {  	_ =	strace s5  }
0x9d: {  	_ =	strace $0x8FFFFFFF  }
0x9e: {  	s19 =	sld [smem:$0x3FDB];
	_ =	sdelay $0x1  }
0x9f: {  	s6 =	simm.s32 $_scs_section_size  }
0xa0: {  	s7 =	simm.s32 $_size__tile_overlayer_lowered;
	s8 =	simm.s32 $_tile_overlayer_lowered  }
0xa1: {  	s22 =	simm.s32 $0x1BFF;
	s21 =	sshll.u32 s8, $0x1;
	s5 =	sadd.s32 s6, s19  }
0xa2: {  	s9 =	simm.s32 $0x0;
	s20 =	sshll.u32 s7, $0x1;
	s7 =	sadd.s32 s21, s5  }
0xa3: {  	[timem:s9], [sflag:s22] =	dma.local [hbm:s7], s20  }
0xa4: {  	_ =	swait.ge [sflag:s22], s20  }
0xa5: {  	s6 =	ssub.s32 $0x0, s20;
	[sflag:s22] =	ssyncset.done $0x0  }
0xa6: {  	[sflag:s22] =	ssyncadd.s32 s6;
	_ =	sdelay $0x1  }
0xa7: {  	s23 =	simm.s32 $0x1B8B  }
0xa8: {  	_ =	swait.ge [sflag:s23], $0x1  }
0xa9: {  	[sflag:s23] =	ssyncset.done $0x0  }
0xaa: {  	s25 =	simm.s32 $0x1B8E;
	s24 =	sld [smem:$0x3FFE];
	[sflag:s23] =	ssyncadd.s32 $0xFFFFFFFF  }
0xab: {  	s26 =	simm.s32 $execute0_lowered;
	[smem:$0x3FD2] =	sst s25  }
0xac: {  	s7 =	sshll.u32 s26, $0x1;
	_ =	strace $0x80000049;
	[dreg:$0x1] =	wrdreg $0xFFFFFFFF  }
0xad: {  	s28 =	simm.s32 $_size_execute0_lowered;
	s5 =	sadd.s32 s5, s7;
	[dreg:$0x0] =	wrdreg $0x0  }
0xae: {  	s7 =	sshll.u32 s28, $0x1;
	[dreg:$0x2] =	wrdreg s5  }
0xaf: {  	[dreg:$0x3] =	wrdreg s7  }
0xb0: {  	[dreg:$0x4] =	wrdreg $0xC0  }
0xb1: {  	_ =	task [dreg:s9], $0x5FFFF  }
0xb2: {  	[dreg:$0x1] =	wrdreg $0xFFFFFFFF  }
0xb3: {  	[dreg:$0x0] =	wrdreg $0x60  }
0xb4: {  	[dreg:$0x2] =	wrdreg s17  }
0xb5: {  	[dreg:$0x3] =	wrdreg s18  }
0xb6: {  	[dreg:$0x4] =	wrdreg s16  }
0xb7: {  	[dreg:$0x5] =	wrdreg s24  }
0xb8: {  	[dreg:$0x6] =	wrdreg $0x0  }
0xb9: {  	[dreg:$0x7] =	wrdreg $0x9  }
0xba: {  	_ =	task.clear_ibuf [dreg:s9], $0x8FFFF;
	_ =	strace $0x90000049  }
0xbb: {  	s29 =	simm.s32 $0x9;
	_ =	strace $0x8000004B  }
0xbc: {  	_ =	swait.ge [sflag:s29], $0x1  }
0xbd: {  	[sflag:s29] =	ssyncadd.s32 $0xFFFFFFFF  }
0xbe: {  	_ =	strace $0x9000004B  }
0xbf: {  	_ =	sfence  }
0xc0: {  	s30 =	sld [smem:$0x0];
	_ =	sdelay $0x2  }
0xc1: {  	s31 =	sshll.u32 s1, $0xD;
	s1 =	sshrl.u32 s1, $0x2  }
0xc2: {  	s3 =	sand.u32 $0x4000, s31;
	s1 =	sadd.s32 s1, s30  }
0xc3: {  	s0 =	sor.u32 s3, s0;
	s1 =	sshll.u32 s1, $0x11  }
0xc4: {  	s0 =	sor.u32 s1, s0  }
0xc5: {  	s0 =	sadd.s32 $0x8F2B, s0  }
0xc6: {  	[sflag:s0] =	ssyncadd.remote.s32 $0x1  }
0xc7: {  	_ =	sfence.sel $0xFFFF  }
0xc8: {  	[dreg:$0x0] =	wrdreg $0xFFFFFFFF;
	(pc) =	sbr.abs _section_cstart, $3  }
0xc9: {  	[dreg:$0x1] =	wrdreg $0xFFFFFFFF  }
0xca: {  	_ =	task.clear_ibuf [dreg:s9], $0x2FFFF;
	_ =	strace $0x9FFFFFFF  }
0xcb: {  	(tm) =	ssettm $0x7FFFFFFF  }
tec
execute0_lowered:
.L_overlay_start_1:
0x0: {  	(tag) =	ssettag $0x1  }
0x1: {  	s1 =	rddreg [dreg:$0x0]  }
0x2: {  	s30 =	rddreg [dreg:$0x1]  }
0x3: {  	s4 =	rddreg [dreg:$0x2]  }
0x4: {  	s0 =	rddreg [dreg:$0x3]  }
0x5: {  	s5 =	rddreg [dreg:$0x4];
	s12 =	stileid.u32  }
0x6: {  	s3 =	srdreg.scid;
	s7 =	smul.u32 $0x2800, s12  }
0x7: {  	s2 =	simm.s32 $0x0;
	s31 =	simm.s32 $0x14300;
	s10 =	smul.u32 $0x50000, s12  }
0x8: {  	s3 =	sand.u32 $0x1, s3;
	[smem:$0x7FF] =	sst s2;
	s19 =	smul.u32 $0x4E20, s12  }
0x9: {  	s23 =	sshll.u32 s12, $0x1;
	s25 =	sshll.u32 s12, $0x6;
	s8 =	smul.u32 $0x28000, s3  }
0xa: {  	_ =	strace $0x8000004A;
	s15 =	sor.u32 $0x1C0B, s25;
	s25 =	simm.s32 $0x14650  }
0xb: {  	s24 =	ssub.s32 $0x2, s3;
	s9 =	sadd.s32 s7, s0;
	[dreg:$0xa] =	wrdreg s25  }
0xc: {  	s11 =	sshrl.u32 s24, $0x1;
	s10 =	sshrl.u32 s10, $0x2;
	[dreg:$0xf] =	wrdreg s15  }
0xd: {  	s7 =	sadd.s32 s7, s8;
	s8 =	sor.u32 s3, s23;
	s10 =	sadd.s32 s10, s5  }
0xe: {  	s9 =	sadd.s32 $0x2A800, s9;
	s3 =	smul.u32 $0x2710, s3;
	s0 =	sadd.s32 s7, s0  }
0xf: {  	s8 =	smul.u32 $0x2710, s8;
	s7 =	ssub.s32 s24, s11;
	[dreg:$0xd] =	wrdreg s10  }
0x10: {  	[dreg:$0xe] =	wrdreg s9;
	s24 =	simm.s32 $0x14250;
	s0 =	sadd.s32 $0x52800, s0  }
0x11: {  	s22 =	sadd.s32 s3, s19;
	s23 =	smax.u32 s7, $0x1;
	[dreg:$0x9] =	wrdreg s24  }
0x12: {  	s24 =	simm.s32 $0x6;
	s26 =	sshrl.u32 s8, $0x3;
	[dreg:$0x1a] =	wrdreg s0  }
0x13: {  	s16 =	sadd.s32 $0x280, s8;
	s18 =	sadd.s32 $0x320, s8;
	[dreg:$0x1b] =	wrdreg s23  }
0x14: {  	s8 =	sadd.s32 $0x3C0, s8;
	s0 =	sadd.s32 $0x1E0, s22;
	[dreg:$0x6] =	wrdreg s16  }
0x15: {  	s22 =	simm.s32 $0x5;
	s23 =	simm.s32 $0x3;
	[dreg:$0x7] =	wrdreg s18  }
0x16: {  	s28 =	sadd.s32 s30, s26;
	s29 =	sadd.s32 s4, s26;
	[dreg:$0x8] =	wrdreg s8  }
0x17: {  	s2 =	sadd.s32 $0x14, s26;
	s13 =	sadd.s32 $0x28, s26;
	[dreg:$0x10] =	wrdreg s28  }
0x18: {  	s17 =	sadd.s32 $0x3C, s26;
	[dreg:$0x11] =	wrdreg s29;
	s6 =	sadd.s32 s30, s2  }
0x19: {  	s9 =	sadd.s32 $0x4D8, s26;
	s10 =	sadd.s32 s4, s2;
	[dreg:$0x12] =	wrdreg s6  }
0x1a: {  	s0 =	sshrl.u32 s0, $0x3;
	s14 =	sadd.s32 s30, s13;
	[dreg:$0x13] =	wrdreg s10  }
0x1b: {  	s18 =	simm.s32 $0x14700;
	s11 =	sadd.s32 s4, s17;
	[dreg:$0x14] =	wrdreg s14  }
0x1c: {  	s8 =	simm.s32 $0x50;
	s20 =	sadd.s32 s30, s9;
	[dreg:$0x17] =	wrdreg s11  }
0x1d: {  	s16 =	simm.s32 $0x2;
	s21 =	sadd.s32 s4, s9;
	[dreg:$0x18] =	wrdreg s20  }
0x1e: {  	s26 =	sadd.s32 s0, s4;
	s28 =	simm.s32 $0x14350;
	[dreg:$0x19] =	wrdreg s21  }
0x1f: {  	s0 =	sadd.s32 s0, s30;
	s29 =	simm.s32 $0x14750;
	[dreg:$0x1c] =	wrdreg s26  }
0x20: {  	s9 =	simm.s32 $0xB;
	s2 =	simm.s32 $0x0;
	[dreg:$0x1d] =	wrdreg s0  }
0x21: {  	s10 =	sadd.s32 s4, s13;
	s13 =	sadd.s32 s30, s17;
	[dreg:$0xb] =	wrdreg s28  }
0x22: {  	[dreg:$0xc] =	wrdreg s29;
	s11 =	simm.s32 $0x14200;
	s14 =	simm.s32 $0x8  }
0x23: {  	s20 =	simm.s32 $0x9;
	s21 =	simm.s32 $0xA;
	[dreg:$0x15] =	wrdreg s10  }
0x24: {  	s0 =	simm.s32 $0x4;
	[dreg:$0x16] =	wrdreg s13;
	s13 =	simm.s32 $0x7  }
.LBB2_1:
0x25: {  	[dreg:$0x1e] =	wrdreg s2  }
0x26: {  	s3 =	rddreg [dreg:$0xd]  }
0x27: {  	s29 =	rddreg [dreg:$0xe];
	s28 =	sshrl.u32 s3, $0x3  }
0x28: {  	[dreg:$0x1f] =	wrdreg s28  }
0x29: {  	[spmem:s28], [sflag:s15] =	dma.local [hbm:s29], $0x2800  }
0x2a: {  	_ =	swait.ge [sflag:s9], $0x2800  }
0x2b: {  	s25 =	simm.s32 $0x14000;
	[sflag:s9] =	ssyncset.done $0x0  }
0x2c: {  	s7 =	simm.s32 $0x0;
	s2 =	rddreg [dreg:$0x10];
	[sflag:s9] =	ssyncadd.s32 $0xFFFFD800  }
0x2d: {  	[tilespmem:s25], [sflag:$0x1] =	stream.linear.gather [hbm4b:s2+s7], $0xA0, $0x38;
	[tilespmem:$0x1E800] =	vst v63  }
0x2e: {  	s26 =	simm.s32 $0x14400;
	s6 =	rddreg [dreg:$0x11]  }
0x2f: {  	[tilespmem:s26], [sflag:$0x1] =	stream.linear.gather [hbm4b:s6+s7], $0xA0, $0x38;
	[tilespmem:$0x1E800] =	vst v63  }
0x30: {  	s28 =	simm.s32 $0x14100;
	s9 =	rddreg [dreg:$0x12]  }
0x31: {  	[tilespmem:s28], [sflag:$0x2] =	stream.linear.gather [hbm4b:s9+s7], $0xA0, $0x38;
	[tilespmem:$0x1E800] =	vst v63  }
0x32: {  	s29 =	simm.s32 $0x14500;
	s10 =	rddreg [dreg:$0x13]  }
0x33: {  	[tilespmem:s29], [sflag:$0x2] =	stream.linear.gather [hbm4b:s10+s7], $0xA0, $0x38;
	[tilespmem:$0x1E800] =	vst v63  }
0x34: {  	s12 =	rddreg [dreg:$0x14]  }
0x35: {  	[tilespmem:s11], [sflag:$0x3] =	stream.linear.gather [hbm4b:s12+s7], $0xA0, $0x38;
	[tilespmem:$0x1E800] =	vst v63  }
0x36: {  	s15 =	rddreg [dreg:$0x15];
	s2 =	simm.s32 $0x14600  }
0x37: {  	[tilespmem:s2], [sflag:$0x3] =	stream.linear.gather [hbm4b:s15+s7], $0xA0, $0x38;
	[tilespmem:$0x1E800] =	vst v63  }
0x38: {  	s17 =	rddreg [dreg:$0x16]  }
0x39: {  	[tilespmem:s31], [sflag:$0x4] =	stream.linear.gather [hbm4b:s17+s7], $0xA0, $0x38;
	[tilespmem:$0x1E800] =	vst v63  }
0x3a: {  	s19 =	rddreg [dreg:$0x17]  }
0x3b: {  	[tilespmem:s18], [sflag:$0x4] =	stream.linear.gather [hbm4b:s19+s7], $0xA0, $0x38;
	[tilespmem:$0x1E800] =	vst v63  }
0x3c: {  	s6 =	simm.s32 $0x1;
	[bflag:$0x0] =	sbarrier.arrive $0xFFFF  }
0x3d: {  	_ =	swait.ge [sflag:s6], $0xA0  }
0x3e: {  	[sflag:s6] =	ssyncset.done $0x0  }
0x3f: {  	[sflag:s6] =	ssyncadd.s32 $0xFFFFFF60  }
0x40: {  	_ =	swait.ge [sflag:s6], $0xA0  }
0x41: {  	[sflag:s6] =	ssyncset.done $0x0  }
0x42: {  	s12 =	simm.s32 $0x14800;
	[sflag:s6] =	ssyncadd.s32 $0xFFFFFF60  }
0x43: {  	[tilespmem:s12], [sflag:$0x7] =	stream.indirect.gather [hbm4b:s1+s8], $0x80, s25, s8, $0xb8;
	[tilespmem:$0x1E800] =	vst v63  }
0x44: {  	s9 =	simm.s32 $0x14050;
	s17 =	simm.s32 $0x17000  }
0x45: {  	[tilespmem:s17], [sflag:$0x8] =	stream.indirect.gather [hbm4b:s1+s8], $0x80, s9, s8, $0xb8;
	[tilespmem:$0x1E800] =	vst v63  }
0x46: {  	_ =	swait.ge [sflag:s13], $0x2800  }
0x47: {  	[sflag:s13] =	ssyncset.done $0x0  }
0x48: {  	[sflag:s13] =	ssyncadd.s32 $0xFFFFD800  }
0x49: {  	[spmem:s5] =	stream.indirect.scatter.add.f32 [tilespmem:s12], [sflag:$0x5], $0x80, s26, s8, $0xb8;
	[tilespmem:$0x1E800] =	vst v63  }
0x4a: {  	_ =	swait.ge [sflag:s14], $0x2800  }
0x4b: {  	p0 =	por $0x1, $0x1;
	[sflag:s14] =	ssyncset.done $0x0  }
0x4c: {  	s3 =	simm.s32 @!p0 $0x6;
	s10 =	simm.s32 $0x14450;
	[sflag:s14] =	ssyncadd.s32 $0xFFFFD800  }
0x4d: {  	[spmem:s5] =	stream.indirect.scatter.add.f32 [tilespmem:s17], [sflag:$0x5], $0x80, s10, s8, $0xb8;
	[tilespmem:$0x1E800] =	vst v63  }
0x4e: {  	_ =	swait.ge @!p0 [sflag:s3], $0x2800  }
0x4f: {  	[sflag:s3] =	ssyncset.done @!p0 $0x0  }
0x50: {  	[sflag:s3] =	ssyncadd.s32 @!p0 $0xFFFFD800  }
0x51: {  	_ =	swait.ge @!p0 [sflag:s3], $0x2800  }
0x52: {  	s11 =	simm.s32 @!p0 $0x14300;
	[sflag:s3] =	ssyncset.done @!p0 $0x0  }
0x53: {  	s9 =	simm.s32 @!p0 $0x0;
	s18 =	rddreg [dreg:$0x1d];
	[sflag:s3] =	ssyncadd.s32 @!p0 $0xFFFFD800  }
0x54: {  	[tilespmem:s11], [sflag:$0x4] =	stream.linear.gather @!p0 [hbm4b:s18+s9], $0xA0, $0x38;
	[tilespmem:$0x1E800] =	vst v63  }
0x55: {  	s15 =	rddreg [dreg:$0x1c];
	s3 =	simm.s32 @!p0 $0x14700  }
0x56: {  	[tilespmem:s3], [sflag:$0x4] =	stream.linear.gather @!p0 [hbm4b:s15+s9], $0xA0, $0x38;
	[tilespmem:$0x1E800] =	vst v63  }
0x57: {  	_ =	swait.ge [sflag:s16], $0xA0  }
0x58: {  	[sflag:s16] =	ssyncset.done $0x0  }
0x59: {  	[sflag:s16] =	ssyncadd.s32 $0xFFFFFF60  }
0x5a: {  	_ =	swait.ge [sflag:s16], $0xA0  }
0x5b: {  	[sflag:s16] =	ssyncset.done $0x0  }
0x5c: {  	s19 =	simm.s32 $0x19800;
	[sflag:s16] =	ssyncadd.s32 $0xFFFFFF60  }
0x5d: {  	[tilespmem:s19], [sflag:$0x9] =	stream.indirect.gather [hbm4b:s1+s8], $0x80, s28, s8, $0xb8;
	[tilespmem:$0x1E800] =	vst v63  }
0x5e: {  	s6 =	simm.s32 $0x1C000;
	s11 =	simm.s32 $0x14150  }
0x5f: {  	[tilespmem:s6], [sflag:$0xA] =	stream.indirect.gather [hbm4b:s1+s8], $0x80, s11, s8, $0xb8;
	[tilespmem:$0x1E800] =	vst v63  }
0x60: {  	_ =	swait.ge [sflag:s20], $0x2800  }
0x61: {  	[sflag:s20] =	ssyncset.done $0x0  }
0x62: {  	[sflag:s20] =	ssyncadd.s32 $0xFFFFD800  }
0x63: {  	[spmem:s5] =	stream.indirect.scatter.add.f32 [tilespmem:s19], [sflag:$0x6], $0x80, s29, s8, $0xb8;
	[tilespmem:$0x1E800] =	vst v63  }
0x64: {  	_ =	swait.ge [sflag:s21], $0x2800  }
0x65: {  	[sflag:s21] =	ssyncset.done $0x0  }
0x66: {  	s9 =	simm.s32 $0x14550;
	[sflag:s21] =	ssyncadd.s32 $0xFFFFD800  }
0x67: {  	[spmem:s5] =	stream.indirect.scatter.add.f32 [tilespmem:s6], [sflag:$0x6], $0x80, s9, s8, $0xb8;
	[tilespmem:$0x1E800] =	vst v63  }
0x68: {  	_ =	swait.ge [sflag:s22], $0x2800  }
0x69: {  	[sflag:s22] =	ssyncset.done $0x0  }
0x6a: {  	[sflag:s22] =	ssyncadd.s32 $0xFFFFD800  }
0x6b: {  	s3 =	simm.s32 $0x0;
	_ =	swait.ge [sflag:s22], $0x2800  }
0x6c: {  	s3 =	simm.s32 @p0 $0x0;
	s11 =	rddreg [dreg:$0x6]  }
0x6d: {  	s9 =	sadd.s32 s3, s11  }
0x6e: {  	[sflag:s22] =	ssyncset.done $0x0;
	s9 =	sshrl.u32 s9, $0x3  }
0x6f: {  	[sflag:s22] =	ssyncadd.s32 $0xFFFFD800;
	s11 =	sadd.s32 s30, s9  }
0x70: {  	[tilespmem:s25], [sflag:$0x1] =	stream.linear.gather [hbm4b:s11+s7], $0xA0, $0x38;
	[tilespmem:$0x1E800] =	vst v63  }
0x71: {  	s9 =	sadd.s32 s4, s9  }
0x72: {  	[tilespmem:s26], [sflag:$0x1] =	stream.linear.gather [hbm4b:s9+s7], $0xA0, $0x38;
	[tilespmem:$0x1E800] =	vst v63  }
0x73: {  	_ =	swait.ge [sflag:s23], $0xA0  }
0x74: {  	[sflag:s23] =	ssyncset.done $0x0  }
0x75: {  	[sflag:s23] =	ssyncadd.s32 $0xFFFFFF60  }
0x76: {  	_ =	swait.ge [sflag:s23], $0xA0  }
0x77: {  	[sflag:s23] =	ssyncset.done $0x0  }
0x78: {  	s10 =	simm.s32 $0x14200;
	[sflag:s23] =	ssyncadd.s32 $0xFFFFFF60  }
0x79: {  	[tilespmem:s12], [sflag:$0x7] =	stream.indirect.gather [hbm4b:s1+s8], $0x80, s10, s8, $0xb8;
	[tilespmem:$0x1E800] =	vst v63  }
0x7a: {  	s11 =	rddreg [dreg:$0x9]  }
0x7b: {  	[tilespmem:s17], [sflag:$0x8] =	stream.indirect.gather [hbm4b:s1+s8], $0x80, s11, s8, $0xb8;
	[tilespmem:$0x1E800] =	vst v63  }
0x7c: {  	_ =	swait.ge [sflag:s13], $0x2800  }
0x7d: {  	[sflag:s13] =	ssyncset.done $0x0  }
0x7e: {  	[sflag:s13] =	ssyncadd.s32 $0xFFFFD800  }
0x7f: {  	[spmem:s5] =	stream.indirect.scatter.add.f32 [tilespmem:s12], [sflag:$0x5], $0x80, s2, s8, $0xb8;
	[tilespmem:$0x1E800] =	vst v63  }
0x80: {  	_ =	swait.ge [sflag:s14], $0x2800  }
0x81: {  	[sflag:s14] =	ssyncset.done $0x0  }
0x82: {  	s12 =	rddreg [dreg:$0xa];
	[sflag:s14] =	ssyncadd.s32 $0xFFFFD800  }
0x83: {  	[spmem:s5] =	stream.indirect.scatter.add.f32 [tilespmem:s17], [sflag:$0x5], $0x80, s12, s8, $0xb8;
	[tilespmem:$0x1E800] =	vst v63  }
0x84: {  	_ =	swait.ge [sflag:s24], $0x2800  }
0x85: {  	[sflag:s24] =	ssyncset.done $0x0  }
0x86: {  	[sflag:s24] =	ssyncadd.s32 $0xFFFFD800  }
0x87: {  	_ =	swait.ge [sflag:s24], $0x2800  }
0x88: {  	s17 =	rddreg [dreg:$0x7]  }
0x89: {  	s9 =	sadd.s32 s3, s17  }
0x8a: {  	[sflag:s24] =	ssyncset.done $0x0;
	s9 =	sshrl.u32 s9, $0x3  }
0x8b: {  	[sflag:s24] =	ssyncadd.s32 $0xFFFFD800;
	s25 =	sadd.s32 s30, s9  }
0x8c: {  	[tilespmem:s28], [sflag:$0x2] =	stream.linear.gather [hbm4b:s25+s7], $0xA0, $0x38;
	[tilespmem:$0x1E800] =	vst v63  }
0x8d: {  	s9 =	sadd.s32 s4, s9  }
0x8e: {  	[tilespmem:s29], [sflag:$0x2] =	stream.linear.gather [hbm4b:s9+s7], $0xA0, $0x38;
	[tilespmem:$0x1E800] =	vst v63  }
0x8f: {  	_ =	swait.ge [sflag:s0], $0xA0  }
0x90: {  	[sflag:s0] =	ssyncset.done $0x0  }
0x91: {  	[sflag:s0] =	ssyncadd.s32 $0xFFFFFF60  }
0x92: {  	_ =	swait.ge [sflag:s0], $0xA0  }
0x93: {  	[sflag:s0] =	ssyncset.done $0x0  }
0x94: {  	[sflag:s0] =	ssyncadd.s32 $0xFFFFFF60  }
0x95: {  	[tilespmem:s19], [sflag:$0x9] =	stream.indirect.gather [hbm4b:s1+s8], $0x80, s31, s8, $0xb8;
	[tilespmem:$0x1E800] =	vst v63  }
0x96: {  	s26 =	rddreg [dreg:$0xb]  }
0x97: {  	[tilespmem:s6], [sflag:$0xA] =	stream.indirect.gather [hbm4b:s1+s8], $0x80, s26, s8, $0xb8;
	[tilespmem:$0x1E800] =	vst v63  }
0x98: {  	_ =	swait.ge [sflag:s20], $0x2800  }
0x99: {  	[sflag:s20] =	ssyncset.done $0x0  }
0x9a: {  	s28 =	simm.s32 $0x14700;
	[sflag:s20] =	ssyncadd.s32 $0xFFFFD800  }
0x9b: {  	[spmem:s5] =	stream.indirect.scatter.add.f32 [tilespmem:s19], [sflag:$0x6], $0x80, s28, s8, $0xb8;
	[tilespmem:$0x1E800] =	vst v63  }
0x9c: {  	_ =	swait.ge [sflag:s21], $0x2800  }
0x9d: {  	[sflag:s21] =	ssyncset.done $0x0  }
0x9e: {  	s29 =	rddreg [dreg:$0xc];
	[sflag:s21] =	ssyncadd.s32 $0xFFFFD800  }
0x9f: {  	[spmem:s5] =	stream.indirect.scatter.add.f32 [tilespmem:s6], [sflag:$0x6], $0x80, s29, s8, $0xb8;
	[tilespmem:$0x1E800] =	vst v63  }
0xa0: {  	_ =	swait.ge [sflag:s22], $0x2800  }
0xa1: {  	[sflag:s22] =	ssyncset.done $0x0  }
0xa2: {  	[sflag:s22] =	ssyncadd.s32 $0xFFFFD800  }
0xa3: {  	_ =	swait.ge [sflag:s22], $0x2800  }
0xa4: {  	s3 =	smin.u32 s3, $0x22B0;
	s31 =	rddreg [dreg:$0x8]  }
0xa5: {  	s3 =	sadd.s32 s3, s31  }
0xa6: {  	[sflag:s22] =	ssyncset.done $0x0;
	s9 =	sshrl.u32 s3, $0x3  }
0xa7: {  	s11 =	smov.u32 s15;
	[sflag:s22] =	ssyncadd.s32 $0xFFFFD800;
	s3 =	sadd.s32 s30, s9  }
0xa8: {  	[tilespmem:s10], [sflag:$0x3] =	stream.linear.gather [hbm4b:s3+s7], $0xA0, $0x38;
	[tilespmem:$0x1E800] =	vst v63  }
0xa9: {  	s15 =	smov.u32 s18;
	s9 =	sadd.s32 s4, s9;
	s3 =	simm.s32 $0x280  }
.LBB2_2:
0xaa: {  	s2 =	simm.s32 $0x14600;
	s7 =	simm.s32 $0x0;
	s6 =	simm.s32 $0x1  }
0xab: {  	[tilespmem:s2], [sflag:$0x3] =	stream.linear.gather [hbm4b:s9+s7], $0xA0, $0x38;
	[tilespmem:$0x1E800] =	vst v63  }
0xac: {  	_ =	swait.ge [sflag:s6], $0xA0  }
0xad: {  	[sflag:s6] =	ssyncset.done $0x0  }
0xae: {  	[sflag:s6] =	ssyncadd.s32 $0xFFFFFF60  }
0xaf: {  	_ =	swait.ge [sflag:s6], $0xA0  }
0xb0: {  	[sflag:s6] =	ssyncset.done $0x0  }
0xb1: {  	s28 =	simm.s32 $0x14000;
	s12 =	simm.s32 $0x14800;
	[sflag:s6] =	ssyncadd.s32 $0xFFFFFF60  }
0xb2: {  	[tilespmem:s12], [sflag:$0x7] =	stream.indirect.gather [hbm4b:s1+s8], $0x80, s28, s8, $0xb8;
	[tilespmem:$0x1E800] =	vst v63  }
0xb3: {  	s19 =	simm.s32 $0x14050;
	s17 =	simm.s32 $0x17000  }
0xb4: {  	[tilespmem:s17], [sflag:$0x8] =	stream.indirect.gather [hbm4b:s1+s8], $0x80, s19, s8, $0xb8;
	[tilespmem:$0x1E800] =	vst v63  }
0xb5: {  	_ =	swait.ge [sflag:s13], $0x2800  }
0xb6: {  	[sflag:s13] =	ssyncset.done $0x0  }
0xb7: {  	s29 =	simm.s32 $0x14400;
	[sflag:s13] =	ssyncadd.s32 $0xFFFFD800  }
0xb8: {  	[spmem:s5] =	stream.indirect.scatter.add.f32 [tilespmem:s12], [sflag:$0x5], $0x80, s29, s8, $0xb8;
	[tilespmem:$0x1E800] =	vst v63  }
0xb9: {  	s18 =	smov.u32 s3;
	_ =	swait.ge [sflag:s14], $0x2800  }
0xba: {  	p1 =	seq.s32 s18, $0x0;
	[sflag:s14] =	ssyncset.done $0x0  }
0xbb: {  	s25 =	simm.s32 $0x14450;
	s9 =	simm.s32 @!p1 $0x6;
	[sflag:s14] =	ssyncadd.s32 $0xFFFFD800  }
0xbc: {  	[spmem:s5] =	stream.indirect.scatter.add.f32 [tilespmem:s17], [sflag:$0x5], $0x80, s25, s8, $0xb8;
	[tilespmem:$0x1E800] =	vst v63  }
0xbd: {  	_ =	swait.ge @!p1 [sflag:s9], $0x2800  }
0xbe: {  	[sflag:s9] =	ssyncset.done @!p1 $0x0  }
0xbf: {  	[sflag:s9] =	ssyncadd.s32 @!p1 $0xFFFFD800  }
0xc0: {  	_ =	swait.ge @!p1 [sflag:s9], $0x2800  }
0xc1: {  	s15 =	sadd.s32 $0x50, s15;
	[sflag:s9] =	ssyncset.done @!p1 $0x0  }
0xc2: {  	s26 =	simm.s32 @!p1 $0x14300;
	s25 =	simm.s32 @!p1 $0x0;
	[sflag:s9] =	ssyncadd.s32 @!p1 $0xFFFFD800  }
0xc3: {  	[tilespmem:s26], [sflag:$0x4] =	stream.linear.gather @!p1 [hbm4b:s15+s25], $0xA0, $0x38;
	[tilespmem:$0x1E800] =	vst v63  }
0xc4: {  	s11 =	sadd.s32 $0x50, s11;
	s9 =	simm.s32 @!p1 $0x14700  }
0xc5: {  	[tilespmem:s9], [sflag:$0x4] =	stream.linear.gather @!p1 [hbm4b:s11+s25], $0xA0, $0x38;
	[tilespmem:$0x1E800] =	vst v63  }
0xc6: {  	_ =	swait.ge [sflag:s16], $0xA0  }
0xc7: {  	[sflag:s16] =	ssyncset.done $0x0  }
0xc8: {  	[sflag:s16] =	ssyncadd.s32 $0xFFFFFF60  }
0xc9: {  	_ =	swait.ge [sflag:s16], $0xA0  }
0xca: {  	[sflag:s16] =	ssyncset.done $0x0  }
0xcb: {  	s19 =	simm.s32 $0x19800;
	s26 =	simm.s32 $0x14100;
	[sflag:s16] =	ssyncadd.s32 $0xFFFFFF60  }
0xcc: {  	[tilespmem:s19], [sflag:$0x9] =	stream.indirect.gather [hbm4b:s1+s8], $0x80, s26, s8, $0xb8;
	[tilespmem:$0x1E800] =	vst v63  }
0xcd: {  	s6 =	simm.s32 $0x1C000;
	s25 =	simm.s32 $0x14150  }
0xce: {  	[tilespmem:s6], [sflag:$0xA] =	stream.indirect.gather [hbm4b:s1+s8], $0x80, s25, s8, $0xb8;
	[tilespmem:$0x1E800] =	vst v63  }
0xcf: {  	_ =	swait.ge [sflag:s20], $0x2800  }
0xd0: {  	[sflag:s20] =	ssyncset.done $0x0  }
0xd1: {  	s31 =	simm.s32 $0x14500;
	[sflag:s20] =	ssyncadd.s32 $0xFFFFD800  }
0xd2: {  	[spmem:s5] =	stream.indirect.scatter.add.f32 [tilespmem:s19], [sflag:$0x6], $0x80, s31, s8, $0xb8;
	[tilespmem:$0x1E800] =	vst v63  }
0xd3: {  	_ =	swait.ge [sflag:s21], $0x2800  }
0xd4: {  	[sflag:s21] =	ssyncset.done $0x0  }
0xd5: {  	s10 =	simm.s32 $0x14550;
	[sflag:s21] =	ssyncadd.s32 $0xFFFFD800  }
0xd6: {  	[spmem:s5] =	stream.indirect.scatter.add.f32 [tilespmem:s6], [sflag:$0x6], $0x80, s10, s8, $0xb8;
	[tilespmem:$0x1E800] =	vst v63  }
0xd7: {  	_ =	swait.ge [sflag:s22], $0x2800  }
0xd8: {  	[sflag:s22] =	ssyncset.done $0x0  }
0xd9: {  	[sflag:s22] =	ssyncadd.s32 $0xFFFFD800  }
0xda: {  	_ =	swait.ge [sflag:s22], $0x2800  }
0xdb: {  	s18 =	simm.s32 @p1 $0x0;
	s25 =	rddreg [dreg:$0x6]  }
0xdc: {  	s9 =	sadd.s32 s18, s25  }
0xdd: {  	[sflag:s22] =	ssyncset.done $0x0;
	s9 =	sshrl.u32 s9, $0x3  }
0xde: {  	[sflag:s22] =	ssyncadd.s32 $0xFFFFD800;
	s10 =	sadd.s32 s30, s9  }
0xdf: {  	[tilespmem:s28], [sflag:$0x1] =	stream.linear.gather [hbm4b:s10+s7], $0xA0, $0x38;
	[tilespmem:$0x1E800] =	vst v63  }
0xe0: {  	s9 =	sadd.s32 s4, s9  }
0xe1: {  	[tilespmem:s29], [sflag:$0x1] =	stream.linear.gather [hbm4b:s9+s7], $0xA0, $0x38;
	[tilespmem:$0x1E800] =	vst v63  }
0xe2: {  	_ =	swait.ge [sflag:s23], $0xA0  }
0xe3: {  	[sflag:s23] =	ssyncset.done $0x0  }
0xe4: {  	[sflag:s23] =	ssyncadd.s32 $0xFFFFFF60  }
0xe5: {  	_ =	swait.ge [sflag:s23], $0xA0  }
0xe6: {  	[sflag:s23] =	ssyncset.done $0x0  }
0xe7: {  	s10 =	simm.s32 $0x14200;
	[sflag:s23] =	ssyncadd.s32 $0xFFFFFF60  }
0xe8: {  	[tilespmem:s12], [sflag:$0x7] =	stream.indirect.gather [hbm4b:s1+s8], $0x80, s10, s8, $0xb8;
	[tilespmem:$0x1E800] =	vst v63  }
0xe9: {  	s25 =	rddreg [dreg:$0x9]  }
0xea: {  	[tilespmem:s17], [sflag:$0x8] =	stream.indirect.gather [hbm4b:s1+s8], $0x80, s25, s8, $0xb8;
	[tilespmem:$0x1E800] =	vst v63  }
0xeb: {  	_ =	swait.ge [sflag:s13], $0x2800  }
0xec: {  	[sflag:s13] =	ssyncset.done $0x0  }
0xed: {  	[sflag:s13] =	ssyncadd.s32 $0xFFFFD800  }
0xee: {  	[spmem:s5] =	stream.indirect.scatter.add.f32 [tilespmem:s12], [sflag:$0x5], $0x80, s2, s8, $0xb8;
	[tilespmem:$0x1E800] =	vst v63  }
0xef: {  	_ =	swait.ge [sflag:s14], $0x2800  }
0xf0: {  	[sflag:s14] =	ssyncset.done $0x0  }
0xf1: {  	s2 =	rddreg [dreg:$0xa];
	[sflag:s14] =	ssyncadd.s32 $0xFFFFD800  }
0xf2: {  	[spmem:s5] =	stream.indirect.scatter.add.f32 [tilespmem:s17], [sflag:$0x5], $0x80, s2, s8, $0xb8;
	[tilespmem:$0x1E800] =	vst v63  }
0xf3: {  	_ =	swait.ge [sflag:s24], $0x2800  }
0xf4: {  	[sflag:s24] =	ssyncset.done $0x0  }
0xf5: {  	[sflag:s24] =	ssyncadd.s32 $0xFFFFD800  }
0xf6: {  	_ =	swait.ge [sflag:s24], $0x2800  }
0xf7: {  	s12 =	rddreg [dreg:$0x7]  }
0xf8: {  	s9 =	sadd.s32 s18, s12  }
0xf9: {  	[sflag:s24] =	ssyncset.done $0x0;
	s9 =	sshrl.u32 s9, $0x3  }
0xfa: {  	[sflag:s24] =	ssyncadd.s32 $0xFFFFD800;
	s17 =	sadd.s32 s30, s9  }
0xfb: {  	[tilespmem:s26], [sflag:$0x2] =	stream.linear.gather [hbm4b:s17+s7], $0xA0, $0x38;
	[tilespmem:$0x1E800] =	vst v63  }
0xfc: {  	s9 =	sadd.s32 s4, s9  }
0xfd: {  	[tilespmem:s31], [sflag:$0x2] =	stream.linear.gather [hbm4b:s9+s7], $0xA0, $0x38;
	[tilespmem:$0x1E800] =	vst v63  }
0xfe: {  	_ =	swait.ge [sflag:s0], $0xA0  }
0xff: {  	[sflag:s0] =	ssyncset.done $0x0  }
0x100: {  	[sflag:s0] =	ssyncadd.s32 $0xFFFFFF60  }
0x101: {  	_ =	swait.ge [sflag:s0], $0xA0  }
0x102: {  	[sflag:s0] =	ssyncset.done $0x0  }
0x103: {  	s31 =	simm.s32 $0x14300;
	[sflag:s0] =	ssyncadd.s32 $0xFFFFFF60  }
0x104: {  	[tilespmem:s19], [sflag:$0x9] =	stream.indirect.gather [hbm4b:s1+s8], $0x80, s31, s8, $0xb8;
	[tilespmem:$0x1E800] =	vst v63  }
0x105: {  	s2 =	rddreg [dreg:$0xb]  }
0x106: {  	[tilespmem:s6], [sflag:$0xA] =	stream.indirect.gather [hbm4b:s1+s8], $0x80, s2, s8, $0xb8;
	[tilespmem:$0x1E800] =	vst v63  }
0x107: {  	_ =	swait.ge [sflag:s20], $0x2800  }
0x108: {  	[sflag:s20] =	ssyncset.done $0x0  }
0x109: {  	s12 =	simm.s32 $0x14700;
	[sflag:s20] =	ssyncadd.s32 $0xFFFFD800  }
0x10a: {  	[spmem:s5] =	stream.indirect.scatter.add.f32 [tilespmem:s19], [sflag:$0x6], $0x80, s12, s8, $0xb8;
	[tilespmem:$0x1E800] =	vst v63  }
0x10b: {  	_ =	swait.ge [sflag:s21], $0x2800  }
0x10c: {  	[sflag:s21] =	ssyncset.done $0x0  }
0x10d: {  	s17 =	rddreg [dreg:$0xc];
	[sflag:s21] =	ssyncadd.s32 $0xFFFFD800  }
0x10e: {  	[spmem:s5] =	stream.indirect.scatter.add.f32 [tilespmem:s6], [sflag:$0x6], $0x80, s17, s8, $0xb8;
	[tilespmem:$0x1E800] =	vst v63  }
0x10f: {  	_ =	swait.ge [sflag:s22], $0x2800  }
0x110: {  	[sflag:s22] =	ssyncset.done $0x0  }
0x111: {  	s3 =	sadd.s32 $0x280, s3;
	[sflag:s22] =	ssyncadd.s32 $0xFFFFD800  }
0x112: {  	p0 =	sne.s32 s3, $0x2580;
	_ =	swait.ge [sflag:s22], $0x2800  }
.Ltmp0:
0x113: {  	s18 =	smin.u32 s18, $0x22B0;
	s19 =	rddreg [dreg:$0x8];
	(pc) =	sbr.rel @p0 .LBB2_2-.Ltmp0, $4  }
0x114: {  	s28 =	simm.s32 $0x14100;
	s29 =	simm.s32 $0x14600;
	s9 =	sadd.s32 s18, s19  }
0x115: {  	s25 =	simm.s32 $0x14500;
	[sflag:s22] =	ssyncset.done $0x0;
	s9 =	sshrl.u32 s9, $0x3  }
0x116: {  	[sflag:s22] =	ssyncadd.s32 $0xFFFFD800;
	s26 =	sadd.s32 s30, s9;
	s9 =	sadd.s32 s4, s9  }
0x117: {  	[tilespmem:s10], [sflag:$0x3] =	stream.linear.gather [hbm4b:s26+s7], $0xA0, $0x38;
	[tilespmem:$0x1E800] =	vst v63  }
0x118: {  	s7 =	simm.s32 $0x0;
	s2 =	simm.s32 $0x1  }
0x119: {  	[tilespmem:s29], [sflag:$0x3] =	stream.linear.gather [hbm4b:s9+s7], $0xA0, $0x38;
	[tilespmem:$0x1E800] =	vst v63  }
0x11a: {  	_ =	swait.ge [sflag:s2], $0xA0  }
0x11b: {  	[sflag:s2] =	ssyncset.done $0x0  }
0x11c: {  	[sflag:s2] =	ssyncadd.s32 $0xFFFFFF60  }
0x11d: {  	_ =	swait.ge [sflag:s2], $0xA0  }
0x11e: {  	[sflag:s2] =	ssyncset.done $0x0  }
0x11f: {  	s11 =	simm.s32 $0x14000;
	s10 =	simm.s32 $0x14800;
	[sflag:s2] =	ssyncadd.s32 $0xFFFFFF60  }
0x120: {  	[tilespmem:s10], [sflag:$0x7] =	stream.indirect.gather [hbm4b:s1+s8], $0x80, s11, s8, $0xb8;
	[tilespmem:$0x1E800] =	vst v63  }
0x121: {  	s3 =	simm.s32 $0x17000;
	s29 =	simm.s32 $0x14050  }
0x122: {  	[tilespmem:s3], [sflag:$0x8] =	stream.indirect.gather [hbm4b:s1+s8], $0x80, s29, s8, $0xb8;
	[tilespmem:$0x1E800] =	vst v63  }
0x123: {  	_ =	swait.ge [sflag:s13], $0x2800  }
0x124: {  	[sflag:s13] =	ssyncset.done $0x0  }
0x125: {  	s15 =	simm.s32 $0x14400;
	[sflag:s13] =	ssyncadd.s32 $0xFFFFD800  }
0x126: {  	[spmem:s5] =	stream.indirect.scatter.add.f32 [tilespmem:s10], [sflag:$0x5], $0x80, s15, s8, $0xb8;
	[tilespmem:$0x1E800] =	vst v63  }
0x127: {  	_ =	swait.ge [sflag:s14], $0x2800  }
0x128: {  	[sflag:s14] =	ssyncset.done $0x0  }
0x129: {  	s6 =	simm.s32 $0x14450;
	[sflag:s14] =	ssyncadd.s32 $0xFFFFD800  }
0x12a: {  	[spmem:s5] =	stream.indirect.scatter.add.f32 [tilespmem:s3], [sflag:$0x5], $0x80, s6, s8, $0xb8;
	[tilespmem:$0x1E800] =	vst v63  }
0x12b: {  	_ =	swait.ge [sflag:s24], $0x2800  }
0x12c: {  	[sflag:s24] =	ssyncset.done $0x0  }
0x12d: {  	[sflag:s24] =	ssyncadd.s32 $0xFFFFD800  }
0x12e: {  	_ =	swait.ge [sflag:s24], $0x2800  }
0x12f: {  	[sflag:s24] =	ssyncset.done $0x0  }
0x130: {  	[sflag:s24] =	ssyncadd.s32 $0xFFFFD800  }
0x131: {  	_ =	swait.ge [sflag:s16], $0xA0  }
0x132: {  	[sflag:s16] =	ssyncset.done $0x0  }
0x133: {  	[sflag:s16] =	ssyncadd.s32 $0xFFFFFF60  }
0x134: {  	_ =	swait.ge [sflag:s16], $0xA0  }
0x135: {  	[sflag:s16] =	ssyncset.done $0x0  }
0x136: {  	s9 =	simm.s32 $0x19800;
	[sflag:s16] =	ssyncadd.s32 $0xFFFFFF60  }
0x137: {  	[tilespmem:s9], [sflag:$0x9] =	stream.indirect.gather [hbm4b:s1+s8], $0x80, s28, s8, $0xb8;
	[tilespmem:$0x1E800] =	vst v63  }
0x138: {  	s12 =	simm.s32 $0x14150;
	s6 =	simm.s32 $0x1C000  }
0x139: {  	[tilespmem:s6], [sflag:$0xA] =	stream.indirect.gather [hbm4b:s1+s8], $0x80, s12, s8, $0xb8;
	[tilespmem:$0x1E800] =	vst v63  }
0x13a: {  	_ =	swait.ge [sflag:s20], $0x2800  }
0x13b: {  	[sflag:s20] =	ssyncset.done $0x0  }
0x13c: {  	[sflag:s20] =	ssyncadd.s32 $0xFFFFD800  }
0x13d: {  	[spmem:s5] =	stream.indirect.scatter.add.f32 [tilespmem:s9], [sflag:$0x6], $0x80, s25, s8, $0xb8;
	[tilespmem:$0x1E800] =	vst v63  }
0x13e: {  	_ =	swait.ge [sflag:s21], $0x2800  }
0x13f: {  	[sflag:s21] =	ssyncset.done $0x0  }
0x140: {  	s17 =	simm.s32 $0x14550;
	[sflag:s21] =	ssyncadd.s32 $0xFFFFD800  }
0x141: {  	[spmem:s5] =	stream.indirect.scatter.add.f32 [tilespmem:s6], [sflag:$0x6], $0x80, s17, s8, $0xb8;
	[tilespmem:$0x1E800] =	vst v63  }
0x142: {  	_ =	swait.ge [sflag:s22], $0x2800  }
0x143: {  	[sflag:s22] =	ssyncset.done $0x0  }
0x144: {  	[sflag:s22] =	ssyncadd.s32 $0xFFFFD800  }
0x145: {  	_ =	swait.ge [sflag:s22], $0x2800  }
0x146: {  	[sflag:s22] =	ssyncset.done $0x0  }
0x147: {  	[sflag:s22] =	ssyncadd.s32 $0xFFFFD800  }
0x148: {  	_ =	swait.ge [sflag:s24], $0x2800  }
0x149: {  	[sflag:s24] =	ssyncset.done $0x0  }
0x14a: {  	[sflag:s24] =	ssyncadd.s32 $0xFFFFD800  }
0x14b: {  	_ =	swait.ge [sflag:s24], $0x2800  }
0x14c: {  	[sflag:s24] =	ssyncset.done $0x0  }
0x14d: {  	[sflag:s24] =	ssyncadd.s32 $0xFFFFD800  }
0x14e: {  	_ =	swait.ge [sflag:s23], $0xA0  }
0x14f: {  	[sflag:s23] =	ssyncset.done $0x0  }
0x150: {  	[sflag:s23] =	ssyncadd.s32 $0xFFFFFF60  }
0x151: {  	_ =	swait.ge [sflag:s23], $0xA0  }
0x152: {  	[sflag:s23] =	ssyncset.done $0x0  }
0x153: {  	s9 =	simm.s32 $0xB;
	s18 =	rddreg [dreg:$0x18];
	[sflag:s23] =	ssyncadd.s32 $0xFFFFFF60  }
0x154: {  	[tilespmem:s11], [sflag:$0xB] =	stream.linear.gather [hbm4b:s18+s7], $0x50, $0x38;
	[tilespmem:$0x1E800] =	vst v63  }
0x155: {  	_ =	swait.ge [sflag:s9], $0x50  }
0x156: {  	[sflag:s9] =	ssyncset.done $0x0  }
0x157: {  	s19 =	rddreg [dreg:$0x19];
	[sflag:s9] =	ssyncadd.s32 $0xFFFFFFB0  }
0x158: {  	[tilespmem:s15], [sflag:$0xB] =	stream.linear.gather [hbm4b:s19+s7], $0x50, $0x38;
	[tilespmem:$0x1E800] =	vst v63  }
0x159: {  	_ =	swait.ge [sflag:s9], $0x50  }
0x15a: {  	[sflag:s9] =	ssyncset.done $0x0  }
0x15b: {  	[sflag:s9] =	ssyncadd.s32 $0xFFFFFFB0  }
0x15c: {  	[tilespmem:s10], [sflag:$0x7] =	stream.indirect.gather [hbm4b:s1+s8], $0x80, s11, s8, $0xb8;
	[tilespmem:$0x1E800] =	vst v63  }
0x15d: {  	_ =	swait.ge [sflag:s13], $0x2800  }
0x15e: {  	[sflag:s13] =	ssyncset.done $0x0  }
0x15f: {  	[sflag:s13] =	ssyncadd.s32 $0xFFFFD800  }
0x160: {  	[spmem:s5] =	stream.indirect.scatter.add.f32 [tilespmem:s10], [sflag:$0x5], $0x80, s15, s8, $0xb8;
	[tilespmem:$0x1E800] =	vst v63  }
0x161: {  	_ =	swait.ge [sflag:s22], $0x2800  }
0x162: {  	[sflag:s22] =	ssyncset.done $0x0  }
0x163: {  	[sflag:s22] =	ssyncadd.s32 $0xFFFFD800  }
0x164: {  	[bflag:$0x0] =	sbarrier.arrive $0xFFFF  }
0x165: {  	s15 =	rddreg [dreg:$0xf]  }
0x166: {  	s25 =	rddreg [dreg:$0x1a]  }
0x167: {  	s26 =	rddreg [dreg:$0x1f]  }
0x168: {  	[hbm:s25], [sflag:s15] =	dma.local [spmem:s26], $0x2800  }
0x169: {  	_ =	swait.ge [sflag:s9], $0x2800  }
0x16a: {  	s28 =	rddreg [dreg:$0x1e]  }
0x16b: {  	s29 =	rddreg [dreg:$0x1b];
	s2 =	sadd.s32 $0x1, s28  }
0x16c: {  	p0 =	sne.s32 s2, s29  }
.Ltmp1:
0x16d: {  	_ = 	snop;
	(pc) =	sbr.rel @p0 .LBB2_1-.Ltmp1, $3  }
0x16e: {  	_ =	sdelay $0x1  }
0x16f: {  	[sflag:s9] =	ssyncset.done $0x0  }
0x170: {  	s18 =	simm.s32 $0x14700;
	s11 =	simm.s32 $0x14200;
	[sflag:s9] =	ssyncadd.s32 $0xFFFFD800  }
0x171: {  	_ =	sfence.sel $0x180000  }
0x172: {  	[bflag:$0x0] =	sbarrier.arrive $0xFFFF  }
0x173: {  	_ =	strace $0x9000004A  }
0x174: {  	s0 =	stileid.u32;
	[bflag:$0x2] =	sbarrier.arrive $0xFFFF  }
0x175: {  	p0 =	sne.s32 s0, $0x0;
	s0 =	rddreg [dreg:$0x5]  }
0x176: {  	s0 =	sadd.s32 @!p0 $0x100000, s0  }
0x177: {  	[sflag:s0] =	ssyncadd.tile.s32 @!p0 $0x1;
	_ =	shalt  }
.Lfunc_end2:
_tile_overlayer_lowered:
.L_overlay_start_2:
0x178: {  	(tag) =	ssettag $0x2  }
0x179: {  	s0 =	rddreg [dreg:$0x0];
	s2 =	stileid.u32  }
0x17a: {  	s1 =	rddreg [dreg:$0x1];
	p0 =	sne.s32 s2, $0x0  }
0x17b: {  	s3 =	rddreg [dreg:$0x2];
	[bflag:$0x3] =	sbarrier.arrive $0xFFFF;
	s2 =	simm.s32 @!p0 $0x1C0B  }
0x17c: {  	[timem:s3], [sflag:s2] =	dma.local @!p0 [hbm:s0], s1  }
0x17d: {  	s0 =	simm.s32 @!p0 $0xB  }
0x17e: {  	_ =	swait.ge @!p0 [sflag:s0], s1  }
0x17f: {  	s1 =	ssub.s32 @!p0 $0x0, s1;
	[sflag:s0] =	ssyncset.done @!p0 $0x0  }
0x180: {  	[sflag:s0] =	ssyncadd.s32 @!p0 s1  }
0x181: {  	[bflag:$0x3] =	sbarrier.arrive $0xFFFF  }
0x182: {  	_ =	shalt  }

// kernel: kernel.14.cloned.1.call-start
scs
__scs_entry_jumppad:
0x0: {  	(pc) =	sbr.rel $0x88, $3  }
0x1: {  	(tag) =	ssettag $0x0;
	lr =	simm.s32 $0x1  }
0x2: {  	[smem:$0x3F97] =	sst lr;
	_ =	strace $0xD0000000  }
0x3: {  	_ = 	snop  }
0x4: {  	_ = 	snop  }
0x5: {  	_ = 	snop  }
0x6: {  	_ = 	snop  }
0x7: {  	_ = 	snop  }
__scs_overlays_trampoline_lowered:
0x8: {  	[smem:$0x3FA6] =	sst s0  }
0x9: {  	[smem:$0x3FA7] =	sst s1  }
0xa: {  	[smem:$0x3FA8] =	sst s2  }
0xb: {  	[smem:$0x3FA9] =	sst s3  }
0xc: {  	[smem:$0x3FAA] =	sst s4  }
0xd: {  	[smem:$0x3FAB] =	sst s5  }
0xe: {  	[smem:$0x3FAC] =	sst s6  }
0xf: {  	[smem:$0x3FAD] =	sst s7  }
0x10: {  	[smem:$0x3FAE] =	sst s8  }
0x11: {  	[smem:$0x3FAF] =	sst s9;
	s0 =	simm.s32 @!p0 $0x0  }
0x12: {  	s1 =	sld [smem:$0x3F95];
	s0 =	simm.s32 @p0 $0x1  }
0x13: {  	[smem:$0x3FB0] =	sst s0;
	s0 =	simm.s32 @!p1 $0x0  }
0x14: {  	s2 =	sld [smem:$0x3F94];
	s0 =	simm.s32 @p1 $0x1  }
0x15: {  	[smem:$0x3FB1] =	sst s0;
	s0 =	simm.s32 @!p2 $0x0  }
0x16: {  	s3 =	sld [smem:$0x3FDB];
	s0 =	simm.s32 @p2 $0x1  }
0x17: {  	s4 =	simm.s32 $0x1BF5;
	[smem:$0x3FB3] =	sst s0  }
0x18: {  	s0 =	sld [smem:$0x3F96];
	_ =	swait.ge [sflag:s4], $0x0  }
0x19: {  	s7 =	sld [smem:$0x3F97]  }
0x1a: {  	s8 =	sadd.s32 $0xFFFFE003, lr  }
0x1b: {  	s9 =	sadd.s32 $0xFFFFFEF7, lr;
	s5 =	simm.s32 $0xFFFFFFFF;
	p2 =	slt.u32 s8, $0xFFFFF086  }
0x1c: {  	p1 =	slt.u32 s9, $0xF7A;
	s5 =	simm.s32 @!p2 $0x0  }
0x1d: {  	s5 =	simm.s32 @p1 $0x1;
	p0 =	seq.s32 s7, s2  }
0x1e: {  	s7 =	smul.u32 @!p0 $0xF7A, s2;
	p2 =	seq.s32 @!p0 s5, $0x0  }
0x1f: {  	s9 =	smul.u32 $0xF7A, s1;
	s8 =	simm.s32 @!p0 $0x1BF5;
	p2 =	por !p2, p0  }
0x20: {  	[sflag:s8] =	ssyncset.s32 @!p0 $0xFFFFF086;
	s6 =	sadd.s32 @!p0 s3, s7;
	s7 =	simm.s32 @!p0 $0x108  }
0x21: {  	s3 =	sadd.s32 s3, s9;
	s6 =	sadd.s32 @!p0 $0x88, s6;
	s7 =	simm.s32 @p2 $0x1082  }
0x22: {  	[simem:s7], [sflag:s8] =	dma.local @!p0 [hbm:s6], $0xF7A  }
0x23: {  	s9 =	sor.u32 $0xD0000000, s2;
	s6 =	simm.s32 $0x108;
	_ =	swait.ge @!p0 [sflag:s8], $0x0  }
0x24: {  	s3 =	sadd.s32 $0x88, s3;
	s6 =	simm.s32 @!p1 $0x1082;
	[sflag:s4] =	ssyncset.s32 $0xFFFFF086  }
0x25: {  	[simem:s6], [sflag:s4] =	dma.local [hbm:s3], $0xF7A  }
0x26: {  	[smem:$0x3F97] =	sst s1;
	(tag) =	ssettag s2;
	_ =	strace s9  }
0x27: {  	s1 =	sld [smem:$0x3FA7]  }
0x28: {  	s2 =	sld [smem:$0x3FA8]  }
0x29: {  	s4 =	sld [smem:$0x3FAA]  }
0x2a: {  	p0 =	seq.s32 s5, $0x0;
	s5 =	sld [smem:$0x3FAB]  }
0x2b: {  	s6 =	sld [smem:$0x3FAC]  }
0x2c: {  	s7 =	sld [smem:$0x3FAD]  }
0x2d: {  	s3 =	simm.s32 $0x108;
	s8 =	sld [smem:$0x3FAE]  }
0x2e: {  	s3 =	simm.s32 @!p0 $0x1082;
	s9 =	sld [smem:$0x3FAF]  }
0x2f: {  	lr =	sadd.s32 s0, s3;
	s0 =	sld [smem:$0x3FA6]  }
0x30: {  	s3 =	sld [smem:$0x3FA9]  }
0x31: {  	[smem:$0x3FB2] =	sst s10  }
0x32: {  	s10 =	sld [smem:$0x3FB0];
	_ =	sdelay $0x3  }
0x33: {  	p0 =	seq.s32 s10, $0x1;
	s10 =	sld [smem:$0x3FB2];
	_ =	sdelay $0x3  }
0x34: {  	[smem:$0x3FB2] =	sst s10  }
0x35: {  	s10 =	sld [smem:$0x3FB1];
	_ =	sdelay $0x3  }
0x36: {  	p1 =	seq.s32 s10, $0x1;
	s10 =	sld [smem:$0x3FB2];
	_ =	sdelay $0x3  }
0x37: {  	[smem:$0x3FB2] =	sst s10  }
0x38: {  	s10 =	sld [smem:$0x3FB3]  }
0x39: {  	_ = 	snop;
	(pc) =	sbr.ind lr, $3  }
0x3a: {  	_ = 	snop  }
0x3b: {  	_ = 	snop  }
0x3c: {  	p2 =	seq.s32 s10, $0x1;
	s10 =	sld [smem:$0x3FB2]  }
0x3d: {  	_ =	shalt  }
0x3e: {  	_ =	shalt  }
0x3f: {  	_ =	shalt  }
0x40: {  	_ =	shalt  }
0x41: {  	_ =	shalt  }
0x42: {  	_ =	shalt  }
0x43: {  	_ =	shalt  }
0x44: {  	_ =	shalt  }
0x45: {  	_ =	shalt  }
0x46: {  	_ =	shalt  }
0x47: {  	_ =	shalt  }
0x48: {  	_ =	shalt  }
0x49: {  	_ =	shalt  }
0x4a: {  	_ =	shalt  }
0x4b: {  	_ =	shalt  }
0x4c: {  	_ =	shalt  }
0x4d: {  	_ =	shalt  }
0x4e: {  	_ =	shalt  }
0x4f: {  	_ =	shalt  }
0x50: {  	_ =	shalt  }
0x51: {  	_ =	shalt  }
0x52: {  	_ =	shalt  }
0x53: {  	_ =	shalt  }
0x54: {  	_ =	shalt  }
0x55: {  	_ =	shalt  }
0x56: {  	_ =	shalt  }
0x57: {  	_ =	shalt  }
0x58: {  	_ =	shalt  }
0x59: {  	_ =	shalt  }
0x5a: {  	_ =	shalt  }
0x5b: {  	_ =	shalt  }
0x5c: {  	_ =	shalt  }
0x5d: {  	_ =	shalt  }
0x5e: {  	_ =	shalt  }
0x5f: {  	_ =	shalt  }
0x60: {  	_ =	shalt  }
0x61: {  	_ =	shalt  }
0x62: {  	_ =	shalt  }
0x63: {  	_ =	shalt  }
0x64: {  	_ =	shalt  }
0x65: {  	_ =	shalt  }
0x66: {  	_ =	shalt  }
0x67: {  	_ =	shalt  }
0x68: {  	_ =	shalt  }
0x69: {  	_ =	shalt  }
0x6a: {  	_ =	shalt  }
0x6b: {  	_ =	shalt  }
0x6c: {  	_ =	shalt  }
0x6d: {  	_ =	shalt  }
0x6e: {  	_ =	shalt  }
0x6f: {  	_ =	shalt  }
0x70: {  	_ =	shalt  }
0x71: {  	_ =	shalt  }
0x72: {  	_ =	shalt  }
0x73: {  	_ =	shalt  }
0x74: {  	_ =	shalt  }
0x75: {  	_ =	shalt  }
0x76: {  	_ =	shalt  }
0x77: {  	_ =	shalt  }
0x78: {  	_ =	shalt  }
0x79: {  	_ =	shalt  }
0x7a: {  	_ =	shalt  }
0x7b: {  	_ =	shalt  }
0x7c: {  	_ =	shalt  }
0x7d: {  	_ =	shalt  }
0x7e: {  	_ =	shalt  }
0x7f: {  	_ =	shalt  }
0x80: {  	_ =	shalt  }
0x81: {  	_ =	shalt  }
0x82: {  	_ =	shalt  }
0x83: {  	_ =	shalt  }
0x84: {  	_ =	shalt  }
0x85: {  	_ =	shalt  }
0x86: {  	_ =	shalt  }
0x87: {  	_ =	shalt  }
.Lfunc_end0:
.L_simem_size_0:
called_computation.2_lowered:
.L_overlay_start_0:
0x88: {  	s2 =	sld [smem:$0x3FD9]  }
0x89: {  	s3 =	sld [smem:$0x3FFE];
	_ =	sdelay $0x1  }
0x8a: {  	s1 =	srdreg.scid  }
0x8b: {  	s0 =	sand.u32 $0x1, s1  }
0x8c: {  	s14 =	sshll.u32 s0, $0xA;
	s2 =	sadd.s32 s3, s2  }
0x8d: {  	s2 =	sadd.s32 s2, s14  }
0x8e: {  	[smem:$0x3FBE] =	sst s2  }
0x8f: {  	_ = 	snop  }
0x90: {  	s2 =	sld [smem:$0x3FD0];
	_ =	sdelay $0x2  }
0x91: {  	s15 =	simm.s32 $0xA;
	s4 =	simm.s32 $0x10  }
0x92: {  	[smem:s4], [sflag:s15] =	dma.local [hbm:s2], $0x1  }
0x93: {  	_ =	swait.eq [sflag:s15], $0x1  }
0x94: {  	s16 =	sld [smem:$0x10];
	[sflag:s15] =	ssyncset.done $0x0  }
0x95: {  	s17 =	sld [smem:$0x11];
	[sflag:s15] =	ssyncadd.s32 $0xFFFFFFFF  }
0x96: {  	s18 =	sld [smem:$0x12];
	(tm) =	ssettm $0x1  }
0x97: {  	s5 =	sld [smem:$0x3FFB];
	_ =	sdelay $0x3  }
0x98: {  	_ =	strace s5  }
0x99: {  	s5 =	sld [smem:$0x3FFC];
	_ =	sdelay $0x3  }
0x9a: {  	_ =	strace s5  }
0x9b: {  	s5 =	sld [smem:$0x3FFD];
	_ =	sdelay $0x3  }
0x9c: {  	_ =	strace s5  }
0x9d: {  	_ =	strace $0x8FFFFFFF  }
0x9e: {  	s19 =	sld [smem:$0x3FDB];
	_ =	sdelay $0x1  }
0x9f: {  	s6 =	simm.s32 $_scs_section_size  }
0xa0: {  	s7 =	simm.s32 $_size__tile_overlayer_lowered;
	s8 =	simm.s32 $_tile_overlayer_lowered  }
0xa1: {  	s22 =	simm.s32 $0x1BFF;
	s21 =	sshll.u32 s8, $0x1;
	s5 =	sadd.s32 s6, s19  }
0xa2: {  	s9 =	simm.s32 $0x0;
	s20 =	sshll.u32 s7, $0x1;
	s7 =	sadd.s32 s21, s5  }
0xa3: {  	[timem:s9], [sflag:s22] =	dma.local [hbm:s7], s20  }
0xa4: {  	_ =	swait.ge [sflag:s22], s20  }
0xa5: {  	s6 =	ssub.s32 $0x0, s20;
	[sflag:s22] =	ssyncset.done $0x0  }
0xa6: {  	[sflag:s22] =	ssyncadd.s32 s6;
	_ =	sdelay $0x1  }
0xa7: {  	s23 =	simm.s32 $0x1B8B  }
0xa8: {  	_ =	swait.ge [sflag:s23], $0x1  }
0xa9: {  	[sflag:s23] =	ssyncset.done $0x0  }
0xaa: {  	s25 =	simm.s32 $0x1B8E;
	s24 =	sld [smem:$0x3FFE];
	[sflag:s23] =	ssyncadd.s32 $0xFFFFFFFF  }
0xab: {  	s26 =	simm.s32 $execute0_lowered;
	[smem:$0x3FD2] =	sst s25  }
0xac: {  	s7 =	sshll.u32 s26, $0x1;
	_ =	strace $0x8000004C;
	[dreg:$0x1] =	wrdreg $0xFFFFFFFF  }
0xad: {  	s28 =	simm.s32 $_size_execute0_lowered;
	s5 =	sadd.s32 s5, s7;
	[dreg:$0x0] =	wrdreg $0x0  }
0xae: {  	s7 =	sshll.u32 s28, $0x1;
	[dreg:$0x2] =	wrdreg s5  }
0xaf: {  	[dreg:$0x3] =	wrdreg s7  }
0xb0: {  	[dreg:$0x4] =	wrdreg $0xC0  }
0xb1: {  	_ =	task [dreg:s9], $0x5FFFF  }
0xb2: {  	[dreg:$0x1] =	wrdreg $0xFFFFFFFF  }
0xb3: {  	[dreg:$0x0] =	wrdreg $0x60  }
0xb4: {  	[dreg:$0x2] =	wrdreg s17  }
0xb5: {  	[dreg:$0x3] =	wrdreg s18  }
0xb6: {  	[dreg:$0x4] =	wrdreg s16  }
0xb7: {  	[dreg:$0x5] =	wrdreg s24  }
0xb8: {  	[dreg:$0x6] =	wrdreg $0x0  }
0xb9: {  	[dreg:$0x7] =	wrdreg $0x9  }
0xba: {  	_ =	task.clear_ibuf [dreg:s9], $0x8FFFF;
	_ =	strace $0x9000004C  }
0xbb: {  	s29 =	simm.s32 $0x9;
	_ =	strace $0x8000004E  }
0xbc: {  	_ =	swait.ge [sflag:s29], $0x1  }
0xbd: {  	[sflag:s29] =	ssyncadd.s32 $0xFFFFFFFF  }
0xbe: {  	_ =	strace $0x9000004E  }
0xbf: {  	_ =	sfence  }
0xc0: {  	s30 =	sld [smem:$0x0];
	_ =	sdelay $0x2  }
0xc1: {  	s31 =	sshll.u32 s1, $0xD;
	s1 =	sshrl.u32 s1, $0x2  }
0xc2: {  	s3 =	sand.u32 $0x4000, s31;
	s1 =	sadd.s32 s1, s30  }
0xc3: {  	s0 =	sor.u32 s3, s0;
	s1 =	sshll.u32 s1, $0x11  }
0xc4: {  	s0 =	sor.u32 s1, s0  }
0xc5: {  	s0 =	sadd.s32 $0x8F2B, s0  }
0xc6: {  	[sflag:s0] =	ssyncadd.remote.s32 $0x1  }
0xc7: {  	_ =	sfence.sel $0xFFFF  }
0xc8: {  	[dreg:$0x0] =	wrdreg $0xFFFFFFFF;
	(pc) =	sbr.abs _section_cstart, $3  }
0xc9: {  	[dreg:$0x1] =	wrdreg $0xFFFFFFFF  }
0xca: {  	_ =	task.clear_ibuf [dreg:s9], $0x2FFFF;
	_ =	strace $0x9FFFFFFF  }
0xcb: {  	(tm) =	ssettm $0x7FFFFFFF  }
tec
execute0_lowered:
.L_overlay_start_1:
0x0: {  	(tag) =	ssettag $0x1  }
0x1: {  	s1 =	rddreg [dreg:$0x0]  }
0x2: {  	s30 =	rddreg [dreg:$0x1]  }
0x3: {  	s4 =	rddreg [dreg:$0x2]  }
0x4: {  	s0 =	rddreg [dreg:$0x3]  }
0x5: {  	s5 =	rddreg [dreg:$0x4];
	s12 =	stileid.u32  }
0x6: {  	s3 =	srdreg.scid;
	s7 =	smul.u32 $0x2800, s12  }
0x7: {  	s2 =	simm.s32 $0x0;
	s31 =	simm.s32 $0x14300;
	s10 =	smul.u32 $0x50000, s12  }
0x8: {  	s3 =	sand.u32 $0x1, s3;
	[smem:$0x7FF] =	sst s2;
	s19 =	smul.u32 $0x4E20, s12  }
0x9: {  	s23 =	sshll.u32 s12, $0x1;
	s25 =	sshll.u32 s12, $0x6;
	s8 =	smul.u32 $0x28000, s3  }
0xa: {  	_ =	strace $0x8000004D;
	s15 =	sor.u32 $0x1C0B, s25;
	s25 =	simm.s32 $0x14650  }
0xb: {  	s24 =	ssub.s32 $0x2, s3;
	s9 =	sadd.s32 s7, s0;
	[dreg:$0xa] =	wrdreg s25  }
0xc: {  	s11 =	sshrl.u32 s24, $0x1;
	s10 =	sshrl.u32 s10, $0x2;
	[dreg:$0xf] =	wrdreg s15  }
0xd: {  	s7 =	sadd.s32 s7, s8;
	s8 =	sor.u32 s3, s23;
	s10 =	sadd.s32 s10, s5  }
0xe: {  	s9 =	sadd.s32 $0x2A800, s9;
	s3 =	smul.u32 $0x2710, s3;
	s0 =	sadd.s32 s7, s0  }
0xf: {  	s8 =	smul.u32 $0x2710, s8;
	s7 =	ssub.s32 s24, s11;
	[dreg:$0xd] =	wrdreg s10  }
0x10: {  	[dreg:$0xe] =	wrdreg s9;
	s24 =	simm.s32 $0x14250;
	s0 =	sadd.s32 $0x52800, s0  }
0x11: {  	s22 =	sadd.s32 s3, s19;
	s23 =	smax.u32 s7, $0x1;
	[dreg:$0x9] =	wrdreg s24  }
0x12: {  	s24 =	simm.s32 $0x6;
	s26 =	sshrl.u32 s8, $0x3;
	[dreg:$0x1a] =	wrdreg s0  }
0x13: {  	s16 =	sadd.s32 $0x280, s8;
	s18 =	sadd.s32 $0x320, s8;
	[dreg:$0x1b] =	wrdreg s23  }
0x14: {  	s8 =	sadd.s32 $0x3C0, s8;
	s0 =	sadd.s32 $0x1E0, s22;
	[dreg:$0x6] =	wrdreg s16  }
0x15: {  	s22 =	simm.s32 $0x5;
	s23 =	simm.s32 $0x3;
	[dreg:$0x7] =	wrdreg s18  }
0x16: {  	s28 =	sadd.s32 s30, s26;
	s29 =	sadd.s32 s4, s26;
	[dreg:$0x8] =	wrdreg s8  }
0x17: {  	s2 =	sadd.s32 $0x14, s26;
	s13 =	sadd.s32 $0x28, s26;
	[dreg:$0x10] =	wrdreg s28  }
0x18: {  	s17 =	sadd.s32 $0x3C, s26;
	[dreg:$0x11] =	wrdreg s29;
	s6 =	sadd.s32 s30, s2  }
0x19: {  	s9 =	sadd.s32 $0x4D8, s26;
	s10 =	sadd.s32 s4, s2;
	[dreg:$0x12] =	wrdreg s6  }
0x1a: {  	s0 =	sshrl.u32 s0, $0x3;
	s14 =	sadd.s32 s30, s13;
	[dreg:$0x13] =	wrdreg s10  }
0x1b: {  	s18 =	simm.s32 $0x14700;
	s11 =	sadd.s32 s4, s17;
	[dreg:$0x14] =	wrdreg s14  }
0x1c: {  	s8 =	simm.s32 $0x50;
	s20 =	sadd.s32 s30, s9;
	[dreg:$0x17] =	wrdreg s11  }
0x1d: {  	s16 =	simm.s32 $0x2;
	s21 =	sadd.s32 s4, s9;
	[dreg:$0x18] =	wrdreg s20  }
0x1e: {  	s26 =	sadd.s32 s0, s4;
	s28 =	simm.s32 $0x14350;
	[dreg:$0x19] =	wrdreg s21  }
0x1f: {  	s0 =	sadd.s32 s0, s30;
	s29 =	simm.s32 $0x14750;
	[dreg:$0x1c] =	wrdreg s26  }
0x20: {  	s9 =	simm.s32 $0xB;
	s2 =	simm.s32 $0x0;
	[dreg:$0x1d] =	wrdreg s0  }
0x21: {  	s10 =	sadd.s32 s4, s13;
	s13 =	sadd.s32 s30, s17;
	[dreg:$0xb] =	wrdreg s28  }
0x22: {  	[dreg:$0xc] =	wrdreg s29;
	s11 =	simm.s32 $0x14200;
	s14 =	simm.s32 $0x8  }
0x23: {  	s20 =	simm.s32 $0x9;
	s21 =	simm.s32 $0xA;
	[dreg:$0x15] =	wrdreg s10  }
0x24: {  	s0 =	simm.s32 $0x4;
	[dreg:$0x16] =	wrdreg s13;
	s13 =	simm.s32 $0x7  }
.LBB2_1:
0x25: {  	[dreg:$0x1e] =	wrdreg s2  }
0x26: {  	s3 =	rddreg [dreg:$0xd]  }
0x27: {  	s29 =	rddreg [dreg:$0xe];
	s28 =	sshrl.u32 s3, $0x3  }
0x28: {  	[dreg:$0x1f] =	wrdreg s28  }
0x29: {  	[spmem:s28], [sflag:s15] =	dma.local [hbm:s29], $0x2800  }
0x2a: {  	_ =	swait.ge [sflag:s9], $0x2800  }
0x2b: {  	s25 =	simm.s32 $0x14000;
	[sflag:s9] =	ssyncset.done $0x0  }
0x2c: {  	s7 =	simm.s32 $0x0;
	s2 =	rddreg [dreg:$0x10];
	[sflag:s9] =	ssyncadd.s32 $0xFFFFD800  }
0x2d: {  	[tilespmem:s25], [sflag:$0x1] =	stream.linear.gather [hbm4b:s2+s7], $0xA0, $0x38;
	[tilespmem:$0x1E800] =	vst v63  }
0x2e: {  	s26 =	simm.s32 $0x14400;
	s6 =	rddreg [dreg:$0x11]  }
0x2f: {  	[tilespmem:s26], [sflag:$0x1] =	stream.linear.gather [hbm4b:s6+s7], $0xA0, $0x38;
	[tilespmem:$0x1E800] =	vst v63  }
0x30: {  	s28 =	simm.s32 $0x14100;
	s9 =	rddreg [dreg:$0x12]  }
0x31: {  	[tilespmem:s28], [sflag:$0x2] =	stream.linear.gather [hbm4b:s9+s7], $0xA0, $0x38;
	[tilespmem:$0x1E800] =	vst v63  }
0x32: {  	s29 =	simm.s32 $0x14500;
	s10 =	rddreg [dreg:$0x13]  }
0x33: {  	[tilespmem:s29], [sflag:$0x2] =	stream.linear.gather [hbm4b:s10+s7], $0xA0, $0x38;
	[tilespmem:$0x1E800] =	vst v63  }
0x34: {  	s12 =	rddreg [dreg:$0x14]  }
0x35: {  	[tilespmem:s11], [sflag:$0x3] =	stream.linear.gather [hbm4b:s12+s7], $0xA0, $0x38;
	[tilespmem:$0x1E800] =	vst v63  }
0x36: {  	s15 =	rddreg [dreg:$0x15];
	s2 =	simm.s32 $0x14600  }
0x37: {  	[tilespmem:s2], [sflag:$0x3] =	stream.linear.gather [hbm4b:s15+s7], $0xA0, $0x38;
	[tilespmem:$0x1E800] =	vst v63  }
0x38: {  	s17 =	rddreg [dreg:$0x16]  }
0x39: {  	[tilespmem:s31], [sflag:$0x4] =	stream.linear.gather [hbm4b:s17+s7], $0xA0, $0x38;
	[tilespmem:$0x1E800] =	vst v63  }
0x3a: {  	s19 =	rddreg [dreg:$0x17]  }
0x3b: {  	[tilespmem:s18], [sflag:$0x4] =	stream.linear.gather [hbm4b:s19+s7], $0xA0, $0x38;
	[tilespmem:$0x1E800] =	vst v63  }
0x3c: {  	s6 =	simm.s32 $0x1;
	[bflag:$0x0] =	sbarrier.arrive $0xFFFF  }
0x3d: {  	_ =	swait.ge [sflag:s6], $0xA0  }
0x3e: {  	[sflag:s6] =	ssyncset.done $0x0  }
0x3f: {  	[sflag:s6] =	ssyncadd.s32 $0xFFFFFF60  }
0x40: {  	_ =	swait.ge [sflag:s6], $0xA0  }
0x41: {  	[sflag:s6] =	ssyncset.done $0x0  }
0x42: {  	s12 =	simm.s32 $0x14800;
	[sflag:s6] =	ssyncadd.s32 $0xFFFFFF60  }
0x43: {  	[tilespmem:s12], [sflag:$0x7] =	stream.indirect.gather [hbm4b:s1+s8], $0x80, s25, s8, $0xb8;
	[tilespmem:$0x1E800] =	vst v63  }
0x44: {  	s9 =	simm.s32 $0x14050;
	s17 =	simm.s32 $0x17000  }
0x45: {  	[tilespmem:s17], [sflag:$0x8] =	stream.indirect.gather [hbm4b:s1+s8], $0x80, s9, s8, $0xb8;
	[tilespmem:$0x1E800] =	vst v63  }
0x46: {  	_ =	swait.ge [sflag:s13], $0x2800  }
0x47: {  	[sflag:s13] =	ssyncset.done $0x0  }
0x48: {  	[sflag:s13] =	ssyncadd.s32 $0xFFFFD800  }
0x49: {  	[spmem:s5] =	stream.indirect.scatter.add.f32 [tilespmem:s12], [sflag:$0x5], $0x80, s26, s8, $0xb8;
	[tilespmem:$0x1E800] =	vst v63  }
0x4a: {  	_ =	swait.ge [sflag:s14], $0x2800  }
0x4b: {  	p0 =	por $0x1, $0x1;
	[sflag:s14] =	ssyncset.done $0x0  }
0x4c: {  	s3 =	simm.s32 @!p0 $0x6;
	s10 =	simm.s32 $0x14450;
	[sflag:s14] =	ssyncadd.s32 $0xFFFFD800  }
0x4d: {  	[spmem:s5] =	stream.indirect.scatter.add.f32 [tilespmem:s17], [sflag:$0x5], $0x80, s10, s8, $0xb8;
	[tilespmem:$0x1E800] =	vst v63  }
0x4e: {  	_ =	swait.ge @!p0 [sflag:s3], $0x2800  }
0x4f: {  	[sflag:s3] =	ssyncset.done @!p0 $0x0  }
0x50: {  	[sflag:s3] =	ssyncadd.s32 @!p0 $0xFFFFD800  }
0x51: {  	_ =	swait.ge @!p0 [sflag:s3], $0x2800  }
0x52: {  	s11 =	simm.s32 @!p0 $0x14300;
	[sflag:s3] =	ssyncset.done @!p0 $0x0  }
0x53: {  	s9 =	simm.s32 @!p0 $0x0;
	s18 =	rddreg [dreg:$0x1d];
	[sflag:s3] =	ssyncadd.s32 @!p0 $0xFFFFD800  }
0x54: {  	[tilespmem:s11], [sflag:$0x4] =	stream.linear.gather @!p0 [hbm4b:s18+s9], $0xA0, $0x38;
	[tilespmem:$0x1E800] =	vst v63  }
0x55: {  	s15 =	rddreg [dreg:$0x1c];
	s3 =	simm.s32 @!p0 $0x14700  }
0x56: {  	[tilespmem:s3], [sflag:$0x4] =	stream.linear.gather @!p0 [hbm4b:s15+s9], $0xA0, $0x38;
	[tilespmem:$0x1E800] =	vst v63  }
0x57: {  	_ =	swait.ge [sflag:s16], $0xA0  }
0x58: {  	[sflag:s16] =	ssyncset.done $0x0  }
0x59: {  	[sflag:s16] =	ssyncadd.s32 $0xFFFFFF60  }
0x5a: {  	_ =	swait.ge [sflag:s16], $0xA0  }
0x5b: {  	[sflag:s16] =	ssyncset.done $0x0  }
0x5c: {  	s19 =	simm.s32 $0x19800;
	[sflag:s16] =	ssyncadd.s32 $0xFFFFFF60  }
0x5d: {  	[tilespmem:s19], [sflag:$0x9] =	stream.indirect.gather [hbm4b:s1+s8], $0x80, s28, s8, $0xb8;
	[tilespmem:$0x1E800] =	vst v63  }
0x5e: {  	s6 =	simm.s32 $0x1C000;
	s11 =	simm.s32 $0x14150  }
0x5f: {  	[tilespmem:s6], [sflag:$0xA] =	stream.indirect.gather [hbm4b:s1+s8], $0x80, s11, s8, $0xb8;
	[tilespmem:$0x1E800] =	vst v63  }
0x60: {  	_ =	swait.ge [sflag:s20], $0x2800  }
0x61: {  	[sflag:s20] =	ssyncset.done $0x0  }
0x62: {  	[sflag:s20] =	ssyncadd.s32 $0xFFFFD800  }
0x63: {  	[spmem:s5] =	stream.indirect.scatter.add.f32 [tilespmem:s19], [sflag:$0x6], $0x80, s29, s8, $0xb8;
	[tilespmem:$0x1E800] =	vst v63  }
0x64: {  	_ =	swait.ge [sflag:s21], $0x2800  }
0x65: {  	[sflag:s21] =	ssyncset.done $0x0  }
0x66: {  	s9 =	simm.s32 $0x14550;
	[sflag:s21] =	ssyncadd.s32 $0xFFFFD800  }
0x67: {  	[spmem:s5] =	stream.indirect.scatter.add.f32 [tilespmem:s6], [sflag:$0x6], $0x80, s9, s8, $0xb8;
	[tilespmem:$0x1E800] =	vst v63  }
0x68: {  	_ =	swait.ge [sflag:s22], $0x2800  }
0x69: {  	[sflag:s22] =	ssyncset.done $0x0  }
0x6a: {  	[sflag:s22] =	ssyncadd.s32 $0xFFFFD800  }
0x6b: {  	s3 =	simm.s32 $0x0;
	_ =	swait.ge [sflag:s22], $0x2800  }
0x6c: {  	s3 =	simm.s32 @p0 $0x0;
	s11 =	rddreg [dreg:$0x6]  }
0x6d: {  	s9 =	sadd.s32 s3, s11  }
0x6e: {  	[sflag:s22] =	ssyncset.done $0x0;
	s9 =	sshrl.u32 s9, $0x3  }
0x6f: {  	[sflag:s22] =	ssyncadd.s32 $0xFFFFD800;
	s11 =	sadd.s32 s30, s9  }
0x70: {  	[tilespmem:s25], [sflag:$0x1] =	stream.linear.gather [hbm4b:s11+s7], $0xA0, $0x38;
	[tilespmem:$0x1E800] =	vst v63  }
0x71: {  	s9 =	sadd.s32 s4, s9  }
0x72: {  	[tilespmem:s26], [sflag:$0x1] =	stream.linear.gather [hbm4b:s9+s7], $0xA0, $0x38;
	[tilespmem:$0x1E800] =	vst v63  }
0x73: {  	_ =	swait.ge [sflag:s23], $0xA0  }
0x74: {  	[sflag:s23] =	ssyncset.done $0x0  }
0x75: {  	[sflag:s23] =	ssyncadd.s32 $0xFFFFFF60  }
0x76: {  	_ =	swait.ge [sflag:s23], $0xA0  }
0x77: {  	[sflag:s23] =	ssyncset.done $0x0  }
0x78: {  	s10 =	simm.s32 $0x14200;
	[sflag:s23] =	ssyncadd.s32 $0xFFFFFF60  }
0x79: {  	[tilespmem:s12], [sflag:$0x7] =	stream.indirect.gather [hbm4b:s1+s8], $0x80, s10, s8, $0xb8;
	[tilespmem:$0x1E800] =	vst v63  }
0x7a: {  	s11 =	rddreg [dreg:$0x9]  }
0x7b: {  	[tilespmem:s17], [sflag:$0x8] =	stream.indirect.gather [hbm4b:s1+s8], $0x80, s11, s8, $0xb8;
	[tilespmem:$0x1E800] =	vst v63  }
0x7c: {  	_ =	swait.ge [sflag:s13], $0x2800  }
0x7d: {  	[sflag:s13] =	ssyncset.done $0x0  }
0x7e: {  	[sflag:s13] =	ssyncadd.s32 $0xFFFFD800  }
0x7f: {  	[spmem:s5] =	stream.indirect.scatter.add.f32 [tilespmem:s12], [sflag:$0x5], $0x80, s2, s8, $0xb8;
	[tilespmem:$0x1E800] =	vst v63  }
0x80: {  	_ =	swait.ge [sflag:s14], $0x2800  }
0x81: {  	[sflag:s14] =	ssyncset.done $0x0  }
0x82: {  	s12 =	rddreg [dreg:$0xa];
	[sflag:s14] =	ssyncadd.s32 $0xFFFFD800  }
0x83: {  	[spmem:s5] =	stream.indirect.scatter.add.f32 [tilespmem:s17], [sflag:$0x5], $0x80, s12, s8, $0xb8;
	[tilespmem:$0x1E800] =	vst v63  }
0x84: {  	_ =	swait.ge [sflag:s24], $0x2800  }
0x85: {  	[sflag:s24] =	ssyncset.done $0x0  }
0x86: {  	[sflag:s24] =	ssyncadd.s32 $0xFFFFD800  }
0x87: {  	_ =	swait.ge [sflag:s24], $0x2800  }
0x88: {  	s17 =	rddreg [dreg:$0x7]  }
0x89: {  	s9 =	sadd.s32 s3, s17  }
0x8a: {  	[sflag:s24] =	ssyncset.done $0x0;
	s9 =	sshrl.u32 s9, $0x3  }
0x8b: {  	[sflag:s24] =	ssyncadd.s32 $0xFFFFD800;
	s25 =	sadd.s32 s30, s9  }
0x8c: {  	[tilespmem:s28], [sflag:$0x2] =	stream.linear.gather [hbm4b:s25+s7], $0xA0, $0x38;
	[tilespmem:$0x1E800] =	vst v63  }
0x8d: {  	s9 =	sadd.s32 s4, s9  }
0x8e: {  	[tilespmem:s29], [sflag:$0x2] =	stream.linear.gather [hbm4b:s9+s7], $0xA0, $0x38;
	[tilespmem:$0x1E800] =	vst v63  }
0x8f: {  	_ =	swait.ge [sflag:s0], $0xA0  }
0x90: {  	[sflag:s0] =	ssyncset.done $0x0  }
0x91: {  	[sflag:s0] =	ssyncadd.s32 $0xFFFFFF60  }
0x92: {  	_ =	swait.ge [sflag:s0], $0xA0  }
0x93: {  	[sflag:s0] =	ssyncset.done $0x0  }
0x94: {  	[sflag:s0] =	ssyncadd.s32 $0xFFFFFF60  }
0x95: {  	[tilespmem:s19], [sflag:$0x9] =	stream.indirect.gather [hbm4b:s1+s8], $0x80, s31, s8, $0xb8;
	[tilespmem:$0x1E800] =	vst v63  }
0x96: {  	s26 =	rddreg [dreg:$0xb]  }
0x97: {  	[tilespmem:s6], [sflag:$0xA] =	stream.indirect.gather [hbm4b:s1+s8], $0x80, s26, s8, $0xb8;
	[tilespmem:$0x1E800] =	vst v63  }
0x98: {  	_ =	swait.ge [sflag:s20], $0x2800  }
0x99: {  	[sflag:s20] =	ssyncset.done $0x0  }
0x9a: {  	s28 =	simm.s32 $0x14700;
	[sflag:s20] =	ssyncadd.s32 $0xFFFFD800  }
0x9b: {  	[spmem:s5] =	stream.indirect.scatter.add.f32 [tilespmem:s19], [sflag:$0x6], $0x80, s28, s8, $0xb8;
	[tilespmem:$0x1E800] =	vst v63  }
0x9c: {  	_ =	swait.ge [sflag:s21], $0x2800  }
0x9d: {  	[sflag:s21] =	ssyncset.done $0x0  }
0x9e: {  	s29 =	rddreg [dreg:$0xc];
	[sflag:s21] =	ssyncadd.s32 $0xFFFFD800  }
0x9f: {  	[spmem:s5] =	stream.indirect.scatter.add.f32 [tilespmem:s6], [sflag:$0x6], $0x80, s29, s8, $0xb8;
	[tilespmem:$0x1E800] =	vst v63  }
0xa0: {  	_ =	swait.ge [sflag:s22], $0x2800  }
0xa1: {  	[sflag:s22] =	ssyncset.done $0x0  }
0xa2: {  	[sflag:s22] =	ssyncadd.s32 $0xFFFFD800  }
0xa3: {  	_ =	swait.ge [sflag:s22], $0x2800  }
0xa4: {  	s3 =	smin.u32 s3, $0x22B0;
	s31 =	rddreg [dreg:$0x8]  }
0xa5: {  	s3 =	sadd.s32 s3, s31  }
0xa6: {  	[sflag:s22] =	ssyncset.done $0x0;
	s9 =	sshrl.u32 s3, $0x3  }
0xa7: {  	s11 =	smov.u32 s15;
	[sflag:s22] =	ssyncadd.s32 $0xFFFFD800;
	s3 =	sadd.s32 s30, s9  }
0xa8: {  	[tilespmem:s10], [sflag:$0x3] =	stream.linear.gather [hbm4b:s3+s7], $0xA0, $0x38;
	[tilespmem:$0x1E800] =	vst v63  }
0xa9: {  	s15 =	smov.u32 s18;
	s9 =	sadd.s32 s4, s9;
	s3 =	simm.s32 $0x280  }
.LBB2_2:
0xaa: {  	s2 =	simm.s32 $0x14600;
	s7 =	simm.s32 $0x0;
	s6 =	simm.s32 $0x1  }
0xab: {  	[tilespmem:s2], [sflag:$0x3] =	stream.linear.gather [hbm4b:s9+s7], $0xA0, $0x38;
	[tilespmem:$0x1E800] =	vst v63  }
0xac: {  	_ =	swait.ge [sflag:s6], $0xA0  }
0xad: {  	[sflag:s6] =	ssyncset.done $0x0  }
0xae: {  	[sflag:s6] =	ssyncadd.s32 $0xFFFFFF60  }
0xaf: {  	_ =	swait.ge [sflag:s6], $0xA0  }
0xb0: {  	[sflag:s6] =	ssyncset.done $0x0  }
0xb1: {  	s28 =	simm.s32 $0x14000;
	s12 =	simm.s32 $0x14800;
	[sflag:s6] =	ssyncadd.s32 $0xFFFFFF60  }
0xb2: {  	[tilespmem:s12], [sflag:$0x7] =	stream.indirect.gather [hbm4b:s1+s8], $0x80, s28, s8, $0xb8;
	[tilespmem:$0x1E800] =	vst v63  }
0xb3: {  	s19 =	simm.s32 $0x14050;
	s17 =	simm.s32 $0x17000  }
0xb4: {  	[tilespmem:s17], [sflag:$0x8] =	stream.indirect.gather [hbm4b:s1+s8], $0x80, s19, s8, $0xb8;
	[tilespmem:$0x1E800] =	vst v63  }
0xb5: {  	_ =	swait.ge [sflag:s13], $0x2800  }
0xb6: {  	[sflag:s13] =	ssyncset.done $0x0  }
0xb7: {  	s29 =	simm.s32 $0x14400;
	[sflag:s13] =	ssyncadd.s32 $0xFFFFD800  }
0xb8: {  	[spmem:s5] =	stream.indirect.scatter.add.f32 [tilespmem:s12], [sflag:$0x5], $0x80, s29, s8, $0xb8;
	[tilespmem:$0x1E800] =	vst v63  }
0xb9: {  	s18 =	smov.u32 s3;
	_ =	swait.ge [sflag:s14], $0x2800  }
0xba: {  	p1 =	seq.s32 s18, $0x0;
	[sflag:s14] =	ssyncset.done $0x0  }
0xbb: {  	s25 =	simm.s32 $0x14450;
	s9 =	simm.s32 @!p1 $0x6;
	[sflag:s14] =	ssyncadd.s32 $0xFFFFD800  }
0xbc: {  	[spmem:s5] =	stream.indirect.scatter.add.f32 [tilespmem:s17], [sflag:$0x5], $0x80, s25, s8, $0xb8;
	[tilespmem:$0x1E800] =	vst v63  }
0xbd: {  	_ =	swait.ge @!p1 [sflag:s9], $0x2800  }
0xbe: {  	[sflag:s9] =	ssyncset.done @!p1 $0x0  }
0xbf: {  	[sflag:s9] =	ssyncadd.s32 @!p1 $0xFFFFD800  }
0xc0: {  	_ =	swait.ge @!p1 [sflag:s9], $0x2800  }
0xc1: {  	s15 =	sadd.s32 $0x50, s15;
	[sflag:s9] =	ssyncset.done @!p1 $0x0  }
0xc2: {  	s26 =	simm.s32 @!p1 $0x14300;
	s25 =	simm.s32 @!p1 $0x0;
	[sflag:s9] =	ssyncadd.s32 @!p1 $0xFFFFD800  }
0xc3: {  	[tilespmem:s26], [sflag:$0x4] =	stream.linear.gather @!p1 [hbm4b:s15+s25], $0xA0, $0x38;
	[tilespmem:$0x1E800] =	vst v63  }
0xc4: {  	s11 =	sadd.s32 $0x50, s11;
	s9 =	simm.s32 @!p1 $0x14700  }
0xc5: {  	[tilespmem:s9], [sflag:$0x4] =	stream.linear.gather @!p1 [hbm4b:s11+s25], $0xA0, $0x38;
	[tilespmem:$0x1E800] =	vst v63  }
0xc6: {  	_ =	swait.ge [sflag:s16], $0xA0  }
0xc7: {  	[sflag:s16] =	ssyncset.done $0x0  }
0xc8: {  	[sflag:s16] =	ssyncadd.s32 $0xFFFFFF60  }
0xc9: {  	_ =	swait.ge [sflag:s16], $0xA0  }
0xca: {  	[sflag:s16] =	ssyncset.done $0x0  }
0xcb: {  	s19 =	simm.s32 $0x19800;
	s26 =	simm.s32 $0x14100;
	[sflag:s16] =	ssyncadd.s32 $0xFFFFFF60  }
0xcc: {  	[tilespmem:s19], [sflag:$0x9] =	stream.indirect.gather [hbm4b:s1+s8], $0x80, s26, s8, $0xb8;
	[tilespmem:$0x1E800] =	vst v63  }
0xcd: {  	s6 =	simm.s32 $0x1C000;
	s25 =	simm.s32 $0x14150  }
0xce: {  	[tilespmem:s6], [sflag:$0xA] =	stream.indirect.gather [hbm4b:s1+s8], $0x80, s25, s8, $0xb8;
	[tilespmem:$0x1E800] =	vst v63  }
0xcf: {  	_ =	swait.ge [sflag:s20], $0x2800  }
0xd0: {  	[sflag:s20] =	ssyncset.done $0x0  }
0xd1: {  	s31 =	simm.s32 $0x14500;
	[sflag:s20] =	ssyncadd.s32 $0xFFFFD800  }
0xd2: {  	[spmem:s5] =	stream.indirect.scatter.add.f32 [tilespmem:s19], [sflag:$0x6], $0x80, s31, s8, $0xb8;
	[tilespmem:$0x1E800] =	vst v63  }
0xd3: {  	_ =	swait.ge [sflag:s21], $0x2800  }
0xd4: {  	[sflag:s21] =	ssyncset.done $0x0  }
0xd5: {  	s10 =	simm.s32 $0x14550;
	[sflag:s21] =	ssyncadd.s32 $0xFFFFD800  }
0xd6: {  	[spmem:s5] =	stream.indirect.scatter.add.f32 [tilespmem:s6], [sflag:$0x6], $0x80, s10, s8, $0xb8;
	[tilespmem:$0x1E800] =	vst v63  }
0xd7: {  	_ =	swait.ge [sflag:s22], $0x2800  }
0xd8: {  	[sflag:s22] =	ssyncset.done $0x0  }
0xd9: {  	[sflag:s22] =	ssyncadd.s32 $0xFFFFD800  }
0xda: {  	_ =	swait.ge [sflag:s22], $0x2800  }
0xdb: {  	s18 =	simm.s32 @p1 $0x0;
	s25 =	rddreg [dreg:$0x6]  }
0xdc: {  	s9 =	sadd.s32 s18, s25  }
0xdd: {  	[sflag:s22] =	ssyncset.done $0x0;
	s9 =	sshrl.u32 s9, $0x3  }
0xde: {  	[sflag:s22] =	ssyncadd.s32 $0xFFFFD800;
	s10 =	sadd.s32 s30, s9  }
0xdf: {  	[tilespmem:s28], [sflag:$0x1] =	stream.linear.gather [hbm4b:s10+s7], $0xA0, $0x38;
	[tilespmem:$0x1E800] =	vst v63  }
0xe0: {  	s9 =	sadd.s32 s4, s9  }
0xe1: {  	[tilespmem:s29], [sflag:$0x1] =	stream.linear.gather [hbm4b:s9+s7], $0xA0, $0x38;
	[tilespmem:$0x1E800] =	vst v63  }
0xe2: {  	_ =	swait.ge [sflag:s23], $0xA0  }
0xe3: {  	[sflag:s23] =	ssyncset.done $0x0  }
0xe4: {  	[sflag:s23] =	ssyncadd.s32 $0xFFFFFF60  }
0xe5: {  	_ =	swait.ge [sflag:s23], $0xA0  }
0xe6: {  	[sflag:s23] =	ssyncset.done $0x0  }
0xe7: {  	s10 =	simm.s32 $0x14200;
	[sflag:s23] =	ssyncadd.s32 $0xFFFFFF60  }
0xe8: {  	[tilespmem:s12], [sflag:$0x7] =	stream.indirect.gather [hbm4b:s1+s8], $0x80, s10, s8, $0xb8;
	[tilespmem:$0x1E800] =	vst v63  }
0xe9: {  	s25 =	rddreg [dreg:$0x9]  }
0xea: {  	[tilespmem:s17], [sflag:$0x8] =	stream.indirect.gather [hbm4b:s1+s8], $0x80, s25, s8, $0xb8;
	[tilespmem:$0x1E800] =	vst v63  }
0xeb: {  	_ =	swait.ge [sflag:s13], $0x2800  }
0xec: {  	[sflag:s13] =	ssyncset.done $0x0  }
0xed: {  	[sflag:s13] =	ssyncadd.s32 $0xFFFFD800  }
0xee: {  	[spmem:s5] =	stream.indirect.scatter.add.f32 [tilespmem:s12], [sflag:$0x5], $0x80, s2, s8, $0xb8;
	[tilespmem:$0x1E800] =	vst v63  }
0xef: {  	_ =	swait.ge [sflag:s14], $0x2800  }
0xf0: {  	[sflag:s14] =	ssyncset.done $0x0  }
0xf1: {  	s2 =	rddreg [dreg:$0xa];
	[sflag:s14] =	ssyncadd.s32 $0xFFFFD800  }
0xf2: {  	[spmem:s5] =	stream.indirect.scatter.add.f32 [tilespmem:s17], [sflag:$0x5], $0x80, s2, s8, $0xb8;
	[tilespmem:$0x1E800] =	vst v63  }
0xf3: {  	_ =	swait.ge [sflag:s24], $0x2800  }
0xf4: {  	[sflag:s24] =	ssyncset.done $0x0  }
0xf5: {  	[sflag:s24] =	ssyncadd.s32 $0xFFFFD800  }
0xf6: {  	_ =	swait.ge [sflag:s24], $0x2800  }
0xf7: {  	s12 =	rddreg [dreg:$0x7]  }
0xf8: {  	s9 =	sadd.s32 s18, s12  }
0xf9: {  	[sflag:s24] =	ssyncset.done $0x0;
	s9 =	sshrl.u32 s9, $0x3  }
0xfa: {  	[sflag:s24] =	ssyncadd.s32 $0xFFFFD800;
	s17 =	sadd.s32 s30, s9  }
0xfb: {  	[tilespmem:s26], [sflag:$0x2] =	stream.linear.gather [hbm4b:s17+s7], $0xA0, $0x38;
	[tilespmem:$0x1E800] =	vst v63  }
0xfc: {  	s9 =	sadd.s32 s4, s9  }
0xfd: {  	[tilespmem:s31], [sflag:$0x2] =	stream.linear.gather [hbm4b:s9+s7], $0xA0, $0x38;
	[tilespmem:$0x1E800] =	vst v63  }
0xfe: {  	_ =	swait.ge [sflag:s0], $0xA0  }
0xff: {  	[sflag:s0] =	ssyncset.done $0x0  }
0x100: {  	[sflag:s0] =	ssyncadd.s32 $0xFFFFFF60  }
0x101: {  	_ =	swait.ge [sflag:s0], $0xA0  }
0x102: {  	[sflag:s0] =	ssyncset.done $0x0  }
0x103: {  	s31 =	simm.s32 $0x14300;
	[sflag:s0] =	ssyncadd.s32 $0xFFFFFF60  }
0x104: {  	[tilespmem:s19], [sflag:$0x9] =	stream.indirect.gather [hbm4b:s1+s8], $0x80, s31, s8, $0xb8;
	[tilespmem:$0x1E800] =	vst v63  }
0x105: {  	s2 =	rddreg [dreg:$0xb]  }
0x106: {  	[tilespmem:s6], [sflag:$0xA] =	stream.indirect.gather [hbm4b:s1+s8], $0x80, s2, s8, $0xb8;
	[tilespmem:$0x1E800] =	vst v63  }
0x107: {  	_ =	swait.ge [sflag:s20], $0x2800  }
0x108: {  	[sflag:s20] =	ssyncset.done $0x0  }
0x109: {  	s12 =	simm.s32 $0x14700;
	[sflag:s20] =	ssyncadd.s32 $0xFFFFD800  }
0x10a: {  	[spmem:s5] =	stream.indirect.scatter.add.f32 [tilespmem:s19], [sflag:$0x6], $0x80, s12, s8, $0xb8;
	[tilespmem:$0x1E800] =	vst v63  }
0x10b: {  	_ =	swait.ge [sflag:s21], $0x2800  }
0x10c: {  	[sflag:s21] =	ssyncset.done $0x0  }
0x10d: {  	s17 =	rddreg [dreg:$0xc];
	[sflag:s21] =	ssyncadd.s32 $0xFFFFD800  }
0x10e: {  	[spmem:s5] =	stream.indirect.scatter.add.f32 [tilespmem:s6], [sflag:$0x6], $0x80, s17, s8, $0xb8;
	[tilespmem:$0x1E800] =	vst v63  }
0x10f: {  	_ =	swait.ge [sflag:s22], $0x2800  }
0x110: {  	[sflag:s22] =	ssyncset.done $0x0  }
0x111: {  	s3 =	sadd.s32 $0x280, s3;
	[sflag:s22] =	ssyncadd.s32 $0xFFFFD800  }
0x112: {  	p0 =	sne.s32 s3, $0x2580;
	_ =	swait.ge [sflag:s22], $0x2800  }
.Ltmp0:
0x113: {  	s18 =	smin.u32 s18, $0x22B0;
	s19 =	rddreg [dreg:$0x8];
	(pc) =	sbr.rel @p0 .LBB2_2-.Ltmp0, $4  }
0x114: {  	s28 =	simm.s32 $0x14100;
	s29 =	simm.s32 $0x14600;
	s9 =	sadd.s32 s18, s19  }
0x115: {  	s25 =	simm.s32 $0x14500;
	[sflag:s22] =	ssyncset.done $0x0;
	s9 =	sshrl.u32 s9, $0x3  }
0x116: {  	[sflag:s22] =	ssyncadd.s32 $0xFFFFD800;
	s26 =	sadd.s32 s30, s9;
	s9 =	sadd.s32 s4, s9  }
0x117: {  	[tilespmem:s10], [sflag:$0x3] =	stream.linear.gather [hbm4b:s26+s7], $0xA0, $0x38;
	[tilespmem:$0x1E800] =	vst v63  }
0x118: {  	s7 =	simm.s32 $0x0;
	s2 =	simm.s32 $0x1  }
0x119: {  	[tilespmem:s29], [sflag:$0x3] =	stream.linear.gather [hbm4b:s9+s7], $0xA0, $0x38;
	[tilespmem:$0x1E800] =	vst v63  }
0x11a: {  	_ =	swait.ge [sflag:s2], $0xA0  }
0x11b: {  	[sflag:s2] =	ssyncset.done $0x0  }
0x11c: {  	[sflag:s2] =	ssyncadd.s32 $0xFFFFFF60  }
0x11d: {  	_ =	swait.ge [sflag:s2], $0xA0  }
0x11e: {  	[sflag:s2] =	ssyncset.done $0x0  }
0x11f: {  	s11 =	simm.s32 $0x14000;
	s10 =	simm.s32 $0x14800;
	[sflag:s2] =	ssyncadd.s32 $0xFFFFFF60  }
0x120: {  	[tilespmem:s10], [sflag:$0x7] =	stream.indirect.gather [hbm4b:s1+s8], $0x80, s11, s8, $0xb8;
	[tilespmem:$0x1E800] =	vst v63  }
0x121: {  	s3 =	simm.s32 $0x17000;
	s29 =	simm.s32 $0x14050  }
0x122: {  	[tilespmem:s3], [sflag:$0x8] =	stream.indirect.gather [hbm4b:s1+s8], $0x80, s29, s8, $0xb8;
	[tilespmem:$0x1E800] =	vst v63  }
0x123: {  	_ =	swait.ge [sflag:s13], $0x2800  }
0x124: {  	[sflag:s13] =	ssyncset.done $0x0  }
0x125: {  	s15 =	simm.s32 $0x14400;
	[sflag:s13] =	ssyncadd.s32 $0xFFFFD800  }
0x126: {  	[spmem:s5] =	stream.indirect.scatter.add.f32 [tilespmem:s10], [sflag:$0x5], $0x80, s15, s8, $0xb8;
	[tilespmem:$0x1E800] =	vst v63  }
0x127: {  	_ =	swait.ge [sflag:s14], $0x2800  }
0x128: {  	[sflag:s14] =	ssyncset.done $0x0  }
0x129: {  	s6 =	simm.s32 $0x14450;
	[sflag:s14] =	ssyncadd.s32 $0xFFFFD800  }
0x12a: {  	[spmem:s5] =	stream.indirect.scatter.add.f32 [tilespmem:s3], [sflag:$0x5], $0x80, s6, s8, $0xb8;
	[tilespmem:$0x1E800] =	vst v63  }
0x12b: {  	_ =	swait.ge [sflag:s24], $0x2800  }
0x12c: {  	[sflag:s24] =	ssyncset.done $0x0  }
0x12d: {  	[sflag:s24] =	ssyncadd.s32 $0xFFFFD800  }
0x12e: {  	_ =	swait.ge [sflag:s24], $0x2800  }
0x12f: {  	[sflag:s24] =	ssyncset.done $0x0  }
0x130: {  	[sflag:s24] =	ssyncadd.s32 $0xFFFFD800  }
0x131: {  	_ =	swait.ge [sflag:s16], $0xA0  }
0x132: {  	[sflag:s16] =	ssyncset.done $0x0  }
0x133: {  	[sflag:s16] =	ssyncadd.s32 $0xFFFFFF60  }
0x134: {  	_ =	swait.ge [sflag:s16], $0xA0  }
0x135: {  	[sflag:s16] =	ssyncset.done $0x0  }
0x136: {  	s9 =	simm.s32 $0x19800;
	[sflag:s16] =	ssyncadd.s32 $0xFFFFFF60  }
0x137: {  	[tilespmem:s9], [sflag:$0x9] =	stream.indirect.gather [hbm4b:s1+s8], $0x80, s28, s8, $0xb8;
	[tilespmem:$0x1E800] =	vst v63  }
0x138: {  	s12 =	simm.s32 $0x14150;
	s6 =	simm.s32 $0x1C000  }
0x139: {  	[tilespmem:s6], [sflag:$0xA] =	stream.indirect.gather [hbm4b:s1+s8], $0x80, s12, s8, $0xb8;
	[tilespmem:$0x1E800] =	vst v63  }
0x13a: {  	_ =	swait.ge [sflag:s20], $0x2800  }
0x13b: {  	[sflag:s20] =	ssyncset.done $0x0  }
0x13c: {  	[sflag:s20] =	ssyncadd.s32 $0xFFFFD800  }
0x13d: {  	[spmem:s5] =	stream.indirect.scatter.add.f32 [tilespmem:s9], [sflag:$0x6], $0x80, s25, s8, $0xb8;
	[tilespmem:$0x1E800] =	vst v63  }
0x13e: {  	_ =	swait.ge [sflag:s21], $0x2800  }
0x13f: {  	[sflag:s21] =	ssyncset.done $0x0  }
0x140: {  	s17 =	simm.s32 $0x14550;
	[sflag:s21] =	ssyncadd.s32 $0xFFFFD800  }
0x141: {  	[spmem:s5] =	stream.indirect.scatter.add.f32 [tilespmem:s6], [sflag:$0x6], $0x80, s17, s8, $0xb8;
	[tilespmem:$0x1E800] =	vst v63  }
0x142: {  	_ =	swait.ge [sflag:s22], $0x2800  }
0x143: {  	[sflag:s22] =	ssyncset.done $0x0  }
0x144: {  	[sflag:s22] =	ssyncadd.s32 $0xFFFFD800  }
0x145: {  	_ =	swait.ge [sflag:s22], $0x2800  }
0x146: {  	[sflag:s22] =	ssyncset.done $0x0  }
0x147: {  	[sflag:s22] =	ssyncadd.s32 $0xFFFFD800  }
0x148: {  	_ =	swait.ge [sflag:s24], $0x2800  }
0x149: {  	[sflag:s24] =	ssyncset.done $0x0  }
0x14a: {  	[sflag:s24] =	ssyncadd.s32 $0xFFFFD800  }
0x14b: {  	_ =	swait.ge [sflag:s24], $0x2800  }
0x14c: {  	[sflag:s24] =	ssyncset.done $0x0  }
0x14d: {  	[sflag:s24] =	ssyncadd.s32 $0xFFFFD800  }
0x14e: {  	_ =	swait.ge [sflag:s23], $0xA0  }
0x14f: {  	[sflag:s23] =	ssyncset.done $0x0  }
0x150: {  	[sflag:s23] =	ssyncadd.s32 $0xFFFFFF60  }
0x151: {  	_ =	swait.ge [sflag:s23], $0xA0  }
0x152: {  	[sflag:s23] =	ssyncset.done $0x0  }
0x153: {  	s9 =	simm.s32 $0xB;
	s18 =	rddreg [dreg:$0x18];
	[sflag:s23] =	ssyncadd.s32 $0xFFFFFF60  }
0x154: {  	[tilespmem:s11], [sflag:$0xB] =	stream.linear.gather [hbm4b:s18+s7], $0x50, $0x38;
	[tilespmem:$0x1E800] =	vst v63  }
0x155: {  	_ =	swait.ge [sflag:s9], $0x50  }
0x156: {  	[sflag:s9] =	ssyncset.done $0x0  }
0x157: {  	s19 =	rddreg [dreg:$0x19];
	[sflag:s9] =	ssyncadd.s32 $0xFFFFFFB0  }
0x158: {  	[tilespmem:s15], [sflag:$0xB] =	stream.linear.gather [hbm4b:s19+s7], $0x50, $0x38;
	[tilespmem:$0x1E800] =	vst v63  }
0x159: {  	_ =	swait.ge [sflag:s9], $0x50  }
0x15a: {  	[sflag:s9] =	ssyncset.done $0x0  }
0x15b: {  	[sflag:s9] =	ssyncadd.s32 $0xFFFFFFB0  }
0x15c: {  	[tilespmem:s10], [sflag:$0x7] =	stream.indirect.gather [hbm4b:s1+s8], $0x80, s11, s8, $0xb8;
	[tilespmem:$0x1E800] =	vst v63  }
0x15d: {  	_ =	swait.ge [sflag:s13], $0x2800  }
0x15e: {  	[sflag:s13] =	ssyncset.done $0x0  }
0x15f: {  	[sflag:s13] =	ssyncadd.s32 $0xFFFFD800  }
0x160: {  	[spmem:s5] =	stream.indirect.scatter.add.f32 [tilespmem:s10], [sflag:$0x5], $0x80, s15, s8, $0xb8;
	[tilespmem:$0x1E800] =	vst v63  }
0x161: {  	_ =	swait.ge [sflag:s22], $0x2800  }
0x162: {  	[sflag:s22] =	ssyncset.done $0x0  }
0x163: {  	[sflag:s22] =	ssyncadd.s32 $0xFFFFD800  }
0x164: {  	[bflag:$0x0] =	sbarrier.arrive $0xFFFF  }
0x165: {  	s15 =	rddreg [dreg:$0xf]  }
0x166: {  	s25 =	rddreg [dreg:$0x1a]  }
0x167: {  	s26 =	rddreg [dreg:$0x1f]  }
0x168: {  	[hbm:s25], [sflag:s15] =	dma.local [spmem:s26], $0x2800  }
0x169: {  	_ =	swait.ge [sflag:s9], $0x2800  }
0x16a: {  	s28 =	rddreg [dreg:$0x1e]  }
0x16b: {  	s29 =	rddreg [dreg:$0x1b];
	s2 =	sadd.s32 $0x1, s28  }
0x16c: {  	p0 =	sne.s32 s2, s29  }
.Ltmp1:
0x16d: {  	_ = 	snop;
	(pc) =	sbr.rel @p0 .LBB2_1-.Ltmp1, $3  }
0x16e: {  	_ =	sdelay $0x1  }
0x16f: {  	[sflag:s9] =	ssyncset.done $0x0  }
0x170: {  	s18 =	simm.s32 $0x14700;
	s11 =	simm.s32 $0x14200;
	[sflag:s9] =	ssyncadd.s32 $0xFFFFD800  }
0x171: {  	_ =	sfence.sel $0x180000  }
0x172: {  	[bflag:$0x0] =	sbarrier.arrive $0xFFFF  }
0x173: {  	_ =	strace $0x9000004D  }
0x174: {  	s0 =	stileid.u32;
	[bflag:$0x2] =	sbarrier.arrive $0xFFFF  }
0x175: {  	p0 =	sne.s32 s0, $0x0;
	s0 =	rddreg [dreg:$0x5]  }
0x176: {  	s0 =	sadd.s32 @!p0 $0x100000, s0  }
0x177: {  	[sflag:s0] =	ssyncadd.tile.s32 @!p0 $0x1;
	_ =	shalt  }
.Lfunc_end2:
_tile_overlayer_lowered:
.L_overlay_start_2:
0x178: {  	(tag) =	ssettag $0x2  }
0x179: {  	s0 =	rddreg [dreg:$0x0];
	s2 =	stileid.u32  }
0x17a: {  	s1 =	rddreg [dreg:$0x1];
	p0 =	sne.s32 s2, $0x0  }
0x17b: {  	s3 =	rddreg [dreg:$0x2];
	[bflag:$0x3] =	sbarrier.arrive $0xFFFF;
	s2 =	simm.s32 @!p0 $0x1C0B  }
0x17c: {  	[timem:s3], [sflag:s2] =	dma.local @!p0 [hbm:s0], s1  }
0x17d: {  	s0 =	simm.s32 @!p0 $0xB  }
0x17e: {  	_ =	swait.ge @!p0 [sflag:s0], s1  }
0x17f: {  	s1 =	ssub.s32 @!p0 $0x0, s1;
	[sflag:s0] =	ssyncset.done @!p0 $0x0  }
0x180: {  	[sflag:s0] =	ssyncadd.s32 @!p0 s1  }
0x181: {  	[bflag:$0x3] =	sbarrier.arrive $0xFFFF  }
0x182: {  	_ =	shalt  }

// kernel: kernel.8.cloned.1.call-start
scs
__scs_entry_jumppad:
0x0: {  	(pc) =	sbr.rel $0x88, $3  }
0x1: {  	(tag) =	ssettag $0x0;
	lr =	simm.s32 $0x1  }
0x2: {  	[smem:$0x3F97] =	sst lr;
	_ =	strace $0xD0000000  }
0x3: {  	_ = 	snop  }
0x4: {  	_ = 	snop  }
0x5: {  	_ = 	snop  }
0x6: {  	_ = 	snop  }
0x7: {  	_ = 	snop  }
__scs_overlays_trampoline_lowered:
0x8: {  	[smem:$0x3FA6] =	sst s0  }
0x9: {  	[smem:$0x3FA7] =	sst s1  }
0xa: {  	[smem:$0x3FA8] =	sst s2  }
0xb: {  	[smem:$0x3FA9] =	sst s3  }
0xc: {  	[smem:$0x3FAA] =	sst s4  }
0xd: {  	[smem:$0x3FAB] =	sst s5  }
0xe: {  	[smem:$0x3FAC] =	sst s6  }
0xf: {  	[smem:$0x3FAD] =	sst s7  }
0x10: {  	[smem:$0x3FAE] =	sst s8  }
0x11: {  	[smem:$0x3FAF] =	sst s9;
	s0 =	simm.s32 @!p0 $0x0  }
0x12: {  	s1 =	sld [smem:$0x3F95];
	s0 =	simm.s32 @p0 $0x1  }
0x13: {  	[smem:$0x3FB0] =	sst s0;
	s0 =	simm.s32 @!p1 $0x0  }
0x14: {  	s2 =	sld [smem:$0x3F94];
	s0 =	simm.s32 @p1 $0x1  }
0x15: {  	[smem:$0x3FB1] =	sst s0;
	s0 =	simm.s32 @!p2 $0x0  }
0x16: {  	s3 =	sld [smem:$0x3FDB];
	s0 =	simm.s32 @p2 $0x1  }
0x17: {  	s4 =	simm.s32 $0x1BF5;
	[smem:$0x3FB3] =	sst s0  }
0x18: {  	s0 =	sld [smem:$0x3F96];
	_ =	swait.ge [sflag:s4], $0x0  }
0x19: {  	s7 =	sld [smem:$0x3F97]  }
0x1a: {  	s8 =	sadd.s32 $0xFFFFE003, lr  }
0x1b: {  	s9 =	sadd.s32 $0xFFFFFEF7, lr;
	s5 =	simm.s32 $0xFFFFFFFF;
	p2 =	slt.u32 s8, $0xFFFFF086  }
0x1c: {  	p1 =	slt.u32 s9, $0xF7A;
	s5 =	simm.s32 @!p2 $0x0  }
0x1d: {  	s5 =	simm.s32 @p1 $0x1;
	p0 =	seq.s32 s7, s2  }
0x1e: {  	s7 =	smul.u32 @!p0 $0xF7A, s2;
	p2 =	seq.s32 @!p0 s5, $0x0  }
0x1f: {  	s9 =	smul.u32 $0xF7A, s1;
	s8 =	simm.s32 @!p0 $0x1BF5;
	p2 =	por !p2, p0  }
0x20: {  	[sflag:s8] =	ssyncset.s32 @!p0 $0xFFFFF086;
	s6 =	sadd.s32 @!p0 s3, s7;
	s7 =	simm.s32 @!p0 $0x108  }
0x21: {  	s3 =	sadd.s32 s3, s9;
	s6 =	sadd.s32 @!p0 $0x88, s6;
	s7 =	simm.s32 @p2 $0x1082  }
0x22: {  	[simem:s7], [sflag:s8] =	dma.local @!p0 [hbm:s6], $0xF7A  }
0x23: {  	s9 =	sor.u32 $0xD0000000, s2;
	s6 =	simm.s32 $0x108;
	_ =	swait.ge @!p0 [sflag:s8], $0x0  }
0x24: {  	s3 =	sadd.s32 $0x88, s3;
	s6 =	simm.s32 @!p1 $0x1082;
	[sflag:s4] =	ssyncset.s32 $0xFFFFF086  }
0x25: {  	[simem:s6], [sflag:s4] =	dma.local [hbm:s3], $0xF7A  }
0x26: {  	[smem:$0x3F97] =	sst s1;
	(tag) =	ssettag s2;
	_ =	strace s9  }
0x27: {  	s1 =	sld [smem:$0x3FA7]  }
0x28: {  	s2 =	sld [smem:$0x3FA8]  }
0x29: {  	s4 =	sld [smem:$0x3FAA]  }
0x2a: {  	p0 =	seq.s32 s5, $0x0;
	s5 =	sld [smem:$0x3FAB]  }
0x2b: {  	s6 =	sld [smem:$0x3FAC]  }
0x2c: {  	s7 =	sld [smem:$0x3FAD]  }
0x2d: {  	s3 =	simm.s32 $0x108;
	s8 =	sld [smem:$0x3FAE]  }
0x2e: {  	s3 =	simm.s32 @!p0 $0x1082;
	s9 =	sld [smem:$0x3FAF]  }
0x2f: {  	lr =	sadd.s32 s0, s3;
	s0 =	sld [smem:$0x3FA6]  }
0x30: {  	s3 =	sld [smem:$0x3FA9]  }
0x31: {  	[smem:$0x3FB2] =	sst s10  }
0x32: {  	s10 =	sld [smem:$0x3FB0];
	_ =	sdelay $0x3  }
0x33: {  	p0 =	seq.s32 s10, $0x1;
	s10 =	sld [smem:$0x3FB2];
	_ =	sdelay $0x3  }
0x34: {  	[smem:$0x3FB2] =	sst s10  }
0x35: {  	s10 =	sld [smem:$0x3FB1];
	_ =	sdelay $0x3  }
0x36: {  	p1 =	seq.s32 s10, $0x1;
	s10 =	sld [smem:$0x3FB2];
	_ =	sdelay $0x3  }
0x37: {  	[smem:$0x3FB2] =	sst s10  }
0x38: {  	s10 =	sld [smem:$0x3FB3]  }
0x39: {  	_ = 	snop;
	(pc) =	sbr.ind lr, $3  }
0x3a: {  	_ = 	snop  }
0x3b: {  	_ = 	snop  }
0x3c: {  	p2 =	seq.s32 s10, $0x1;
	s10 =	sld [smem:$0x3FB2]  }
0x3d: {  	_ =	shalt  }
0x3e: {  	_ =	shalt  }
0x3f: {  	_ =	shalt  }
0x40: {  	_ =	shalt  }
0x41: {  	_ =	shalt  }
0x42: {  	_ =	shalt  }
0x43: {  	_ =	shalt  }
0x44: {  	_ =	shalt  }
0x45: {  	_ =	shalt  }
0x46: {  	_ =	shalt  }
0x47: {  	_ =	shalt  }
0x48: {  	_ =	shalt  }
0x49: {  	_ =	shalt  }
0x4a: {  	_ =	shalt  }
0x4b: {  	_ =	shalt  }
0x4c: {  	_ =	shalt  }
0x4d: {  	_ =	shalt  }
0x4e: {  	_ =	shalt  }
0x4f: {  	_ =	shalt  }
0x50: {  	_ =	shalt  }
0x51: {  	_ =	shalt  }
0x52: {  	_ =	shalt  }
0x53: {  	_ =	shalt  }
0x54: {  	_ =	shalt  }
0x55: {  	_ =	shalt  }
0x56: {  	_ =	shalt  }
0x57: {  	_ =	shalt  }
0x58: {  	_ =	shalt  }
0x59: {  	_ =	shalt  }
0x5a: {  	_ =	shalt  }
0x5b: {  	_ =	shalt  }
0x5c: {  	_ =	shalt  }
0x5d: {  	_ =	shalt  }
0x5e: {  	_ =	shalt  }
0x5f: {  	_ =	shalt  }
0x60: {  	_ =	shalt  }
0x61: {  	_ =	shalt  }
0x62: {  	_ =	shalt  }
0x63: {  	_ =	shalt  }
0x64: {  	_ =	shalt  }
0x65: {  	_ =	shalt  }
0x66: {  	_ =	shalt  }
0x67: {  	_ =	shalt  }
0x68: {  	_ =	shalt  }
0x69: {  	_ =	shalt  }
0x6a: {  	_ =	shalt  }
0x6b: {  	_ =	shalt  }
0x6c: {  	_ =	shalt  }
0x6d: {  	_ =	shalt  }
0x6e: {  	_ =	shalt  }
0x6f: {  	_ =	shalt  }
0x70: {  	_ =	shalt  }
0x71: {  	_ =	shalt  }
0x72: {  	_ =	shalt  }
0x73: {  	_ =	shalt  }
0x74: {  	_ =	shalt  }
0x75: {  	_ =	shalt  }
0x76: {  	_ =	shalt  }
0x77: {  	_ =	shalt  }
0x78: {  	_ =	shalt  }
0x79: {  	_ =	shalt  }
0x7a: {  	_ =	shalt  }
0x7b: {  	_ =	shalt  }
0x7c: {  	_ =	shalt  }
0x7d: {  	_ =	shalt  }
0x7e: {  	_ =	shalt  }
0x7f: {  	_ =	shalt  }
0x80: {  	_ =	shalt  }
0x81: {  	_ =	shalt  }
0x82: {  	_ =	shalt  }
0x83: {  	_ =	shalt  }
0x84: {  	_ =	shalt  }
0x85: {  	_ =	shalt  }
0x86: {  	_ =	shalt  }
0x87: {  	_ =	shalt  }
.Lfunc_end0:
.L_simem_size_0:
called_computation_lowered:
.L_overlay_start_0:
0x88: {  	s2 =	sld [smem:$0x3FD9]  }
0x89: {  	s3 =	sld [smem:$0x3FFE];
	_ =	sdelay $0x1  }
0x8a: {  	s1 =	srdreg.scid  }
0x8b: {  	s0 =	sand.u32 $0x1, s1  }
0x8c: {  	s14 =	sshll.u32 s0, $0xA;
	s2 =	sadd.s32 s3, s2  }
0x8d: {  	s2 =	sadd.s32 s2, s14  }
0x8e: {  	[smem:$0x3FBE] =	sst s2  }
0x8f: {  	_ = 	snop  }
0x90: {  	s2 =	sld [smem:$0x3FD0];
	_ =	sdelay $0x2  }
0x91: {  	s15 =	simm.s32 $0xA;
	s4 =	simm.s32 $0x10  }
0x92: {  	[smem:s4], [sflag:s15] =	dma.local [hbm:s2], $0x1  }
0x93: {  	_ =	swait.eq [sflag:s15], $0x1  }
0x94: {  	[sflag:s15] =	ssyncset.done $0x0  }
0x95: {  	s16 =	sld [smem:$0x10];
	[sflag:s15] =	ssyncadd.s32 $0xFFFFFFFF  }
0x96: {  	s17 =	sld [smem:$0x11];
	(tm) =	ssettm $0x1  }
0x97: {  	s18 =	sld [smem:$0x3FFB];
	_ =	sdelay $0x3  }
0x98: {  	_ =	strace s18  }
0x99: {  	s4 =	sld [smem:$0x3FFC];
	_ =	sdelay $0x3  }
0x9a: {  	_ =	strace s4  }
0x9b: {  	s4 =	sld [smem:$0x3FFD];
	_ =	sdelay $0x3  }
0x9c: {  	_ =	strace s4  }
0x9d: {  	_ =	strace $0x8FFFFFFF  }
0x9e: {  	s19 =	sld [smem:$0x3FDB];
	_ =	sdelay $0x1  }
0x9f: {  	s5 =	simm.s32 $_scs_section_size  }
0xa0: {  	s6 =	simm.s32 $_size__tile_overlayer_lowered;
	s7 =	simm.s32 $_tile_overlayer_lowered  }
0xa1: {  	s22 =	simm.s32 $0x1BFF;
	s21 =	sshll.u32 s7, $0x1;
	s4 =	sadd.s32 s5, s19  }
0xa2: {  	s8 =	simm.s32 $0x0;
	s20 =	sshll.u32 s6, $0x1;
	s6 =	sadd.s32 s21, s4  }
0xa3: {  	[timem:s8], [sflag:s22] =	dma.local [hbm:s6], s20  }
0xa4: {  	_ =	swait.ge [sflag:s22], s20  }
0xa5: {  	s5 =	ssub.s32 $0x0, s20;
	[sflag:s22] =	ssyncset.done $0x0  }
0xa6: {  	[sflag:s22] =	ssyncadd.s32 s5;
	_ =	sdelay $0x1  }
0xa7: {  	s23 =	simm.s32 $0x1B8B  }
0xa8: {  	_ =	swait.ge [sflag:s23], $0x1  }
0xa9: {  	[sflag:s23] =	ssyncset.done $0x0  }
0xaa: {  	s25 =	simm.s32 $0x1B8E;
	s24 =	sld [smem:$0x3FFE];
	[sflag:s23] =	ssyncadd.s32 $0xFFFFFFFF  }
0xab: {  	s26 =	simm.s32 $execute0_lowered;
	[smem:$0x3FD2] =	sst s25  }
0xac: {  	s6 =	sshll.u32 s26, $0x1;
	_ =	strace $0x80000046;
	[dreg:$0x1] =	wrdreg $0xFFFFFFFF  }
0xad: {  	s28 =	simm.s32 $_size_execute0_lowered;
	s4 =	sadd.s32 s4, s6;
	[dreg:$0x0] =	wrdreg $0x0  }
0xae: {  	s6 =	sshll.u32 s28, $0x1;
	[dreg:$0x2] =	wrdreg s4  }
0xaf: {  	[dreg:$0x3] =	wrdreg s6  }
0xb0: {  	[dreg:$0x4] =	wrdreg $0xC0  }
0xb1: {  	_ =	task [dreg:s8], $0x5FFFF  }
0xb2: {  	[dreg:$0x1] =	wrdreg $0xFFFFFFFF  }
0xb3: {  	[dreg:$0x0] =	wrdreg $0x60  }
0xb4: {  	[dreg:$0x2] =	wrdreg s16  }
0xb5: {  	[dreg:$0x3] =	wrdreg s24  }
0xb6: {  	[dreg:$0x4] =	wrdreg s17  }
0xb7: {  	[dreg:$0x5] =	wrdreg $0x0  }
0xb8: {  	[dreg:$0x6] =	wrdreg $0x9  }
0xb9: {  	_ =	task.clear_ibuf [dreg:s8], $0x7FFFF;
	_ =	strace $0x90000046  }
0xba: {  	s29 =	simm.s32 $0x9;
	_ =	strace $0x80000048  }
0xbb: {  	_ =	swait.ge [sflag:s29], $0x1  }
0xbc: {  	[sflag:s29] =	ssyncadd.s32 $0xFFFFFFFF  }
0xbd: {  	_ =	strace $0x90000048  }
0xbe: {  	_ =	sfence  }
0xbf: {  	s30 =	sld [smem:$0x0];
	_ =	sdelay $0x2  }
0xc0: {  	s31 =	sshll.u32 s1, $0xD;
	s1 =	sshrl.u32 s1, $0x2  }
0xc1: {  	s3 =	sand.u32 $0x4000, s31;
	s1 =	sadd.s32 s1, s30  }
0xc2: {  	s0 =	sor.u32 s3, s0;
	s1 =	sshll.u32 s1, $0x11  }
0xc3: {  	s0 =	sor.u32 s1, s0  }
0xc4: {  	s0 =	sadd.s32 $0x8F2B, s0  }
0xc5: {  	[sflag:s0] =	ssyncadd.remote.s32 $0x1  }
0xc6: {  	_ =	sfence.sel $0xFFFF  }
0xc7: {  	[dreg:$0x0] =	wrdreg $0xFFFFFFFF;
	(pc) =	sbr.abs _section_cstart, $3  }
0xc8: {  	[dreg:$0x1] =	wrdreg $0xFFFFFFFF  }
0xc9: {  	_ =	task.clear_ibuf [dreg:s8], $0x2FFFF;
	_ =	strace $0x9FFFFFFF  }
0xca: {  	(tm) =	ssettm $0x7FFFFFFF  }
0xcb: {  	_ =	shalt  }
tec
execute0_lowered:
.L_overlay_start_1:
0x0: {  	(tag) =	ssettag $0x1  }
0x1: {  	s11 =	rddreg [dreg:$0x0]  }
0x2: {  	s0 =	rddreg [dreg:$0x1]  }
0x3: {  	s1 =	rddreg [dreg:$0x2]  }
0x4: {  	s2 =	rddreg [dreg:$0x3];
	s4 =	simm.s32 $0x0;
	s10 =	stileid.u32  }
0x5: {  	s3 =	srdreg.scid;
	s31 =	simm.s32 $0x6;
	s28 =	simm.s32 $0x700  }
0x6: {  	s29 =	simm.s32 $0x2;
	s13 =	simm.s32 $0x5;
	s16 =	simm.s32 $0x950  }
0x7: {  	[smem:$0x7FF] =	sst s4;
	s5 =	smul.u32 $0x280, s10;
	s3 =	sand.u32 $0x1, s3  }
0x8: {  	s6 =	sshll.u32 s10, $0x1;
	s7 =	sadd.s32 $0x3C00, s0;
	s20 =	smul.u32 $0x4E20, s10  }
0x9: {  	s10 =	sshll.u32 s10, $0x6;
	_ =	strace $0x80000047;
	[dreg:$0x5] =	wrdreg s7  }
0xa: {  	s17 =	ssub.s32 $0x2, s3;
	s6 =	sor.u32 s3, s6;
	s18 =	smul.u32 $0x2800, s3  }
0xb: {  	s3 =	smul.u32 $0x2710, s3;
	s25 =	sor.u32 $0x1C06, s10;
	s10 =	simm.s32 $0x7A0  }
0xc: {  	s8 =	sshrl.u32 s5, $0x3;
	s9 =	sshrl.u32 s17, $0x1;
	s6 =	smul.u32 $0x2710, s6  }
0xd: {  	s19 =	sadd.s32 s5, s2;
	[dreg:$0x7] =	wrdreg s25;
	s0 =	sadd.s32 s8, s0  }
0xe: {  	s7 =	ssub.s32 s17, s9;
	s5 =	sadd.s32 s5, s18;
	s30 =	sshrl.u32 s19, $0x3  }
0xf: {  	s18 =	simm.s32 $0x280;
	s19 =	simm.s32 $0x300;
	s9 =	simm.s32 $0x750  }
0x10: {  	s8 =	simm.s32 $0x7F0;
	s17 =	simm.s32 $0x9A0;
	s0 =	sadd.s32 $0x3600, s0  }
0x11: {  	s6 =	sshrl.u32 s6, $0x3;
	s5 =	sshrl.u32 s5, $0x3;
	[dreg:$0xd] =	wrdreg s30  }
0x12: {  	s21 =	smax.u32 s7, $0x1;
	s7 =	simm.s32 $0x4;
	[dreg:$0x6] =	wrdreg s0  }
0x13: {  	s6 =	sadd.s32 s11, s6;
	s0 =	sadd.s32 s3, s20;
	s1 =	sadd.s32 s1, s5  }
0x14: {  	[dreg:$0xb] =	wrdreg s21;
	s20 =	simm.s32 $0x500;
	s21 =	simm.s32 $0x1  }
0x15: {  	s5 =	simm.s32 $0x900;
	[dreg:$0x8] =	wrdreg s6;
	s6 =	sadd.s32 $0x32, s6  }
0x16: {  	[dreg:$0xa] =	wrdreg s1;
	s22 =	sadd.s32 $0x7D0, s0;
	s3 =	sadd.s32 $0x4B0, s0  }
0x17: {  	s23 =	sadd.s32 $0x320, s0;
	s0 =	sadd.s32 $0x640, s0;
	[dreg:$0x9] =	wrdreg s6  }
0x18: {  	s1 =	sshrl.u32 s22, $0x3;
	s24 =	sshrl.u32 s3, $0x3;
	s26 =	sshrl.u32 s23, $0x3  }
.Ltmp0:
0x19: {  	[dreg:$0xc] =	wrdreg s0;
	s22 =	simm.s32 $0x50;
	(pc) =	sbr.rel .LBB2_1-.Ltmp0, $4  }
0x1a: {  	s0 =	simm.s32 $0x5F0;
	s3 =	simm.s32 $0x640;
	s6 =	simm.s32 $0x3  }
0x1b: {  	s23 =	simm.s32 $0xA40;
	s12 =	sadd.s32 s1, s11;
	s14 =	sadd.s32 s24, s11  }
0x1c: {  	s15 =	sadd.s32 s26, s11;
	s26 =	simm.s32 $0x440;
	s24 =	simm.s32 $0x0  }
0x1d: {  	s11 =	simm.s32 $0x840;
	s1 =	simm.s32 $0x9F0;
	[dreg:$0xe] =	wrdreg s24  }
.LBB2_4:
0x1e: {  	_ =	swait.ge [sflag:s21], $0x190  }
0x1f: {  	[sflag:s21] =	ssyncset.done $0x0  }
0x20: {  	[sflag:s21] =	ssyncadd.s32 $0xFFFFFE70  }
0x21: {  	[spmem:s2] =	stream.indirect.scatter.add.f32 [tilespmem:s18], [sflag:$0x5], $0x1, s19, s22, $0xb8;
	[tilespmem:$0xB00] =	vst v63  }
0x22: {  	s24 =	simm.s32 $0x350  }
0x23: {  	[spmem:s2] =	stream.indirect.scatter.add.f32 [tilespmem:s18], [sflag:$0x5], $0x1, s24, s22, $0xb8;
	[tilespmem:$0xB00] =	vst v63  }
0x24: {  	s25 =	simm.s32 $0x3A0  }
0x25: {  	[spmem:s2] =	stream.indirect.scatter.add.f32 [tilespmem:s18], [sflag:$0x5], $0x1, s25, s22, $0xb8;
	[tilespmem:$0xB00] =	vst v63  }
0x26: {  	s25 =	simm.s32 $0x3F0  }
0x27: {  	[spmem:s2] =	stream.indirect.scatter.add.f32 [tilespmem:s18], [sflag:$0x5], $0x1, s25, s22, $0xb8;
	[tilespmem:$0xB00] =	vst v63  }
0x28: {  	_ = 	snop  }
0x29: {  	[spmem:s2] =	stream.indirect.scatter.add.f32 [tilespmem:s18], [sflag:$0x5], $0x1, s26, s22, $0xb8;
	[tilespmem:$0xB00] =	vst v63  }
0x2a: {  	_ =	swait.ge [sflag:s13], $0x190  }
0x2b: {  	[sflag:s13] =	ssyncset.done $0x0  }
0x2c: {  	[sflag:s13] =	ssyncadd.s32 $0xFFFFFE70  }
0x2d: {  	_ =	swait.ge [sflag:s13], $0x190  }
0x2e: {  	[sflag:s13] =	ssyncset.done $0x0  }
0x2f: {  	[sflag:s13] =	ssyncadd.s32 $0xFFFFFE70  }
0x30: {  	_ =	swait.ge [sflag:s13], $0x190  }
0x31: {  	[sflag:s13] =	ssyncset.done $0x0  }
0x32: {  	[sflag:s13] =	ssyncadd.s32 $0xFFFFFE70  }
0x33: {  	[bflag:$0x0] =	sbarrier.arrive $0xFFFF  }
0x34: {  	s25 =	rddreg [dreg:$0x7]  }
0x35: {  	s24 =	rddreg [dreg:$0xa]  }
0x36: {  	s31 =	simm.s32 $0x6;
	s30 =	rddreg [dreg:$0xd]  }
0x37: {  	[hbm:s24], [sflag:s25] =	dma.local [spmem:s30], $0x50  }
0x38: {  	_ =	swait.ge [sflag:s31], $0x50  }
0x39: {  	s24 =	rddreg [dreg:$0xe]  }
0x3a: {  	s25 =	sadd.s32 $0x1, s24;
	s24 =	rddreg [dreg:$0xb]  }
0x3b: {  	p0 =	sne.s32 s25, s24  }
.Ltmp1:
0x3c: {  	_ = 	snop;
	(pc) =	sbr.rel @!p0 .LBB2_5-.Ltmp1, $3  }
0x3d: {  	_ =	sdelay $0x1  }
0x3e: {  	[sflag:s31] =	ssyncset.done $0x0;
	[dreg:$0xe] =	wrdreg s25  }
0x3f: {  	[sflag:s31] =	ssyncadd.s32 $0xFFFFFFB0;
	s25 =	rddreg [dreg:$0x7]  }
.LBB2_1:
0x40: {  	s24 =	rddreg [dreg:$0x6]  }
0x41: {  	[spmem:s30], [sflag:s25] =	dma.local [hbm:s24], $0x50  }
0x42: {  	_ =	swait.ge [sflag:s31], $0x50  }
0x43: {  	[sflag:s31] =	ssyncset.done $0x0  }
0x44: {  	s25 =	rddreg [dreg:$0x5];
	[sflag:s31] =	ssyncadd.s32 $0xFFFFFFB0  }
0x45: {  	[tilespmem:s18], [sflag:$0x6] =	stream.linear.gather [hbm4b:s25+s4], $0x80, $0x38;
	[tilespmem:$0xB00] =	vst v63  }
0x46: {  	_ =	swait.ge [sflag:s31], $0x80  }
0x47: {  	[sflag:s31] =	ssyncset.done $0x0  }
0x48: {  	s25 =	rddreg [dreg:$0x8];
	[sflag:s31] =	ssyncadd.s32 $0xFFFFFF80  }
0x49: {  	[tilespmem:s19], [sflag:$0x1] =	stream.linear.gather [hbm4b:s25+s4], $0x190, $0x38;
	[tilespmem:$0xB00] =	vst v63  }
0x4a: {  	s31 =	rddreg [dreg:$0x9]  }
0x4b: {  	[tilespmem:s20], [sflag:$0x2] =	stream.linear.gather [hbm4b:s31+s4], $0x190, $0x38;
	[tilespmem:$0xB00] =	vst v63  }
0x4c: {  	[bflag:$0x0] =	sbarrier.arrive $0xFFFF  }
0x4d: {  	s30 =	simm.s32 $0x0;
	s24 =	rddreg [dreg:$0xc]  }
.LBB2_2:
0x4e: {  	_ =	swait.ge [sflag:s21], $0x190  }
0x4f: {  	[sflag:s21] =	ssyncset.done $0x0  }
0x50: {  	[sflag:s21] =	ssyncadd.s32 $0xFFFFFE70  }
0x51: {  	[spmem:s2] =	stream.indirect.scatter.add.f32 [tilespmem:s18], [sflag:$0x5], $0x1, s19, s22, $0xb8;
	[tilespmem:$0xB00] =	vst v63  }
0x52: {  	s25 =	simm.s32 $0x350  }
0x53: {  	[spmem:s2] =	stream.indirect.scatter.add.f32 [tilespmem:s18], [sflag:$0x5], $0x1, s25, s22, $0xb8;
	[tilespmem:$0xB00] =	vst v63  }
0x54: {  	s31 =	simm.s32 $0x3A0  }
0x55: {  	[spmem:s2] =	stream.indirect.scatter.add.f32 [tilespmem:s18], [sflag:$0x5], $0x1, s31, s22, $0xb8;
	[tilespmem:$0xB00] =	vst v63  }
0x56: {  	p0 =	seq.s32 s30, $0x0;
	s31 =	simm.s32 $0x3F0  }
0x57: {  	[spmem:s2] =	stream.indirect.scatter.add.f32 [tilespmem:s18], [sflag:$0x5], $0x1, s31, s22, $0xb8;
	[tilespmem:$0xB00] =	vst v63  }
0x58: {  	s25 =	simm.s32 @!p0 $0x5  }
0x59: {  	[spmem:s2] =	stream.indirect.scatter.add.f32 [tilespmem:s18], [sflag:$0x5], $0x1, s26, s22, $0xb8;
	[tilespmem:$0xB00] =	vst v63  }
0x5a: {  	_ =	swait.ge @!p0 [sflag:s25], $0x190  }
0x5b: {  	[sflag:s25] =	ssyncset.done @!p0 $0x0  }
0x5c: {  	s31 =	sadd.s32 s30, s15;
	[sflag:s25] =	ssyncadd.s32 @!p0 $0xFFFFFE70  }
0x5d: {  	[tilespmem:s28], [sflag:$0x3] =	stream.linear.gather [hbm4b:s31+s4], $0x190, $0x38;
	[tilespmem:$0xB00] =	vst v63  }
0x5e: {  	_ =	swait.ge [sflag:s29], $0x190  }
0x5f: {  	[sflag:s29] =	ssyncset.done $0x0  }
0x60: {  	[sflag:s29] =	ssyncadd.s32 $0xFFFFFE70  }
0x61: {  	[spmem:s2] =	stream.indirect.scatter.add.f32 [tilespmem:s18], [sflag:$0x5], $0x1, s20, s22, $0xb8;
	[tilespmem:$0xB00] =	vst v63  }
0x62: {  	s31 =	simm.s32 $0x550  }
0x63: {  	[spmem:s2] =	stream.indirect.scatter.add.f32 [tilespmem:s18], [sflag:$0x5], $0x1, s31, s22, $0xb8;
	[tilespmem:$0xB00] =	vst v63  }
0x64: {  	s31 =	simm.s32 $0x5A0  }
0x65: {  	[spmem:s2] =	stream.indirect.scatter.add.f32 [tilespmem:s18], [sflag:$0x5], $0x1, s31, s22, $0xb8;
	[tilespmem:$0xB00] =	vst v63  }
0x66: {  	_ = 	snop  }
0x67: {  	[spmem:s2] =	stream.indirect.scatter.add.f32 [tilespmem:s18], [sflag:$0x5], $0x1, s0, s22, $0xb8;
	[tilespmem:$0xB00] =	vst v63  }
0x68: {  	_ = 	snop  }
0x69: {  	[spmem:s2] =	stream.indirect.scatter.add.f32 [tilespmem:s18], [sflag:$0x5], $0x1, s3, s22, $0xb8;
	[tilespmem:$0xB00] =	vst v63  }
0x6a: {  	_ =	swait.ge @!p0 [sflag:s25], $0x190  }
0x6b: {  	[sflag:s25] =	ssyncset.done @!p0 $0x0  }
0x6c: {  	s31 =	sadd.s32 s30, s14;
	[sflag:s25] =	ssyncadd.s32 @!p0 $0xFFFFFE70  }
0x6d: {  	[tilespmem:s5], [sflag:$0x4] =	stream.linear.gather [hbm4b:s31+s4], $0x190, $0x38;
	[tilespmem:$0xB00] =	vst v63  }
0x6e: {  	_ =	swait.ge [sflag:s6], $0x190  }
0x6f: {  	[sflag:s6] =	ssyncset.done $0x0  }
0x70: {  	[sflag:s6] =	ssyncadd.s32 $0xFFFFFE70  }
0x71: {  	[spmem:s2] =	stream.indirect.scatter.add.f32 [tilespmem:s18], [sflag:$0x5], $0x1, s28, s22, $0xb8;
	[tilespmem:$0xB00] =	vst v63  }
0x72: {  	_ = 	snop  }
0x73: {  	[spmem:s2] =	stream.indirect.scatter.add.f32 [tilespmem:s18], [sflag:$0x5], $0x1, s9, s22, $0xb8;
	[tilespmem:$0xB00] =	vst v63  }
0x74: {  	_ = 	snop  }
0x75: {  	[spmem:s2] =	stream.indirect.scatter.add.f32 [tilespmem:s18], [sflag:$0x5], $0x1, s10, s22, $0xb8;
	[tilespmem:$0xB00] =	vst v63  }
0x76: {  	_ = 	snop  }
0x77: {  	[spmem:s2] =	stream.indirect.scatter.add.f32 [tilespmem:s18], [sflag:$0x5], $0x1, s8, s22, $0xb8;
	[tilespmem:$0xB00] =	vst v63  }
0x78: {  	_ = 	snop  }
0x79: {  	[spmem:s2] =	stream.indirect.scatter.add.f32 [tilespmem:s18], [sflag:$0x5], $0x1, s11, s22, $0xb8;
	[tilespmem:$0xB00] =	vst v63  }
0x7a: {  	_ =	swait.ge [sflag:s13], $0x190  }
0x7b: {  	[sflag:s13] =	ssyncset.done $0x0  }
0x7c: {  	[sflag:s13] =	ssyncadd.s32 $0xFFFFFE70  }
0x7d: {  	s25 =	sshrl.u32 s24, $0x3;
	s31 =	rddreg [dreg:$0x0]  }
0x7e: {  	s25 =	sadd.s32 s31, s25  }
0x7f: {  	[tilespmem:s19], [sflag:$0x1] =	stream.linear.gather [hbm4b:s25+s4], $0x190, $0x38;
	[tilespmem:$0xB00] =	vst v63  }
0x80: {  	_ =	swait.ge [sflag:s7], $0x190  }
0x81: {  	[sflag:s7] =	ssyncset.done $0x0  }
0x82: {  	[sflag:s7] =	ssyncadd.s32 $0xFFFFFE70  }
0x83: {  	[spmem:s2] =	stream.indirect.scatter.add.f32 [tilespmem:s18], [sflag:$0x5], $0x1, s5, s22, $0xb8;
	[tilespmem:$0xB00] =	vst v63  }
0x84: {  	_ = 	snop  }
0x85: {  	[spmem:s2] =	stream.indirect.scatter.add.f32 [tilespmem:s18], [sflag:$0x5], $0x1, s16, s22, $0xb8;
	[tilespmem:$0xB00] =	vst v63  }
0x86: {  	_ = 	snop  }
0x87: {  	[spmem:s2] =	stream.indirect.scatter.add.f32 [tilespmem:s18], [sflag:$0x5], $0x1, s17, s22, $0xb8;
	[tilespmem:$0xB00] =	vst v63  }
0x88: {  	p0 =	seq.s32 s30, $0x3E8  }
0x89: {  	[spmem:s2] =	stream.indirect.scatter.add.f32 [tilespmem:s18], [sflag:$0x5], $0x1, s1, s22, $0xb8;
	[tilespmem:$0xB00] =	vst v63  }
.Ltmp2:
0x8a: {  	_ = 	snop;
	(pc) =	sbr.rel @p0 .LBB2_4-.Ltmp2, $4  }
0x8b: {  	[spmem:s2] =	stream.indirect.scatter.add.f32 [tilespmem:s18], [sflag:$0x5], $0x1, s23, s22, $0xb8;
	[tilespmem:$0xB00] =	vst v63  }
0x8c: {  	_ =	swait.ge [sflag:s13], $0x190  }
0x8d: {  	[sflag:s13] =	ssyncset.done $0x0  }
0x8e: {  	[sflag:s13] =	ssyncadd.s32 $0xFFFFFE70  }
.Ltmp3:
0x8f: {  	(pc) =	sbr.rel .LBB2_2-.Ltmp3, $3  }
0x90: {  	_ =	sdelay $0x1  }
0x91: {  	s25 =	sadd.s32 s30, s12;
	s30 =	sadd.s32 $0xC8, s30;
	s24 =	sadd.s32 $0x640, s24  }
0x92: {  	[tilespmem:s20], [sflag:$0x2] =	stream.linear.gather [hbm4b:s25+s4], $0x190, $0x38;
	[tilespmem:$0xB00] =	vst v63  }
.LBB2_5:
0x93: {  	_ =	sfence.sel $0x180000  }
0x94: {  	[bflag:$0x0] =	sbarrier.arrive $0xFFFF  }
0x95: {  	_ =	strace $0x90000047  }
0x96: {  	s0 =	stileid.u32;
	[bflag:$0x2] =	sbarrier.arrive $0xFFFF  }
0x97: {  	p0 =	sne.s32 s0, $0x0;
	s0 =	rddreg [dreg:$0x4]  }
0x98: {  	s0 =	sadd.s32 @!p0 $0x100000, s0  }
0x99: {  	[sflag:s0] =	ssyncadd.tile.s32 @!p0 $0x1;
	_ =	shalt  }
.Lfunc_end2:
_tile_overlayer_lowered:
.L_overlay_start_2:
0x9a: {  	(tag) =	ssettag $0x2  }
0x9b: {  	s0 =	rddreg [dreg:$0x0];
	s2 =	stileid.u32  }
0x9c: {  	s1 =	rddreg [dreg:$0x1];
	p0 =	sne.s32 s2, $0x0  }
0x9d: {  	s3 =	rddreg [dreg:$0x2];
	[bflag:$0x3] =	sbarrier.arrive $0xFFFF;
	s2 =	simm.s32 @!p0 $0x1C06  }
0x9e: {  	[timem:s3], [sflag:s2] =	dma.local @!p0 [hbm:s0], s1  }
0x9f: {  	s0 =	simm.s32 @!p0 $0x6  }
0xa0: {  	_ =	swait.ge @!p0 [sflag:s0], s1  }
0xa1: {  	s1 =	ssub.s32 @!p0 $0x0, s1;
	[sflag:s0] =	ssyncset.done @!p0 $0x0  }
0xa2: {  	[sflag:s0] =	ssyncadd.s32 @!p0 s1  }
0xa3: {  	[bflag:$0x3] =	sbarrier.arrive $0xFFFF  }
0xa4: {  	_ =	shalt  }

</sc_bundles>
